<compile_context>
chip_gen: v7x
topology: tpu7x:2x2x1
jax: 0.10.2.dev20260603
libtpu: 0.0.44.dev20260713+nightly
codegen_flags: <defaults>
</compile_context>

<pallas_src>
import functools

import jax
import jax.numpy as jnp
from jax import lax
from jax.experimental import pallas as pl
from jax.experimental.pallas import tpu as pltpu
from jax.experimental.pallas import tpu_sc as plsc

NE = 64
NG = 8
GSZ = NE // NG
TG = 4
TK = 8
SCALE = 2.5
HID = 4096
TOKENS = 16384
BT = 1024

NW = 32
NSPLIT = 1
TSL = TOKENS // NSPLIT
TPW = TSL // NW
LANES = 16
NCHUNK = TPW // LANES


def _score_block(x_ref, w_ref, b_ref, s_ref):
    logits = jax.lax.dot_general(
        w_ref[...], x_ref[...],
        dimension_numbers=(((1,), (1,)), ((), ())),
        preferred_element_type=jnp.float32,
    )
    s = 1.0 / (1.0 + jnp.exp(-logits)) + b_ref[...]
    for w in range(BT // TPW):
        s_ref[w] = s[:, w * TPW:(w + 1) * TPW]


def _scores_tc(x, weight, b):
    return pl.pallas_call(
        _score_block,
        grid=(TSL // BT,),
        in_specs=[
            pl.BlockSpec((BT, HID), lambda i: (i, 0)),
            pl.BlockSpec((NE, HID), lambda i: (0, 0)),
            pl.BlockSpec((NE, 1), lambda i: (0, 0)),
        ],
        out_specs=pl.BlockSpec((BT // TPW, NE, TPW), lambda i: (i, 0, 0)),
        out_shape=jax.ShapeDtypeStruct((NW, NE, TPW), jnp.float32),
        compiler_params=pltpu.CompilerParams(
            vmem_limit_bytes=128 * 1024 * 1024),
    )(x, weight, b)


def _route_sc(s3, bias_mat):
    mesh = plsc.VectorSubcoreMesh(core_axis_name="c", subcore_axis_name="s")

    @functools.partial(
        pl.kernel, mesh=mesh,
        out_type=[
            jax.ShapeDtypeStruct((NW, TK, TPW), jnp.int32),
            jax.ShapeDtypeStruct((NW, TK, TPW), jnp.float32),
        ],
        scratch_types=[
            pltpu.VMEM((NE, TPW), jnp.float32),
            pltpu.VMEM((NE,), jnp.float32),
            pltpu.VMEM((NE, LANES), jnp.float32),
            pltpu.VMEM((TK, TPW), jnp.int32),
            pltpu.VMEM((TK, TPW), jnp.float32),
        ],
        compiler_params=pltpu.CompilerParams(
            use_tc_tiling_on_sc=False, needs_layout_passes=False),
    )
    def k(s_hbm, b_hbm, idx_hbm, w_hbm, s_v, b_v, ms_v, idx_v, w_v):
        wid = lax.axis_index("s") * 2 + lax.axis_index("c")
        pltpu.sync_copy(s_hbm.at[wid], s_v)
        pltpu.sync_copy(b_hbm, b_v)
        lane = lax.iota(jnp.int32, LANES)

        def chunk(c, carry):
            off = pl.multiple_of(c * LANES, LANES)
            sb = [s_v[e, pl.ds(off, LANES)] for e in range(NE)]

            gs = []
            gmax = []
            for g in range(NG):
                m1 = sb[GSZ * g]
                m2 = jnp.full((LANES,), -jnp.inf, jnp.float32)
                for j in range(1, GSZ):
                    v = sb[GSZ * g + j]
                    m2 = jnp.maximum(m2, jnp.minimum(m1, v))
                    m1 = jnp.maximum(m1, v)
                gs.append(m1 + m2)
                gmax.append(m1)

            rank = [jnp.zeros((LANES,), jnp.float32) for _ in range(NG)]
            for i in range(NG):
                for j in range(i + 1, NG):
                    d = gs[i] >= gs[j]
                    rank[j] = rank[j] + jnp.where(d, 1.0, 0.0)
                    rank[i] = rank[i] + jnp.where(d, 0.0, 1.0)
            gmask = [rank[g] < float(TG) for g in range(NG)]

            for e in range(NE):
                ms_v[e, :] = jnp.where(gmask[e // GSZ], sb[e], 0.0)
            gm = [jnp.where(gmask[g], gmax[g], 0.0) for g in range(NG)]

            iks = []
            ws = []
            for _ in range(TK):
                m = gm[0]
                for g in range(1, NG):
                    m = jnp.maximum(m, gm[g])
                gcand = jnp.full((LANES,), NG, jnp.int32)
                for g in range(NG):
                    gcand = jnp.minimum(gcand, jnp.where(gm[g] == m, g, NG))
                base = gcand * GSZ
                rows = [base + j for j in range(GSZ)]
                vals = [plsc.load_gather(ms_v, [rows[j], lane])
                        for j in range(GSZ)]
                ecand = jnp.full((LANES,), NE, jnp.int32)
                for j in range(GSZ):
                    ecand = jnp.minimum(
                        ecand, jnp.where(vals[j] == m, rows[j], NE))
                iks.append(ecand)
                ws.append(plsc.load_gather(s_v, [ecand, off + lane])
                          - plsc.load_gather(b_v, [ecand]))
                plsc.store_scatter(
                    ms_v, [ecand, lane],
                    jnp.full((LANES,), -jnp.inf, jnp.float32))
                nmax = jnp.full((LANES,), -jnp.inf, jnp.float32)
                for j in range(GSZ):
                    nmax = jnp.maximum(
                        nmax, jnp.where(ecand == rows[j], -jnp.inf, vals[j]))
                gm = [jnp.where(gcand == g, nmax, gm[g]) for g in range(NG)]

            denom = ws[0]
            for t in range(1, TK):
                denom = denom + ws[t]
            denom = denom + 1e-20
            for t in range(TK):
                idx_v[t, pl.ds(off, LANES)] = iks[t]
                w_v[t, pl.ds(off, LANES)] = ws[t] / denom * SCALE
            return carry

        lax.fori_loop(0, NCHUNK, chunk, 0)
        pltpu.sync_copy(idx_v, idx_hbm.at[wid])
        pltpu.sync_copy(w_v, w_hbm.at[wid])

    return k(s3, bias_mat)


def kernel(x, weight, e_score_correction_bias):
    xf = x.astype(jnp.float32)
    wf = weight.astype(jnp.float32)
    bf = e_score_correction_bias.astype(jnp.float32)
    idx_parts = []
    w_parts = []
    for sl in range(NSPLIT):
        s3 = _scores_tc(xf[sl * TSL:(sl + 1) * TSL], wf, bf.reshape(NE, 1))
        idx3, w3 = _route_sc(s3, bf)
        idx_parts.append(idx3.transpose(0, 2, 1).reshape(TSL, TK))
        w_parts.append(w3.transpose(0, 2, 1).reshape(TSL, TK))
    idx = jnp.concatenate(idx_parts, axis=0)
    w = jnp.concatenate(w_parts, axis=0)
    return idx, w

# --- scband reference (transcript-rebuilt; emitter-appended) ---
"""Pipeline reference for scband-deepseek-v3-topk-router-29506425323544 (READ-ONLY COPY).

The authoritative reference and input builder live on the scoring server;
editing this copy changes nothing except your own understanding.
"""

import jax, jax.numpy as jnp
import numpy as np

NUM_EXPERTS = 64
TOP_K = 8
N_GROUP = 8
TOPK_GROUP = 4
ROUTED_SCALING = 2.5
NORM_TOPK = True
HIDDEN = 4096
TOKENS = 16384


def setup_inputs(seed: int = 0):
    key = jax.random.key(seed)
    k1, k2 = jax.random.split(key)
    x = jax.random.normal(k1, (TOKENS, HIDDEN), dtype=jnp.float32)
    weight = jax.random.normal(k2, (NUM_EXPERTS, HIDDEN), dtype=jnp.float32) * 0.02
    e_score_correction_bias = jnp.zeros((NUM_EXPERTS,), dtype=jnp.float32)
    return {"x": x, "weight": weight, "e_score_correction_bias": e_score_correction_bias}


def reference(x, weight, e_score_correction_bias):
    xt = x.reshape(-1, HIDDEN).astype(jnp.float32)
    router_logits = xt @ weight.astype(jnp.float32).T
    scores = jax.nn.sigmoid(router_logits)
    # get_topk_indices
    scores_for_choice = scores.reshape(-1, NUM_EXPERTS) + e_score_correction_bias[None, :]
    grouped = scores_for_choice.reshape(-1, N_GROUP, NUM_EXPERTS // N_GROUP)
    top2_vals, _ = jax.lax.top_k(grouped, 2)
    group_scores = top2_vals.sum(axis=-1)
    _, group_idx = jax.lax.top_k(group_scores, TOPK_GROUP)
    n_tok = group_scores.shape[0]
    group_mask = jnp.zeros_like(group_scores).at[jnp.arange(n_tok)[:, None], group_idx].set(1.0)
    score_mask = jnp.broadcast_to(group_mask[:, :, None], (n_tok, N_GROUP, NUM_EXPERTS // N_GROUP)).reshape(-1, NUM_EXPERTS)
    masked_scores = jnp.where(score_mask > 0, scores_for_choice, 0.0)
    _, topk_indices = jax.lax.top_k(masked_scores, TOP_K)
    topk_weights = jnp.take_along_axis(scores, topk_indices, axis=1)
    if NORM_TOPK:
        denominator = topk_weights.sum(axis=-1, keepdims=True) + 1e-20
        topk_weights = topk_weights / denominator
    topk_weights = topk_weights * ROUTED_SCALING
    return (topk_indices, topk_weights)

if __name__ == "__main__":
    import jax
    _d = setup_inputs()
    print(jax.jit(kernel)(*tuple(_d.values())))

</pallas_src>

<mosaic_0001>
#map = affine_map<(d0, d1) -> (0, 0, 0)>
#map1 = affine_map<(d0, d1) -> (0)>
module attributes {stable_mosaic.version = 14 : i64} {
  func.func @k(%arg0: i32, %arg1: i32, %arg2: memref<32x64x512xf32, #tpu.memory_space<hbm>>, %arg3: memref<64xf32, #tpu.memory_space<hbm>>, %arg4: memref<32x8x512xi32, #tpu.memory_space<hbm>>, %arg5: memref<32x8x512xf32, #tpu.memory_space<hbm>>, %arg6: memref<64x512xf32, #tpu.memory_space<vmem>>, %arg7: memref<64xf32, #tpu.memory_space<vmem>>, %arg8: memref<64x16xf32, #tpu.memory_space<vmem>>, %arg9: memref<8x512xi32, #tpu.memory_space<vmem>>, %arg10: memref<8x512xf32, #tpu.memory_space<vmem>>) attributes {dimension_semantics = [#tpu.dimension_semantics<core_parallel>, #tpu.dimension_semantics<subcore_parallel>], iteration_bounds = array<i64: 2, 16>, scalar_prefetch = 0 : i64, scratch_operands = 5 : i64, tpu.core_type = #tpu.core_type<sc_vector_subcore>, window_params = [{transform_indices = #map}, {transform_indices = #map1}, {transform_indices = #map}, {transform_indices = #map}]} {
    %mul3A = arith.constant 2 : i32
    %mul3A_0 = arith.muli %arg1, %mul3A : i32
    %add3A = arith.addi %mul3A_0, %arg0 : i32
    "tpu.region"() ({
      %run_scoped3A = tpu.sem_alloc : memref<!tpu.dma_semaphore, #tpu.memory_space<semaphore_mem>>
      %dma_start3A = arith.constant 0 : i32
      %dma_start3A_6 = arith.constant 0 : i32
      %dma_start3A_7 = tpu.memref_slice %arg2[%add3A, %dma_start3A, %dma_start3A_6] : memref<32x64x512xf32, #tpu.memory_space<hbm>> -> memref<1x64x512xf32, #tpu.memory_space<hbm>>
      %dma_start3A_8 = tpu.memref_squeeze %dma_start3A_7 : memref<1x64x512xf32, #tpu.memory_space<hbm>> -> memref<64x512xf32, #tpu.memory_space<hbm>>
      %dma_start3A_9 = arith.constant 0 : i32
      %dma_start3A_10 = arith.constant 0 : i32
      %dma_start3A_11 = tpu.memref_slice %arg2[%add3A, %dma_start3A_9, %dma_start3A_10] : memref<32x64x512xf32, #tpu.memory_space<hbm>> -> memref<1x64x512xf32, #tpu.memory_space<hbm>>
      %dma_start3A_12 = tpu.memref_squeeze %dma_start3A_11 : memref<1x64x512xf32, #tpu.memory_space<hbm>> -> memref<64x512xf32, #tpu.memory_space<hbm>>
      tpu.enqueue_dma source(%dma_start3A_12 : memref<64x512xf32, #tpu.memory_space<hbm>>) target(%arg6 : memref<64x512xf32, #tpu.memory_space<vmem>>) target_semaphore(%run_scoped3A : memref<!tpu.dma_semaphore, #tpu.memory_space<semaphore_mem>>)
      %dma_wait3A = arith.constant 0 : i32
      %dma_wait3A_13 = arith.constant 0 : i32
      %dma_wait3A_14 = tpu.memref_slice %arg2[%add3A, %dma_wait3A, %dma_wait3A_13] : memref<32x64x512xf32, #tpu.memory_space<hbm>> -> memref<1x64x512xf32, #tpu.memory_space<hbm>>
      %dma_wait3A_15 = tpu.memref_squeeze %dma_wait3A_14 : memref<1x64x512xf32, #tpu.memory_space<hbm>> -> memref<64x512xf32, #tpu.memory_space<hbm>>
      %dma_wait3A_16 = arith.constant 0 : i32
      %dma_wait3A_17 = arith.constant 0 : i32
      %dma_wait3A_18 = tpu.memref_slice %arg2[%add3A, %dma_wait3A_16, %dma_wait3A_17] : memref<32x64x512xf32, #tpu.memory_space<hbm>> -> memref<1x64x512xf32, #tpu.memory_space<hbm>>
      %dma_wait3A_19 = tpu.memref_squeeze %dma_wait3A_18 : memref<1x64x512xf32, #tpu.memory_space<hbm>> -> memref<64x512xf32, #tpu.memory_space<hbm>>
      tpu.wait_dma2 semaphore(%run_scoped3A : memref<!tpu.dma_semaphore, #tpu.memory_space<semaphore_mem>>) src(%dma_wait3A_19 : memref<64x512xf32, #tpu.memory_space<hbm>>) dst(%arg6 : memref<64x512xf32, #tpu.memory_space<vmem>>)
      tpu.yield
    }) : () -> ()
    "tpu.region"() ({
      %run_scoped3A = tpu.sem_alloc : memref<!tpu.dma_semaphore, #tpu.memory_space<semaphore_mem>>
      tpu.enqueue_dma source(%arg3 : memref<64xf32, #tpu.memory_space<hbm>>) target(%arg7 : memref<64xf32, #tpu.memory_space<vmem>>) target_semaphore(%run_scoped3A : memref<!tpu.dma_semaphore, #tpu.memory_space<semaphore_mem>>)
      tpu.wait_dma2 semaphore(%run_scoped3A : memref<!tpu.dma_semaphore, #tpu.memory_space<semaphore_mem>>) src(%arg3 : memref<64xf32, #tpu.memory_space<hbm>>) dst(%arg7 : memref<64xf32, #tpu.memory_space<vmem>>)
      tpu.yield
    }) : () -> ()
    %iota3A = tpu.iota {dimensions = array<i32: 0>} : vector<16xi32>
    %scan3A = arith.constant 0 : i32
    %scan3A_1 = arith.constant 0 : i32
    %scan3A_2 = arith.constant 32 : i32
    %scan3A_3 = arith.addi %scan3A_1, %scan3A_2 : i32
    %scan3A_4 = arith.constant 1 : i32
    scf.for %scan3A_6 = %scan3A_1 to %scan3A_3 step %scan3A_4  : i32 {
      %mul3A_7 = arith.constant 16 : i32
      %mul3A_8 = arith.muli %scan3A_6, %mul3A_7 : i32
      %multiple_of3A = tpu.assume_multiple %mul3A_8, 16 : i32
      %get3A = arith.constant 0 : i32
      %get3A_9 = arith.index_cast %get3A : i32 to index
      %get3A_10 = arith.index_cast %multiple_of3A : i32 to index
      %get3A_11 = tpu.vector_load %arg6[%get3A_9, %get3A_10] {strides = array<i32>} : memref<64x512xf32, #tpu.memory_space<vmem>>, vector<16xf32>,
      %get3A_12 = arith.constant 1 : i32
      %get3A_13 = arith.index_cast %get3A_12 : i32 to index
      %get3A_14 = arith.index_cast %multiple_of3A : i32 to index
      %get3A_15 = tpu.vector_load %arg6[%get3A_13, %get3A_14] {strides = array<i32>} : memref<64x512xf32, #tpu.memory_space<vmem>>, vector<16xf32>,
      %get3A_16 = arith.constant 2 : i32
      %get3A_17 = arith.index_cast %get3A_16 : i32 to index
      %get3A_18 = arith.index_cast %multiple_of3A : i32 to index
      %get3A_19 = tpu.vector_load %arg6[%get3A_17, %get3A_18] {strides = array<i32>} : memref<64x512xf32, #tpu.memory_space<vmem>>, vector<16xf32>,
      %get3A_20 = arith.constant 3 : i32
      %get3A_21 = arith.index_cast %get3A_20 : i32 to index
      %get3A_22 = arith.index_cast %multiple_of3A : i32 to index
      %get3A_23 = tpu.vector_load %arg6[%get3A_21, %get3A_22] {strides = array<i32>} : memref<64x512xf32, #tpu.memory_space<vmem>>, vector<16xf32>,
      %get3A_24 = arith.constant 4 : i32
      %get3A_25 = arith.index_cast %get3A_24 : i32 to index
      %get3A_26 = arith.index_cast %multiple_of3A : i32 to index
      %get3A_27 = tpu.vector_load %arg6[%get3A_25, %get3A_26] {strides = array<i32>} : memref<64x512xf32, #tpu.memory_space<vmem>>, vector<16xf32>,
      %get3A_28 = arith.constant 5 : i32
      %get3A_29 = arith.index_cast %get3A_28 : i32 to index
      %get3A_30 = arith.index_cast %multiple_of3A : i32 to index
      %get3A_31 = tpu.vector_load %arg6[%get3A_29, %get3A_30] {strides = array<i32>} : memref<64x512xf32, #tpu.memory_space<vmem>>, vector<16xf32>,
      %get3A_32 = arith.constant 6 : i32
      %get3A_33 = arith.index_cast %get3A_32 : i32 to index
      %get3A_34 = arith.index_cast %multiple_of3A : i32 to index
      %get3A_35 = tpu.vector_load %arg6[%get3A_33, %get3A_34] {strides = array<i32>} : memref<64x512xf32, #tpu.memory_space<vmem>>, vector<16xf32>,
      %get3A_36 = arith.constant 7 : i32
      %get3A_37 = arith.index_cast %get3A_36 : i32 to index
      %get3A_38 = arith.index_cast %multiple_of3A : i32 to index
      %get3A_39 = tpu.vector_load %arg6[%get3A_37, %get3A_38] {strides = array<i32>} : memref<64x512xf32, #tpu.memory_space<vmem>>, vector<16xf32>,
      %get3A_40 = arith.constant 8 : i32
      %get3A_41 = arith.index_cast %get3A_40 : i32 to index
      %get3A_42 = arith.index_cast %multiple_of3A : i32 to index
      %get3A_43 = tpu.vector_load %arg6[%get3A_41, %get3A_42] {strides = array<i32>} : memref<64x512xf32, #tpu.memory_space<vmem>>, vector<16xf32>,
      %get3A_44 = arith.constant 9 : i32
      %get3A_45 = arith.index_cast %get3A_44 : i32 to index
      %get3A_46 = arith.index_cast %multiple_of3A : i32 to index
      %get3A_47 = tpu.vector_load %arg6[%get3A_45, %get3A_46] {strides = array<i32>} : memref<64x512xf32, #tpu.memory_space<vmem>>, vector<16xf32>,
      %get3A_48 = arith.constant 10 : i32
      %get3A_49 = arith.index_cast %get3A_48 : i32 to index
      %get3A_50 = arith.index_cast %multiple_of3A : i32 to index
      %get3A_51 = tpu.vector_load %arg6[%get3A_49, %get3A_50] {strides = array<i32>} : memref<64x512xf32, #tpu.memory_space<vmem>>, vector<16xf32>,
      %get3A_52 = arith.constant 11 : i32
      %get3A_53 = arith.index_cast %get3A_52 : i32 to index
      %get3A_54 = arith.index_cast %multiple_of3A : i32 to index
      %get3A_55 = tpu.vector_load %arg6[%get3A_53, %get3A_54] {strides = array<i32>} : memref<64x512xf32, #tpu.memory_space<vmem>>, vector<16xf32>,
      %get3A_56 = arith.constant 12 : i32
      %get3A_57 = arith.index_cast %get3A_56 : i32 to index
      %get3A_58 = arith.index_cast %multiple_of3A : i32 to index
      %get3A_59 = tpu.vector_load %arg6[%get3A_57, %get3A_58] {strides = array<i32>} : memref<64x512xf32, #tpu.memory_space<vmem>>, vector<16xf32>,
      %get3A_60 = arith.constant 13 : i32
      %get3A_61 = arith.index_cast %get3A_60 : i32 to index
      %get3A_62 = arith.index_cast %multiple_of3A : i32 to index
      %get3A_63 = tpu.vector_load %arg6[%get3A_61, %get3A_62] {strides = array<i32>} : memref<64x512xf32, #tpu.memory_space<vmem>>, vector<16xf32>,
      %get3A_64 = arith.constant 14 : i32
      %get3A_65 = arith.index_cast %get3A_64 : i32 to index
      %get3A_66 = arith.index_cast %multiple_of3A : i32 to index
      %get3A_67 = tpu.vector_load %arg6[%get3A_65, %get3A_66] {strides = array<i32>} : memref<64x512xf32, #tpu.memory_space<vmem>>, vector<16xf32>,
      %get3A_68 = arith.constant 15 : i32
      %get3A_69 = arith.index_cast %get3A_68 : i32 to index
      %get3A_70 = arith.index_cast %multiple_of3A : i32 to index
      %get3A_71 = tpu.vector_load %arg6[%get3A_69, %get3A_70] {strides = array<i32>} : memref<64x512xf32, #tpu.memory_space<vmem>>, vector<16xf32>,
      %get3A_72 = arith.constant 16 : i32
      %get3A_73 = arith.index_cast %get3A_72 : i32 to index
      %get3A_74 = arith.index_cast %multiple_of3A : i32 to index
      %get3A_75 = tpu.vector_load %arg6[%get3A_73, %get3A_74] {strides = array<i32>} : memref<64x512xf32, #tpu.memory_space<vmem>>, vector<16xf32>,
      %get3A_76 = arith.constant 17 : i32
      %get3A_77 = arith.index_cast %get3A_76 : i32 to index
      %get3A_78 = arith.index_cast %multiple_of3A : i32 to index
      %get3A_79 = tpu.vector_load %arg6[%get3A_77, %get3A_78] {strides = array<i32>} : memref<64x512xf32, #tpu.memory_space<vmem>>, vector<16xf32>,
      %get3A_80 = arith.constant 18 : i32
      %get3A_81 = arith.index_cast %get3A_80 : i32 to index
      %get3A_82 = arith.index_cast %multiple_of3A : i32 to index
      %get3A_83 = tpu.vector_load %arg6[%get3A_81, %get3A_82] {strides = array<i32>} : memref<64x512xf32, #tpu.memory_space<vmem>>, vector<16xf32>,
      %get3A_84 = arith.constant 19 : i32
      %get3A_85 = arith.index_cast %get3A_84 : i32 to index
      %get3A_86 = arith.index_cast %multiple_of3A : i32 to index
      %get3A_87 = tpu.vector_load %arg6[%get3A_85, %get3A_86] {strides = array<i32>} : memref<64x512xf32, #tpu.memory_space<vmem>>, vector<16xf32>,
      %get3A_88 = arith.constant 20 : i32
      %get3A_89 = arith.index_cast %get3A_88 : i32 to index
      %get3A_90 = arith.index_cast %multiple_of3A : i32 to index
      %get3A_91 = tpu.vector_load %arg6[%get3A_89, %get3A_90] {strides = array<i32>} : memref<64x512xf32, #tpu.memory_space<vmem>>, vector<16xf32>,
      %get3A_92 = arith.constant 21 : i32
      %get3A_93 = arith.index_cast %get3A_92 : i32 to index
      %get3A_94 = arith.index_cast %multiple_of3A : i32 to index
      %get3A_95 = tpu.vector_load %arg6[%get3A_93, %get3A_94] {strides = array<i32>} : memref<64x512xf32, #tpu.memory_space<vmem>>, vector<16xf32>,
      %get3A_96 = arith.constant 22 : i32
      %get3A_97 = arith.index_cast %get3A_96 : i32 to index
      %get3A_98 = arith.index_cast %multiple_of3A : i32 to index
      %get3A_99 = tpu.vector_load %arg6[%get3A_97, %get3A_98] {strides = array<i32>} : memref<64x512xf32, #tpu.memory_space<vmem>>, vector<16xf32>,
      %get3A_100 = arith.constant 23 : i32
      %get3A_101 = arith.index_cast %get3A_100 : i32 to index
      %get3A_102 = arith.index_cast %multiple_of3A : i32 to index
      %get3A_103 = tpu.vector_load %arg6[%get3A_101, %get3A_102] {strides = array<i32>} : memref<64x512xf32, #tpu.memory_space<vmem>>, vector<16xf32>,
      %get3A_104 = arith.constant 24 : i32
      %get3A_105 = arith.index_cast %get3A_104 : i32 to index
      %get3A_106 = arith.index_cast %multiple_of3A : i32 to index
      %get3A_107 = tpu.vector_load %arg6[%get3A_105, %get3A_106] {strides = array<i32>} : memref<64x512xf32, #tpu.memory_space<vmem>>, vector<16xf32>,
      %get3A_108 = arith.constant 25 : i32
      %get3A_109 = arith.index_cast %get3A_108 : i32 to index
      %get3A_110 = arith.index_cast %multiple_of3A : i32 to index
      %get3A_111 = tpu.vector_load %arg6[%get3A_109, %get3A_110] {strides = array<i32>} : memref<64x512xf32, #tpu.memory_space<vmem>>, vector<16xf32>,
      %get3A_112 = arith.constant 26 : i32
      %get3A_113 = arith.index_cast %get3A_112 : i32 to index
      %get3A_114 = arith.index_cast %multiple_of3A : i32 to index
      %get3A_115 = tpu.vector_load %arg6[%get3A_113, %get3A_114] {strides = array<i32>} : memref<64x512xf32, #tpu.memory_space<vmem>>, vector<16xf32>,
      %get3A_116 = arith.constant 27 : i32
      %get3A_117 = arith.index_cast %get3A_116 : i32 to index
      %get3A_118 = arith.index_cast %multiple_of3A : i32 to index
      %get3A_119 = tpu.vector_load %arg6[%get3A_117, %get3A_118] {strides = array<i32>} : memref<64x512xf32, #tpu.memory_space<vmem>>, vector<16xf32>,
      %get3A_120 = arith.constant 28 : i32
      %get3A_121 = arith.index_cast %get3A_120 : i32 to index
      %get3A_122 = arith.index_cast %multiple_of3A : i32 to index
      %get3A_123 = tpu.vector_load %arg6[%get3A_121, %get3A_122] {strides = array<i32>} : memref<64x512xf32, #tpu.memory_space<vmem>>, vector<16xf32>,
      %get3A_124 = arith.constant 29 : i32
      %get3A_125 = arith.index_cast %get3A_124 : i32 to index
      %get3A_126 = arith.index_cast %multiple_of3A : i32 to index
      %get3A_127 = tpu.vector_load %arg6[%get3A_125, %get3A_126] {strides = array<i32>} : memref<64x512xf32, #tpu.memory_space<vmem>>, vector<16xf32>,
      %get3A_128 = arith.constant 30 : i32
      %get3A_129 = arith.index_cast %get3A_128 : i32 to index
      %get3A_130 = arith.index_cast %multiple_of3A : i32 to index
      %get3A_131 = tpu.vector_load %arg6[%get3A_129, %get3A_130] {strides = array<i32>} : memref<64x512xf32, #tpu.memory_space<vmem>>, vector<16xf32>,
      %get3A_132 = arith.constant 31 : i32
      %get3A_133 = arith.index_cast %get3A_132 : i32 to index
      %get3A_134 = arith.index_cast %multiple_of3A : i32 to index
      %get3A_135 = tpu.vector_load %arg6[%get3A_133, %get3A_134] {strides = array<i32>} : memref<64x512xf32, #tpu.memory_space<vmem>>, vector<16xf32>,
      %get3A_136 = arith.constant 32 : i32
      %get3A_137 = arith.index_cast %get3A_136 : i32 to index
      %get3A_138 = arith.index_cast %multiple_of3A : i32 to index
      %get3A_139 = tpu.vector_load %arg6[%get3A_137, %get3A_138] {strides = array<i32>} : memref<64x512xf32, #tpu.memory_space<vmem>>, vector<16xf32>,
      %get3A_140 = arith.constant 33 : i32
      %get3A_141 = arith.index_cast %get3A_140 : i32 to index
      %get3A_142 = arith.index_cast %multiple_of3A : i32 to index
      %get3A_143 = tpu.vector_load %arg6[%get3A_141, %get3A_142] {strides = array<i32>} : memref<64x512xf32, #tpu.memory_space<vmem>>, vector<16xf32>,
      %get3A_144 = arith.constant 34 : i32
      %get3A_145 = arith.index_cast %get3A_144 : i32 to index
      %get3A_146 = arith.index_cast %multiple_of3A : i32 to index
      %get3A_147 = tpu.vector_load %arg6[%get3A_145, %get3A_146] {strides = array<i32>} : memref<64x512xf32, #tpu.memory_space<vmem>>, vector<16xf32>,
      %get3A_148 = arith.constant 35 : i32
      %get3A_149 = arith.index_cast %get3A_148 : i32 to index
      %get3A_150 = arith.index_cast %multiple_of3A : i32 to index
      %get3A_151 = tpu.vector_load %arg6[%get3A_149, %get3A_150] {strides = array<i32>} : memref<64x512xf32, #tpu.memory_space<vmem>>, vector<16xf32>,
      %get3A_152 = arith.constant 36 : i32
      %get3A_153 = arith.index_cast %get3A_152 : i32 to index
      %get3A_154 = arith.index_cast %multiple_of3A : i32 to index
      %get3A_155 = tpu.vector_load %arg6[%get3A_153, %get3A_154] {strides = array<i32>} : memref<64x512xf32, #tpu.memory_space<vmem>>, vector<16xf32>,
      %get3A_156 = arith.constant 37 : i32
      %get3A_157 = arith.index_cast %get3A_156 : i32 to index
      %get3A_158 = arith.index_cast %multiple_of3A : i32 to index
      %get3A_159 = tpu.vector_load %arg6[%get3A_157, %get3A_158] {strides = array<i32>} : memref<64x512xf32, #tpu.memory_space<vmem>>, vector<16xf32>,
      %get3A_160 = arith.constant 38 : i32
      %get3A_161 = arith.index_cast %get3A_160 : i32 to index
      %get3A_162 = arith.index_cast %multiple_of3A : i32 to index
      %get3A_163 = tpu.vector_load %arg6[%get3A_161, %get3A_162] {strides = array<i32>} : memref<64x512xf32, #tpu.memory_space<vmem>>, vector<16xf32>,
      %get3A_164 = arith.constant 39 : i32
      %get3A_165 = arith.index_cast %get3A_164 : i32 to index
      %get3A_166 = arith.index_cast %multiple_of3A : i32 to index
      %get3A_167 = tpu.vector_load %arg6[%get3A_165, %get3A_166] {strides = array<i32>} : memref<64x512xf32, #tpu.memory_space<vmem>>, vector<16xf32>,
      %get3A_168 = arith.constant 40 : i32
      %get3A_169 = arith.index_cast %get3A_168 : i32 to index
      %get3A_170 = arith.index_cast %multiple_of3A : i32 to index
      %get3A_171 = tpu.vector_load %arg6[%get3A_169, %get3A_170] {strides = array<i32>} : memref<64x512xf32, #tpu.memory_space<vmem>>, vector<16xf32>,
      %get3A_172 = arith.constant 41 : i32
      %get3A_173 = arith.index_cast %get3A_172 : i32 to index
      %get3A_174 = arith.index_cast %multiple_of3A : i32 to index
      %get3A_175 = tpu.vector_load %arg6[%get3A_173, %get3A_174] {strides = array<i32>} : memref<64x512xf32, #tpu.memory_space<vmem>>, vector<16xf32>,
      %get3A_176 = arith.constant 42 : i32
      %get3A_177 = arith.index_cast %get3A_176 : i32 to index
      %get3A_178 = arith.index_cast %multiple_of3A : i32 to index
      %get3A_179 = tpu.vector_load %arg6[%get3A_177, %get3A_178] {strides = array<i32>} : memref<64x512xf32, #tpu.memory_space<vmem>>, vector<16xf32>,
      %get3A_180 = arith.constant 43 : i32
      %get3A_181 = arith.index_cast %get3A_180 : i32 to index
      %get3A_182 = arith.index_cast %multiple_of3A : i32 to index
      %get3A_183 = tpu.vector_load %arg6[%get3A_181, %get3A_182] {strides = array<i32>} : memref<64x512xf32, #tpu.memory_space<vmem>>, vector<16xf32>,
      %get3A_184 = arith.constant 44 : i32
      %get3A_185 = arith.index_cast %get3A_184 : i32 to index
      %get3A_186 = arith.index_cast %multiple_of3A : i32 to index
      %get3A_187 = tpu.vector_load %arg6[%get3A_185, %get3A_186] {strides = array<i32>} : memref<64x512xf32, #tpu.memory_space<vmem>>, vector<16xf32>,
      %get3A_188 = arith.constant 45 : i32
      %get3A_189 = arith.index_cast %get3A_188 : i32 to index
      %get3A_190 = arith.index_cast %multiple_of3A : i32 to index
      %get3A_191 = tpu.vector_load %arg6[%get3A_189, %get3A_190] {strides = array<i32>} : memref<64x512xf32, #tpu.memory_space<vmem>>, vector<16xf32>,
      %get3A_192 = arith.constant 46 : i32
      %get3A_193 = arith.index_cast %get3A_192 : i32 to index
      %get3A_194 = arith.index_cast %multiple_of3A : i32 to index
      %get3A_195 = tpu.vector_load %arg6[%get3A_193, %get3A_194] {strides = array<i32>} : memref<64x512xf32, #tpu.memory_space<vmem>>, vector<16xf32>,
      %get3A_196 = arith.constant 47 : i32
      %get3A_197 = arith.index_cast %get3A_196 : i32 to index
      %get3A_198 = arith.index_cast %multiple_of3A : i32 to index
      %get3A_199 = tpu.vector_load %arg6[%get3A_197, %get3A_198] {strides = array<i32>} : memref<64x512xf32, #tpu.memory_space<vmem>>, vector<16xf32>,
      %get3A_200 = arith.constant 48 : i32
      %get3A_201 = arith.index_cast %get3A_200 : i32 to index
      %get3A_202 = arith.index_cast %multiple_of3A : i32 to index
      %get3A_203 = tpu.vector_load %arg6[%get3A_201, %get3A_202] {strides = array<i32>} : memref<64x512xf32, #tpu.memory_space<vmem>>, vector<16xf32>,
      %get3A_204 = arith.constant 49 : i32
      %get3A_205 = arith.index_cast %get3A_204 : i32 to index
      %get3A_206 = arith.index_cast %multiple_of3A : i32 to index
      %get3A_207 = tpu.vector_load %arg6[%get3A_205, %get3A_206] {strides = array<i32>} : memref<64x512xf32, #tpu.memory_space<vmem>>, vector<16xf32>,
      %get3A_208 = arith.constant 50 : i32
      %get3A_209 = arith.index_cast %get3A_208 : i32 to index
      %get3A_210 = arith.index_cast %multiple_of3A : i32 to index
      %get3A_211 = tpu.vector_load %arg6[%get3A_209, %get3A_210] {strides = array<i32>} : memref<64x512xf32, #tpu.memory_space<vmem>>, vector<16xf32>,
      %get3A_212 = arith.constant 51 : i32
      %get3A_213 = arith.index_cast %get3A_212 : i32 to index
      %get3A_214 = arith.index_cast %multiple_of3A : i32 to index
      %get3A_215 = tpu.vector_load %arg6[%get3A_213, %get3A_214] {strides = array<i32>} : memref<64x512xf32, #tpu.memory_space<vmem>>, vector<16xf32>,
      %get3A_216 = arith.constant 52 : i32
      %get3A_217 = arith.index_cast %get3A_216 : i32 to index
      %get3A_218 = arith.index_cast %multiple_of3A : i32 to index
      %get3A_219 = tpu.vector_load %arg6[%get3A_217, %get3A_218] {strides = array<i32>} : memref<64x512xf32, #tpu.memory_space<vmem>>, vector<16xf32>,
      %get3A_220 = arith.constant 53 : i32
      %get3A_221 = arith.index_cast %get3A_220 : i32 to index
      %get3A_222 = arith.index_cast %multiple_of3A : i32 to index
      %get3A_223 = tpu.vector_load %arg6[%get3A_221, %get3A_222] {strides = array<i32>} : memref<64x512xf32, #tpu.memory_space<vmem>>, vector<16xf32>,
      %get3A_224 = arith.constant 54 : i32
      %get3A_225 = arith.index_cast %get3A_224 : i32 to index
      %get3A_226 = arith.index_cast %multiple_of3A : i32 to index
      %get3A_227 = tpu.vector_load %arg6[%get3A_225, %get3A_226] {strides = array<i32>} : memref<64x512xf32, #tpu.memory_space<vmem>>, vector<16xf32>,
      %get3A_228 = arith.constant 55 : i32
      %get3A_229 = arith.index_cast %get3A_228 : i32 to index
      %get3A_230 = arith.index_cast %multiple_of3A : i32 to index
      %get3A_231 = tpu.vector_load %arg6[%get3A_229, %get3A_230] {strides = array<i32>} : memref<64x512xf32, #tpu.memory_space<vmem>>, vector<16xf32>,
      %get3A_232 = arith.constant 56 : i32
      %get3A_233 = arith.index_cast %get3A_232 : i32 to index
      %get3A_234 = arith.index_cast %multiple_of3A : i32 to index
      %get3A_235 = tpu.vector_load %arg6[%get3A_233, %get3A_234] {strides = array<i32>} : memref<64x512xf32, #tpu.memory_space<vmem>>, vector<16xf32>,
      %get3A_236 = arith.constant 57 : i32
      %get3A_237 = arith.index_cast %get3A_236 : i32 to index
      %get3A_238 = arith.index_cast %multiple_of3A : i32 to index
      %get3A_239 = tpu.vector_load %arg6[%get3A_237, %get3A_238] {strides = array<i32>} : memref<64x512xf32, #tpu.memory_space<vmem>>, vector<16xf32>,
      %get3A_240 = arith.constant 58 : i32
      %get3A_241 = arith.index_cast %get3A_240 : i32 to index
      %get3A_242 = arith.index_cast %multiple_of3A : i32 to index
      %get3A_243 = tpu.vector_load %arg6[%get3A_241, %get3A_242] {strides = array<i32>} : memref<64x512xf32, #tpu.memory_space<vmem>>, vector<16xf32>,
      %get3A_244 = arith.constant 59 : i32
      %get3A_245 = arith.index_cast %get3A_244 : i32 to index
      %get3A_246 = arith.index_cast %multiple_of3A : i32 to index
      %get3A_247 = tpu.vector_load %arg6[%get3A_245, %get3A_246] {strides = array<i32>} : memref<64x512xf32, #tpu.memory_space<vmem>>, vector<16xf32>,
      %get3A_248 = arith.constant 60 : i32
      %get3A_249 = arith.index_cast %get3A_248 : i32 to index
      %get3A_250 = arith.index_cast %multiple_of3A : i32 to index
      %get3A_251 = tpu.vector_load %arg6[%get3A_249, %get3A_250] {strides = array<i32>} : memref<64x512xf32, #tpu.memory_space<vmem>>, vector<16xf32>,
      %get3A_252 = arith.constant 61 : i32
      %get3A_253 = arith.index_cast %get3A_252 : i32 to index
      %get3A_254 = arith.index_cast %multiple_of3A : i32 to index
      %get3A_255 = tpu.vector_load %arg6[%get3A_253, %get3A_254] {strides = array<i32>} : memref<64x512xf32, #tpu.memory_space<vmem>>, vector<16xf32>,
      %get3A_256 = arith.constant 62 : i32
      %get3A_257 = arith.index_cast %get3A_256 : i32 to index
      %get3A_258 = arith.index_cast %multiple_of3A : i32 to index
      %get3A_259 = tpu.vector_load %arg6[%get3A_257, %get3A_258] {strides = array<i32>} : memref<64x512xf32, #tpu.memory_space<vmem>>, vector<16xf32>,
      %get3A_260 = arith.constant 63 : i32
      %get3A_261 = arith.index_cast %get3A_260 : i32 to index
      %get3A_262 = arith.index_cast %multiple_of3A : i32 to index
      %get3A_263 = tpu.vector_load %arg6[%get3A_261, %get3A_262] {strides = array<i32>} : memref<64x512xf32, #tpu.memory_space<vmem>>, vector<16xf32>,
      %broadcast_in_dim3A = arith.constant 0xFF800000 : f32
      %broadcast_in_dim3A_264 = vector.broadcast %broadcast_in_dim3A : f32 to vector<16xf32>
      %min3A = arith.minimumf %get3A_11, %get3A_15 : vector<16xf32>
      %max3A = arith.maximumf %broadcast_in_dim3A_264, %min3A : vector<16xf32>
      %max3A_265 = arith.maximumf %get3A_11, %get3A_15 : vector<16xf32>
      %min3A_266 = arith.minimumf %max3A_265, %get3A_19 : vector<16xf32>
      %max3A_267 = arith.maximumf %max3A, %min3A_266 : vector<16xf32>
      %max3A_268 = arith.maximumf %max3A_265, %get3A_19 : vector<16xf32>
      %min3A_269 = arith.minimumf %max3A_268, %get3A_23 : vector<16xf32>
      %max3A_270 = arith.maximumf %max3A_267, %min3A_269 : vector<16xf32>
      %max3A_271 = arith.maximumf %max3A_268, %get3A_23 : vector<16xf32>
      %min3A_272 = arith.minimumf %max3A_271, %get3A_27 : vector<16xf32>
      %max3A_273 = arith.maximumf %max3A_270, %min3A_272 : vector<16xf32>
      %max3A_274 = arith.maximumf %max3A_271, %get3A_27 : vector<16xf32>
      %min3A_275 = arith.minimumf %max3A_274, %get3A_31 : vector<16xf32>
      %max3A_276 = arith.maximumf %max3A_273, %min3A_275 : vector<16xf32>
      %max3A_277 = arith.maximumf %max3A_274, %get3A_31 : vector<16xf32>
      %min3A_278 = arith.minimumf %max3A_277, %get3A_35 : vector<16xf32>
      %max3A_279 = arith.maximumf %max3A_276, %min3A_278 : vector<16xf32>
      %max3A_280 = arith.maximumf %max3A_277, %get3A_35 : vector<16xf32>
      %min3A_281 = arith.minimumf %max3A_280, %get3A_39 : vector<16xf32>
      %max3A_282 = arith.maximumf %max3A_279, %min3A_281 : vector<16xf32>
      %max3A_283 = arith.maximumf %max3A_280, %get3A_39 : vector<16xf32>
      %add3A_284 = arith.addf %max3A_283, %max3A_282 : vector<16xf32>
      %broadcast_in_dim3A_285 = arith.constant 0xFF800000 : f32
      %broadcast_in_dim3A_286 = vector.broadcast %broadcast_in_dim3A_285 : f32 to vector<16xf32>
      %min3A_287 = arith.minimumf %get3A_43, %get3A_47 : vector<16xf32>
      %max3A_288 = arith.maximumf %broadcast_in_dim3A_286, %min3A_287 : vector<16xf32>
      %max3A_289 = arith.maximumf %get3A_43, %get3A_47 : vector<16xf32>
      %min3A_290 = arith.minimumf %max3A_289, %get3A_51 : vector<16xf32>
      %max3A_291 = arith.maximumf %max3A_288, %min3A_290 : vector<16xf32>
      %max3A_292 = arith.maximumf %max3A_289, %get3A_51 : vector<16xf32>
      %min3A_293 = arith.minimumf %max3A_292, %get3A_55 : vector<16xf32>
      %max3A_294 = arith.maximumf %max3A_291, %min3A_293 : vector<16xf32>
      %max3A_295 = arith.maximumf %max3A_292, %get3A_55 : vector<16xf32>
      %min3A_296 = arith.minimumf %max3A_295, %get3A_59 : vector<16xf32>
      %max3A_297 = arith.maximumf %max3A_294, %min3A_296 : vector<16xf32>
      %max3A_298 = arith.maximumf %max3A_295, %get3A_59 : vector<16xf32>
      %min3A_299 = arith.minimumf %max3A_298, %get3A_63 : vector<16xf32>
      %max3A_300 = arith.maximumf %max3A_297, %min3A_299 : vector<16xf32>
      %max3A_301 = arith.maximumf %max3A_298, %get3A_63 : vector<16xf32>
      %min3A_302 = arith.minimumf %max3A_301, %get3A_67 : vector<16xf32>
      %max3A_303 = arith.maximumf %max3A_300, %min3A_302 : vector<16xf32>
      %max3A_304 = arith.maximumf %max3A_301, %get3A_67 : vector<16xf32>
      %min3A_305 = arith.minimumf %max3A_304, %get3A_71 : vector<16xf32>
      %max3A_306 = arith.maximumf %max3A_303, %min3A_305 : vector<16xf32>
      %max3A_307 = arith.maximumf %max3A_304, %get3A_71 : vector<16xf32>
      %add3A_308 = arith.addf %max3A_307, %max3A_306 : vector<16xf32>
      %broadcast_in_dim3A_309 = arith.constant 0xFF800000 : f32
      %broadcast_in_dim3A_310 = vector.broadcast %broadcast_in_dim3A_309 : f32 to vector<16xf32>
      %min3A_311 = arith.minimumf %get3A_75, %get3A_79 : vector<16xf32>
      %max3A_312 = arith.maximumf %broadcast_in_dim3A_310, %min3A_311 : vector<16xf32>
      %max3A_313 = arith.maximumf %get3A_75, %get3A_79 : vector<16xf32>
      %min3A_314 = arith.minimumf %max3A_313, %get3A_83 : vector<16xf32>
      %max3A_315 = arith.maximumf %max3A_312, %min3A_314 : vector<16xf32>
      %max3A_316 = arith.maximumf %max3A_313, %get3A_83 : vector<16xf32>
      %min3A_317 = arith.minimumf %max3A_316, %get3A_87 : vector<16xf32>
      %max3A_318 = arith.maximumf %max3A_315, %min3A_317 : vector<16xf32>
      %max3A_319 = arith.maximumf %max3A_316, %get3A_87 : vector<16xf32>
      %min3A_320 = arith.minimumf %max3A_319, %get3A_91 : vector<16xf32>
      %max3A_321 = arith.maximumf %max3A_318, %min3A_320 : vector<16xf32>
      %max3A_322 = arith.maximumf %max3A_319, %get3A_91 : vector<16xf32>
      %min3A_323 = arith.minimumf %max3A_322, %get3A_95 : vector<16xf32>
      %max3A_324 = arith.maximumf %max3A_321, %min3A_323 : vector<16xf32>
      %max3A_325 = arith.maximumf %max3A_322, %get3A_95 : vector<16xf32>
      %min3A_326 = arith.minimumf %max3A_325, %get3A_99 : vector<16xf32>
      %max3A_327 = arith.maximumf %max3A_324, %min3A_326 : vector<16xf32>
      %max3A_328 = arith.maximumf %max3A_325, %get3A_99 : vector<16xf32>
      %min3A_329 = arith.minimumf %max3A_328, %get3A_103 : vector<16xf32>
      %max3A_330 = arith.maximumf %max3A_327, %min3A_329 : vector<16xf32>
      %max3A_331 = arith.maximumf %max3A_328, %get3A_103 : vector<16xf32>
      %add3A_332 = arith.addf %max3A_331, %max3A_330 : vector<16xf32>
      %broadcast_in_dim3A_333 = arith.constant 0xFF800000 : f32
      %broadcast_in_dim3A_334 = vector.broadcast %broadcast_in_dim3A_333 : f32 to vector<16xf32>
      %min3A_335 = arith.minimumf %get3A_107, %get3A_111 : vector<16xf32>
      %max3A_336 = arith.maximumf %broadcast_in_dim3A_334, %min3A_335 : vector<16xf32>
      %max3A_337 = arith.maximumf %get3A_107, %get3A_111 : vector<16xf32>
      %min3A_338 = arith.minimumf %max3A_337, %get3A_115 : vector<16xf32>
      %max3A_339 = arith.maximumf %max3A_336, %min3A_338 : vector<16xf32>
      %max3A_340 = arith.maximumf %max3A_337, %get3A_115 : vector<16xf32>
      %min3A_341 = arith.minimumf %max3A_340, %get3A_119 : vector<16xf32>
      %max3A_342 = arith.maximumf %max3A_339, %min3A_341 : vector<16xf32>
      %max3A_343 = arith.maximumf %max3A_340, %get3A_119 : vector<16xf32>
      %min3A_344 = arith.minimumf %max3A_343, %get3A_123 : vector<16xf32>
      %max3A_345 = arith.maximumf %max3A_342, %min3A_344 : vector<16xf32>
      %max3A_346 = arith.maximumf %max3A_343, %get3A_123 : vector<16xf32>
      %min3A_347 = arith.minimumf %max3A_346, %get3A_127 : vector<16xf32>
      %max3A_348 = arith.maximumf %max3A_345, %min3A_347 : vector<16xf32>
      %max3A_349 = arith.maximumf %max3A_346, %get3A_127 : vector<16xf32>
      %min3A_350 = arith.minimumf %max3A_349, %get3A_131 : vector<16xf32>
      %max3A_351 = arith.maximumf %max3A_348, %min3A_350 : vector<16xf32>
      %max3A_352 = arith.maximumf %max3A_349, %get3A_131 : vector<16xf32>
      %min3A_353 = arith.minimumf %max3A_352, %get3A_135 : vector<16xf32>
      %max3A_354 = arith.maximumf %max3A_351, %min3A_353 : vector<16xf32>
      %max3A_355 = arith.maximumf %max3A_352, %get3A_135 : vector<16xf32>
      %add3A_356 = arith.addf %max3A_355, %max3A_354 : vector<16xf32>
      %broadcast_in_dim3A_357 = arith.constant 0xFF800000 : f32
      %broadcast_in_dim3A_358 = vector.broadcast %broadcast_in_dim3A_357 : f32 to vector<16xf32>
      %min3A_359 = arith.minimumf %get3A_139, %get3A_143 : vector<16xf32>
      %max3A_360 = arith.maximumf %broadcast_in_dim3A_358, %min3A_359 : vector<16xf32>
      %max3A_361 = arith.maximumf %get3A_139, %get3A_143 : vector<16xf32>
      %min3A_362 = arith.minimumf %max3A_361, %get3A_147 : vector<16xf32>
      %max3A_363 = arith.maximumf %max3A_360, %min3A_362 : vector<16xf32>
      %max3A_364 = arith.maximumf %max3A_361, %get3A_147 : vector<16xf32>
      %min3A_365 = arith.minimumf %max3A_364, %get3A_151 : vector<16xf32>
      %max3A_366 = arith.maximumf %max3A_363, %min3A_365 : vector<16xf32>
      %max3A_367 = arith.maximumf %max3A_364, %get3A_151 : vector<16xf32>
      %min3A_368 = arith.minimumf %max3A_367, %get3A_155 : vector<16xf32>
      %max3A_369 = arith.maximumf %max3A_366, %min3A_368 : vector<16xf32>
      %max3A_370 = arith.maximumf %max3A_367, %get3A_155 : vector<16xf32>
      %min3A_371 = arith.minimumf %max3A_370, %get3A_159 : vector<16xf32>
      %max3A_372 = arith.maximumf %max3A_369, %min3A_371 : vector<16xf32>
      %max3A_373 = arith.maximumf %max3A_370, %get3A_159 : vector<16xf32>
      %min3A_374 = arith.minimumf %max3A_373, %get3A_163 : vector<16xf32>
      %max3A_375 = arith.maximumf %max3A_372, %min3A_374 : vector<16xf32>
      %max3A_376 = arith.maximumf %max3A_373, %get3A_163 : vector<16xf32>
      %min3A_377 = arith.minimumf %max3A_376, %get3A_167 : vector<16xf32>
      %max3A_378 = arith.maximumf %max3A_375, %min3A_377 : vector<16xf32>
      %max3A_379 = arith.maximumf %max3A_376, %get3A_167 : vector<16xf32>
      %add3A_380 = arith.addf %max3A_379, %max3A_378 : vector<16xf32>
      %broadcast_in_dim3A_381 = arith.constant 0xFF800000 : f32
      %broadcast_in_dim3A_382 = vector.broadcast %broadcast_in_dim3A_381 : f32 to vector<16xf32>
      %min3A_383 = arith.minimumf %get3A_171, %get3A_175 : vector<16xf32>
      %max3A_384 = arith.maximumf %broadcast_in_dim3A_382, %min3A_383 : vector<16xf32>
      %max3A_385 = arith.maximumf %get3A_171, %get3A_175 : vector<16xf32>
      %min3A_386 = arith.minimumf %max3A_385, %get3A_179 : vector<16xf32>
      %max3A_387 = arith.maximumf %max3A_384, %min3A_386 : vector<16xf32>
      %max3A_388 = arith.maximumf %max3A_385, %get3A_179 : vector<16xf32>
      %min3A_389 = arith.minimumf %max3A_388, %get3A_183 : vector<16xf32>
      %max3A_390 = arith.maximumf %max3A_387, %min3A_389 : vector<16xf32>
      %max3A_391 = arith.maximumf %max3A_388, %get3A_183 : vector<16xf32>
      %min3A_392 = arith.minimumf %max3A_391, %get3A_187 : vector<16xf32>
      %max3A_393 = arith.maximumf %max3A_390, %min3A_392 : vector<16xf32>
      %max3A_394 = arith.maximumf %max3A_391, %get3A_187 : vector<16xf32>
      %min3A_395 = arith.minimumf %max3A_394, %get3A_191 : vector<16xf32>
      %max3A_396 = arith.maximumf %max3A_393, %min3A_395 : vector<16xf32>
      %max3A_397 = arith.maximumf %max3A_394, %get3A_191 : vector<16xf32>
      %min3A_398 = arith.minimumf %max3A_397, %get3A_195 : vector<16xf32>
      %max3A_399 = arith.maximumf %max3A_396, %min3A_398 : vector<16xf32>
      %max3A_400 = arith.maximumf %max3A_397, %get3A_195 : vector<16xf32>
      %min3A_401 = arith.minimumf %max3A_400, %get3A_199 : vector<16xf32>
      %max3A_402 = arith.maximumf %max3A_399, %min3A_401 : vector<16xf32>
      %max3A_403 = arith.maximumf %max3A_400, %get3A_199 : vector<16xf32>
      %add3A_404 = arith.addf %max3A_403, %max3A_402 : vector<16xf32>
      %broadcast_in_dim3A_405 = arith.constant 0xFF800000 : f32
      %broadcast_in_dim3A_406 = vector.broadcast %broadcast_in_dim3A_405 : f32 to vector<16xf32>
      %min3A_407 = arith.minimumf %get3A_203, %get3A_207 : vector<16xf32>
      %max3A_408 = arith.maximumf %broadcast_in_dim3A_406, %min3A_407 : vector<16xf32>
      %max3A_409 = arith.maximumf %get3A_203, %get3A_207 : vector<16xf32>
      %min3A_410 = arith.minimumf %max3A_409, %get3A_211 : vector<16xf32>
      %max3A_411 = arith.maximumf %max3A_408, %min3A_410 : vector<16xf32>
      %max3A_412 = arith.maximumf %max3A_409, %get3A_211 : vector<16xf32>
      %min3A_413 = arith.minimumf %max3A_412, %get3A_215 : vector<16xf32>
      %max3A_414 = arith.maximumf %max3A_411, %min3A_413 : vector<16xf32>
      %max3A_415 = arith.maximumf %max3A_412, %get3A_215 : vector<16xf32>
      %min3A_416 = arith.minimumf %max3A_415, %get3A_219 : vector<16xf32>
      %max3A_417 = arith.maximumf %max3A_414, %min3A_416 : vector<16xf32>
      %max3A_418 = arith.maximumf %max3A_415, %get3A_219 : vector<16xf32>
      %min3A_419 = arith.minimumf %max3A_418, %get3A_223 : vector<16xf32>
      %max3A_420 = arith.maximumf %max3A_417, %min3A_419 : vector<16xf32>
      %max3A_421 = arith.maximumf %max3A_418, %get3A_223 : vector<16xf32>
      %min3A_422 = arith.minimumf %max3A_421, %get3A_227 : vector<16xf32>
      %max3A_423 = arith.maximumf %max3A_420, %min3A_422 : vector<16xf32>
      %max3A_424 = arith.maximumf %max3A_421, %get3A_227 : vector<16xf32>
      %min3A_425 = arith.minimumf %max3A_424, %get3A_231 : vector<16xf32>
      %max3A_426 = arith.maximumf %max3A_423, %min3A_425 : vector<16xf32>
      %max3A_427 = arith.maximumf %max3A_424, %get3A_231 : vector<16xf32>
      %add3A_428 = arith.addf %max3A_427, %max3A_426 : vector<16xf32>
      %broadcast_in_dim3A_429 = arith.constant 0xFF800000 : f32
      %broadcast_in_dim3A_430 = vector.broadcast %broadcast_in_dim3A_429 : f32 to vector<16xf32>
      %min3A_431 = arith.minimumf %get3A_235, %get3A_239 : vector<16xf32>
      %max3A_432 = arith.maximumf %broadcast_in_dim3A_430, %min3A_431 : vector<16xf32>
      %max3A_433 = arith.maximumf %get3A_235, %get3A_239 : vector<16xf32>
      %min3A_434 = arith.minimumf %max3A_433, %get3A_243 : vector<16xf32>
      %max3A_435 = arith.maximumf %max3A_432, %min3A_434 : vector<16xf32>
      %max3A_436 = arith.maximumf %max3A_433, %get3A_243 : vector<16xf32>
      %min3A_437 = arith.minimumf %max3A_436, %get3A_247 : vector<16xf32>
      %max3A_438 = arith.maximumf %max3A_435, %min3A_437 : vector<16xf32>
      %max3A_439 = arith.maximumf %max3A_436, %get3A_247 : vector<16xf32>
      %min3A_440 = arith.minimumf %max3A_439, %get3A_251 : vector<16xf32>
      %max3A_441 = arith.maximumf %max3A_438, %min3A_440 : vector<16xf32>
      %max3A_442 = arith.maximumf %max3A_439, %get3A_251 : vector<16xf32>
      %min3A_443 = arith.minimumf %max3A_442, %get3A_255 : vector<16xf32>
      %max3A_444 = arith.maximumf %max3A_441, %min3A_443 : vector<16xf32>
      %max3A_445 = arith.maximumf %max3A_442, %get3A_255 : vector<16xf32>
      %min3A_446 = arith.minimumf %max3A_445, %get3A_259 : vector<16xf32>
      %max3A_447 = arith.maximumf %max3A_444, %min3A_446 : vector<16xf32>
      %max3A_448 = arith.maximumf %max3A_445, %get3A_259 : vector<16xf32>
      %min3A_449 = arith.minimumf %max3A_448, %get3A_263 : vector<16xf32>
      %max3A_450 = arith.maximumf %max3A_447, %min3A_449 : vector<16xf32>
      %max3A_451 = arith.maximumf %max3A_448, %get3A_263 : vector<16xf32>
      %add3A_452 = arith.addf %max3A_451, %max3A_450 : vector<16xf32>
      %broadcast_in_dim3A_453 = arith.constant 0.000000e+00 : f32
      %broadcast_in_dim3A_454 = vector.broadcast %broadcast_in_dim3A_453 : f32 to vector<16xf32>
      %broadcast_in_dim3A_455 = arith.constant 0.000000e+00 : f32
      %broadcast_in_dim3A_456 = vector.broadcast %broadcast_in_dim3A_455 : f32 to vector<16xf32>
      %broadcast_in_dim3A_457 = arith.constant 0.000000e+00 : f32
      %broadcast_in_dim3A_458 = vector.broadcast %broadcast_in_dim3A_457 : f32 to vector<16xf32>
      %broadcast_in_dim3A_459 = arith.constant 0.000000e+00 : f32
      %broadcast_in_dim3A_460 = vector.broadcast %broadcast_in_dim3A_459 : f32 to vector<16xf32>
      %broadcast_in_dim3A_461 = arith.constant 0.000000e+00 : f32
      %broadcast_in_dim3A_462 = vector.broadcast %broadcast_in_dim3A_461 : f32 to vector<16xf32>
      %broadcast_in_dim3A_463 = arith.constant 0.000000e+00 : f32
      %broadcast_in_dim3A_464 = vector.broadcast %broadcast_in_dim3A_463 : f32 to vector<16xf32>
      %broadcast_in_dim3A_465 = arith.constant 0.000000e+00 : f32
      %broadcast_in_dim3A_466 = vector.broadcast %broadcast_in_dim3A_465 : f32 to vector<16xf32>
      %broadcast_in_dim3A_467 = arith.constant 0.000000e+00 : f32
      %broadcast_in_dim3A_468 = vector.broadcast %broadcast_in_dim3A_467 : f32 to vector<16xf32>
      %ge3A = arith.cmpf oge, %add3A_284, %add3A_308 : vector<16xf32>
      %jit3A = arith.constant 1.000000e+00 : f32
      %jit3A_469 = arith.constant 0.000000e+00 : f32
      %broadcast_in_dim3A_470 = vector.broadcast %jit3A : f32 to vector<16xf32>
      %broadcast_in_dim3A_471 = vector.broadcast %jit3A_469 : f32 to vector<16xf32>
      %select_n3A = arith.select %ge3A, %broadcast_in_dim3A_470, %broadcast_in_dim3A_471 : vector<16xi1>, vector<16xf32>
      %add3A_472 = arith.addf %broadcast_in_dim3A_456, %select_n3A : vector<16xf32>
      %jit3A_473 = arith.constant 0.000000e+00 : f32
      %jit3A_474 = arith.constant 1.000000e+00 : f32
      %broadcast_in_dim3A_475 = vector.broadcast %jit3A_473 : f32 to vector<16xf32>
      %broadcast_in_dim3A_476 = vector.broadcast %jit3A_474 : f32 to vector<16xf32>
      %select_n3A_477 = arith.select %ge3A, %broadcast_in_dim3A_475, %broadcast_in_dim3A_476 : vector<16xi1>, vector<16xf32>
      %add3A_478 = arith.addf %broadcast_in_dim3A_454, %select_n3A_477 : vector<16xf32>
      %ge3A_479 = arith.cmpf oge, %add3A_284, %add3A_332 : vector<16xf32>
      %jit3A_480 = arith.constant 1.000000e+00 : f32
      %jit3A_481 = arith.constant 0.000000e+00 : f32
      %broadcast_in_dim3A_482 = vector.broadcast %jit3A_480 : f32 to vector<16xf32>
      %broadcast_in_dim3A_483 = vector.broadcast %jit3A_481 : f32 to vector<16xf32>
      %select_n3A_484 = arith.select %ge3A_479, %broadcast_in_dim3A_482, %broadcast_in_dim3A_483 : vector<16xi1>, vector<16xf32>
      %add3A_485 = arith.addf %broadcast_in_dim3A_458, %select_n3A_484 : vector<16xf32>
      %jit3A_486 = arith.constant 0.000000e+00 : f32
      %jit3A_487 = arith.constant 1.000000e+00 : f32
      %broadcast_in_dim3A_488 = vector.broadcast %jit3A_486 : f32 to vector<16xf32>
      %broadcast_in_dim3A_489 = vector.broadcast %jit3A_487 : f32 to vector<16xf32>
      %select_n3A_490 = arith.select %ge3A_479, %broadcast_in_dim3A_488, %broadcast_in_dim3A_489 : vector<16xi1>, vector<16xf32>
      %add3A_491 = arith.addf %add3A_478, %select_n3A_490 : vector<16xf32>
      %ge3A_492 = arith.cmpf oge, %add3A_284, %add3A_356 : vector<16xf32>
      %jit3A_493 = arith.constant 1.000000e+00 : f32
      %jit3A_494 = arith.constant 0.000000e+00 : f32
      %broadcast_in_dim3A_495 = vector.broadcast %jit3A_493 : f32 to vector<16xf32>
      %broadcast_in_dim3A_496 = vector.broadcast %jit3A_494 : f32 to vector<16xf32>
      %select_n3A_497 = arith.select %ge3A_492, %broadcast_in_dim3A_495, %broadcast_in_dim3A_496 : vector<16xi1>, vector<16xf32>
      %add3A_498 = arith.addf %broadcast_in_dim3A_460, %select_n3A_497 : vector<16xf32>
      %jit3A_499 = arith.constant 0.000000e+00 : f32
      %jit3A_500 = arith.constant 1.000000e+00 : f32
      %broadcast_in_dim3A_501 = vector.broadcast %jit3A_499 : f32 to vector<16xf32>
      %broadcast_in_dim3A_502 = vector.broadcast %jit3A_500 : f32 to vector<16xf32>
      %select_n3A_503 = arith.select %ge3A_492, %broadcast_in_dim3A_501, %broadcast_in_dim3A_502 : vector<16xi1>, vector<16xf32>
      %add3A_504 = arith.addf %add3A_491, %select_n3A_503 : vector<16xf32>
      %ge3A_505 = arith.cmpf oge, %add3A_284, %add3A_380 : vector<16xf32>
      %jit3A_506 = arith.constant 1.000000e+00 : f32
      %jit3A_507 = arith.constant 0.000000e+00 : f32
      %broadcast_in_dim3A_508 = vector.broadcast %jit3A_506 : f32 to vector<16xf32>
      %broadcast_in_dim3A_509 = vector.broadcast %jit3A_507 : f32 to vector<16xf32>
      %select_n3A_510 = arith.select %ge3A_505, %broadcast_in_dim3A_508, %broadcast_in_dim3A_509 : vector<16xi1>, vector<16xf32>
      %add3A_511 = arith.addf %broadcast_in_dim3A_462, %select_n3A_510 : vector<16xf32>
      %jit3A_512 = arith.constant 0.000000e+00 : f32
      %jit3A_513 = arith.constant 1.000000e+00 : f32
      %broadcast_in_dim3A_514 = vector.broadcast %jit3A_512 : f32 to vector<16xf32>
      %broadcast_in_dim3A_515 = vector.broadcast %jit3A_513 : f32 to vector<16xf32>
      %select_n3A_516 = arith.select %ge3A_505, %broadcast_in_dim3A_514, %broadcast_in_dim3A_515 : vector<16xi1>, vector<16xf32>
      %add3A_517 = arith.addf %add3A_504, %select_n3A_516 : vector<16xf32>
      %ge3A_518 = arith.cmpf oge, %add3A_284, %add3A_404 : vector<16xf32>
      %jit3A_519 = arith.constant 1.000000e+00 : f32
      %jit3A_520 = arith.constant 0.000000e+00 : f32
      %broadcast_in_dim3A_521 = vector.broadcast %jit3A_519 : f32 to vector<16xf32>
      %broadcast_in_dim3A_522 = vector.broadcast %jit3A_520 : f32 to vector<16xf32>
      %select_n3A_523 = arith.select %ge3A_518, %broadcast_in_dim3A_521, %broadcast_in_dim3A_522 : vector<16xi1>, vector<16xf32>
      %add3A_524 = arith.addf %broadcast_in_dim3A_464, %select_n3A_523 : vector<16xf32>
      %jit3A_525 = arith.constant 0.000000e+00 : f32
      %jit3A_526 = arith.constant 1.000000e+00 : f32
      %broadcast_in_dim3A_527 = vector.broadcast %jit3A_525 : f32 to vector<16xf32>
      %broadcast_in_dim3A_528 = vector.broadcast %jit3A_526 : f32 to vector<16xf32>
      %select_n3A_529 = arith.select %ge3A_518, %broadcast_in_dim3A_527, %broadcast_in_dim3A_528 : vector<16xi1>, vector<16xf32>
      %add3A_530 = arith.addf %add3A_517, %select_n3A_529 : vector<16xf32>
      %ge3A_531 = arith.cmpf oge, %add3A_284, %add3A_428 : vector<16xf32>
      %jit3A_532 = arith.constant 1.000000e+00 : f32
      %jit3A_533 = arith.constant 0.000000e+00 : f32
      %broadcast_in_dim3A_534 = vector.broadcast %jit3A_532 : f32 to vector<16xf32>
      %broadcast_in_dim3A_535 = vector.broadcast %jit3A_533 : f32 to vector<16xf32>
      %select_n3A_536 = arith.select %ge3A_531, %broadcast_in_dim3A_534, %broadcast_in_dim3A_535 : vector<16xi1>, vector<16xf32>
      %add3A_537 = arith.addf %broadcast_in_dim3A_466, %select_n3A_536 : vector<16xf32>
      %jit3A_538 = arith.constant 0.000000e+00 : f32
      %jit3A_539 = arith.constant 1.000000e+00 : f32
      %broadcast_in_dim3A_540 = vector.broadcast %jit3A_538 : f32 to vector<16xf32>
      %broadcast_in_dim3A_541 = vector.broadcast %jit3A_539 : f32 to vector<16xf32>
      %select_n3A_542 = arith.select %ge3A_531, %broadcast_in_dim3A_540, %broadcast_in_dim3A_541 : vector<16xi1>, vector<16xf32>
      %add3A_543 = arith.addf %add3A_530, %select_n3A_542 : vector<16xf32>
      %ge3A_544 = arith.cmpf oge, %add3A_284, %add3A_452 : vector<16xf32>
      %jit3A_545 = arith.constant 1.000000e+00 : f32
      %jit3A_546 = arith.constant 0.000000e+00 : f32
      %broadcast_in_dim3A_547 = vector.broadcast %jit3A_545 : f32 to vector<16xf32>
      %broadcast_in_dim3A_548 = vector.broadcast %jit3A_546 : f32 to vector<16xf32>
      %select_n3A_549 = arith.select %ge3A_544, %broadcast_in_dim3A_547, %broadcast_in_dim3A_548 : vector<16xi1>, vector<16xf32>
      %add3A_550 = arith.addf %broadcast_in_dim3A_468, %select_n3A_549 : vector<16xf32>
      %jit3A_551 = arith.constant 0.000000e+00 : f32
      %jit3A_552 = arith.constant 1.000000e+00 : f32
      %broadcast_in_dim3A_553 = vector.broadcast %jit3A_551 : f32 to vector<16xf32>
      %broadcast_in_dim3A_554 = vector.broadcast %jit3A_552 : f32 to vector<16xf32>
      %select_n3A_555 = arith.select %ge3A_544, %broadcast_in_dim3A_553, %broadcast_in_dim3A_554 : vector<16xi1>, vector<16xf32>
      %add3A_556 = arith.addf %add3A_543, %select_n3A_555 : vector<16xf32>
      %ge3A_557 = arith.cmpf oge, %add3A_308, %add3A_332 : vector<16xf32>
      %jit3A_558 = arith.constant 1.000000e+00 : f32
      %jit3A_559 = arith.constant 0.000000e+00 : f32
      %broadcast_in_dim3A_560 = vector.broadcast %jit3A_558 : f32 to vector<16xf32>
      %broadcast_in_dim3A_561 = vector.broadcast %jit3A_559 : f32 to vector<16xf32>
      %select_n3A_562 = arith.select %ge3A_557, %broadcast_in_dim3A_560, %broadcast_in_dim3A_561 : vector<16xi1>, vector<16xf32>
      %add3A_563 = arith.addf %add3A_485, %select_n3A_562 : vector<16xf32>
      %jit3A_564 = arith.constant 0.000000e+00 : f32
      %jit3A_565 = arith.constant 1.000000e+00 : f32
      %broadcast_in_dim3A_566 = vector.broadcast %jit3A_564 : f32 to vector<16xf32>
      %broadcast_in_dim3A_567 = vector.broadcast %jit3A_565 : f32 to vector<16xf32>
      %select_n3A_568 = arith.select %ge3A_557, %broadcast_in_dim3A_566, %broadcast_in_dim3A_567 : vector<16xi1>, vector<16xf32>
      %add3A_569 = arith.addf %add3A_472, %select_n3A_568 : vector<16xf32>
      %ge3A_570 = arith.cmpf oge, %add3A_308, %add3A_356 : vector<16xf32>
      %jit3A_571 = arith.constant 1.000000e+00 : f32
      %jit3A_572 = arith.constant 0.000000e+00 : f32
      %broadcast_in_dim3A_573 = vector.broadcast %jit3A_571 : f32 to vector<16xf32>
      %broadcast_in_dim3A_574 = vector.broadcast %jit3A_572 : f32 to vector<16xf32>
      %select_n3A_575 = arith.select %ge3A_570, %broadcast_in_dim3A_573, %broadcast_in_dim3A_574 : vector<16xi1>, vector<16xf32>
      %add3A_576 = arith.addf %add3A_498, %select_n3A_575 : vector<16xf32>
      %jit3A_577 = arith.constant 0.000000e+00 : f32
      %jit3A_578 = arith.constant 1.000000e+00 : f32
      %broadcast_in_dim3A_579 = vector.broadcast %jit3A_577 : f32 to vector<16xf32>
      %broadcast_in_dim3A_580 = vector.broadcast %jit3A_578 : f32 to vector<16xf32>
      %select_n3A_581 = arith.select %ge3A_570, %broadcast_in_dim3A_579, %broadcast_in_dim3A_580 : vector<16xi1>, vector<16xf32>
      %add3A_582 = arith.addf %add3A_569, %select_n3A_581 : vector<16xf32>
      %ge3A_583 = arith.cmpf oge, %add3A_308, %add3A_380 : vector<16xf32>
      %jit3A_584 = arith.constant 1.000000e+00 : f32
      %jit3A_585 = arith.constant 0.000000e+00 : f32
      %broadcast_in_dim3A_586 = vector.broadcast %jit3A_584 : f32 to vector<16xf32>
      %broadcast_in_dim3A_587 = vector.broadcast %jit3A_585 : f32 to vector<16xf32>
      %select_n3A_588 = arith.select %ge3A_583, %broadcast_in_dim3A_586, %broadcast_in_dim3A_587 : vector<16xi1>, vector<16xf32>
      %add3A_589 = arith.addf %add3A_511, %select_n3A_588 : vector<16xf32>
      %jit3A_590 = arith.constant 0.000000e+00 : f32
      %jit3A_591 = arith.constant 1.000000e+00 : f32
      %broadcast_in_dim3A_592 = vector.broadcast %jit3A_590 : f32 to vector<16xf32>
      %broadcast_in_dim3A_593 = vector.broadcast %jit3A_591 : f32 to vector<16xf32>
      %select_n3A_594 = arith.select %ge3A_583, %broadcast_in_dim3A_592, %broadcast_in_dim3A_593 : vector<16xi1>, vector<16xf32>
      %add3A_595 = arith.addf %add3A_582, %select_n3A_594 : vector<16xf32>
      %ge3A_596 = arith.cmpf oge, %add3A_308, %add3A_404 : vector<16xf32>
      %jit3A_597 = arith.constant 1.000000e+00 : f32
      %jit3A_598 = arith.constant 0.000000e+00 : f32
      %broadcast_in_dim3A_599 = vector.broadcast %jit3A_597 : f32 to vector<16xf32>
      %broadcast_in_dim3A_600 = vector.broadcast %jit3A_598 : f32 to vector<16xf32>
      %select_n3A_601 = arith.select %ge3A_596, %broadcast_in_dim3A_599, %broadcast_in_dim3A_600 : vector<16xi1>, vector<16xf32>
      %add3A_602 = arith.addf %add3A_524, %select_n3A_601 : vector<16xf32>
      %jit3A_603 = arith.constant 0.000000e+00 : f32
      %jit3A_604 = arith.constant 1.000000e+00 : f32
      %broadcast_in_dim3A_605 = vector.broadcast %jit3A_603 : f32 to vector<16xf32>
      %broadcast_in_dim3A_606 = vector.broadcast %jit3A_604 : f32 to vector<16xf32>
      %select_n3A_607 = arith.select %ge3A_596, %broadcast_in_dim3A_605, %broadcast_in_dim3A_606 : vector<16xi1>, vector<16xf32>
      %add3A_608 = arith.addf %add3A_595, %select_n3A_607 : vector<16xf32>
      %ge3A_609 = arith.cmpf oge, %add3A_308, %add3A_428 : vector<16xf32>
      %jit3A_610 = arith.constant 1.000000e+00 : f32
      %jit3A_611 = arith.constant 0.000000e+00 : f32
      %broadcast_in_dim3A_612 = vector.broadcast %jit3A_610 : f32 to vector<16xf32>
      %broadcast_in_dim3A_613 = vector.broadcast %jit3A_611 : f32 to vector<16xf32>
      %select_n3A_614 = arith.select %ge3A_609, %broadcast_in_dim3A_612, %broadcast_in_dim3A_613 : vector<16xi1>, vector<16xf32>
      %add3A_615 = arith.addf %add3A_537, %select_n3A_614 : vector<16xf32>
      %jit3A_616 = arith.constant 0.000000e+00 : f32
      %jit3A_617 = arith.constant 1.000000e+00 : f32
      %broadcast_in_dim3A_618 = vector.broadcast %jit3A_616 : f32 to vector<16xf32>
      %broadcast_in_dim3A_619 = vector.broadcast %jit3A_617 : f32 to vector<16xf32>
      %select_n3A_620 = arith.select %ge3A_609, %broadcast_in_dim3A_618, %broadcast_in_dim3A_619 : vector<16xi1>, vector<16xf32>
      %add3A_621 = arith.addf %add3A_608, %select_n3A_620 : vector<16xf32>
      %ge3A_622 = arith.cmpf oge, %add3A_308, %add3A_452 : vector<16xf32>
      %jit3A_623 = arith.constant 1.000000e+00 : f32
      %jit3A_624 = arith.constant 0.000000e+00 : f32
      %broadcast_in_dim3A_625 = vector.broadcast %jit3A_623 : f32 to vector<16xf32>
      %broadcast_in_dim3A_626 = vector.broadcast %jit3A_624 : f32 to vector<16xf32>
      %select_n3A_627 = arith.select %ge3A_622, %broadcast_in_dim3A_625, %broadcast_in_dim3A_626 : vector<16xi1>, vector<16xf32>
      %add3A_628 = arith.addf %add3A_550, %select_n3A_627 : vector<16xf32>
      %jit3A_629 = arith.constant 0.000000e+00 : f32
      %jit3A_630 = arith.constant 1.000000e+00 : f32
      %broadcast_in_dim3A_631 = vector.broadcast %jit3A_629 : f32 to vector<16xf32>
      %broadcast_in_dim3A_632 = vector.broadcast %jit3A_630 : f32 to vector<16xf32>
      %select_n3A_633 = arith.select %ge3A_622, %broadcast_in_dim3A_631, %broadcast_in_dim3A_632 : vector<16xi1>, vector<16xf32>
      %add3A_634 = arith.addf %add3A_621, %select_n3A_633 : vector<16xf32>
      %ge3A_635 = arith.cmpf oge, %add3A_332, %add3A_356 : vector<16xf32>
      %jit3A_636 = arith.constant 1.000000e+00 : f32
      %jit3A_637 = arith.constant 0.000000e+00 : f32
      %broadcast_in_dim3A_638 = vector.broadcast %jit3A_636 : f32 to vector<16xf32>
      %broadcast_in_dim3A_639 = vector.broadcast %jit3A_637 : f32 to vector<16xf32>
      %select_n3A_640 = arith.select %ge3A_635, %broadcast_in_dim3A_638, %broadcast_in_dim3A_639 : vector<16xi1>, vector<16xf32>
      %add3A_641 = arith.addf %add3A_576, %select_n3A_640 : vector<16xf32>
      %jit3A_642 = arith.constant 0.000000e+00 : f32
      %jit3A_643 = arith.constant 1.000000e+00 : f32
      %broadcast_in_dim3A_644 = vector.broadcast %jit3A_642 : f32 to vector<16xf32>
      %broadcast_in_dim3A_645 = vector.broadcast %jit3A_643 : f32 to vector<16xf32>
      %select_n3A_646 = arith.select %ge3A_635, %broadcast_in_dim3A_644, %broadcast_in_dim3A_645 : vector<16xi1>, vector<16xf32>
      %add3A_647 = arith.addf %add3A_563, %select_n3A_646 : vector<16xf32>
      %ge3A_648 = arith.cmpf oge, %add3A_332, %add3A_380 : vector<16xf32>
      %jit3A_649 = arith.constant 1.000000e+00 : f32
      %jit3A_650 = arith.constant 0.000000e+00 : f32
      %broadcast_in_dim3A_651 = vector.broadcast %jit3A_649 : f32 to vector<16xf32>
      %broadcast_in_dim3A_652 = vector.broadcast %jit3A_650 : f32 to vector<16xf32>
      %select_n3A_653 = arith.select %ge3A_648, %broadcast_in_dim3A_651, %broadcast_in_dim3A_652 : vector<16xi1>, vector<16xf32>
      %add3A_654 = arith.addf %add3A_589, %select_n3A_653 : vector<16xf32>
      %jit3A_655 = arith.constant 0.000000e+00 : f32
      %jit3A_656 = arith.constant 1.000000e+00 : f32
      %broadcast_in_dim3A_657 = vector.broadcast %jit3A_655 : f32 to vector<16xf32>
      %broadcast_in_dim3A_658 = vector.broadcast %jit3A_656 : f32 to vector<16xf32>
      %select_n3A_659 = arith.select %ge3A_648, %broadcast_in_dim3A_657, %broadcast_in_dim3A_658 : vector<16xi1>, vector<16xf32>
      %add3A_660 = arith.addf %add3A_647, %select_n3A_659 : vector<16xf32>
      %ge3A_661 = arith.cmpf oge, %add3A_332, %add3A_404 : vector<16xf32>
      %jit3A_662 = arith.constant 1.000000e+00 : f32
      %jit3A_663 = arith.constant 0.000000e+00 : f32
      %broadcast_in_dim3A_664 = vector.broadcast %jit3A_662 : f32 to vector<16xf32>
      %broadcast_in_dim3A_665 = vector.broadcast %jit3A_663 : f32 to vector<16xf32>
      %select_n3A_666 = arith.select %ge3A_661, %broadcast_in_dim3A_664, %broadcast_in_dim3A_665 : vector<16xi1>, vector<16xf32>
      %add3A_667 = arith.addf %add3A_602, %select_n3A_666 : vector<16xf32>
      %jit3A_668 = arith.constant 0.000000e+00 : f32
      %jit3A_669 = arith.constant 1.000000e+00 : f32
      %broadcast_in_dim3A_670 = vector.broadcast %jit3A_668 : f32 to vector<16xf32>
      %broadcast_in_dim3A_671 = vector.broadcast %jit3A_669 : f32 to vector<16xf32>
      %select_n3A_672 = arith.select %ge3A_661, %broadcast_in_dim3A_670, %broadcast_in_dim3A_671 : vector<16xi1>, vector<16xf32>
      %add3A_673 = arith.addf %add3A_660, %select_n3A_672 : vector<16xf32>
      %ge3A_674 = arith.cmpf oge, %add3A_332, %add3A_428 : vector<16xf32>
      %jit3A_675 = arith.constant 1.000000e+00 : f32
      %jit3A_676 = arith.constant 0.000000e+00 : f32
      %broadcast_in_dim3A_677 = vector.broadcast %jit3A_675 : f32 to vector<16xf32>
      %broadcast_in_dim3A_678 = vector.broadcast %jit3A_676 : f32 to vector<16xf32>
      %select_n3A_679 = arith.select %ge3A_674, %broadcast_in_dim3A_677, %broadcast_in_dim3A_678 : vector<16xi1>, vector<16xf32>
      %add3A_680 = arith.addf %add3A_615, %select_n3A_679 : vector<16xf32>
      %jit3A_681 = arith.constant 0.000000e+00 : f32
      %jit3A_682 = arith.constant 1.000000e+00 : f32
      %broadcast_in_dim3A_683 = vector.broadcast %jit3A_681 : f32 to vector<16xf32>
      %broadcast_in_dim3A_684 = vector.broadcast %jit3A_682 : f32 to vector<16xf32>
      %select_n3A_685 = arith.select %ge3A_674, %broadcast_in_dim3A_683, %broadcast_in_dim3A_684 : vector<16xi1>, vector<16xf32>
      %add3A_686 = arith.addf %add3A_673, %select_n3A_685 : vector<16xf32>
      %ge3A_687 = arith.cmpf oge, %add3A_332, %add3A_452 : vector<16xf32>
      %jit3A_688 = arith.constant 1.000000e+00 : f32
      %jit3A_689 = arith.constant 0.000000e+00 : f32
      %broadcast_in_dim3A_690 = vector.broadcast %jit3A_688 : f32 to vector<16xf32>
      %broadcast_in_dim3A_691 = vector.broadcast %jit3A_689 : f32 to vector<16xf32>
      %select_n3A_692 = arith.select %ge3A_687, %broadcast_in_dim3A_690, %broadcast_in_dim3A_691 : vector<16xi1>, vector<16xf32>
      %add3A_693 = arith.addf %add3A_628, %select_n3A_692 : vector<16xf32>
      %jit3A_694 = arith.constant 0.000000e+00 : f32
      %jit3A_695 = arith.constant 1.000000e+00 : f32
      %broadcast_in_dim3A_696 = vector.broadcast %jit3A_694 : f32 to vector<16xf32>
      %broadcast_in_dim3A_697 = vector.broadcast %jit3A_695 : f32 to vector<16xf32>
      %select_n3A_698 = arith.select %ge3A_687, %broadcast_in_dim3A_696, %broadcast_in_dim3A_697 : vector<16xi1>, vector<16xf32>
      %add3A_699 = arith.addf %add3A_686, %select_n3A_698 : vector<16xf32>
      %ge3A_700 = arith.cmpf oge, %add3A_356, %add3A_380 : vector<16xf32>
      %jit3A_701 = arith.constant 1.000000e+00 : f32
      %jit3A_702 = arith.constant 0.000000e+00 : f32
      %broadcast_in_dim3A_703 = vector.broadcast %jit3A_701 : f32 to vector<16xf32>
      %broadcast_in_dim3A_704 = vector.broadcast %jit3A_702 : f32 to vector<16xf32>
      %select_n3A_705 = arith.select %ge3A_700, %broadcast_in_dim3A_703, %broadcast_in_dim3A_704 : vector<16xi1>, vector<16xf32>
      %add3A_706 = arith.addf %add3A_654, %select_n3A_705 : vector<16xf32>
      %jit3A_707 = arith.constant 0.000000e+00 : f32
      %jit3A_708 = arith.constant 1.000000e+00 : f32
      %broadcast_in_dim3A_709 = vector.broadcast %jit3A_707 : f32 to vector<16xf32>
      %broadcast_in_dim3A_710 = vector.broadcast %jit3A_708 : f32 to vector<16xf32>
      %select_n3A_711 = arith.select %ge3A_700, %broadcast_in_dim3A_709, %broadcast_in_dim3A_710 : vector<16xi1>, vector<16xf32>
      %add3A_712 = arith.addf %add3A_641, %select_n3A_711 : vector<16xf32>
      %ge3A_713 = arith.cmpf oge, %add3A_356, %add3A_404 : vector<16xf32>
      %jit3A_714 = arith.constant 1.000000e+00 : f32
      %jit3A_715 = arith.constant 0.000000e+00 : f32
      %broadcast_in_dim3A_716 = vector.broadcast %jit3A_714 : f32 to vector<16xf32>
      %broadcast_in_dim3A_717 = vector.broadcast %jit3A_715 : f32 to vector<16xf32>
      %select_n3A_718 = arith.select %ge3A_713, %broadcast_in_dim3A_716, %broadcast_in_dim3A_717 : vector<16xi1>, vector<16xf32>
      %add3A_719 = arith.addf %add3A_667, %select_n3A_718 : vector<16xf32>
      %jit3A_720 = arith.constant 0.000000e+00 : f32
      %jit3A_721 = arith.constant 1.000000e+00 : f32
      %broadcast_in_dim3A_722 = vector.broadcast %jit3A_720 : f32 to vector<16xf32>
      %broadcast_in_dim3A_723 = vector.broadcast %jit3A_721 : f32 to vector<16xf32>
      %select_n3A_724 = arith.select %ge3A_713, %broadcast_in_dim3A_722, %broadcast_in_dim3A_723 : vector<16xi1>, vector<16xf32>
      %add3A_725 = arith.addf %add3A_712, %select_n3A_724 : vector<16xf32>
      %ge3A_726 = arith.cmpf oge, %add3A_356, %add3A_428 : vector<16xf32>
      %jit3A_727 = arith.constant 1.000000e+00 : f32
      %jit3A_728 = arith.constant 0.000000e+00 : f32
      %broadcast_in_dim3A_729 = vector.broadcast %jit3A_727 : f32 to vector<16xf32>
      %broadcast_in_dim3A_730 = vector.broadcast %jit3A_728 : f32 to vector<16xf32>
      %select_n3A_731 = arith.select %ge3A_726, %broadcast_in_dim3A_729, %broadcast_in_dim3A_730 : vector<16xi1>, vector<16xf32>
      %add3A_732 = arith.addf %add3A_680, %select_n3A_731 : vector<16xf32>
      %jit3A_733 = arith.constant 0.000000e+00 : f32
      %jit3A_734 = arith.constant 1.000000e+00 : f32
      %broadcast_in_dim3A_735 = vector.broadcast %jit3A_733 : f32 to vector<16xf32>
      %broadcast_in_dim3A_736 = vector.broadcast %jit3A_734 : f32 to vector<16xf32>
      %select_n3A_737 = arith.select %ge3A_726, %broadcast_in_dim3A_735, %broadcast_in_dim3A_736 : vector<16xi1>, vector<16xf32>
      %add3A_738 = arith.addf %add3A_725, %select_n3A_737 : vector<16xf32>
      %ge3A_739 = arith.cmpf oge, %add3A_356, %add3A_452 : vector<16xf32>
      %jit3A_740 = arith.constant 1.000000e+00 : f32
      %jit3A_741 = arith.constant 0.000000e+00 : f32
      %broadcast_in_dim3A_742 = vector.broadcast %jit3A_740 : f32 to vector<16xf32>
      %broadcast_in_dim3A_743 = vector.broadcast %jit3A_741 : f32 to vector<16xf32>
      %select_n3A_744 = arith.select %ge3A_739, %broadcast_in_dim3A_742, %broadcast_in_dim3A_743 : vector<16xi1>, vector<16xf32>
      %add3A_745 = arith.addf %add3A_693, %select_n3A_744 : vector<16xf32>
      %jit3A_746 = arith.constant 0.000000e+00 : f32
      %jit3A_747 = arith.constant 1.000000e+00 : f32
      %broadcast_in_dim3A_748 = vector.broadcast %jit3A_746 : f32 to vector<16xf32>
      %broadcast_in_dim3A_749 = vector.broadcast %jit3A_747 : f32 to vector<16xf32>
      %select_n3A_750 = arith.select %ge3A_739, %broadcast_in_dim3A_748, %broadcast_in_dim3A_749 : vector<16xi1>, vector<16xf32>
      %add3A_751 = arith.addf %add3A_738, %select_n3A_750 : vector<16xf32>
      %ge3A_752 = arith.cmpf oge, %add3A_380, %add3A_404 : vector<16xf32>
      %jit3A_753 = arith.constant 1.000000e+00 : f32
      %jit3A_754 = arith.constant 0.000000e+00 : f32
      %broadcast_in_dim3A_755 = vector.broadcast %jit3A_753 : f32 to vector<16xf32>
      %broadcast_in_dim3A_756 = vector.broadcast %jit3A_754 : f32 to vector<16xf32>
      %select_n3A_757 = arith.select %ge3A_752, %broadcast_in_dim3A_755, %broadcast_in_dim3A_756 : vector<16xi1>, vector<16xf32>
      %add3A_758 = arith.addf %add3A_719, %select_n3A_757 : vector<16xf32>
      %jit3A_759 = arith.constant 0.000000e+00 : f32
      %jit3A_760 = arith.constant 1.000000e+00 : f32
      %broadcast_in_dim3A_761 = vector.broadcast %jit3A_759 : f32 to vector<16xf32>
      %broadcast_in_dim3A_762 = vector.broadcast %jit3A_760 : f32 to vector<16xf32>
      %select_n3A_763 = arith.select %ge3A_752, %broadcast_in_dim3A_761, %broadcast_in_dim3A_762 : vector<16xi1>, vector<16xf32>
      %add3A_764 = arith.addf %add3A_706, %select_n3A_763 : vector<16xf32>
      %ge3A_765 = arith.cmpf oge, %add3A_380, %add3A_428 : vector<16xf32>
      %jit3A_766 = arith.constant 1.000000e+00 : f32
      %jit3A_767 = arith.constant 0.000000e+00 : f32
      %broadcast_in_dim3A_768 = vector.broadcast %jit3A_766 : f32 to vector<16xf32>
      %broadcast_in_dim3A_769 = vector.broadcast %jit3A_767 : f32 to vector<16xf32>
      %select_n3A_770 = arith.select %ge3A_765, %broadcast_in_dim3A_768, %broadcast_in_dim3A_769 : vector<16xi1>, vector<16xf32>
      %add3A_771 = arith.addf %add3A_732, %select_n3A_770 : vector<16xf32>
      %jit3A_772 = arith.constant 0.000000e+00 : f32
      %jit3A_773 = arith.constant 1.000000e+00 : f32
      %broadcast_in_dim3A_774 = vector.broadcast %jit3A_772 : f32 to vector<16xf32>
      %broadcast_in_dim3A_775 = vector.broadcast %jit3A_773 : f32 to vector<16xf32>
      %select_n3A_776 = arith.select %ge3A_765, %broadcast_in_dim3A_774, %broadcast_in_dim3A_775 : vector<16xi1>, vector<16xf32>
      %add3A_777 = arith.addf %add3A_764, %select_n3A_776 : vector<16xf32>
      %ge3A_778 = arith.cmpf oge, %add3A_380, %add3A_452 : vector<16xf32>
      %jit3A_779 = arith.constant 1.000000e+00 : f32
      %jit3A_780 = arith.constant 0.000000e+00 : f32
      %broadcast_in_dim3A_781 = vector.broadcast %jit3A_779 : f32 to vector<16xf32>
      %broadcast_in_dim3A_782 = vector.broadcast %jit3A_780 : f32 to vector<16xf32>
      %select_n3A_783 = arith.select %ge3A_778, %broadcast_in_dim3A_781, %broadcast_in_dim3A_782 : vector<16xi1>, vector<16xf32>
      %add3A_784 = arith.addf %add3A_745, %select_n3A_783 : vector<16xf32>
      %jit3A_785 = arith.constant 0.000000e+00 : f32
      %jit3A_786 = arith.constant 1.000000e+00 : f32
      %broadcast_in_dim3A_787 = vector.broadcast %jit3A_785 : f32 to vector<16xf32>
      %broadcast_in_dim3A_788 = vector.broadcast %jit3A_786 : f32 to vector<16xf32>
      %select_n3A_789 = arith.select %ge3A_778, %broadcast_in_dim3A_787, %broadcast_in_dim3A_788 : vector<16xi1>, vector<16xf32>
      %add3A_790 = arith.addf %add3A_777, %select_n3A_789 : vector<16xf32>
      %ge3A_791 = arith.cmpf oge, %add3A_404, %add3A_428 : vector<16xf32>
      %jit3A_792 = arith.constant 1.000000e+00 : f32
      %jit3A_793 = arith.constant 0.000000e+00 : f32
      %broadcast_in_dim3A_794 = vector.broadcast %jit3A_792 : f32 to vector<16xf32>
      %broadcast_in_dim3A_795 = vector.broadcast %jit3A_793 : f32 to vector<16xf32>
      %select_n3A_796 = arith.select %ge3A_791, %broadcast_in_dim3A_794, %broadcast_in_dim3A_795 : vector<16xi1>, vector<16xf32>
      %add3A_797 = arith.addf %add3A_771, %select_n3A_796 : vector<16xf32>
      %jit3A_798 = arith.constant 0.000000e+00 : f32
      %jit3A_799 = arith.constant 1.000000e+00 : f32
      %broadcast_in_dim3A_800 = vector.broadcast %jit3A_798 : f32 to vector<16xf32>
      %broadcast_in_dim3A_801 = vector.broadcast %jit3A_799 : f32 to vector<16xf32>
      %select_n3A_802 = arith.select %ge3A_791, %broadcast_in_dim3A_800, %broadcast_in_dim3A_801 : vector<16xi1>, vector<16xf32>
      %add3A_803 = arith.addf %add3A_758, %select_n3A_802 : vector<16xf32>
      %ge3A_804 = arith.cmpf oge, %add3A_404, %add3A_452 : vector<16xf32>
      %jit3A_805 = arith.constant 1.000000e+00 : f32
      %jit3A_806 = arith.constant 0.000000e+00 : f32
      %broadcast_in_dim3A_807 = vector.broadcast %jit3A_805 : f32 to vector<16xf32>
      %broadcast_in_dim3A_808 = vector.broadcast %jit3A_806 : f32 to vector<16xf32>
      %select_n3A_809 = arith.select %ge3A_804, %broadcast_in_dim3A_807, %broadcast_in_dim3A_808 : vector<16xi1>, vector<16xf32>
      %add3A_810 = arith.addf %add3A_784, %select_n3A_809 : vector<16xf32>
      %jit3A_811 = arith.constant 0.000000e+00 : f32
      %jit3A_812 = arith.constant 1.000000e+00 : f32
      %broadcast_in_dim3A_813 = vector.broadcast %jit3A_811 : f32 to vector<16xf32>
      %broadcast_in_dim3A_814 = vector.broadcast %jit3A_812 : f32 to vector<16xf32>
      %select_n3A_815 = arith.select %ge3A_804, %broadcast_in_dim3A_813, %broadcast_in_dim3A_814 : vector<16xi1>, vector<16xf32>
      %add3A_816 = arith.addf %add3A_803, %select_n3A_815 : vector<16xf32>
      %ge3A_817 = arith.cmpf oge, %add3A_428, %add3A_452 : vector<16xf32>
      %jit3A_818 = arith.constant 1.000000e+00 : f32
      %jit3A_819 = arith.constant 0.000000e+00 : f32
      %broadcast_in_dim3A_820 = vector.broadcast %jit3A_818 : f32 to vector<16xf32>
      %broadcast_in_dim3A_821 = vector.broadcast %jit3A_819 : f32 to vector<16xf32>
      %select_n3A_822 = arith.select %ge3A_817, %broadcast_in_dim3A_820, %broadcast_in_dim3A_821 : vector<16xi1>, vector<16xf32>
      %add3A_823 = arith.addf %add3A_810, %select_n3A_822 : vector<16xf32>
      %jit3A_824 = arith.constant 0.000000e+00 : f32
      %jit3A_825 = arith.constant 1.000000e+00 : f32
      %broadcast_in_dim3A_826 = vector.broadcast %jit3A_824 : f32 to vector<16xf32>
      %broadcast_in_dim3A_827 = vector.broadcast %jit3A_825 : f32 to vector<16xf32>
      %select_n3A_828 = arith.select %ge3A_817, %broadcast_in_dim3A_826, %broadcast_in_dim3A_827 : vector<16xi1>, vector<16xf32>
      %add3A_829 = arith.addf %add3A_797, %select_n3A_828 : vector<16xf32>
      %lt3A = arith.constant 4.000000e+00 : f32
      %lt3A_830 = vector.broadcast %lt3A : f32 to vector<16xf32>
      %lt3A_831 = arith.cmpf olt, %add3A_556, %lt3A_830 : vector<16xf32>
      %lt3A_832 = arith.constant 4.000000e+00 : f32
      %lt3A_833 = vector.broadcast %lt3A_832 : f32 to vector<16xf32>
      %lt3A_834 = arith.cmpf olt, %add3A_634, %lt3A_833 : vector<16xf32>
      %lt3A_835 = arith.constant 4.000000e+00 : f32
      %lt3A_836 = vector.broadcast %lt3A_835 : f32 to vector<16xf32>
      %lt3A_837 = arith.cmpf olt, %add3A_699, %lt3A_836 : vector<16xf32>
      %lt3A_838 = arith.constant 4.000000e+00 : f32
      %lt3A_839 = vector.broadcast %lt3A_838 : f32 to vector<16xf32>
      %lt3A_840 = arith.cmpf olt, %add3A_751, %lt3A_839 : vector<16xf32>
      %lt3A_841 = arith.constant 4.000000e+00 : f32
      %lt3A_842 = vector.broadcast %lt3A_841 : f32 to vector<16xf32>
      %lt3A_843 = arith.cmpf olt, %add3A_790, %lt3A_842 : vector<16xf32>
      %lt3A_844 = arith.constant 4.000000e+00 : f32
      %lt3A_845 = vector.broadcast %lt3A_844 : f32 to vector<16xf32>
      %lt3A_846 = arith.cmpf olt, %add3A_816, %lt3A_845 : vector<16xf32>
      %lt3A_847 = arith.constant 4.000000e+00 : f32
      %lt3A_848 = vector.broadcast %lt3A_847 : f32 to vector<16xf32>
      %lt3A_849 = arith.cmpf olt, %add3A_829, %lt3A_848 : vector<16xf32>
      %lt3A_850 = arith.constant 4.000000e+00 : f32
      %lt3A_851 = vector.broadcast %lt3A_850 : f32 to vector<16xf32>
      %lt3A_852 = arith.cmpf olt, %add3A_823, %lt3A_851 : vector<16xf32>
      %jit3A_853 = arith.constant 0.000000e+00 : f32
      %broadcast_in_dim3A_854 = vector.broadcast %jit3A_853 : f32 to vector<16xf32>
      %select_n3A_855 = arith.select %lt3A_831, %get3A_11, %broadcast_in_dim3A_854 : vector<16xi1>, vector<16xf32>
      %swap3A = arith.constant 0 : i32
      %swap3A_856 = arith.index_cast %swap3A : i32 to index
      %swap3A_857 = arith.constant 0 : index
      %swap3A_858 = tpu.vector_load %arg8[%swap3A_856, %swap3A_857] {strides = array<i32>} : memref<64x16xf32, #tpu.memory_space<vmem>>, vector<16xf32>,
      tpu.vector_store %arg8[%swap3A_856, %swap3A_857], %select_n3A_855 {strides = array<i32>} : memref<64x16xf32, #tpu.memory_space<vmem>>, vector<16xf32>,
      %jit3A_859 = arith.constant 0.000000e+00 : f32
      %broadcast_in_dim3A_860 = vector.broadcast %jit3A_859 : f32 to vector<16xf32>
      %select_n3A_861 = arith.select %lt3A_831, %get3A_15, %broadcast_in_dim3A_860 : vector<16xi1>, vector<16xf32>
      %swap3A_862 = arith.constant 1 : i32
      %swap3A_863 = arith.index_cast %swap3A_862 : i32 to index
      %swap3A_864 = arith.constant 0 : index
      %swap3A_865 = tpu.vector_load %arg8[%swap3A_863, %swap3A_864] {strides = array<i32>} : memref<64x16xf32, #tpu.memory_space<vmem>>, vector<16xf32>,
      tpu.vector_store %arg8[%swap3A_863, %swap3A_864], %select_n3A_861 {strides = array<i32>} : memref<64x16xf32, #tpu.memory_space<vmem>>, vector<16xf32>,
      %jit3A_866 = arith.constant 0.000000e+00 : f32
      %broadcast_in_dim3A_867 = vector.broadcast %jit3A_866 : f32 to vector<16xf32>
      %select_n3A_868 = arith.select %lt3A_831, %get3A_19, %broadcast_in_dim3A_867 : vector<16xi1>, vector<16xf32>
      %swap3A_869 = arith.constant 2 : i32
      %swap3A_870 = arith.index_cast %swap3A_869 : i32 to index
      %swap3A_871 = arith.constant 0 : index
      %swap3A_872 = tpu.vector_load %arg8[%swap3A_870, %swap3A_871] {strides = array<i32>} : memref<64x16xf32, #tpu.memory_space<vmem>>, vector<16xf32>,
      tpu.vector_store %arg8[%swap3A_870, %swap3A_871], %select_n3A_868 {strides = array<i32>} : memref<64x16xf32, #tpu.memory_space<vmem>>, vector<16xf32>,
      %jit3A_873 = arith.constant 0.000000e+00 : f32
      %broadcast_in_dim3A_874 = vector.broadcast %jit3A_873 : f32 to vector<16xf32>
      %select_n3A_875 = arith.select %lt3A_831, %get3A_23, %broadcast_in_dim3A_874 : vector<16xi1>, vector<16xf32>
      %swap3A_876 = arith.constant 3 : i32
      %swap3A_877 = arith.index_cast %swap3A_876 : i32 to index
      %swap3A_878 = arith.constant 0 : index
      %swap3A_879 = tpu.vector_load %arg8[%swap3A_877, %swap3A_878] {strides = array<i32>} : memref<64x16xf32, #tpu.memory_space<vmem>>, vector<16xf32>,
      tpu.vector_store %arg8[%swap3A_877, %swap3A_878], %select_n3A_875 {strides = array<i32>} : memref<64x16xf32, #tpu.memory_space<vmem>>, vector<16xf32>,
      %jit3A_880 = arith.constant 0.000000e+00 : f32
      %broadcast_in_dim3A_881 = vector.broadcast %jit3A_880 : f32 to vector<16xf32>
      %select_n3A_882 = arith.select %lt3A_831, %get3A_27, %broadcast_in_dim3A_881 : vector<16xi1>, vector<16xf32>
      %swap3A_883 = arith.constant 4 : i32
      %swap3A_884 = arith.index_cast %swap3A_883 : i32 to index
      %swap3A_885 = arith.constant 0 : index
      %swap3A_886 = tpu.vector_load %arg8[%swap3A_884, %swap3A_885] {strides = array<i32>} : memref<64x16xf32, #tpu.memory_space<vmem>>, vector<16xf32>,
      tpu.vector_store %arg8[%swap3A_884, %swap3A_885], %select_n3A_882 {strides = array<i32>} : memref<64x16xf32, #tpu.memory_space<vmem>>, vector<16xf32>,
      %jit3A_887 = arith.constant 0.000000e+00 : f32
      %broadcast_in_dim3A_888 = vector.broadcast %jit3A_887 : f32 to vector<16xf32>
      %select_n3A_889 = arith.select %lt3A_831, %get3A_31, %broadcast_in_dim3A_888 : vector<16xi1>, vector<16xf32>
      %swap3A_890 = arith.constant 5 : i32
      %swap3A_891 = arith.index_cast %swap3A_890 : i32 to index
      %swap3A_892 = arith.constant 0 : index
      %swap3A_893 = tpu.vector_load %arg8[%swap3A_891, %swap3A_892] {strides = array<i32>} : memref<64x16xf32, #tpu.memory_space<vmem>>, vector<16xf32>,
      tpu.vector_store %arg8[%swap3A_891, %swap3A_892], %select_n3A_889 {strides = array<i32>} : memref<64x16xf32, #tpu.memory_space<vmem>>, vector<16xf32>,
      %jit3A_894 = arith.constant 0.000000e+00 : f32
      %broadcast_in_dim3A_895 = vector.broadcast %jit3A_894 : f32 to vector<16xf32>
      %select_n3A_896 = arith.select %lt3A_831, %get3A_35, %broadcast_in_dim3A_895 : vector<16xi1>, vector<16xf32>
      %swap3A_897 = arith.constant 6 : i32
      %swap3A_898 = arith.index_cast %swap3A_897 : i32 to index
      %swap3A_899 = arith.constant 0 : index
      %swap3A_900 = tpu.vector_load %arg8[%swap3A_898, %swap3A_899] {strides = array<i32>} : memref<64x16xf32, #tpu.memory_space<vmem>>, vector<16xf32>,
      tpu.vector_store %arg8[%swap3A_898, %swap3A_899], %select_n3A_896 {strides = array<i32>} : memref<64x16xf32, #tpu.memory_space<vmem>>, vector<16xf32>,
      %jit3A_901 = arith.constant 0.000000e+00 : f32
      %broadcast_in_dim3A_902 = vector.broadcast %jit3A_901 : f32 to vector<16xf32>
      %select_n3A_903 = arith.select %lt3A_831, %get3A_39, %broadcast_in_dim3A_902 : vector<16xi1>, vector<16xf32>
      %swap3A_904 = arith.constant 7 : i32
      %swap3A_905 = arith.index_cast %swap3A_904 : i32 to index
      %swap3A_906 = arith.constant 0 : index
      %swap3A_907 = tpu.vector_load %arg8[%swap3A_905, %swap3A_906] {strides = array<i32>} : memref<64x16xf32, #tpu.memory_space<vmem>>, vector<16xf32>,
      tpu.vector_store %arg8[%swap3A_905, %swap3A_906], %select_n3A_903 {strides = array<i32>} : memref<64x16xf32, #tpu.memory_space<vmem>>, vector<16xf32>,
      %jit3A_908 = arith.constant 0.000000e+00 : f32
      %broadcast_in_dim3A_909 = vector.broadcast %jit3A_908 : f32 to vector<16xf32>
      %select_n3A_910 = arith.select %lt3A_834, %get3A_43, %broadcast_in_dim3A_909 : vector<16xi1>, vector<16xf32>
      %swap3A_911 = arith.constant 8 : i32
      %swap3A_912 = arith.index_cast %swap3A_911 : i32 to index
      %swap3A_913 = arith.constant 0 : index
      %swap3A_914 = tpu.vector_load %arg8[%swap3A_912, %swap3A_913] {strides = array<i32>} : memref<64x16xf32, #tpu.memory_space<vmem>>, vector<16xf32>,
      tpu.vector_store %arg8[%swap3A_912, %swap3A_913], %select_n3A_910 {strides = array<i32>} : memref<64x16xf32, #tpu.memory_space<vmem>>, vector<16xf32>,
      %jit3A_915 = arith.constant 0.000000e+00 : f32
      %broadcast_in_dim3A_916 = vector.broadcast %jit3A_915 : f32 to vector<16xf32>
      %select_n3A_917 = arith.select %lt3A_834, %get3A_47, %broadcast_in_dim3A_916 : vector<16xi1>, vector<16xf32>
      %swap3A_918 = arith.constant 9 : i32
      %swap3A_919 = arith.index_cast %swap3A_918 : i32 to index
      %swap3A_920 = arith.constant 0 : index
      %swap3A_921 = tpu.vector_load %arg8[%swap3A_919, %swap3A_920] {strides = array<i32>} : memref<64x16xf32, #tpu.memory_space<vmem>>, vector<16xf32>,
      tpu.vector_store %arg8[%swap3A_919, %swap3A_920], %select_n3A_917 {strides = array<i32>} : memref<64x16xf32, #tpu.memory_space<vmem>>, vector<16xf32>,
      %jit3A_922 = arith.constant 0.000000e+00 : f32
      %broadcast_in_dim3A_923 = vector.broadcast %jit3A_922 : f32 to vector<16xf32>
      %select_n3A_924 = arith.select %lt3A_834, %get3A_51, %broadcast_in_dim3A_923 : vector<16xi1>, vector<16xf32>
      %swap3A_925 = arith.constant 10 : i32
      %swap3A_926 = arith.index_cast %swap3A_925 : i32 to index
      %swap3A_927 = arith.constant 0 : index
      %swap3A_928 = tpu.vector_load %arg8[%swap3A_926, %swap3A_927] {strides = array<i32>} : memref<64x16xf32, #tpu.memory_space<vmem>>, vector<16xf32>,
      tpu.vector_store %arg8[%swap3A_926, %swap3A_927], %select_n3A_924 {strides = array<i32>} : memref<64x16xf32, #tpu.memory_space<vmem>>, vector<16xf32>,
      %jit3A_929 = arith.constant 0.000000e+00 : f32
      %broadcast_in_dim3A_930 = vector.broadcast %jit3A_929 : f32 to vector<16xf32>
      %select_n3A_931 = arith.select %lt3A_834, %get3A_55, %broadcast_in_dim3A_930 : vector<16xi1>, vector<16xf32>
      %swap3A_932 = arith.constant 11 : i32
      %swap3A_933 = arith.index_cast %swap3A_932 : i32 to index
      %swap3A_934 = arith.constant 0 : index
      %swap3A_935 = tpu.vector_load %arg8[%swap3A_933, %swap3A_934] {strides = array<i32>} : memref<64x16xf32, #tpu.memory_space<vmem>>, vector<16xf32>,
      tpu.vector_store %arg8[%swap3A_933, %swap3A_934], %select_n3A_931 {strides = array<i32>} : memref<64x16xf32, #tpu.memory_space<vmem>>, vector<16xf32>,
      %jit3A_936 = arith.constant 0.000000e+00 : f32
      %broadcast_in_dim3A_937 = vector.broadcast %jit3A_936 : f32 to vector<16xf32>
      %select_n3A_938 = arith.select %lt3A_834, %get3A_59, %broadcast_in_dim3A_937 : vector<16xi1>, vector<16xf32>
      %swap3A_939 = arith.constant 12 : i32
      %swap3A_940 = arith.index_cast %swap3A_939 : i32 to index
      %swap3A_941 = arith.constant 0 : index
      %swap3A_942 = tpu.vector_load %arg8[%swap3A_940, %swap3A_941] {strides = array<i32>} : memref<64x16xf32, #tpu.memory_space<vmem>>, vector<16xf32>,
      tpu.vector_store %arg8[%swap3A_940, %swap3A_941], %select_n3A_938 {strides = array<i32>} : memref<64x16xf32, #tpu.memory_space<vmem>>, vector<16xf32>,
      %jit3A_943 = arith.constant 0.000000e+00 : f32
      %broadcast_in_dim3A_944 = vector.broadcast %jit3A_943 : f32 to vector<16xf32>
      %select_n3A_945 = arith.select %lt3A_834, %get3A_63, %broadcast_in_dim3A_944 : vector<16xi1>, vector<16xf32>
      %swap3A_946 = arith.constant 13 : i32
      %swap3A_947 = arith.index_cast %swap3A_946 : i32 to index
      %swap3A_948 = arith.constant 0 : index
      %swap3A_949 = tpu.vector_load %arg8[%swap3A_947, %swap3A_948] {strides = array<i32>} : memref<64x16xf32, #tpu.memory_space<vmem>>, vector<16xf32>,
      tpu.vector_store %arg8[%swap3A_947, %swap3A_948], %select_n3A_945 {strides = array<i32>} : memref<64x16xf32, #tpu.memory_space<vmem>>, vector<16xf32>,
      %jit3A_950 = arith.constant 0.000000e+00 : f32
      %broadcast_in_dim3A_951 = vector.broadcast %jit3A_950 : f32 to vector<16xf32>
      %select_n3A_952 = arith.select %lt3A_834, %get3A_67, %broadcast_in_dim3A_951 : vector<16xi1>, vector<16xf32>
      %swap3A_953 = arith.constant 14 : i32
      %swap3A_954 = arith.index_cast %swap3A_953 : i32 to index
      %swap3A_955 = arith.constant 0 : index
      %swap3A_956 = tpu.vector_load %arg8[%swap3A_954, %swap3A_955] {strides = array<i32>} : memref<64x16xf32, #tpu.memory_space<vmem>>, vector<16xf32>,
      tpu.vector_store %arg8[%swap3A_954, %swap3A_955], %select_n3A_952 {strides = array<i32>} : memref<64x16xf32, #tpu.memory_space<vmem>>, vector<16xf32>,
      %jit3A_957 = arith.constant 0.000000e+00 : f32
      %broadcast_in_dim3A_958 = vector.broadcast %jit3A_957 : f32 to vector<16xf32>
      %select_n3A_959 = arith.select %lt3A_834, %get3A_71, %broadcast_in_dim3A_958 : vector<16xi1>, vector<16xf32>
      %swap3A_960 = arith.constant 15 : i32
      %swap3A_961 = arith.index_cast %swap3A_960 : i32 to index
      %swap3A_962 = arith.constant 0 : index
      %swap3A_963 = tpu.vector_load %arg8[%swap3A_961, %swap3A_962] {strides = array<i32>} : memref<64x16xf32, #tpu.memory_space<vmem>>, vector<16xf32>,
      tpu.vector_store %arg8[%swap3A_961, %swap3A_962], %select_n3A_959 {strides = array<i32>} : memref<64x16xf32, #tpu.memory_space<vmem>>, vector<16xf32>,
      %jit3A_964 = arith.constant 0.000000e+00 : f32
      %broadcast_in_dim3A_965 = vector.broadcast %jit3A_964 : f32 to vector<16xf32>
      %select_n3A_966 = arith.select %lt3A_837, %get3A_75, %broadcast_in_dim3A_965 : vector<16xi1>, vector<16xf32>
      %swap3A_967 = arith.constant 16 : i32
      %swap3A_968 = arith.index_cast %swap3A_967 : i32 to index
      %swap3A_969 = arith.constant 0 : index
      %swap3A_970 = tpu.vector_load %arg8[%swap3A_968, %swap3A_969] {strides = array<i32>} : memref<64x16xf32, #tpu.memory_space<vmem>>, vector<16xf32>,
      tpu.vector_store %arg8[%swap3A_968, %swap3A_969], %select_n3A_966 {strides = array<i32>} : memref<64x16xf32, #tpu.memory_space<vmem>>, vector<16xf32>,
      %jit3A_971 = arith.constant 0.000000e+00 : f32
      %broadcast_in_dim3A_972 = vector.broadcast %jit3A_971 : f32 to vector<16xf32>
      %select_n3A_973 = arith.select %lt3A_837, %get3A_79, %broadcast_in_dim3A_972 : vector<16xi1>, vector<16xf32>
      %swap3A_974 = arith.constant 17 : i32
      %swap3A_975 = arith.index_cast %swap3A_974 : i32 to index
      %swap3A_976 = arith.constant 0 : index
      %swap3A_977 = tpu.vector_load %arg8[%swap3A_975, %swap3A_976] {strides = array<i32>} : memref<64x16xf32, #tpu.memory_space<vmem>>, vector<16xf32>,
      tpu.vector_store %arg8[%swap3A_975, %swap3A_976], %select_n3A_973 {strides = array<i32>} : memref<64x16xf32, #tpu.memory_space<vmem>>, vector<16xf32>,
      %jit3A_978 = arith.constant 0.000000e+00 : f32
      %broadcast_in_dim3A_979 = vector.broadcast %jit3A_978 : f32 to vector<16xf32>
      %select_n3A_980 = arith.select %lt3A_837, %get3A_83, %broadcast_in_dim3A_979 : vector<16xi1>, vector<16xf32>
      %swap3A_981 = arith.constant 18 : i32
      %swap3A_982 = arith.index_cast %swap3A_981 : i32 to index
      %swap3A_983 = arith.constant 0 : index
      %swap3A_984 = tpu.vector_load %arg8[%swap3A_982, %swap3A_983] {strides = array<i32>} : memref<64x16xf32, #tpu.memory_space<vmem>>, vector<16xf32>,
      tpu.vector_store %arg8[%swap3A_982, %swap3A_983], %select_n3A_980 {strides = array<i32>} : memref<64x16xf32, #tpu.memory_space<vmem>>, vector<16xf32>,
      %jit3A_985 = arith.constant 0.000000e+00 : f32
      %broadcast_in_dim3A_986 = vector.broadcast %jit3A_985 : f32 to vector<16xf32>
      %select_n3A_987 = arith.select %lt3A_837, %get3A_87, %broadcast_in_dim3A_986 : vector<16xi1>, vector<16xf32>
      %swap3A_988 = arith.constant 19 : i32
      %swap3A_989 = arith.index_cast %swap3A_988 : i32 to index
      %swap3A_990 = arith.constant 0 : index
      %swap3A_991 = tpu.vector_load %arg8[%swap3A_989, %swap3A_990] {strides = array<i32>} : memref<64x16xf32, #tpu.memory_space<vmem>>, vector<16xf32>,
      tpu.vector_store %arg8[%swap3A_989, %swap3A_990], %select_n3A_987 {strides = array<i32>} : memref<64x16xf32, #tpu.memory_space<vmem>>, vector<16xf32>,
      %jit3A_992 = arith.constant 0.000000e+00 : f32
      %broadcast_in_dim3A_993 = vector.broadcast %jit3A_992 : f32 to vector<16xf32>
      %select_n3A_994 = arith.select %lt3A_837, %get3A_91, %broadcast_in_dim3A_993 : vector<16xi1>, vector<16xf32>
      %swap3A_995 = arith.constant 20 : i32
      %swap3A_996 = arith.index_cast %swap3A_995 : i32 to index
      %swap3A_997 = arith.constant 0 : index
      %swap3A_998 = tpu.vector_load %arg8[%swap3A_996, %swap3A_997] {strides = array<i32>} : memref<64x16xf32, #tpu.memory_space<vmem>>, vector<16xf32>,
      tpu.vector_store %arg8[%swap3A_996, %swap3A_997], %select_n3A_994 {strides = array<i32>} : memref<64x16xf32, #tpu.memory_space<vmem>>, vector<16xf32>,
      %jit3A_999 = arith.constant 0.000000e+00 : f32
      %broadcast_in_dim3A_1000 = vector.broadcast %jit3A_999 : f32 to vector<16xf32>
      %select_n3A_1001 = arith.select %lt3A_837, %get3A_95, %broadcast_in_dim3A_1000 : vector<16xi1>, vector<16xf32>
      %swap3A_1002 = arith.constant 21 : i32
      %swap3A_1003 = arith.index_cast %swap3A_1002 : i32 to index
      %swap3A_1004 = arith.constant 0 : index
      %swap3A_1005 = tpu.vector_load %arg8[%swap3A_1003, %swap3A_1004] {strides = array<i32>} : memref<64x16xf32, #tpu.memory_space<vmem>>, vector<16xf32>,
      tpu.vector_store %arg8[%swap3A_1003, %swap3A_1004], %select_n3A_1001 {strides = array<i32>} : memref<64x16xf32, #tpu.memory_space<vmem>>, vector<16xf32>,
      %jit3A_1006 = arith.constant 0.000000e+00 : f32
      %broadcast_in_dim3A_1007 = vector.broadcast %jit3A_1006 : f32 to vector<16xf32>
      %select_n3A_1008 = arith.select %lt3A_837, %get3A_99, %broadcast_in_dim3A_1007 : vector<16xi1>, vector<16xf32>
      %swap3A_1009 = arith.constant 22 : i32
      %swap3A_1010 = arith.index_cast %swap3A_1009 : i32 to index
      %swap3A_1011 = arith.constant 0 : index
      %swap3A_1012 = tpu.vector_load %arg8[%swap3A_1010, %swap3A_1011] {strides = array<i32>} : memref<64x16xf32, #tpu.memory_space<vmem>>, vector<16xf32>,
      tpu.vector_store %arg8[%swap3A_1010, %swap3A_1011], %select_n3A_1008 {strides = array<i32>} : memref<64x16xf32, #tpu.memory_space<vmem>>, vector<16xf32>,
      %jit3A_1013 = arith.constant 0.000000e+00 : f32
      %broadcast_in_dim3A_1014 = vector.broadcast %jit3A_1013 : f32 to vector<16xf32>
      %select_n3A_1015 = arith.select %lt3A_837, %get3A_103, %broadcast_in_dim3A_1014 : vector<16xi1>, vector<16xf32>
      %swap3A_1016 = arith.constant 23 : i32
      %swap3A_1017 = arith.index_cast %swap3A_1016 : i32 to index
      %swap3A_1018 = arith.constant 0 : index
      %swap3A_1019 = tpu.vector_load %arg8[%swap3A_1017, %swap3A_1018] {strides = array<i32>} : memref<64x16xf32, #tpu.memory_space<vmem>>, vector<16xf32>,
      tpu.vector_store %arg8[%swap3A_1017, %swap3A_1018], %select_n3A_1015 {strides = array<i32>} : memref<64x16xf32, #tpu.memory_space<vmem>>, vector<16xf32>,
      %jit3A_1020 = arith.constant 0.000000e+00 : f32
      %broadcast_in_dim3A_1021 = vector.broadcast %jit3A_1020 : f32 to vector<16xf32>
      %select_n3A_1022 = arith.select %lt3A_840, %get3A_107, %broadcast_in_dim3A_1021 : vector<16xi1>, vector<16xf32>
      %swap3A_1023 = arith.constant 24 : i32
      %swap3A_1024 = arith.index_cast %swap3A_1023 : i32 to index
      %swap3A_1025 = arith.constant 0 : index
      %swap3A_1026 = tpu.vector_load %arg8[%swap3A_1024, %swap3A_1025] {strides = array<i32>} : memref<64x16xf32, #tpu.memory_space<vmem>>, vector<16xf32>,
      tpu.vector_store %arg8[%swap3A_1024, %swap3A_1025], %select_n3A_1022 {strides = array<i32>} : memref<64x16xf32, #tpu.memory_space<vmem>>, vector<16xf32>,
      %jit3A_1027 = arith.constant 0.000000e+00 : f32
      %broadcast_in_dim3A_1028 = vector.broadcast %jit3A_1027 : f32 to vector<16xf32>
      %select_n3A_1029 = arith.select %lt3A_840, %get3A_111, %broadcast_in_dim3A_1028 : vector<16xi1>, vector<16xf32>
      %swap3A_1030 = arith.constant 25 : i32
      %swap3A_1031 = arith.index_cast %swap3A_1030 : i32 to index
      %swap3A_1032 = arith.constant 0 : index
      %swap3A_1033 = tpu.vector_load %arg8[%swap3A_1031, %swap3A_1032] {strides = array<i32>} : memref<64x16xf32, #tpu.memory_space<vmem>>, vector<16xf32>,
      tpu.vector_store %arg8[%swap3A_1031, %swap3A_1032], %select_n3A_1029 {strides = array<i32>} : memref<64x16xf32, #tpu.memory_space<vmem>>, vector<16xf32>,
      %jit3A_1034 = arith.constant 0.000000e+00 : f32
      %broadcast_in_dim3A_1035 = vector.broadcast %jit3A_1034 : f32 to vector<16xf32>
      %select_n3A_1036 = arith.select %lt3A_840, %get3A_115, %broadcast_in_dim3A_1035 : vector<16xi1>, vector<16xf32>
      %swap3A_1037 = arith.constant 26 : i32
      %swap3A_1038 = arith.index_cast %swap3A_1037 : i32 to index
      %swap3A_1039 = arith.constant 0 : index
      %swap3A_1040 = tpu.vector_load %arg8[%swap3A_1038, %swap3A_1039] {strides = array<i32>} : memref<64x16xf32, #tpu.memory_space<vmem>>, vector<16xf32>,
      tpu.vector_store %arg8[%swap3A_1038, %swap3A_1039], %select_n3A_1036 {strides = array<i32>} : memref<64x16xf32, #tpu.memory_space<vmem>>, vector<16xf32>,
      %jit3A_1041 = arith.constant 0.000000e+00 : f32
      %broadcast_in_dim3A_1042 = vector.broadcast %jit3A_1041 : f32 to vector<16xf32>
      %select_n3A_1043 = arith.select %lt3A_840, %get3A_119, %broadcast_in_dim3A_1042 : vector<16xi1>, vector<16xf32>
      %swap3A_1044 = arith.constant 27 : i32
      %swap3A_1045 = arith.index_cast %swap3A_1044 : i32 to index
      %swap3A_1046 = arith.constant 0 : index
      %swap3A_1047 = tpu.vector_load %arg8[%swap3A_1045, %swap3A_1046] {strides = array<i32>} : memref<64x16xf32, #tpu.memory_space<vmem>>, vector<16xf32>,
      tpu.vector_store %arg8[%swap3A_1045, %swap3A_1046], %select_n3A_1043 {strides = array<i32>} : memref<64x16xf32, #tpu.memory_space<vmem>>, vector<16xf32>,
      %jit3A_1048 = arith.constant 0.000000e+00 : f32
      %broadcast_in_dim3A_1049 = vector.broadcast %jit3A_1048 : f32 to vector<16xf32>
      %select_n3A_1050 = arith.select %lt3A_840, %get3A_123, %broadcast_in_dim3A_1049 : vector<16xi1>, vector<16xf32>
      %swap3A_1051 = arith.constant 28 : i32
      %swap3A_1052 = arith.index_cast %swap3A_1051 : i32 to index
      %swap3A_1053 = arith.constant 0 : index
      %swap3A_1054 = tpu.vector_load %arg8[%swap3A_1052, %swap3A_1053] {strides = array<i32>} : memref<64x16xf32, #tpu.memory_space<vmem>>, vector<16xf32>,
      tpu.vector_store %arg8[%swap3A_1052, %swap3A_1053], %select_n3A_1050 {strides = array<i32>} : memref<64x16xf32, #tpu.memory_space<vmem>>, vector<16xf32>,
      %jit3A_1055 = arith.constant 0.000000e+00 : f32
      %broadcast_in_dim3A_1056 = vector.broadcast %jit3A_1055 : f32 to vector<16xf32>
      %select_n3A_1057 = arith.select %lt3A_840, %get3A_127, %broadcast_in_dim3A_1056 : vector<16xi1>, vector<16xf32>
      %swap3A_1058 = arith.constant 29 : i32
      %swap3A_1059 = arith.index_cast %swap3A_1058 : i32 to index
      %swap3A_1060 = arith.constant 0 : index
      %swap3A_1061 = tpu.vector_load %arg8[%swap3A_1059, %swap3A_1060] {strides = array<i32>} : memref<64x16xf32, #tpu.memory_space<vmem>>, vector<16xf32>,
      tpu.vector_store %arg8[%swap3A_1059, %swap3A_1060], %select_n3A_1057 {strides = array<i32>} : memref<64x16xf32, #tpu.memory_space<vmem>>, vector<16xf32>,
      %jit3A_1062 = arith.constant 0.000000e+00 : f32
      %broadcast_in_dim3A_1063 = vector.broadcast %jit3A_1062 : f32 to vector<16xf32>
      %select_n3A_1064 = arith.select %lt3A_840, %get3A_131, %broadcast_in_dim3A_1063 : vector<16xi1>, vector<16xf32>
      %swap3A_1065 = arith.constant 30 : i32
      %swap3A_1066 = arith.index_cast %swap3A_1065 : i32 to index
      %swap3A_1067 = arith.constant 0 : index
      %swap3A_1068 = tpu.vector_load %arg8[%swap3A_1066, %swap3A_1067] {strides = array<i32>} : memref<64x16xf32, #tpu.memory_space<vmem>>, vector<16xf32>,
      tpu.vector_store %arg8[%swap3A_1066, %swap3A_1067], %select_n3A_1064 {strides = array<i32>} : memref<64x16xf32, #tpu.memory_space<vmem>>, vector<16xf32>,
      %jit3A_1069 = arith.constant 0.000000e+00 : f32
      %broadcast_in_dim3A_1070 = vector.broadcast %jit3A_1069 : f32 to vector<16xf32>
      %select_n3A_1071 = arith.select %lt3A_840, %get3A_135, %broadcast_in_dim3A_1070 : vector<16xi1>, vector<16xf32>
      %swap3A_1072 = arith.constant 31 : i32
      %swap3A_1073 = arith.index_cast %swap3A_1072 : i32 to index
      %swap3A_1074 = arith.constant 0 : index
      %swap3A_1075 = tpu.vector_load %arg8[%swap3A_1073, %swap3A_1074] {strides = array<i32>} : memref<64x16xf32, #tpu.memory_space<vmem>>, vector<16xf32>,
      tpu.vector_store %arg8[%swap3A_1073, %swap3A_1074], %select_n3A_1071 {strides = array<i32>} : memref<64x16xf32, #tpu.memory_space<vmem>>, vector<16xf32>,
      %jit3A_1076 = arith.constant 0.000000e+00 : f32
      %broadcast_in_dim3A_1077 = vector.broadcast %jit3A_1076 : f32 to vector<16xf32>
      %select_n3A_1078 = arith.select %lt3A_843, %get3A_139, %broadcast_in_dim3A_1077 : vector<16xi1>, vector<16xf32>
      %swap3A_1079 = arith.constant 32 : i32
      %swap3A_1080 = arith.index_cast %swap3A_1079 : i32 to index
      %swap3A_1081 = arith.constant 0 : index
      %swap3A_1082 = tpu.vector_load %arg8[%swap3A_1080, %swap3A_1081] {strides = array<i32>} : memref<64x16xf32, #tpu.memory_space<vmem>>, vector<16xf32>,
      tpu.vector_store %arg8[%swap3A_1080, %swap3A_1081], %select_n3A_1078 {strides = array<i32>} : memref<64x16xf32, #tpu.memory_space<vmem>>, vector<16xf32>,
      %jit3A_1083 = arith.constant 0.000000e+00 : f32
      %broadcast_in_dim3A_1084 = vector.broadcast %jit3A_1083 : f32 to vector<16xf32>
      %select_n3A_1085 = arith.select %lt3A_843, %get3A_143, %broadcast_in_dim3A_1084 : vector<16xi1>, vector<16xf32>
      %swap3A_1086 = arith.constant 33 : i32
      %swap3A_1087 = arith.index_cast %swap3A_1086 : i32 to index
      %swap3A_1088 = arith.constant 0 : index
      %swap3A_1089 = tpu.vector_load %arg8[%swap3A_1087, %swap3A_1088] {strides = array<i32>} : memref<64x16xf32, #tpu.memory_space<vmem>>, vector<16xf32>,
      tpu.vector_store %arg8[%swap3A_1087, %swap3A_1088], %select_n3A_1085 {strides = array<i32>} : memref<64x16xf32, #tpu.memory_space<vmem>>, vector<16xf32>,
      %jit3A_1090 = arith.constant 0.000000e+00 : f32
      %broadcast_in_dim3A_1091 = vector.broadcast %jit3A_1090 : f32 to vector<16xf32>
      %select_n3A_1092 = arith.select %lt3A_843, %get3A_147, %broadcast_in_dim3A_1091 : vector<16xi1>, vector<16xf32>
      %swap3A_1093 = arith.constant 34 : i32
      %swap3A_1094 = arith.index_cast %swap3A_1093 : i32 to index
      %swap3A_1095 = arith.constant 0 : index
      %swap3A_1096 = tpu.vector_load %arg8[%swap3A_1094, %swap3A_1095] {strides = array<i32>} : memref<64x16xf32, #tpu.memory_space<vmem>>, vector<16xf32>,
      tpu.vector_store %arg8[%swap3A_1094, %swap3A_1095], %select_n3A_1092 {strides = array<i32>} : memref<64x16xf32, #tpu.memory_space<vmem>>, vector<16xf32>,
      %jit3A_1097 = arith.constant 0.000000e+00 : f32
      %broadcast_in_dim3A_1098 = vector.broadcast %jit3A_1097 : f32 to vector<16xf32>
      %select_n3A_1099 = arith.select %lt3A_843, %get3A_151, %broadcast_in_dim3A_1098 : vector<16xi1>, vector<16xf32>
      %swap3A_1100 = arith.constant 35 : i32
      %swap3A_1101 = arith.index_cast %swap3A_1100 : i32 to index
      %swap3A_1102 = arith.constant 0 : index
      %swap3A_1103 = tpu.vector_load %arg8[%swap3A_1101, %swap3A_1102] {strides = array<i32>} : memref<64x16xf32, #tpu.memory_space<vmem>>, vector<16xf32>,
      tpu.vector_store %arg8[%swap3A_1101, %swap3A_1102], %select_n3A_1099 {strides = array<i32>} : memref<64x16xf32, #tpu.memory_space<vmem>>, vector<16xf32>,
      %jit3A_1104 = arith.constant 0.000000e+00 : f32
      %broadcast_in_dim3A_1105 = vector.broadcast %jit3A_1104 : f32 to vector<16xf32>
      %select_n3A_1106 = arith.select %lt3A_843, %get3A_155, %broadcast_in_dim3A_1105 : vector<16xi1>, vector<16xf32>
      %swap3A_1107 = arith.constant 36 : i32
      %swap3A_1108 = arith.index_cast %swap3A_1107 : i32 to index
      %swap3A_1109 = arith.constant 0 : index
      %swap3A_1110 = tpu.vector_load %arg8[%swap3A_1108, %swap3A_1109] {strides = array<i32>} : memref<64x16xf32, #tpu.memory_space<vmem>>, vector<16xf32>,
      tpu.vector_store %arg8[%swap3A_1108, %swap3A_1109], %select_n3A_1106 {strides = array<i32>} : memref<64x16xf32, #tpu.memory_space<vmem>>, vector<16xf32>,
      %jit3A_1111 = arith.constant 0.000000e+00 : f32
      %broadcast_in_dim3A_1112 = vector.broadcast %jit3A_1111 : f32 to vector<16xf32>
      %select_n3A_1113 = arith.select %lt3A_843, %get3A_159, %broadcast_in_dim3A_1112 : vector<16xi1>, vector<16xf32>
      %swap3A_1114 = arith.constant 37 : i32
      %swap3A_1115 = arith.index_cast %swap3A_1114 : i32 to index
      %swap3A_1116 = arith.constant 0 : index
      %swap3A_1117 = tpu.vector_load %arg8[%swap3A_1115, %swap3A_1116] {strides = array<i32>} : memref<64x16xf32, #tpu.memory_space<vmem>>, vector<16xf32>,
      tpu.vector_store %arg8[%swap3A_1115, %swap3A_1116], %select_n3A_1113 {strides = array<i32>} : memref<64x16xf32, #tpu.memory_space<vmem>>, vector<16xf32>,
      %jit3A_1118 = arith.constant 0.000000e+00 : f32
      %broadcast_in_dim3A_1119 = vector.broadcast %jit3A_1118 : f32 to vector<16xf32>
      %select_n3A_1120 = arith.select %lt3A_843, %get3A_163, %broadcast_in_dim3A_1119 : vector<16xi1>, vector<16xf32>
      %swap3A_1121 = arith.constant 38 : i32
      %swap3A_1122 = arith.index_cast %swap3A_1121 : i32 to index
      %swap3A_1123 = arith.constant 0 : index
      %swap3A_1124 = tpu.vector_load %arg8[%swap3A_1122, %swap3A_1123] {strides = array<i32>} : memref<64x16xf32, #tpu.memory_space<vmem>>, vector<16xf32>,
      tpu.vector_store %arg8[%swap3A_1122, %swap3A_1123], %select_n3A_1120 {strides = array<i32>} : memref<64x16xf32, #tpu.memory_space<vmem>>, vector<16xf32>,
      %jit3A_1125 = arith.constant 0.000000e+00 : f32
      %broadcast_in_dim3A_1126 = vector.broadcast %jit3A_1125 : f32 to vector<16xf32>
      %select_n3A_1127 = arith.select %lt3A_843, %get3A_167, %broadcast_in_dim3A_1126 : vector<16xi1>, vector<16xf32>
      %swap3A_1128 = arith.constant 39 : i32
      %swap3A_1129 = arith.index_cast %swap3A_1128 : i32 to index
      %swap3A_1130 = arith.constant 0 : index
      %swap3A_1131 = tpu.vector_load %arg8[%swap3A_1129, %swap3A_1130] {strides = array<i32>} : memref<64x16xf32, #tpu.memory_space<vmem>>, vector<16xf32>,
      tpu.vector_store %arg8[%swap3A_1129, %swap3A_1130], %select_n3A_1127 {strides = array<i32>} : memref<64x16xf32, #tpu.memory_space<vmem>>, vector<16xf32>,
      %jit3A_1132 = arith.constant 0.000000e+00 : f32
      %broadcast_in_dim3A_1133 = vector.broadcast %jit3A_1132 : f32 to vector<16xf32>
      %select_n3A_1134 = arith.select %lt3A_846, %get3A_171, %broadcast_in_dim3A_1133 : vector<16xi1>, vector<16xf32>
      %swap3A_1135 = arith.constant 40 : i32
      %swap3A_1136 = arith.index_cast %swap3A_1135 : i32 to index
      %swap3A_1137 = arith.constant 0 : index
      %swap3A_1138 = tpu.vector_load %arg8[%swap3A_1136, %swap3A_1137] {strides = array<i32>} : memref<64x16xf32, #tpu.memory_space<vmem>>, vector<16xf32>,
      tpu.vector_store %arg8[%swap3A_1136, %swap3A_1137], %select_n3A_1134 {strides = array<i32>} : memref<64x16xf32, #tpu.memory_space<vmem>>, vector<16xf32>,
      %jit3A_1139 = arith.constant 0.000000e+00 : f32
      %broadcast_in_dim3A_1140 = vector.broadcast %jit3A_1139 : f32 to vector<16xf32>
      %select_n3A_1141 = arith.select %lt3A_846, %get3A_175, %broadcast_in_dim3A_1140 : vector<16xi1>, vector<16xf32>
      %swap3A_1142 = arith.constant 41 : i32
      %swap3A_1143 = arith.index_cast %swap3A_1142 : i32 to index
      %swap3A_1144 = arith.constant 0 : index
      %swap3A_1145 = tpu.vector_load %arg8[%swap3A_1143, %swap3A_1144] {strides = array<i32>} : memref<64x16xf32, #tpu.memory_space<vmem>>, vector<16xf32>,
      tpu.vector_store %arg8[%swap3A_1143, %swap3A_1144], %select_n3A_1141 {strides = array<i32>} : memref<64x16xf32, #tpu.memory_space<vmem>>, vector<16xf32>,
      %jit3A_1146 = arith.constant 0.000000e+00 : f32
      %broadcast_in_dim3A_1147 = vector.broadcast %jit3A_1146 : f32 to vector<16xf32>
      %select_n3A_1148 = arith.select %lt3A_846, %get3A_179, %broadcast_in_dim3A_1147 : vector<16xi1>, vector<16xf32>
      %swap3A_1149 = arith.constant 42 : i32
      %swap3A_1150 = arith.index_cast %swap3A_1149 : i32 to index
      %swap3A_1151 = arith.constant 0 : index
      %swap3A_1152 = tpu.vector_load %arg8[%swap3A_1150, %swap3A_1151] {strides = array<i32>} : memref<64x16xf32, #tpu.memory_space<vmem>>, vector<16xf32>,
      tpu.vector_store %arg8[%swap3A_1150, %swap3A_1151], %select_n3A_1148 {strides = array<i32>} : memref<64x16xf32, #tpu.memory_space<vmem>>, vector<16xf32>,
      %jit3A_1153 = arith.constant 0.000000e+00 : f32
      %broadcast_in_dim3A_1154 = vector.broadcast %jit3A_1153 : f32 to vector<16xf32>
      %select_n3A_1155 = arith.select %lt3A_846, %get3A_183, %broadcast_in_dim3A_1154 : vector<16xi1>, vector<16xf32>
      %swap3A_1156 = arith.constant 43 : i32
      %swap3A_1157 = arith.index_cast %swap3A_1156 : i32 to index
      %swap3A_1158 = arith.constant 0 : index
      %swap3A_1159 = tpu.vector_load %arg8[%swap3A_1157, %swap3A_1158] {strides = array<i32>} : memref<64x16xf32, #tpu.memory_space<vmem>>, vector<16xf32>,
      tpu.vector_store %arg8[%swap3A_1157, %swap3A_1158], %select_n3A_1155 {strides = array<i32>} : memref<64x16xf32, #tpu.memory_space<vmem>>, vector<16xf32>,
      %jit3A_1160 = arith.constant 0.000000e+00 : f32
      %broadcast_in_dim3A_1161 = vector.broadcast %jit3A_1160 : f32 to vector<16xf32>
      %select_n3A_1162 = arith.select %lt3A_846, %get3A_187, %broadcast_in_dim3A_1161 : vector<16xi1>, vector<16xf32>
      %swap3A_1163 = arith.constant 44 : i32
      %swap3A_1164 = arith.index_cast %swap3A_1163 : i32 to index
      %swap3A_1165 = arith.constant 0 : index
      %swap3A_1166 = tpu.vector_load %arg8[%swap3A_1164, %swap3A_1165] {strides = array<i32>} : memref<64x16xf32, #tpu.memory_space<vmem>>, vector<16xf32>,
      tpu.vector_store %arg8[%swap3A_1164, %swap3A_1165], %select_n3A_1162 {strides = array<i32>} : memref<64x16xf32, #tpu.memory_space<vmem>>, vector<16xf32>,
      %jit3A_1167 = arith.constant 0.000000e+00 : f32
      %broadcast_in_dim3A_1168 = vector.broadcast %jit3A_1167 : f32 to vector<16xf32>
      %select_n3A_1169 = arith.select %lt3A_846, %get3A_191, %broadcast_in_dim3A_1168 : vector<16xi1>, vector<16xf32>
      %swap3A_1170 = arith.constant 45 : i32
      %swap3A_1171 = arith.index_cast %swap3A_1170 : i32 to index
      %swap3A_1172 = arith.constant 0 : index
      %swap3A_1173 = tpu.vector_load %arg8[%swap3A_1171, %swap3A_1172] {strides = array<i32>} : memref<64x16xf32, #tpu.memory_space<vmem>>, vector<16xf32>,
      tpu.vector_store %arg8[%swap3A_1171, %swap3A_1172], %select_n3A_1169 {strides = array<i32>} : memref<64x16xf32, #tpu.memory_space<vmem>>, vector<16xf32>,
      %jit3A_1174 = arith.constant 0.000000e+00 : f32
      %broadcast_in_dim3A_1175 = vector.broadcast %jit3A_1174 : f32 to vector<16xf32>
      %select_n3A_1176 = arith.select %lt3A_846, %get3A_195, %broadcast_in_dim3A_1175 : vector<16xi1>, vector<16xf32>
      %swap3A_1177 = arith.constant 46 : i32
      %swap3A_1178 = arith.index_cast %swap3A_1177 : i32 to index
      %swap3A_1179 = arith.constant 0 : index
      %swap3A_1180 = tpu.vector_load %arg8[%swap3A_1178, %swap3A_1179] {strides = array<i32>} : memref<64x16xf32, #tpu.memory_space<vmem>>, vector<16xf32>,
      tpu.vector_store %arg8[%swap3A_1178, %swap3A_1179], %select_n3A_1176 {strides = array<i32>} : memref<64x16xf32, #tpu.memory_space<vmem>>, vector<16xf32>,
      %jit3A_1181 = arith.constant 0.000000e+00 : f32
      %broadcast_in_dim3A_1182 = vector.broadcast %jit3A_1181 : f32 to vector<16xf32>
      %select_n3A_1183 = arith.select %lt3A_846, %get3A_199, %broadcast_in_dim3A_1182 : vector<16xi1>, vector<16xf32>
      %swap3A_1184 = arith.constant 47 : i32
      %swap3A_1185 = arith.index_cast %swap3A_1184 : i32 to index
      %swap3A_1186 = arith.constant 0 : index
      %swap3A_1187 = tpu.vector_load %arg8[%swap3A_1185, %swap3A_1186] {strides = array<i32>} : memref<64x16xf32, #tpu.memory_space<vmem>>, vector<16xf32>,
      tpu.vector_store %arg8[%swap3A_1185, %swap3A_1186], %select_n3A_1183 {strides = array<i32>} : memref<64x16xf32, #tpu.memory_space<vmem>>, vector<16xf32>,
      %jit3A_1188 = arith.constant 0.000000e+00 : f32
      %broadcast_in_dim3A_1189 = vector.broadcast %jit3A_1188 : f32 to vector<16xf32>
      %select_n3A_1190 = arith.select %lt3A_849, %get3A_203, %broadcast_in_dim3A_1189 : vector<16xi1>, vector<16xf32>
      %swap3A_1191 = arith.constant 48 : i32
      %swap3A_1192 = arith.index_cast %swap3A_1191 : i32 to index
      %swap3A_1193 = arith.constant 0 : index
      %swap3A_1194 = tpu.vector_load %arg8[%swap3A_1192, %swap3A_1193] {strides = array<i32>} : memref<64x16xf32, #tpu.memory_space<vmem>>, vector<16xf32>,
      tpu.vector_store %arg8[%swap3A_1192, %swap3A_1193], %select_n3A_1190 {strides = array<i32>} : memref<64x16xf32, #tpu.memory_space<vmem>>, vector<16xf32>,
      %jit3A_1195 = arith.constant 0.000000e+00 : f32
      %broadcast_in_dim3A_1196 = vector.broadcast %jit3A_1195 : f32 to vector<16xf32>
      %select_n3A_1197 = arith.select %lt3A_849, %get3A_207, %broadcast_in_dim3A_1196 : vector<16xi1>, vector<16xf32>
      %swap3A_1198 = arith.constant 49 : i32
      %swap3A_1199 = arith.index_cast %swap3A_1198 : i32 to index
      %swap3A_1200 = arith.constant 0 : index
      %swap3A_1201 = tpu.vector_load %arg8[%swap3A_1199, %swap3A_1200] {strides = array<i32>} : memref<64x16xf32, #tpu.memory_space<vmem>>, vector<16xf32>,
      tpu.vector_store %arg8[%swap3A_1199, %swap3A_1200], %select_n3A_1197 {strides = array<i32>} : memref<64x16xf32, #tpu.memory_space<vmem>>, vector<16xf32>,
      %jit3A_1202 = arith.constant 0.000000e+00 : f32
      %broadcast_in_dim3A_1203 = vector.broadcast %jit3A_1202 : f32 to vector<16xf32>
      %select_n3A_1204 = arith.select %lt3A_849, %get3A_211, %broadcast_in_dim3A_1203 : vector<16xi1>, vector<16xf32>
      %swap3A_1205 = arith.constant 50 : i32
      %swap3A_1206 = arith.index_cast %swap3A_1205 : i32 to index
      %swap3A_1207 = arith.constant 0 : index
      %swap3A_1208 = tpu.vector_load %arg8[%swap3A_1206, %swap3A_1207] {strides = array<i32>} : memref<64x16xf32, #tpu.memory_space<vmem>>, vector<16xf32>,
      tpu.vector_store %arg8[%swap3A_1206, %swap3A_1207], %select_n3A_1204 {strides = array<i32>} : memref<64x16xf32, #tpu.memory_space<vmem>>, vector<16xf32>,
      %jit3A_1209 = arith.constant 0.000000e+00 : f32
      %broadcast_in_dim3A_1210 = vector.broadcast %jit3A_1209 : f32 to vector<16xf32>
      %select_n3A_1211 = arith.select %lt3A_849, %get3A_215, %broadcast_in_dim3A_1210 : vector<16xi1>, vector<16xf32>
      %swap3A_1212 = arith.constant 51 : i32
      %swap3A_1213 = arith.index_cast %swap3A_1212 : i32 to index
      %swap3A_1214 = arith.constant 0 : index
      %swap3A_1215 = tpu.vector_load %arg8[%swap3A_1213, %swap3A_1214] {strides = array<i32>} : memref<64x16xf32, #tpu.memory_space<vmem>>, vector<16xf32>,
      tpu.vector_store %arg8[%swap3A_1213, %swap3A_1214], %select_n3A_1211 {strides = array<i32>} : memref<64x16xf32, #tpu.memory_space<vmem>>, vector<16xf32>,
      %jit3A_1216 = arith.constant 0.000000e+00 : f32
      %broadcast_in_dim3A_1217 = vector.broadcast %jit3A_1216 : f32 to vector<16xf32>
      %select_n3A_1218 = arith.select %lt3A_849, %get3A_219, %broadcast_in_dim3A_1217 : vector<16xi1>, vector<16xf32>
      %swap3A_1219 = arith.constant 52 : i32
      %swap3A_1220 = arith.index_cast %swap3A_1219 : i32 to index
      %swap3A_1221 = arith.constant 0 : index
      %swap3A_1222 = tpu.vector_load %arg8[%swap3A_1220, %swap3A_1221] {strides = array<i32>} : memref<64x16xf32, #tpu.memory_space<vmem>>, vector<16xf32>,
      tpu.vector_store %arg8[%swap3A_1220, %swap3A_1221], %select_n3A_1218 {strides = array<i32>} : memref<64x16xf32, #tpu.memory_space<vmem>>, vector<16xf32>,
      %jit3A_1223 = arith.constant 0.000000e+00 : f32
      %broadcast_in_dim3A_1224 = vector.broadcast %jit3A_1223 : f32 to vector<16xf32>
      %select_n3A_1225 = arith.select %lt3A_849, %get3A_223, %broadcast_in_dim3A_1224 : vector<16xi1>, vector<16xf32>
      %swap3A_1226 = arith.constant 53 : i32
      %swap3A_1227 = arith.index_cast %swap3A_1226 : i32 to index
      %swap3A_1228 = arith.constant 0 : index
      %swap3A_1229 = tpu.vector_load %arg8[%swap3A_1227, %swap3A_1228] {strides = array<i32>} : memref<64x16xf32, #tpu.memory_space<vmem>>, vector<16xf32>,
      tpu.vector_store %arg8[%swap3A_1227, %swap3A_1228], %select_n3A_1225 {strides = array<i32>} : memref<64x16xf32, #tpu.memory_space<vmem>>, vector<16xf32>,
      %jit3A_1230 = arith.constant 0.000000e+00 : f32
      %broadcast_in_dim3A_1231 = vector.broadcast %jit3A_1230 : f32 to vector<16xf32>
      %select_n3A_1232 = arith.select %lt3A_849, %get3A_227, %broadcast_in_dim3A_1231 : vector<16xi1>, vector<16xf32>
      %swap3A_1233 = arith.constant 54 : i32
      %swap3A_1234 = arith.index_cast %swap3A_1233 : i32 to index
      %swap3A_1235 = arith.constant 0 : index
      %swap3A_1236 = tpu.vector_load %arg8[%swap3A_1234, %swap3A_1235] {strides = array<i32>} : memref<64x16xf32, #tpu.memory_space<vmem>>, vector<16xf32>,
      tpu.vector_store %arg8[%swap3A_1234, %swap3A_1235], %select_n3A_1232 {strides = array<i32>} : memref<64x16xf32, #tpu.memory_space<vmem>>, vector<16xf32>,
      %jit3A_1237 = arith.constant 0.000000e+00 : f32
      %broadcast_in_dim3A_1238 = vector.broadcast %jit3A_1237 : f32 to vector<16xf32>
      %select_n3A_1239 = arith.select %lt3A_849, %get3A_231, %broadcast_in_dim3A_1238 : vector<16xi1>, vector<16xf32>
      %swap3A_1240 = arith.constant 55 : i32
      %swap3A_1241 = arith.index_cast %swap3A_1240 : i32 to index
      %swap3A_1242 = arith.constant 0 : index
      %swap3A_1243 = tpu.vector_load %arg8[%swap3A_1241, %swap3A_1242] {strides = array<i32>} : memref<64x16xf32, #tpu.memory_space<vmem>>, vector<16xf32>,
      tpu.vector_store %arg8[%swap3A_1241, %swap3A_1242], %select_n3A_1239 {strides = array<i32>} : memref<64x16xf32, #tpu.memory_space<vmem>>, vector<16xf32>,
      %jit3A_1244 = arith.constant 0.000000e+00 : f32
      %broadcast_in_dim3A_1245 = vector.broadcast %jit3A_1244 : f32 to vector<16xf32>
      %select_n3A_1246 = arith.select %lt3A_852, %get3A_235, %broadcast_in_dim3A_1245 : vector<16xi1>, vector<16xf32>
      %swap3A_1247 = arith.constant 56 : i32
      %swap3A_1248 = arith.index_cast %swap3A_1247 : i32 to index
      %swap3A_1249 = arith.constant 0 : index
      %swap3A_1250 = tpu.vector_load %arg8[%swap3A_1248, %swap3A_1249] {strides = array<i32>} : memref<64x16xf32, #tpu.memory_space<vmem>>, vector<16xf32>,
      tpu.vector_store %arg8[%swap3A_1248, %swap3A_1249], %select_n3A_1246 {strides = array<i32>} : memref<64x16xf32, #tpu.memory_space<vmem>>, vector<16xf32>,
      %jit3A_1251 = arith.constant 0.000000e+00 : f32
      %broadcast_in_dim3A_1252 = vector.broadcast %jit3A_1251 : f32 to vector<16xf32>
      %select_n3A_1253 = arith.select %lt3A_852, %get3A_239, %broadcast_in_dim3A_1252 : vector<16xi1>, vector<16xf32>
      %swap3A_1254 = arith.constant 57 : i32
      %swap3A_1255 = arith.index_cast %swap3A_1254 : i32 to index
      %swap3A_1256 = arith.constant 0 : index
      %swap3A_1257 = tpu.vector_load %arg8[%swap3A_1255, %swap3A_1256] {strides = array<i32>} : memref<64x16xf32, #tpu.memory_space<vmem>>, vector<16xf32>,
      tpu.vector_store %arg8[%swap3A_1255, %swap3A_1256], %select_n3A_1253 {strides = array<i32>} : memref<64x16xf32, #tpu.memory_space<vmem>>, vector<16xf32>,
      %jit3A_1258 = arith.constant 0.000000e+00 : f32
      %broadcast_in_dim3A_1259 = vector.broadcast %jit3A_1258 : f32 to vector<16xf32>
      %select_n3A_1260 = arith.select %lt3A_852, %get3A_243, %broadcast_in_dim3A_1259 : vector<16xi1>, vector<16xf32>
      %swap3A_1261 = arith.constant 58 : i32
      %swap3A_1262 = arith.index_cast %swap3A_1261 : i32 to index
      %swap3A_1263 = arith.constant 0 : index
      %swap3A_1264 = tpu.vector_load %arg8[%swap3A_1262, %swap3A_1263] {strides = array<i32>} : memref<64x16xf32, #tpu.memory_space<vmem>>, vector<16xf32>,
      tpu.vector_store %arg8[%swap3A_1262, %swap3A_1263], %select_n3A_1260 {strides = array<i32>} : memref<64x16xf32, #tpu.memory_space<vmem>>, vector<16xf32>,
      %jit3A_1265 = arith.constant 0.000000e+00 : f32
      %broadcast_in_dim3A_1266 = vector.broadcast %jit3A_1265 : f32 to vector<16xf32>
      %select_n3A_1267 = arith.select %lt3A_852, %get3A_247, %broadcast_in_dim3A_1266 : vector<16xi1>, vector<16xf32>
      %swap3A_1268 = arith.constant 59 : i32
      %swap3A_1269 = arith.index_cast %swap3A_1268 : i32 to index
      %swap3A_1270 = arith.constant 0 : index
      %swap3A_1271 = tpu.vector_load %arg8[%swap3A_1269, %swap3A_1270] {strides = array<i32>} : memref<64x16xf32, #tpu.memory_space<vmem>>, vector<16xf32>,
      tpu.vector_store %arg8[%swap3A_1269, %swap3A_1270], %select_n3A_1267 {strides = array<i32>} : memref<64x16xf32, #tpu.memory_space<vmem>>, vector<16xf32>,
      %jit3A_1272 = arith.constant 0.000000e+00 : f32
      %broadcast_in_dim3A_1273 = vector.broadcast %jit3A_1272 : f32 to vector<16xf32>
      %select_n3A_1274 = arith.select %lt3A_852, %get3A_251, %broadcast_in_dim3A_1273 : vector<16xi1>, vector<16xf32>
      %swap3A_1275 = arith.constant 60 : i32
      %swap3A_1276 = arith.index_cast %swap3A_1275 : i32 to index
      %swap3A_1277 = arith.constant 0 : index
      %swap3A_1278 = tpu.vector_load %arg8[%swap3A_1276, %swap3A_1277] {strides = array<i32>} : memref<64x16xf32, #tpu.memory_space<vmem>>, vector<16xf32>,
      tpu.vector_store %arg8[%swap3A_1276, %swap3A_1277], %select_n3A_1274 {strides = array<i32>} : memref<64x16xf32, #tpu.memory_space<vmem>>, vector<16xf32>,
      %jit3A_1279 = arith.constant 0.000000e+00 : f32
      %broadcast_in_dim3A_1280 = vector.broadcast %jit3A_1279 : f32 to vector<16xf32>
      %select_n3A_1281 = arith.select %lt3A_852, %get3A_255, %broadcast_in_dim3A_1280 : vector<16xi1>, vector<16xf32>
      %swap3A_1282 = arith.constant 61 : i32
      %swap3A_1283 = arith.index_cast %swap3A_1282 : i32 to index
      %swap3A_1284 = arith.constant 0 : index
      %swap3A_1285 = tpu.vector_load %arg8[%swap3A_1283, %swap3A_1284] {strides = array<i32>} : memref<64x16xf32, #tpu.memory_space<vmem>>, vector<16xf32>,
      tpu.vector_store %arg8[%swap3A_1283, %swap3A_1284], %select_n3A_1281 {strides = array<i32>} : memref<64x16xf32, #tpu.memory_space<vmem>>, vector<16xf32>,
      %jit3A_1286 = arith.constant 0.000000e+00 : f32
      %broadcast_in_dim3A_1287 = vector.broadcast %jit3A_1286 : f32 to vector<16xf32>
      %select_n3A_1288 = arith.select %lt3A_852, %get3A_259, %broadcast_in_dim3A_1287 : vector<16xi1>, vector<16xf32>
      %swap3A_1289 = arith.constant 62 : i32
      %swap3A_1290 = arith.index_cast %swap3A_1289 : i32 to index
      %swap3A_1291 = arith.constant 0 : index
      %swap3A_1292 = tpu.vector_load %arg8[%swap3A_1290, %swap3A_1291] {strides = array<i32>} : memref<64x16xf32, #tpu.memory_space<vmem>>, vector<16xf32>,
      tpu.vector_store %arg8[%swap3A_1290, %swap3A_1291], %select_n3A_1288 {strides = array<i32>} : memref<64x16xf32, #tpu.memory_space<vmem>>, vector<16xf32>,
      %jit3A_1293 = arith.constant 0.000000e+00 : f32
      %broadcast_in_dim3A_1294 = vector.broadcast %jit3A_1293 : f32 to vector<16xf32>
      %select_n3A_1295 = arith.select %lt3A_852, %get3A_263, %broadcast_in_dim3A_1294 : vector<16xi1>, vector<16xf32>
      %swap3A_1296 = arith.constant 63 : i32
      %swap3A_1297 = arith.index_cast %swap3A_1296 : i32 to index
      %swap3A_1298 = arith.constant 0 : index
      %swap3A_1299 = tpu.vector_load %arg8[%swap3A_1297, %swap3A_1298] {strides = array<i32>} : memref<64x16xf32, #tpu.memory_space<vmem>>, vector<16xf32>,
      tpu.vector_store %arg8[%swap3A_1297, %swap3A_1298], %select_n3A_1295 {strides = array<i32>} : memref<64x16xf32, #tpu.memory_space<vmem>>, vector<16xf32>,
      %jit3A_1300 = arith.constant 0.000000e+00 : f32
      %broadcast_in_dim3A_1301 = vector.broadcast %jit3A_1300 : f32 to vector<16xf32>
      %select_n3A_1302 = arith.select %lt3A_831, %max3A_283, %broadcast_in_dim3A_1301 : vector<16xi1>, vector<16xf32>
      %jit3A_1303 = arith.constant 0.000000e+00 : f32
      %broadcast_in_dim3A_1304 = vector.broadcast %jit3A_1303 : f32 to vector<16xf32>
      %select_n3A_1305 = arith.select %lt3A_834, %max3A_307, %broadcast_in_dim3A_1304 : vector<16xi1>, vector<16xf32>
      %jit3A_1306 = arith.constant 0.000000e+00 : f32
      %broadcast_in_dim3A_1307 = vector.broadcast %jit3A_1306 : f32 to vector<16xf32>
      %select_n3A_1308 = arith.select %lt3A_837, %max3A_331, %broadcast_in_dim3A_1307 : vector<16xi1>, vector<16xf32>
      %jit3A_1309 = arith.constant 0.000000e+00 : f32
      %broadcast_in_dim3A_1310 = vector.broadcast %jit3A_1309 : f32 to vector<16xf32>
      %select_n3A_1311 = arith.select %lt3A_840, %max3A_355, %broadcast_in_dim3A_1310 : vector<16xi1>, vector<16xf32>
      %jit3A_1312 = arith.constant 0.000000e+00 : f32
      %broadcast_in_dim3A_1313 = vector.broadcast %jit3A_1312 : f32 to vector<16xf32>
      %select_n3A_1314 = arith.select %lt3A_843, %max3A_379, %broadcast_in_dim3A_1313 : vector<16xi1>, vector<16xf32>
      %jit3A_1315 = arith.constant 0.000000e+00 : f32
      %broadcast_in_dim3A_1316 = vector.broadcast %jit3A_1315 : f32 to vector<16xf32>
      %select_n3A_1317 = arith.select %lt3A_846, %max3A_403, %broadcast_in_dim3A_1316 : vector<16xi1>, vector<16xf32>
      %jit3A_1318 = arith.constant 0.000000e+00 : f32
      %broadcast_in_dim3A_1319 = vector.broadcast %jit3A_1318 : f32 to vector<16xf32>
      %select_n3A_1320 = arith.select %lt3A_849, %max3A_427, %broadcast_in_dim3A_1319 : vector<16xi1>, vector<16xf32>
      %jit3A_1321 = arith.constant 0.000000e+00 : f32
      %broadcast_in_dim3A_1322 = vector.broadcast %jit3A_1321 : f32 to vector<16xf32>
      %select_n3A_1323 = arith.select %lt3A_852, %max3A_451, %broadcast_in_dim3A_1322 : vector<16xi1>, vector<16xf32>
      %max3A_1324 = arith.maximumf %select_n3A_1302, %select_n3A_1305 : vector<16xf32>
      %max3A_1325 = arith.maximumf %max3A_1324, %select_n3A_1308 : vector<16xf32>
      %max3A_1326 = arith.maximumf %max3A_1325, %select_n3A_1311 : vector<16xf32>
      %max3A_1327 = arith.maximumf %max3A_1326, %select_n3A_1314 : vector<16xf32>
      %max3A_1328 = arith.maximumf %max3A_1327, %select_n3A_1317 : vector<16xf32>
      %max3A_1329 = arith.maximumf %max3A_1328, %select_n3A_1320 : vector<16xf32>
      %max3A_1330 = arith.maximumf %max3A_1329, %select_n3A_1323 : vector<16xf32>
      %broadcast_in_dim3A_1331 = arith.constant 8 : i32
      %broadcast_in_dim3A_1332 = vector.broadcast %broadcast_in_dim3A_1331 : i32 to vector<16xi32>
      %eq3A = arith.cmpf oeq, %select_n3A_1302, %max3A_1330 : vector<16xf32>
      %jit3A_1333 = arith.constant 0 : i32
      %jit3A_1334 = arith.constant 8 : i32
      %broadcast_in_dim3A_1335 = vector.broadcast %jit3A_1333 : i32 to vector<16xi32>
      %broadcast_in_dim3A_1336 = vector.broadcast %jit3A_1334 : i32 to vector<16xi32>
      %select_n3A_1337 = arith.select %eq3A, %broadcast_in_dim3A_1335, %broadcast_in_dim3A_1336 : vector<16xi1>, vector<16xi32>
      %min3A_1338 = arith.minsi %broadcast_in_dim3A_1332, %select_n3A_1337 : vector<16xi32>
      %eq3A_1339 = arith.cmpf oeq, %select_n3A_1305, %max3A_1330 : vector<16xf32>
      %jit3A_1340 = arith.constant 1 : i32
      %jit3A_1341 = arith.constant 8 : i32
      %broadcast_in_dim3A_1342 = vector.broadcast %jit3A_1340 : i32 to vector<16xi32>
      %broadcast_in_dim3A_1343 = vector.broadcast %jit3A_1341 : i32 to vector<16xi32>
      %select_n3A_1344 = arith.select %eq3A_1339, %broadcast_in_dim3A_1342, %broadcast_in_dim3A_1343 : vector<16xi1>, vector<16xi32>
      %min3A_1345 = arith.minsi %min3A_1338, %select_n3A_1344 : vector<16xi32>
      %eq3A_1346 = arith.cmpf oeq, %select_n3A_1308, %max3A_1330 : vector<16xf32>
      %jit3A_1347 = arith.constant 2 : i32
      %jit3A_1348 = arith.constant 8 : i32
      %broadcast_in_dim3A_1349 = vector.broadcast %jit3A_1347 : i32 to vector<16xi32>
      %broadcast_in_dim3A_1350 = vector.broadcast %jit3A_1348 : i32 to vector<16xi32>
      %select_n3A_1351 = arith.select %eq3A_1346, %broadcast_in_dim3A_1349, %broadcast_in_dim3A_1350 : vector<16xi1>, vector<16xi32>
      %min3A_1352 = arith.minsi %min3A_1345, %select_n3A_1351 : vector<16xi32>
      %eq3A_1353 = arith.cmpf oeq, %select_n3A_1311, %max3A_1330 : vector<16xf32>
      %jit3A_1354 = arith.constant 3 : i32
      %jit3A_1355 = arith.constant 8 : i32
      %broadcast_in_dim3A_1356 = vector.broadcast %jit3A_1354 : i32 to vector<16xi32>
      %broadcast_in_dim3A_1357 = vector.broadcast %jit3A_1355 : i32 to vector<16xi32>
      %select_n3A_1358 = arith.select %eq3A_1353, %broadcast_in_dim3A_1356, %broadcast_in_dim3A_1357 : vector<16xi1>, vector<16xi32>
      %min3A_1359 = arith.minsi %min3A_1352, %select_n3A_1358 : vector<16xi32>
      %eq3A_1360 = arith.cmpf oeq, %select_n3A_1314, %max3A_1330 : vector<16xf32>
      %jit3A_1361 = arith.constant 4 : i32
      %jit3A_1362 = arith.constant 8 : i32
      %broadcast_in_dim3A_1363 = vector.broadcast %jit3A_1361 : i32 to vector<16xi32>
      %broadcast_in_dim3A_1364 = vector.broadcast %jit3A_1362 : i32 to vector<16xi32>
      %select_n3A_1365 = arith.select %eq3A_1360, %broadcast_in_dim3A_1363, %broadcast_in_dim3A_1364 : vector<16xi1>, vector<16xi32>
      %min3A_1366 = arith.minsi %min3A_1359, %select_n3A_1365 : vector<16xi32>
      %eq3A_1367 = arith.cmpf oeq, %select_n3A_1317, %max3A_1330 : vector<16xf32>
      %jit3A_1368 = arith.constant 5 : i32
      %jit3A_1369 = arith.constant 8 : i32
      %broadcast_in_dim3A_1370 = vector.broadcast %jit3A_1368 : i32 to vector<16xi32>
      %broadcast_in_dim3A_1371 = vector.broadcast %jit3A_1369 : i32 to vector<16xi32>
      %select_n3A_1372 = arith.select %eq3A_1367, %broadcast_in_dim3A_1370, %broadcast_in_dim3A_1371 : vector<16xi1>, vector<16xi32>
      %min3A_1373 = arith.minsi %min3A_1366, %select_n3A_1372 : vector<16xi32>
      %eq3A_1374 = arith.cmpf oeq, %select_n3A_1320, %max3A_1330 : vector<16xf32>
      %jit3A_1375 = arith.constant 6 : i32
      %jit3A_1376 = arith.constant 8 : i32
      %broadcast_in_dim3A_1377 = vector.broadcast %jit3A_1375 : i32 to vector<16xi32>
      %broadcast_in_dim3A_1378 = vector.broadcast %jit3A_1376 : i32 to vector<16xi32>
      %select_n3A_1379 = arith.select %eq3A_1374, %broadcast_in_dim3A_1377, %broadcast_in_dim3A_1378 : vector<16xi1>, vector<16xi32>
      %min3A_1380 = arith.minsi %min3A_1373, %select_n3A_1379 : vector<16xi32>
      %eq3A_1381 = arith.cmpf oeq, %select_n3A_1323, %max3A_1330 : vector<16xf32>
      %jit3A_1382 = arith.constant 7 : i32
      %jit3A_1383 = arith.constant 8 : i32
      %broadcast_in_dim3A_1384 = vector.broadcast %jit3A_1382 : i32 to vector<16xi32>
      %broadcast_in_dim3A_1385 = vector.broadcast %jit3A_1383 : i32 to vector<16xi32>
      %select_n3A_1386 = arith.select %eq3A_1381, %broadcast_in_dim3A_1384, %broadcast_in_dim3A_1385 : vector<16xi1>, vector<16xi32>
      %min3A_1387 = arith.minsi %min3A_1380, %select_n3A_1386 : vector<16xi32>
      %mul3A_1388 = arith.constant 8 : i32
      %mul3A_1389 = vector.broadcast %mul3A_1388 : i32 to vector<16xi32>
      %mul3A_1390 = arith.muli %min3A_1387, %mul3A_1389 : vector<16xi32>
      %add3A_1391 = arith.constant 0 : i32
      %add3A_1392 = vector.broadcast %add3A_1391 : i32 to vector<16xi32>
      %add3A_1393 = arith.addi %mul3A_1390, %add3A_1392 : vector<16xi32>
      %add3A_1394 = arith.constant 1 : i32
      %add3A_1395 = vector.broadcast %add3A_1394 : i32 to vector<16xi32>
      %add3A_1396 = arith.addi %mul3A_1390, %add3A_1395 : vector<16xi32>
      %add3A_1397 = arith.constant 2 : i32
      %add3A_1398 = vector.broadcast %add3A_1397 : i32 to vector<16xi32>
      %add3A_1399 = arith.addi %mul3A_1390, %add3A_1398 : vector<16xi32>
      %add3A_1400 = arith.constant 3 : i32
      %add3A_1401 = vector.broadcast %add3A_1400 : i32 to vector<16xi32>
      %add3A_1402 = arith.addi %mul3A_1390, %add3A_1401 : vector<16xi32>
      %add3A_1403 = arith.constant 4 : i32
      %add3A_1404 = vector.broadcast %add3A_1403 : i32 to vector<16xi32>
      %add3A_1405 = arith.addi %mul3A_1390, %add3A_1404 : vector<16xi32>
      %add3A_1406 = arith.constant 5 : i32
      %add3A_1407 = vector.broadcast %add3A_1406 : i32 to vector<16xi32>
      %add3A_1408 = arith.addi %mul3A_1390, %add3A_1407 : vector<16xi32>
      %add3A_1409 = arith.constant 6 : i32
      %add3A_1410 = vector.broadcast %add3A_1409 : i32 to vector<16xi32>
      %add3A_1411 = arith.addi %mul3A_1390, %add3A_1410 : vector<16xi32>
      %add3A_1412 = arith.constant 7 : i32
      %add3A_1413 = vector.broadcast %add3A_1412 : i32 to vector<16xi32>
      %add3A_1414 = arith.addi %mul3A_1390, %add3A_1413 : vector<16xi32>
      %gather3A = tpu.vector_load_idx %arg8[%add3A_1393, %iota3A] : memref<64x16xf32, #tpu.memory_space<vmem>>[vector<16xi32>, vector<16xi32>], vector<16xf32>,
      %gather3A_1415 = tpu.vector_load_idx %arg8[%add3A_1396, %iota3A] : memref<64x16xf32, #tpu.memory_space<vmem>>[vector<16xi32>, vector<16xi32>], vector<16xf32>,
      %gather3A_1416 = tpu.vector_load_idx %arg8[%add3A_1399, %iota3A] : memref<64x16xf32, #tpu.memory_space<vmem>>[vector<16xi32>, vector<16xi32>], vector<16xf32>,
      %gather3A_1417 = tpu.vector_load_idx %arg8[%add3A_1402, %iota3A] : memref<64x16xf32, #tpu.memory_space<vmem>>[vector<16xi32>, vector<16xi32>], vector<16xf32>,
      %gather3A_1418 = tpu.vector_load_idx %arg8[%add3A_1405, %iota3A] : memref<64x16xf32, #tpu.memory_space<vmem>>[vector<16xi32>, vector<16xi32>], vector<16xf32>,
      %gather3A_1419 = tpu.vector_load_idx %arg8[%add3A_1408, %iota3A] : memref<64x16xf32, #tpu.memory_space<vmem>>[vector<16xi32>, vector<16xi32>], vector<16xf32>,
      %gather3A_1420 = tpu.vector_load_idx %arg8[%add3A_1411, %iota3A] : memref<64x16xf32, #tpu.memory_space<vmem>>[vector<16xi32>, vector<16xi32>], vector<16xf32>,
      %gather3A_1421 = tpu.vector_load_idx %arg8[%add3A_1414, %iota3A] : memref<64x16xf32, #tpu.memory_space<vmem>>[vector<16xi32>, vector<16xi32>], vector<16xf32>,
      %broadcast_in_dim3A_1422 = arith.constant 64 : i32
      %broadcast_in_dim3A_1423 = vector.broadcast %broadcast_in_dim3A_1422 : i32 to vector<16xi32>
      %eq3A_1424 = arith.cmpf oeq, %gather3A, %max3A_1330 : vector<16xf32>
      %jit3A_1425 = arith.constant 64 : i32
      %broadcast_in_dim3A_1426 = vector.broadcast %jit3A_1425 : i32 to vector<16xi32>
      %select_n3A_1427 = arith.select %eq3A_1424, %add3A_1393, %broadcast_in_dim3A_1426 : vector<16xi1>, vector<16xi32>
      %min3A_1428 = arith.minsi %broadcast_in_dim3A_1423, %select_n3A_1427 : vector<16xi32>
      %eq3A_1429 = arith.cmpf oeq, %gather3A_1415, %max3A_1330 : vector<16xf32>
      %jit3A_1430 = arith.constant 64 : i32
      %broadcast_in_dim3A_1431 = vector.broadcast %jit3A_1430 : i32 to vector<16xi32>
      %select_n3A_1432 = arith.select %eq3A_1429, %add3A_1396, %broadcast_in_dim3A_1431 : vector<16xi1>, vector<16xi32>
      %min3A_1433 = arith.minsi %min3A_1428, %select_n3A_1432 : vector<16xi32>
      %eq3A_1434 = arith.cmpf oeq, %gather3A_1416, %max3A_1330 : vector<16xf32>
      %jit3A_1435 = arith.constant 64 : i32
      %broadcast_in_dim3A_1436 = vector.broadcast %jit3A_1435 : i32 to vector<16xi32>
      %select_n3A_1437 = arith.select %eq3A_1434, %add3A_1399, %broadcast_in_dim3A_1436 : vector<16xi1>, vector<16xi32>
      %min3A_1438 = arith.minsi %min3A_1433, %select_n3A_1437 : vector<16xi32>
      %eq3A_1439 = arith.cmpf oeq, %gather3A_1417, %max3A_1330 : vector<16xf32>
      %jit3A_1440 = arith.constant 64 : i32
      %broadcast_in_dim3A_1441 = vector.broadcast %jit3A_1440 : i32 to vector<16xi32>
      %select_n3A_1442 = arith.select %eq3A_1439, %add3A_1402, %broadcast_in_dim3A_1441 : vector<16xi1>, vector<16xi32>
      %min3A_1443 = arith.minsi %min3A_1438, %select_n3A_1442 : vector<16xi32>
      %eq3A_1444 = arith.cmpf oeq, %gather3A_1418, %max3A_1330 : vector<16xf32>
      %jit3A_1445 = arith.constant 64 : i32
      %broadcast_in_dim3A_1446 = vector.broadcast %jit3A_1445 : i32 to vector<16xi32>
      %select_n3A_1447 = arith.select %eq3A_1444, %add3A_1405, %broadcast_in_dim3A_1446 : vector<16xi1>, vector<16xi32>
      %min3A_1448 = arith.minsi %min3A_1443, %select_n3A_1447 : vector<16xi32>
      %eq3A_1449 = arith.cmpf oeq, %gather3A_1419, %max3A_1330 : vector<16xf32>
      %jit3A_1450 = arith.constant 64 : i32
      %broadcast_in_dim3A_1451 = vector.broadcast %jit3A_1450 : i32 to vector<16xi32>
      %select_n3A_1452 = arith.select %eq3A_1449, %add3A_1408, %broadcast_in_dim3A_1451 : vector<16xi1>, vector<16xi32>
      %min3A_1453 = arith.minsi %min3A_1448, %select_n3A_1452 : vector<16xi32>
      %eq3A_1454 = arith.cmpf oeq, %gather3A_1420, %max3A_1330 : vector<16xf32>
      %jit3A_1455 = arith.constant 64 : i32
      %broadcast_in_dim3A_1456 = vector.broadcast %jit3A_1455 : i32 to vector<16xi32>
      %select_n3A_1457 = arith.select %eq3A_1454, %add3A_1411, %broadcast_in_dim3A_1456 : vector<16xi1>, vector<16xi32>
      %min3A_1458 = arith.minsi %min3A_1453, %select_n3A_1457 : vector<16xi32>
      %eq3A_1459 = arith.cmpf oeq, %gather3A_1421, %max3A_1330 : vector<16xf32>
      %jit3A_1460 = arith.constant 64 : i32
      %broadcast_in_dim3A_1461 = vector.broadcast %jit3A_1460 : i32 to vector<16xi32>
      %select_n3A_1462 = arith.select %eq3A_1459, %add3A_1414, %broadcast_in_dim3A_1461 : vector<16xi1>, vector<16xi32>
      %min3A_1463 = arith.minsi %min3A_1458, %select_n3A_1462 : vector<16xi32>
      %add3A_1464 = vector.broadcast %multiple_of3A : i32 to vector<16xi32>
      %add3A_1465 = arith.addi %add3A_1464, %iota3A : vector<16xi32>
      %gather3A_1466 = tpu.vector_load_idx %arg6[%min3A_1463, %add3A_1465] : memref<64x512xf32, #tpu.memory_space<vmem>>[vector<16xi32>, vector<16xi32>], vector<16xf32>,
      %gather3A_1467 = tpu.vector_load_idx %arg7[%min3A_1463] : memref<64xf32, #tpu.memory_space<vmem>>[vector<16xi32>], vector<16xf32>,
      %sub3A = arith.subf %gather3A_1466, %gather3A_1467 : vector<16xf32>
      %broadcast_in_dim3A_1468 = arith.constant 0xFF800000 : f32
      %broadcast_in_dim3A_1469 = vector.broadcast %broadcast_in_dim3A_1468 : f32 to vector<16xf32>
      tpu.vector_store_idx %arg8[%min3A_1463, %iota3A], %broadcast_in_dim3A_1469 : memref<64x16xf32, #tpu.memory_space<vmem>>[vector<16xi32>, vector<16xi32>], vector<16xf32>,
      %broadcast_in_dim3A_1470 = arith.constant 0xFF800000 : f32
      %broadcast_in_dim3A_1471 = vector.broadcast %broadcast_in_dim3A_1470 : f32 to vector<16xf32>
      %eq3A_1472 = arith.cmpi eq, %min3A_1463, %add3A_1393 : vector<16xi32>
      %jit3A_1473 = arith.constant 0xFF800000 : f32
      %broadcast_in_dim3A_1474 = vector.broadcast %jit3A_1473 : f32 to vector<16xf32>
      %select_n3A_1475 = arith.select %eq3A_1472, %broadcast_in_dim3A_1474, %gather3A : vector<16xi1>, vector<16xf32>
      %max3A_1476 = arith.maximumf %broadcast_in_dim3A_1471, %select_n3A_1475 : vector<16xf32>
      %eq3A_1477 = arith.cmpi eq, %min3A_1463, %add3A_1396 : vector<16xi32>
      %jit3A_1478 = arith.constant 0xFF800000 : f32
      %broadcast_in_dim3A_1479 = vector.broadcast %jit3A_1478 : f32 to vector<16xf32>
      %select_n3A_1480 = arith.select %eq3A_1477, %broadcast_in_dim3A_1479, %gather3A_1415 : vector<16xi1>, vector<16xf32>
      %max3A_1481 = arith.maximumf %max3A_1476, %select_n3A_1480 : vector<16xf32>
      %eq3A_1482 = arith.cmpi eq, %min3A_1463, %add3A_1399 : vector<16xi32>
      %jit3A_1483 = arith.constant 0xFF800000 : f32
      %broadcast_in_dim3A_1484 = vector.broadcast %jit3A_1483 : f32 to vector<16xf32>
      %select_n3A_1485 = arith.select %eq3A_1482, %broadcast_in_dim3A_1484, %gather3A_1416 : vector<16xi1>, vector<16xf32>
      %max3A_1486 = arith.maximumf %max3A_1481, %select_n3A_1485 : vector<16xf32>
      %eq3A_1487 = arith.cmpi eq, %min3A_1463, %add3A_1402 : vector<16xi32>
      %jit3A_1488 = arith.constant 0xFF800000 : f32
      %broadcast_in_dim3A_1489 = vector.broadcast %jit3A_1488 : f32 to vector<16xf32>
      %select_n3A_1490 = arith.select %eq3A_1487, %broadcast_in_dim3A_1489, %gather3A_1417 : vector<16xi1>, vector<16xf32>
      %max3A_1491 = arith.maximumf %max3A_1486, %select_n3A_1490 : vector<16xf32>
      %eq3A_1492 = arith.cmpi eq, %min3A_1463, %add3A_1405 : vector<16xi32>
      %jit3A_1493 = arith.constant 0xFF800000 : f32
      %broadcast_in_dim3A_1494 = vector.broadcast %jit3A_1493 : f32 to vector<16xf32>
      %select_n3A_1495 = arith.select %eq3A_1492, %broadcast_in_dim3A_1494, %gather3A_1418 : vector<16xi1>, vector<16xf32>
      %max3A_1496 = arith.maximumf %max3A_1491, %select_n3A_1495 : vector<16xf32>
      %eq3A_1497 = arith.cmpi eq, %min3A_1463, %add3A_1408 : vector<16xi32>
      %jit3A_1498 = arith.constant 0xFF800000 : f32
      %broadcast_in_dim3A_1499 = vector.broadcast %jit3A_1498 : f32 to vector<16xf32>
      %select_n3A_1500 = arith.select %eq3A_1497, %broadcast_in_dim3A_1499, %gather3A_1419 : vector<16xi1>, vector<16xf32>
      %max3A_1501 = arith.maximumf %max3A_1496, %select_n3A_1500 : vector<16xf32>
      %eq3A_1502 = arith.cmpi eq, %min3A_1463, %add3A_1411 : vector<16xi32>
      %jit3A_1503 = arith.constant 0xFF800000 : f32
      %broadcast_in_dim3A_1504 = vector.broadcast %jit3A_1503 : f32 to vector<16xf32>
      %select_n3A_1505 = arith.select %eq3A_1502, %broadcast_in_dim3A_1504, %gather3A_1420 : vector<16xi1>, vector<16xf32>
      %max3A_1506 = arith.maximumf %max3A_1501, %select_n3A_1505 : vector<16xf32>
      %eq3A_1507 = arith.cmpi eq, %min3A_1463, %add3A_1414 : vector<16xi32>
      %jit3A_1508 = arith.constant 0xFF800000 : f32
      %broadcast_in_dim3A_1509 = vector.broadcast %jit3A_1508 : f32 to vector<16xf32>
      %select_n3A_1510 = arith.select %eq3A_1507, %broadcast_in_dim3A_1509, %gather3A_1421 : vector<16xi1>, vector<16xf32>
      %max3A_1511 = arith.maximumf %max3A_1506, %select_n3A_1510 : vector<16xf32>
      %eq3A_1512 = arith.constant 0 : i32
      %eq3A_1513 = vector.broadcast %eq3A_1512 : i32 to vector<16xi32>
      %eq3A_1514 = arith.cmpi eq, %min3A_1387, %eq3A_1513 : vector<16xi32>
      %select_n3A_1515 = arith.select %eq3A_1514, %max3A_1511, %select_n3A_1302 : vector<16xi1>, vector<16xf32>
      %eq3A_1516 = arith.constant 1 : i32
      %eq3A_1517 = vector.broadcast %eq3A_1516 : i32 to vector<16xi32>
      %eq3A_1518 = arith.cmpi eq, %min3A_1387, %eq3A_1517 : vector<16xi32>
      %select_n3A_1519 = arith.select %eq3A_1518, %max3A_1511, %select_n3A_1305 : vector<16xi1>, vector<16xf32>
      %eq3A_1520 = arith.constant 2 : i32
      %eq3A_1521 = vector.broadcast %eq3A_1520 : i32 to vector<16xi32>
      %eq3A_1522 = arith.cmpi eq, %min3A_1387, %eq3A_1521 : vector<16xi32>
      %select_n3A_1523 = arith.select %eq3A_1522, %max3A_1511, %select_n3A_1308 : vector<16xi1>, vector<16xf32>
      %eq3A_1524 = arith.constant 3 : i32
      %eq3A_1525 = vector.broadcast %eq3A_1524 : i32 to vector<16xi32>
      %eq3A_1526 = arith.cmpi eq, %min3A_1387, %eq3A_1525 : vector<16xi32>
      %select_n3A_1527 = arith.select %eq3A_1526, %max3A_1511, %select_n3A_1311 : vector<16xi1>, vector<16xf32>
      %eq3A_1528 = arith.constant 4 : i32
      %eq3A_1529 = vector.broadcast %eq3A_1528 : i32 to vector<16xi32>
      %eq3A_1530 = arith.cmpi eq, %min3A_1387, %eq3A_1529 : vector<16xi32>
      %select_n3A_1531 = arith.select %eq3A_1530, %max3A_1511, %select_n3A_1314 : vector<16xi1>, vector<16xf32>
      %eq3A_1532 = arith.constant 5 : i32
      %eq3A_1533 = vector.broadcast %eq3A_1532 : i32 to vector<16xi32>
      %eq3A_1534 = arith.cmpi eq, %min3A_1387, %eq3A_1533 : vector<16xi32>
      %select_n3A_1535 = arith.select %eq3A_1534, %max3A_1511, %select_n3A_1317 : vector<16xi1>, vector<16xf32>
      %eq3A_1536 = arith.constant 6 : i32
      %eq3A_1537 = vector.broadcast %eq3A_1536 : i32 to vector<16xi32>
      %eq3A_1538 = arith.cmpi eq, %min3A_1387, %eq3A_1537 : vector<16xi32>
      %select_n3A_1539 = arith.select %eq3A_1538, %max3A_1511, %select_n3A_1320 : vector<16xi1>, vector<16xf32>
      %eq3A_1540 = arith.constant 7 : i32
      %eq3A_1541 = vector.broadcast %eq3A_1540 : i32 to vector<16xi32>
      %eq3A_1542 = arith.cmpi eq, %min3A_1387, %eq3A_1541 : vector<16xi32>
      %select_n3A_1543 = arith.select %eq3A_1542, %max3A_1511, %select_n3A_1323 : vector<16xi1>, vector<16xf32>
      %max3A_1544 = arith.maximumf %select_n3A_1515, %select_n3A_1519 : vector<16xf32>
      %max3A_1545 = arith.maximumf %max3A_1544, %select_n3A_1523 : vector<16xf32>
      %max3A_1546 = arith.maximumf %max3A_1545, %select_n3A_1527 : vector<16xf32>
      %max3A_1547 = arith.maximumf %max3A_1546, %select_n3A_1531 : vector<16xf32>
      %max3A_1548 = arith.maximumf %max3A_1547, %select_n3A_1535 : vector<16xf32>
      %max3A_1549 = arith.maximumf %max3A_1548, %select_n3A_1539 : vector<16xf32>
      %max3A_1550 = arith.maximumf %max3A_1549, %select_n3A_1543 : vector<16xf32>
      %broadcast_in_dim3A_1551 = arith.constant 8 : i32
      %broadcast_in_dim3A_1552 = vector.broadcast %broadcast_in_dim3A_1551 : i32 to vector<16xi32>
      %eq3A_1553 = arith.cmpf oeq, %select_n3A_1515, %max3A_1550 : vector<16xf32>
      %jit3A_1554 = arith.constant 0 : i32
      %jit3A_1555 = arith.constant 8 : i32
      %broadcast_in_dim3A_1556 = vector.broadcast %jit3A_1554 : i32 to vector<16xi32>
      %broadcast_in_dim3A_1557 = vector.broadcast %jit3A_1555 : i32 to vector<16xi32>
      %select_n3A_1558 = arith.select %eq3A_1553, %broadcast_in_dim3A_1556, %broadcast_in_dim3A_1557 : vector<16xi1>, vector<16xi32>
      %min3A_1559 = arith.minsi %broadcast_in_dim3A_1552, %select_n3A_1558 : vector<16xi32>
      %eq3A_1560 = arith.cmpf oeq, %select_n3A_1519, %max3A_1550 : vector<16xf32>
      %jit3A_1561 = arith.constant 1 : i32
      %jit3A_1562 = arith.constant 8 : i32
      %broadcast_in_dim3A_1563 = vector.broadcast %jit3A_1561 : i32 to vector<16xi32>
      %broadcast_in_dim3A_1564 = vector.broadcast %jit3A_1562 : i32 to vector<16xi32>
      %select_n3A_1565 = arith.select %eq3A_1560, %broadcast_in_dim3A_1563, %broadcast_in_dim3A_1564 : vector<16xi1>, vector<16xi32>
      %min3A_1566 = arith.minsi %min3A_1559, %select_n3A_1565 : vector<16xi32>
      %eq3A_1567 = arith.cmpf oeq, %select_n3A_1523, %max3A_1550 : vector<16xf32>
      %jit3A_1568 = arith.constant 2 : i32
      %jit3A_1569 = arith.constant 8 : i32
      %broadcast_in_dim3A_1570 = vector.broadcast %jit3A_1568 : i32 to vector<16xi32>
      %broadcast_in_dim3A_1571 = vector.broadcast %jit3A_1569 : i32 to vector<16xi32>
      %select_n3A_1572 = arith.select %eq3A_1567, %broadcast_in_dim3A_1570, %broadcast_in_dim3A_1571 : vector<16xi1>, vector<16xi32>
      %min3A_1573 = arith.minsi %min3A_1566, %select_n3A_1572 : vector<16xi32>
      %eq3A_1574 = arith.cmpf oeq, %select_n3A_1527, %max3A_1550 : vector<16xf32>
      %jit3A_1575 = arith.constant 3 : i32
      %jit3A_1576 = arith.constant 8 : i32
      %broadcast_in_dim3A_1577 = vector.broadcast %jit3A_1575 : i32 to vector<16xi32>
      %broadcast_in_dim3A_1578 = vector.broadcast %jit3A_1576 : i32 to vector<16xi32>
      %select_n3A_1579 = arith.select %eq3A_1574, %broadcast_in_dim3A_1577, %broadcast_in_dim3A_1578 : vector<16xi1>, vector<16xi32>
      %min3A_1580 = arith.minsi %min3A_1573, %select_n3A_1579 : vector<16xi32>
      %eq3A_1581 = arith.cmpf oeq, %select_n3A_1531, %max3A_1550 : vector<16xf32>
      %jit3A_1582 = arith.constant 4 : i32
      %jit3A_1583 = arith.constant 8 : i32
      %broadcast_in_dim3A_1584 = vector.broadcast %jit3A_1582 : i32 to vector<16xi32>
      %broadcast_in_dim3A_1585 = vector.broadcast %jit3A_1583 : i32 to vector<16xi32>
      %select_n3A_1586 = arith.select %eq3A_1581, %broadcast_in_dim3A_1584, %broadcast_in_dim3A_1585 : vector<16xi1>, vector<16xi32>
      %min3A_1587 = arith.minsi %min3A_1580, %select_n3A_1586 : vector<16xi32>
      %eq3A_1588 = arith.cmpf oeq, %select_n3A_1535, %max3A_1550 : vector<16xf32>
      %jit3A_1589 = arith.constant 5 : i32
      %jit3A_1590 = arith.constant 8 : i32
      %broadcast_in_dim3A_1591 = vector.broadcast %jit3A_1589 : i32 to vector<16xi32>
      %broadcast_in_dim3A_1592 = vector.broadcast %jit3A_1590 : i32 to vector<16xi32>
      %select_n3A_1593 = arith.select %eq3A_1588, %broadcast_in_dim3A_1591, %broadcast_in_dim3A_1592 : vector<16xi1>, vector<16xi32>
      %min3A_1594 = arith.minsi %min3A_1587, %select_n3A_1593 : vector<16xi32>
      %eq3A_1595 = arith.cmpf oeq, %select_n3A_1539, %max3A_1550 : vector<16xf32>
      %jit3A_1596 = arith.constant 6 : i32
      %jit3A_1597 = arith.constant 8 : i32
      %broadcast_in_dim3A_1598 = vector.broadcast %jit3A_1596 : i32 to vector<16xi32>
      %broadcast_in_dim3A_1599 = vector.broadcast %jit3A_1597 : i32 to vector<16xi32>
      %select_n3A_1600 = arith.select %eq3A_1595, %broadcast_in_dim3A_1598, %broadcast_in_dim3A_1599 : vector<16xi1>, vector<16xi32>
      %min3A_1601 = arith.minsi %min3A_1594, %select_n3A_1600 : vector<16xi32>
      %eq3A_1602 = arith.cmpf oeq, %select_n3A_1543, %max3A_1550 : vector<16xf32>
      %jit3A_1603 = arith.constant 7 : i32
      %jit3A_1604 = arith.constant 8 : i32
      %broadcast_in_dim3A_1605 = vector.broadcast %jit3A_1603 : i32 to vector<16xi32>
      %broadcast_in_dim3A_1606 = vector.broadcast %jit3A_1604 : i32 to vector<16xi32>
      %select_n3A_1607 = arith.select %eq3A_1602, %broadcast_in_dim3A_1605, %broadcast_in_dim3A_1606 : vector<16xi1>, vector<16xi32>
      %min3A_1608 = arith.minsi %min3A_1601, %select_n3A_1607 : vector<16xi32>
      %mul3A_1609 = arith.constant 8 : i32
      %mul3A_1610 = vector.broadcast %mul3A_1609 : i32 to vector<16xi32>
      %mul3A_1611 = arith.muli %min3A_1608, %mul3A_1610 : vector<16xi32>
      %add3A_1612 = arith.constant 0 : i32
      %add3A_1613 = vector.broadcast %add3A_1612 : i32 to vector<16xi32>
      %add3A_1614 = arith.addi %mul3A_1611, %add3A_1613 : vector<16xi32>
      %add3A_1615 = arith.constant 1 : i32
      %add3A_1616 = vector.broadcast %add3A_1615 : i32 to vector<16xi32>
      %add3A_1617 = arith.addi %mul3A_1611, %add3A_1616 : vector<16xi32>
      %add3A_1618 = arith.constant 2 : i32
      %add3A_1619 = vector.broadcast %add3A_1618 : i32 to vector<16xi32>
      %add3A_1620 = arith.addi %mul3A_1611, %add3A_1619 : vector<16xi32>
      %add3A_1621 = arith.constant 3 : i32
      %add3A_1622 = vector.broadcast %add3A_1621 : i32 to vector<16xi32>
      %add3A_1623 = arith.addi %mul3A_1611, %add3A_1622 : vector<16xi32>
      %add3A_1624 = arith.constant 4 : i32
      %add3A_1625 = vector.broadcast %add3A_1624 : i32 to vector<16xi32>
      %add3A_1626 = arith.addi %mul3A_1611, %add3A_1625 : vector<16xi32>
      %add3A_1627 = arith.constant 5 : i32
      %add3A_1628 = vector.broadcast %add3A_1627 : i32 to vector<16xi32>
      %add3A_1629 = arith.addi %mul3A_1611, %add3A_1628 : vector<16xi32>
      %add3A_1630 = arith.constant 6 : i32
      %add3A_1631 = vector.broadcast %add3A_1630 : i32 to vector<16xi32>
      %add3A_1632 = arith.addi %mul3A_1611, %add3A_1631 : vector<16xi32>
      %add3A_1633 = arith.constant 7 : i32
      %add3A_1634 = vector.broadcast %add3A_1633 : i32 to vector<16xi32>
      %add3A_1635 = arith.addi %mul3A_1611, %add3A_1634 : vector<16xi32>
      %gather3A_1636 = tpu.vector_load_idx %arg8[%add3A_1614, %iota3A] : memref<64x16xf32, #tpu.memory_space<vmem>>[vector<16xi32>, vector<16xi32>], vector<16xf32>,
      %gather3A_1637 = tpu.vector_load_idx %arg8[%add3A_1617, %iota3A] : memref<64x16xf32, #tpu.memory_space<vmem>>[vector<16xi32>, vector<16xi32>], vector<16xf32>,
      %gather3A_1638 = tpu.vector_load_idx %arg8[%add3A_1620, %iota3A] : memref<64x16xf32, #tpu.memory_space<vmem>>[vector<16xi32>, vector<16xi32>], vector<16xf32>,
      %gather3A_1639 = tpu.vector_load_idx %arg8[%add3A_1623, %iota3A] : memref<64x16xf32, #tpu.memory_space<vmem>>[vector<16xi32>, vector<16xi32>], vector<16xf32>,
      %gather3A_1640 = tpu.vector_load_idx %arg8[%add3A_1626, %iota3A] : memref<64x16xf32, #tpu.memory_space<vmem>>[vector<16xi32>, vector<16xi32>], vector<16xf32>,
      %gather3A_1641 = tpu.vector_load_idx %arg8[%add3A_1629, %iota3A] : memref<64x16xf32, #tpu.memory_space<vmem>>[vector<16xi32>, vector<16xi32>], vector<16xf32>,
      %gather3A_1642 = tpu.vector_load_idx %arg8[%add3A_1632, %iota3A] : memref<64x16xf32, #tpu.memory_space<vmem>>[vector<16xi32>, vector<16xi32>], vector<16xf32>,
      %gather3A_1643 = tpu.vector_load_idx %arg8[%add3A_1635, %iota3A] : memref<64x16xf32, #tpu.memory_space<vmem>>[vector<16xi32>, vector<16xi32>], vector<16xf32>,
      %broadcast_in_dim3A_1644 = arith.constant 64 : i32
      %broadcast_in_dim3A_1645 = vector.broadcast %broadcast_in_dim3A_1644 : i32 to vector<16xi32>
      %eq3A_1646 = arith.cmpf oeq, %gather3A_1636, %max3A_1550 : vector<16xf32>
      %jit3A_1647 = arith.constant 64 : i32
      %broadcast_in_dim3A_1648 = vector.broadcast %jit3A_1647 : i32 to vector<16xi32>
      %select_n3A_1649 = arith.select %eq3A_1646, %add3A_1614, %broadcast_in_dim3A_1648 : vector<16xi1>, vector<16xi32>
      %min3A_1650 = arith.minsi %broadcast_in_dim3A_1645, %select_n3A_1649 : vector<16xi32>
      %eq3A_1651 = arith.cmpf oeq, %gather3A_1637, %max3A_1550 : vector<16xf32>
      %jit3A_1652 = arith.constant 64 : i32
      %broadcast_in_dim3A_1653 = vector.broadcast %jit3A_1652 : i32 to vector<16xi32>
      %select_n3A_1654 = arith.select %eq3A_1651, %add3A_1617, %broadcast_in_dim3A_1653 : vector<16xi1>, vector<16xi32>
      %min3A_1655 = arith.minsi %min3A_1650, %select_n3A_1654 : vector<16xi32>
      %eq3A_1656 = arith.cmpf oeq, %gather3A_1638, %max3A_1550 : vector<16xf32>
      %jit3A_1657 = arith.constant 64 : i32
      %broadcast_in_dim3A_1658 = vector.broadcast %jit3A_1657 : i32 to vector<16xi32>
      %select_n3A_1659 = arith.select %eq3A_1656, %add3A_1620, %broadcast_in_dim3A_1658 : vector<16xi1>, vector<16xi32>
      %min3A_1660 = arith.minsi %min3A_1655, %select_n3A_1659 : vector<16xi32>
      %eq3A_1661 = arith.cmpf oeq, %gather3A_1639, %max3A_1550 : vector<16xf32>
      %jit3A_1662 = arith.constant 64 : i32
      %broadcast_in_dim3A_1663 = vector.broadcast %jit3A_1662 : i32 to vector<16xi32>
      %select_n3A_1664 = arith.select %eq3A_1661, %add3A_1623, %broadcast_in_dim3A_1663 : vector<16xi1>, vector<16xi32>
      %min3A_1665 = arith.minsi %min3A_1660, %select_n3A_1664 : vector<16xi32>
      %eq3A_1666 = arith.cmpf oeq, %gather3A_1640, %max3A_1550 : vector<16xf32>
      %jit3A_1667 = arith.constant 64 : i32
      %broadcast_in_dim3A_1668 = vector.broadcast %jit3A_1667 : i32 to vector<16xi32>
      %select_n3A_1669 = arith.select %eq3A_1666, %add3A_1626, %broadcast_in_dim3A_1668 : vector<16xi1>, vector<16xi32>
      %min3A_1670 = arith.minsi %min3A_1665, %select_n3A_1669 : vector<16xi32>
      %eq3A_1671 = arith.cmpf oeq, %gather3A_1641, %max3A_1550 : vector<16xf32>
      %jit3A_1672 = arith.constant 64 : i32
      %broadcast_in_dim3A_1673 = vector.broadcast %jit3A_1672 : i32 to vector<16xi32>
      %select_n3A_1674 = arith.select %eq3A_1671, %add3A_1629, %broadcast_in_dim3A_1673 : vector<16xi1>, vector<16xi32>
      %min3A_1675 = arith.minsi %min3A_1670, %select_n3A_1674 : vector<16xi32>
      %eq3A_1676 = arith.cmpf oeq, %gather3A_1642, %max3A_1550 : vector<16xf32>
      %jit3A_1677 = arith.constant 64 : i32
      %broadcast_in_dim3A_1678 = vector.broadcast %jit3A_1677 : i32 to vector<16xi32>
      %select_n3A_1679 = arith.select %eq3A_1676, %add3A_1632, %broadcast_in_dim3A_1678 : vector<16xi1>, vector<16xi32>
      %min3A_1680 = arith.minsi %min3A_1675, %select_n3A_1679 : vector<16xi32>
      %eq3A_1681 = arith.cmpf oeq, %gather3A_1643, %max3A_1550 : vector<16xf32>
      %jit3A_1682 = arith.constant 64 : i32
      %broadcast_in_dim3A_1683 = vector.broadcast %jit3A_1682 : i32 to vector<16xi32>
      %select_n3A_1684 = arith.select %eq3A_1681, %add3A_1635, %broadcast_in_dim3A_1683 : vector<16xi1>, vector<16xi32>
      %min3A_1685 = arith.minsi %min3A_1680, %select_n3A_1684 : vector<16xi32>
      %add3A_1686 = vector.broadcast %multiple_of3A : i32 to vector<16xi32>
      %add3A_1687 = arith.addi %add3A_1686, %iota3A : vector<16xi32>
      %gather3A_1688 = tpu.vector_load_idx %arg6[%min3A_1685, %add3A_1687] : memref<64x512xf32, #tpu.memory_space<vmem>>[vector<16xi32>, vector<16xi32>], vector<16xf32>,
      %gather3A_1689 = tpu.vector_load_idx %arg7[%min3A_1685] : memref<64xf32, #tpu.memory_space<vmem>>[vector<16xi32>], vector<16xf32>,
      %sub3A_1690 = arith.subf %gather3A_1688, %gather3A_1689 : vector<16xf32>
      %broadcast_in_dim3A_1691 = arith.constant 0xFF800000 : f32
      %broadcast_in_dim3A_1692 = vector.broadcast %broadcast_in_dim3A_1691 : f32 to vector<16xf32>
      tpu.vector_store_idx %arg8[%min3A_1685, %iota3A], %broadcast_in_dim3A_1692 : memref<64x16xf32, #tpu.memory_space<vmem>>[vector<16xi32>, vector<16xi32>], vector<16xf32>,
      %broadcast_in_dim3A_1693 = arith.constant 0xFF800000 : f32
      %broadcast_in_dim3A_1694 = vector.broadcast %broadcast_in_dim3A_1693 : f32 to vector<16xf32>
      %eq3A_1695 = arith.cmpi eq, %min3A_1685, %add3A_1614 : vector<16xi32>
      %jit3A_1696 = arith.constant 0xFF800000 : f32
      %broadcast_in_dim3A_1697 = vector.broadcast %jit3A_1696 : f32 to vector<16xf32>
      %select_n3A_1698 = arith.select %eq3A_1695, %broadcast_in_dim3A_1697, %gather3A_1636 : vector<16xi1>, vector<16xf32>
      %max3A_1699 = arith.maximumf %broadcast_in_dim3A_1694, %select_n3A_1698 : vector<16xf32>
      %eq3A_1700 = arith.cmpi eq, %min3A_1685, %add3A_1617 : vector<16xi32>
      %jit3A_1701 = arith.constant 0xFF800000 : f32
      %broadcast_in_dim3A_1702 = vector.broadcast %jit3A_1701 : f32 to vector<16xf32>
      %select_n3A_1703 = arith.select %eq3A_1700, %broadcast_in_dim3A_1702, %gather3A_1637 : vector<16xi1>, vector<16xf32>
      %max3A_1704 = arith.maximumf %max3A_1699, %select_n3A_1703 : vector<16xf32>
      %eq3A_1705 = arith.cmpi eq, %min3A_1685, %add3A_1620 : vector<16xi32>
      %jit3A_1706 = arith.constant 0xFF800000 : f32
      %broadcast_in_dim3A_1707 = vector.broadcast %jit3A_1706 : f32 to vector<16xf32>
      %select_n3A_1708 = arith.select %eq3A_1705, %broadcast_in_dim3A_1707, %gather3A_1638 : vector<16xi1>, vector<16xf32>
      %max3A_1709 = arith.maximumf %max3A_1704, %select_n3A_1708 : vector<16xf32>
      %eq3A_1710 = arith.cmpi eq, %min3A_1685, %add3A_1623 : vector<16xi32>
      %jit3A_1711 = arith.constant 0xFF800000 : f32
      %broadcast_in_dim3A_1712 = vector.broadcast %jit3A_1711 : f32 to vector<16xf32>
      %select_n3A_1713 = arith.select %eq3A_1710, %broadcast_in_dim3A_1712, %gather3A_1639 : vector<16xi1>, vector<16xf32>
      %max3A_1714 = arith.maximumf %max3A_1709, %select_n3A_1713 : vector<16xf32>
      %eq3A_1715 = arith.cmpi eq, %min3A_1685, %add3A_1626 : vector<16xi32>
      %jit3A_1716 = arith.constant 0xFF800000 : f32
      %broadcast_in_dim3A_1717 = vector.broadcast %jit3A_1716 : f32 to vector<16xf32>
      %select_n3A_1718 = arith.select %eq3A_1715, %broadcast_in_dim3A_1717, %gather3A_1640 : vector<16xi1>, vector<16xf32>
      %max3A_1719 = arith.maximumf %max3A_1714, %select_n3A_1718 : vector<16xf32>
      %eq3A_1720 = arith.cmpi eq, %min3A_1685, %add3A_1629 : vector<16xi32>
      %jit3A_1721 = arith.constant 0xFF800000 : f32
      %broadcast_in_dim3A_1722 = vector.broadcast %jit3A_1721 : f32 to vector<16xf32>
      %select_n3A_1723 = arith.select %eq3A_1720, %broadcast_in_dim3A_1722, %gather3A_1641 : vector<16xi1>, vector<16xf32>
      %max3A_1724 = arith.maximumf %max3A_1719, %select_n3A_1723 : vector<16xf32>
      %eq3A_1725 = arith.cmpi eq, %min3A_1685, %add3A_1632 : vector<16xi32>
      %jit3A_1726 = arith.constant 0xFF800000 : f32
      %broadcast_in_dim3A_1727 = vector.broadcast %jit3A_1726 : f32 to vector<16xf32>
      %select_n3A_1728 = arith.select %eq3A_1725, %broadcast_in_dim3A_1727, %gather3A_1642 : vector<16xi1>, vector<16xf32>
      %max3A_1729 = arith.maximumf %max3A_1724, %select_n3A_1728 : vector<16xf32>
      %eq3A_1730 = arith.cmpi eq, %min3A_1685, %add3A_1635 : vector<16xi32>
      %jit3A_1731 = arith.constant 0xFF800000 : f32
      %broadcast_in_dim3A_1732 = vector.broadcast %jit3A_1731 : f32 to vector<16xf32>
      %select_n3A_1733 = arith.select %eq3A_1730, %broadcast_in_dim3A_1732, %gather3A_1643 : vector<16xi1>, vector<16xf32>
      %max3A_1734 = arith.maximumf %max3A_1729, %select_n3A_1733 : vector<16xf32>
      %eq3A_1735 = arith.constant 0 : i32
      %eq3A_1736 = vector.broadcast %eq3A_1735 : i32 to vector<16xi32>
      %eq3A_1737 = arith.cmpi eq, %min3A_1608, %eq3A_1736 : vector<16xi32>
      %select_n3A_1738 = arith.select %eq3A_1737, %max3A_1734, %select_n3A_1515 : vector<16xi1>, vector<16xf32>
      %eq3A_1739 = arith.constant 1 : i32
      %eq3A_1740 = vector.broadcast %eq3A_1739 : i32 to vector<16xi32>
      %eq3A_1741 = arith.cmpi eq, %min3A_1608, %eq3A_1740 : vector<16xi32>
      %select_n3A_1742 = arith.select %eq3A_1741, %max3A_1734, %select_n3A_1519 : vector<16xi1>, vector<16xf32>
      %eq3A_1743 = arith.constant 2 : i32
      %eq3A_1744 = vector.broadcast %eq3A_1743 : i32 to vector<16xi32>
      %eq3A_1745 = arith.cmpi eq, %min3A_1608, %eq3A_1744 : vector<16xi32>
      %select_n3A_1746 = arith.select %eq3A_1745, %max3A_1734, %select_n3A_1523 : vector<16xi1>, vector<16xf32>
      %eq3A_1747 = arith.constant 3 : i32
      %eq3A_1748 = vector.broadcast %eq3A_1747 : i32 to vector<16xi32>
      %eq3A_1749 = arith.cmpi eq, %min3A_1608, %eq3A_1748 : vector<16xi32>
      %select_n3A_1750 = arith.select %eq3A_1749, %max3A_1734, %select_n3A_1527 : vector<16xi1>, vector<16xf32>
      %eq3A_1751 = arith.constant 4 : i32
      %eq3A_1752 = vector.broadcast %eq3A_1751 : i32 to vector<16xi32>
      %eq3A_1753 = arith.cmpi eq, %min3A_1608, %eq3A_1752 : vector<16xi32>
      %select_n3A_1754 = arith.select %eq3A_1753, %max3A_1734, %select_n3A_1531 : vector<16xi1>, vector<16xf32>
      %eq3A_1755 = arith.constant 5 : i32
      %eq3A_1756 = vector.broadcast %eq3A_1755 : i32 to vector<16xi32>
      %eq3A_1757 = arith.cmpi eq, %min3A_1608, %eq3A_1756 : vector<16xi32>
      %select_n3A_1758 = arith.select %eq3A_1757, %max3A_1734, %select_n3A_1535 : vector<16xi1>, vector<16xf32>
      %eq3A_1759 = arith.constant 6 : i32
      %eq3A_1760 = vector.broadcast %eq3A_1759 : i32 to vector<16xi32>
      %eq3A_1761 = arith.cmpi eq, %min3A_1608, %eq3A_1760 : vector<16xi32>
      %select_n3A_1762 = arith.select %eq3A_1761, %max3A_1734, %select_n3A_1539 : vector<16xi1>, vector<16xf32>
      %eq3A_1763 = arith.constant 7 : i32
      %eq3A_1764 = vector.broadcast %eq3A_1763 : i32 to vector<16xi32>
      %eq3A_1765 = arith.cmpi eq, %min3A_1608, %eq3A_1764 : vector<16xi32>
      %select_n3A_1766 = arith.select %eq3A_1765, %max3A_1734, %select_n3A_1543 : vector<16xi1>, vector<16xf32>
      %max3A_1767 = arith.maximumf %select_n3A_1738, %select_n3A_1742 : vector<16xf32>
      %max3A_1768 = arith.maximumf %max3A_1767, %select_n3A_1746 : vector<16xf32>
      %max3A_1769 = arith.maximumf %max3A_1768, %select_n3A_1750 : vector<16xf32>
      %max3A_1770 = arith.maximumf %max3A_1769, %select_n3A_1754 : vector<16xf32>
      %max3A_1771 = arith.maximumf %max3A_1770, %select_n3A_1758 : vector<16xf32>
      %max3A_1772 = arith.maximumf %max3A_1771, %select_n3A_1762 : vector<16xf32>
      %max3A_1773 = arith.maximumf %max3A_1772, %select_n3A_1766 : vector<16xf32>
      %broadcast_in_dim3A_1774 = arith.constant 8 : i32
      %broadcast_in_dim3A_1775 = vector.broadcast %broadcast_in_dim3A_1774 : i32 to vector<16xi32>
      %eq3A_1776 = arith.cmpf oeq, %select_n3A_1738, %max3A_1773 : vector<16xf32>
      %jit3A_1777 = arith.constant 0 : i32
      %jit3A_1778 = arith.constant 8 : i32
      %broadcast_in_dim3A_1779 = vector.broadcast %jit3A_1777 : i32 to vector<16xi32>
      %broadcast_in_dim3A_1780 = vector.broadcast %jit3A_1778 : i32 to vector<16xi32>
      %select_n3A_1781 = arith.select %eq3A_1776, %broadcast_in_dim3A_1779, %broadcast_in_dim3A_1780 : vector<16xi1>, vector<16xi32>
      %min3A_1782 = arith.minsi %broadcast_in_dim3A_1775, %select_n3A_1781 : vector<16xi32>
      %eq3A_1783 = arith.cmpf oeq, %select_n3A_1742, %max3A_1773 : vector<16xf32>
      %jit3A_1784 = arith.constant 1 : i32
      %jit3A_1785 = arith.constant 8 : i32
      %broadcast_in_dim3A_1786 = vector.broadcast %jit3A_1784 : i32 to vector<16xi32>
      %broadcast_in_dim3A_1787 = vector.broadcast %jit3A_1785 : i32 to vector<16xi32>
      %select_n3A_1788 = arith.select %eq3A_1783, %broadcast_in_dim3A_1786, %broadcast_in_dim3A_1787 : vector<16xi1>, vector<16xi32>
      %min3A_1789 = arith.minsi %min3A_1782, %select_n3A_1788 : vector<16xi32>
      %eq3A_1790 = arith.cmpf oeq, %select_n3A_1746, %max3A_1773 : vector<16xf32>
      %jit3A_1791 = arith.constant 2 : i32
      %jit3A_1792 = arith.constant 8 : i32
      %broadcast_in_dim3A_1793 = vector.broadcast %jit3A_1791 : i32 to vector<16xi32>
      %broadcast_in_dim3A_1794 = vector.broadcast %jit3A_1792 : i32 to vector<16xi32>
      %select_n3A_1795 = arith.select %eq3A_1790, %broadcast_in_dim3A_1793, %broadcast_in_dim3A_1794 : vector<16xi1>, vector<16xi32>
      %min3A_1796 = arith.minsi %min3A_1789, %select_n3A_1795 : vector<16xi32>
      %eq3A_1797 = arith.cmpf oeq, %select_n3A_1750, %max3A_1773 : vector<16xf32>
      %jit3A_1798 = arith.constant 3 : i32
      %jit3A_1799 = arith.constant 8 : i32
      %broadcast_in_dim3A_1800 = vector.broadcast %jit3A_1798 : i32 to vector<16xi32>
      %broadcast_in_dim3A_1801 = vector.broadcast %jit3A_1799 : i32 to vector<16xi32>
      %select_n3A_1802 = arith.select %eq3A_1797, %broadcast_in_dim3A_1800, %broadcast_in_dim3A_1801 : vector<16xi1>, vector<16xi32>
      %min3A_1803 = arith.minsi %min3A_1796, %select_n3A_1802 : vector<16xi32>
      %eq3A_1804 = arith.cmpf oeq, %select_n3A_1754, %max3A_1773 : vector<16xf32>
      %jit3A_1805 = arith.constant 4 : i32
      %jit3A_1806 = arith.constant 8 : i32
      %broadcast_in_dim3A_1807 = vector.broadcast %jit3A_1805 : i32 to vector<16xi32>
      %broadcast_in_dim3A_1808 = vector.broadcast %jit3A_1806 : i32 to vector<16xi32>
      %select_n3A_1809 = arith.select %eq3A_1804, %broadcast_in_dim3A_1807, %broadcast_in_dim3A_1808 : vector<16xi1>, vector<16xi32>
      %min3A_1810 = arith.minsi %min3A_1803, %select_n3A_1809 : vector<16xi32>
      %eq3A_1811 = arith.cmpf oeq, %select_n3A_1758, %max3A_1773 : vector<16xf32>
      %jit3A_1812 = arith.constant 5 : i32
      %jit3A_1813 = arith.constant 8 : i32
      %broadcast_in_dim3A_1814 = vector.broadcast %jit3A_1812 : i32 to vector<16xi32>
      %broadcast_in_dim3A_1815 = vector.broadcast %jit3A_1813 : i32 to vector<16xi32>
      %select_n3A_1816 = arith.select %eq3A_1811, %broadcast_in_dim3A_1814, %broadcast_in_dim3A_1815 : vector<16xi1>, vector<16xi32>
      %min3A_1817 = arith.minsi %min3A_1810, %select_n3A_1816 : vector<16xi32>
      %eq3A_1818 = arith.cmpf oeq, %select_n3A_1762, %max3A_1773 : vector<16xf32>
      %jit3A_1819 = arith.constant 6 : i32
      %jit3A_1820 = arith.constant 8 : i32
      %broadcast_in_dim3A_1821 = vector.broadcast %jit3A_1819 : i32 to vector<16xi32>
      %broadcast_in_dim3A_1822 = vector.broadcast %jit3A_1820 : i32 to vector<16xi32>
      %select_n3A_1823 = arith.select %eq3A_1818, %broadcast_in_dim3A_1821, %broadcast_in_dim3A_1822 : vector<16xi1>, vector<16xi32>
      %min3A_1824 = arith.minsi %min3A_1817, %select_n3A_1823 : vector<16xi32>
      %eq3A_1825 = arith.cmpf oeq, %select_n3A_1766, %max3A_1773 : vector<16xf32>
      %jit3A_1826 = arith.constant 7 : i32
      %jit3A_1827 = arith.constant 8 : i32
      %broadcast_in_dim3A_1828 = vector.broadcast %jit3A_1826 : i32 to vector<16xi32>
      %broadcast_in_dim3A_1829 = vector.broadcast %jit3A_1827 : i32 to vector<16xi32>
      %select_n3A_1830 = arith.select %eq3A_1825, %broadcast_in_dim3A_1828, %broadcast_in_dim3A_1829 : vector<16xi1>, vector<16xi32>
      %min3A_1831 = arith.minsi %min3A_1824, %select_n3A_1830 : vector<16xi32>
      %mul3A_1832 = arith.constant 8 : i32
      %mul3A_1833 = vector.broadcast %mul3A_1832 : i32 to vector<16xi32>
      %mul3A_1834 = arith.muli %min3A_1831, %mul3A_1833 : vector<16xi32>
      %add3A_1835 = arith.constant 0 : i32
      %add3A_1836 = vector.broadcast %add3A_1835 : i32 to vector<16xi32>
      %add3A_1837 = arith.addi %mul3A_1834, %add3A_1836 : vector<16xi32>
      %add3A_1838 = arith.constant 1 : i32
      %add3A_1839 = vector.broadcast %add3A_1838 : i32 to vector<16xi32>
      %add3A_1840 = arith.addi %mul3A_1834, %add3A_1839 : vector<16xi32>
      %add3A_1841 = arith.constant 2 : i32
      %add3A_1842 = vector.broadcast %add3A_1841 : i32 to vector<16xi32>
      %add3A_1843 = arith.addi %mul3A_1834, %add3A_1842 : vector<16xi32>
      %add3A_1844 = arith.constant 3 : i32
      %add3A_1845 = vector.broadcast %add3A_1844 : i32 to vector<16xi32>
      %add3A_1846 = arith.addi %mul3A_1834, %add3A_1845 : vector<16xi32>
      %add3A_1847 = arith.constant 4 : i32
      %add3A_1848 = vector.broadcast %add3A_1847 : i32 to vector<16xi32>
      %add3A_1849 = arith.addi %mul3A_1834, %add3A_1848 : vector<16xi32>
      %add3A_1850 = arith.constant 5 : i32
      %add3A_1851 = vector.broadcast %add3A_1850 : i32 to vector<16xi32>
      %add3A_1852 = arith.addi %mul3A_1834, %add3A_1851 : vector<16xi32>
      %add3A_1853 = arith.constant 6 : i32
      %add3A_1854 = vector.broadcast %add3A_1853 : i32 to vector<16xi32>
      %add3A_1855 = arith.addi %mul3A_1834, %add3A_1854 : vector<16xi32>
      %add3A_1856 = arith.constant 7 : i32
      %add3A_1857 = vector.broadcast %add3A_1856 : i32 to vector<16xi32>
      %add3A_1858 = arith.addi %mul3A_1834, %add3A_1857 : vector<16xi32>
      %gather3A_1859 = tpu.vector_load_idx %arg8[%add3A_1837, %iota3A] : memref<64x16xf32, #tpu.memory_space<vmem>>[vector<16xi32>, vector<16xi32>], vector<16xf32>,
      %gather3A_1860 = tpu.vector_load_idx %arg8[%add3A_1840, %iota3A] : memref<64x16xf32, #tpu.memory_space<vmem>>[vector<16xi32>, vector<16xi32>], vector<16xf32>,
      %gather3A_1861 = tpu.vector_load_idx %arg8[%add3A_1843, %iota3A] : memref<64x16xf32, #tpu.memory_space<vmem>>[vector<16xi32>, vector<16xi32>], vector<16xf32>,
      %gather3A_1862 = tpu.vector_load_idx %arg8[%add3A_1846, %iota3A] : memref<64x16xf32, #tpu.memory_space<vmem>>[vector<16xi32>, vector<16xi32>], vector<16xf32>,
      %gather3A_1863 = tpu.vector_load_idx %arg8[%add3A_1849, %iota3A] : memref<64x16xf32, #tpu.memory_space<vmem>>[vector<16xi32>, vector<16xi32>], vector<16xf32>,
      %gather3A_1864 = tpu.vector_load_idx %arg8[%add3A_1852, %iota3A] : memref<64x16xf32, #tpu.memory_space<vmem>>[vector<16xi32>, vector<16xi32>], vector<16xf32>,
      %gather3A_1865 = tpu.vector_load_idx %arg8[%add3A_1855, %iota3A] : memref<64x16xf32, #tpu.memory_space<vmem>>[vector<16xi32>, vector<16xi32>], vector<16xf32>,
      %gather3A_1866 = tpu.vector_load_idx %arg8[%add3A_1858, %iota3A] : memref<64x16xf32, #tpu.memory_space<vmem>>[vector<16xi32>, vector<16xi32>], vector<16xf32>,
      %broadcast_in_dim3A_1867 = arith.constant 64 : i32
      %broadcast_in_dim3A_1868 = vector.broadcast %broadcast_in_dim3A_1867 : i32 to vector<16xi32>
      %eq3A_1869 = arith.cmpf oeq, %gather3A_1859, %max3A_1773 : vector<16xf32>
      %jit3A_1870 = arith.constant 64 : i32
      %broadcast_in_dim3A_1871 = vector.broadcast %jit3A_1870 : i32 to vector<16xi32>
      %select_n3A_1872 = arith.select %eq3A_1869, %add3A_1837, %broadcast_in_dim3A_1871 : vector<16xi1>, vector<16xi32>
      %min3A_1873 = arith.minsi %broadcast_in_dim3A_1868, %select_n3A_1872 : vector<16xi32>
      %eq3A_1874 = arith.cmpf oeq, %gather3A_1860, %max3A_1773 : vector<16xf32>
      %jit3A_1875 = arith.constant 64 : i32
      %broadcast_in_dim3A_1876 = vector.broadcast %jit3A_1875 : i32 to vector<16xi32>
      %select_n3A_1877 = arith.select %eq3A_1874, %add3A_1840, %broadcast_in_dim3A_1876 : vector<16xi1>, vector<16xi32>
      %min3A_1878 = arith.minsi %min3A_1873, %select_n3A_1877 : vector<16xi32>
      %eq3A_1879 = arith.cmpf oeq, %gather3A_1861, %max3A_1773 : vector<16xf32>
      %jit3A_1880 = arith.constant 64 : i32
      %broadcast_in_dim3A_1881 = vector.broadcast %jit3A_1880 : i32 to vector<16xi32>
      %select_n3A_1882 = arith.select %eq3A_1879, %add3A_1843, %broadcast_in_dim3A_1881 : vector<16xi1>, vector<16xi32>
      %min3A_1883 = arith.minsi %min3A_1878, %select_n3A_1882 : vector<16xi32>
      %eq3A_1884 = arith.cmpf oeq, %gather3A_1862, %max3A_1773 : vector<16xf32>
      %jit3A_1885 = arith.constant 64 : i32
      %broadcast_in_dim3A_1886 = vector.broadcast %jit3A_1885 : i32 to vector<16xi32>
      %select_n3A_1887 = arith.select %eq3A_1884, %add3A_1846, %broadcast_in_dim3A_1886 : vector<16xi1>, vector<16xi32>
      %min3A_1888 = arith.minsi %min3A_1883, %select_n3A_1887 : vector<16xi32>
      %eq3A_1889 = arith.cmpf oeq, %gather3A_1863, %max3A_1773 : vector<16xf32>
      %jit3A_1890 = arith.constant 64 : i32
      %broadcast_in_dim3A_1891 = vector.broadcast %jit3A_1890 : i32 to vector<16xi32>
      %select_n3A_1892 = arith.select %eq3A_1889, %add3A_1849, %broadcast_in_dim3A_1891 : vector<16xi1>, vector<16xi32>
      %min3A_1893 = arith.minsi %min3A_1888, %select_n3A_1892 : vector<16xi32>
      %eq3A_1894 = arith.cmpf oeq, %gather3A_1864, %max3A_1773 : vector<16xf32>
      %jit3A_1895 = arith.constant 64 : i32
      %broadcast_in_dim3A_1896 = vector.broadcast %jit3A_1895 : i32 to vector<16xi32>
      %select_n3A_1897 = arith.select %eq3A_1894, %add3A_1852, %broadcast_in_dim3A_1896 : vector<16xi1>, vector<16xi32>
      %min3A_1898 = arith.minsi %min3A_1893, %select_n3A_1897 : vector<16xi32>
      %eq3A_1899 = arith.cmpf oeq, %gather3A_1865, %max3A_1773 : vector<16xf32>
      %jit3A_1900 = arith.constant 64 : i32
      %broadcast_in_dim3A_1901 = vector.broadcast %jit3A_1900 : i32 to vector<16xi32>
      %select_n3A_1902 = arith.select %eq3A_1899, %add3A_1855, %broadcast_in_dim3A_1901 : vector<16xi1>, vector<16xi32>
      %min3A_1903 = arith.minsi %min3A_1898, %select_n3A_1902 : vector<16xi32>
      %eq3A_1904 = arith.cmpf oeq, %gather3A_1866, %max3A_1773 : vector<16xf32>
      %jit3A_1905 = arith.constant 64 : i32
      %broadcast_in_dim3A_1906 = vector.broadcast %jit3A_1905 : i32 to vector<16xi32>
      %select_n3A_1907 = arith.select %eq3A_1904, %add3A_1858, %broadcast_in_dim3A_1906 : vector<16xi1>, vector<16xi32>
      %min3A_1908 = arith.minsi %min3A_1903, %select_n3A_1907 : vector<16xi32>
      %add3A_1909 = vector.broadcast %multiple_of3A : i32 to vector<16xi32>
      %add3A_1910 = arith.addi %add3A_1909, %iota3A : vector<16xi32>
      %gather3A_1911 = tpu.vector_load_idx %arg6[%min3A_1908, %add3A_1910] : memref<64x512xf32, #tpu.memory_space<vmem>>[vector<16xi32>, vector<16xi32>], vector<16xf32>,
      %gather3A_1912 = tpu.vector_load_idx %arg7[%min3A_1908] : memref<64xf32, #tpu.memory_space<vmem>>[vector<16xi32>], vector<16xf32>,
      %sub3A_1913 = arith.subf %gather3A_1911, %gather3A_1912 : vector<16xf32>
      %broadcast_in_dim3A_1914 = arith.constant 0xFF800000 : f32
      %broadcast_in_dim3A_1915 = vector.broadcast %broadcast_in_dim3A_1914 : f32 to vector<16xf32>
      tpu.vector_store_idx %arg8[%min3A_1908, %iota3A], %broadcast_in_dim3A_1915 : memref<64x16xf32, #tpu.memory_space<vmem>>[vector<16xi32>, vector<16xi32>], vector<16xf32>,
      %broadcast_in_dim3A_1916 = arith.constant 0xFF800000 : f32
      %broadcast_in_dim3A_1917 = vector.broadcast %broadcast_in_dim3A_1916 : f32 to vector<16xf32>
      %eq3A_1918 = arith.cmpi eq, %min3A_1908, %add3A_1837 : vector<16xi32>
      %jit3A_1919 = arith.constant 0xFF800000 : f32
      %broadcast_in_dim3A_1920 = vector.broadcast %jit3A_1919 : f32 to vector<16xf32>
      %select_n3A_1921 = arith.select %eq3A_1918, %broadcast_in_dim3A_1920, %gather3A_1859 : vector<16xi1>, vector<16xf32>
      %max3A_1922 = arith.maximumf %broadcast_in_dim3A_1917, %select_n3A_1921 : vector<16xf32>
      %eq3A_1923 = arith.cmpi eq, %min3A_1908, %add3A_1840 : vector<16xi32>
      %jit3A_1924 = arith.constant 0xFF800000 : f32
      %broadcast_in_dim3A_1925 = vector.broadcast %jit3A_1924 : f32 to vector<16xf32>
      %select_n3A_1926 = arith.select %eq3A_1923, %broadcast_in_dim3A_1925, %gather3A_1860 : vector<16xi1>, vector<16xf32>
      %max3A_1927 = arith.maximumf %max3A_1922, %select_n3A_1926 : vector<16xf32>
      %eq3A_1928 = arith.cmpi eq, %min3A_1908, %add3A_1843 : vector<16xi32>
      %jit3A_1929 = arith.constant 0xFF800000 : f32
      %broadcast_in_dim3A_1930 = vector.broadcast %jit3A_1929 : f32 to vector<16xf32>
      %select_n3A_1931 = arith.select %eq3A_1928, %broadcast_in_dim3A_1930, %gather3A_1861 : vector<16xi1>, vector<16xf32>
      %max3A_1932 = arith.maximumf %max3A_1927, %select_n3A_1931 : vector<16xf32>
      %eq3A_1933 = arith.cmpi eq, %min3A_1908, %add3A_1846 : vector<16xi32>
      %jit3A_1934 = arith.constant 0xFF800000 : f32
      %broadcast_in_dim3A_1935 = vector.broadcast %jit3A_1934 : f32 to vector<16xf32>
      %select_n3A_1936 = arith.select %eq3A_1933, %broadcast_in_dim3A_1935, %gather3A_1862 : vector<16xi1>, vector<16xf32>
      %max3A_1937 = arith.maximumf %max3A_1932, %select_n3A_1936 : vector<16xf32>
      %eq3A_1938 = arith.cmpi eq, %min3A_1908, %add3A_1849 : vector<16xi32>
      %jit3A_1939 = arith.constant 0xFF800000 : f32
      %broadcast_in_dim3A_1940 = vector.broadcast %jit3A_1939 : f32 to vector<16xf32>
      %select_n3A_1941 = arith.select %eq3A_1938, %broadcast_in_dim3A_1940, %gather3A_1863 : vector<16xi1>, vector<16xf32>
      %max3A_1942 = arith.maximumf %max3A_1937, %select_n3A_1941 : vector<16xf32>
      %eq3A_1943 = arith.cmpi eq, %min3A_1908, %add3A_1852 : vector<16xi32>
      %jit3A_1944 = arith.constant 0xFF800000 : f32
      %broadcast_in_dim3A_1945 = vector.broadcast %jit3A_1944 : f32 to vector<16xf32>
      %select_n3A_1946 = arith.select %eq3A_1943, %broadcast_in_dim3A_1945, %gather3A_1864 : vector<16xi1>, vector<16xf32>
      %max3A_1947 = arith.maximumf %max3A_1942, %select_n3A_1946 : vector<16xf32>
      %eq3A_1948 = arith.cmpi eq, %min3A_1908, %add3A_1855 : vector<16xi32>
      %jit3A_1949 = arith.constant 0xFF800000 : f32
      %broadcast_in_dim3A_1950 = vector.broadcast %jit3A_1949 : f32 to vector<16xf32>
      %select_n3A_1951 = arith.select %eq3A_1948, %broadcast_in_dim3A_1950, %gather3A_1865 : vector<16xi1>, vector<16xf32>
      %max3A_1952 = arith.maximumf %max3A_1947, %select_n3A_1951 : vector<16xf32>
      %eq3A_1953 = arith.cmpi eq, %min3A_1908, %add3A_1858 : vector<16xi32>
      %jit3A_1954 = arith.constant 0xFF800000 : f32
      %broadcast_in_dim3A_1955 = vector.broadcast %jit3A_1954 : f32 to vector<16xf32>
      %select_n3A_1956 = arith.select %eq3A_1953, %broadcast_in_dim3A_1955, %gather3A_1866 : vector<16xi1>, vector<16xf32>
      %max3A_1957 = arith.maximumf %max3A_1952, %select_n3A_1956 : vector<16xf32>
      %eq3A_1958 = arith.constant 0 : i32
      %eq3A_1959 = vector.broadcast %eq3A_1958 : i32 to vector<16xi32>
      %eq3A_1960 = arith.cmpi eq, %min3A_1831, %eq3A_1959 : vector<16xi32>
      %select_n3A_1961 = arith.select %eq3A_1960, %max3A_1957, %select_n3A_1738 : vector<16xi1>, vector<16xf32>
      %eq3A_1962 = arith.constant 1 : i32
      %eq3A_1963 = vector.broadcast %eq3A_1962 : i32 to vector<16xi32>
      %eq3A_1964 = arith.cmpi eq, %min3A_1831, %eq3A_1963 : vector<16xi32>
      %select_n3A_1965 = arith.select %eq3A_1964, %max3A_1957, %select_n3A_1742 : vector<16xi1>, vector<16xf32>
      %eq3A_1966 = arith.constant 2 : i32
      %eq3A_1967 = vector.broadcast %eq3A_1966 : i32 to vector<16xi32>
      %eq3A_1968 = arith.cmpi eq, %min3A_1831, %eq3A_1967 : vector<16xi32>
      %select_n3A_1969 = arith.select %eq3A_1968, %max3A_1957, %select_n3A_1746 : vector<16xi1>, vector<16xf32>
      %eq3A_1970 = arith.constant 3 : i32
      %eq3A_1971 = vector.broadcast %eq3A_1970 : i32 to vector<16xi32>
      %eq3A_1972 = arith.cmpi eq, %min3A_1831, %eq3A_1971 : vector<16xi32>
      %select_n3A_1973 = arith.select %eq3A_1972, %max3A_1957, %select_n3A_1750 : vector<16xi1>, vector<16xf32>
      %eq3A_1974 = arith.constant 4 : i32
      %eq3A_1975 = vector.broadcast %eq3A_1974 : i32 to vector<16xi32>
      %eq3A_1976 = arith.cmpi eq, %min3A_1831, %eq3A_1975 : vector<16xi32>
      %select_n3A_1977 = arith.select %eq3A_1976, %max3A_1957, %select_n3A_1754 : vector<16xi1>, vector<16xf32>
      %eq3A_1978 = arith.constant 5 : i32
      %eq3A_1979 = vector.broadcast %eq3A_1978 : i32 to vector<16xi32>
      %eq3A_1980 = arith.cmpi eq, %min3A_1831, %eq3A_1979 : vector<16xi32>
      %select_n3A_1981 = arith.select %eq3A_1980, %max3A_1957, %select_n3A_1758 : vector<16xi1>, vector<16xf32>
      %eq3A_1982 = arith.constant 6 : i32
      %eq3A_1983 = vector.broadcast %eq3A_1982 : i32 to vector<16xi32>
      %eq3A_1984 = arith.cmpi eq, %min3A_1831, %eq3A_1983 : vector<16xi32>
      %select_n3A_1985 = arith.select %eq3A_1984, %max3A_1957, %select_n3A_1762 : vector<16xi1>, vector<16xf32>
      %eq3A_1986 = arith.constant 7 : i32
      %eq3A_1987 = vector.broadcast %eq3A_1986 : i32 to vector<16xi32>
      %eq3A_1988 = arith.cmpi eq, %min3A_1831, %eq3A_1987 : vector<16xi32>
      %select_n3A_1989 = arith.select %eq3A_1988, %max3A_1957, %select_n3A_1766 : vector<16xi1>, vector<16xf32>
      %max3A_1990 = arith.maximumf %select_n3A_1961, %select_n3A_1965 : vector<16xf32>
      %max3A_1991 = arith.maximumf %max3A_1990, %select_n3A_1969 : vector<16xf32>
      %max3A_1992 = arith.maximumf %max3A_1991, %select_n3A_1973 : vector<16xf32>
      %max3A_1993 = arith.maximumf %max3A_1992, %select_n3A_1977 : vector<16xf32>
      %max3A_1994 = arith.maximumf %max3A_1993, %select_n3A_1981 : vector<16xf32>
      %max3A_1995 = arith.maximumf %max3A_1994, %select_n3A_1985 : vector<16xf32>
      %max3A_1996 = arith.maximumf %max3A_1995, %select_n3A_1989 : vector<16xf32>
      %broadcast_in_dim3A_1997 = arith.constant 8 : i32
      %broadcast_in_dim3A_1998 = vector.broadcast %broadcast_in_dim3A_1997 : i32 to vector<16xi32>
      %eq3A_1999 = arith.cmpf oeq, %select_n3A_1961, %max3A_1996 : vector<16xf32>
      %jit3A_2000 = arith.constant 0 : i32
      %jit3A_2001 = arith.constant 8 : i32
      %broadcast_in_dim3A_2002 = vector.broadcast %jit3A_2000 : i32 to vector<16xi32>
      %broadcast_in_dim3A_2003 = vector.broadcast %jit3A_2001 : i32 to vector<16xi32>
      %select_n3A_2004 = arith.select %eq3A_1999, %broadcast_in_dim3A_2002, %broadcast_in_dim3A_2003 : vector<16xi1>, vector<16xi32>
      %min3A_2005 = arith.minsi %broadcast_in_dim3A_1998, %select_n3A_2004 : vector<16xi32>
      %eq3A_2006 = arith.cmpf oeq, %select_n3A_1965, %max3A_1996 : vector<16xf32>
      %jit3A_2007 = arith.constant 1 : i32
      %jit3A_2008 = arith.constant 8 : i32
      %broadcast_in_dim3A_2009 = vector.broadcast %jit3A_2007 : i32 to vector<16xi32>
      %broadcast_in_dim3A_2010 = vector.broadcast %jit3A_2008 : i32 to vector<16xi32>
      %select_n3A_2011 = arith.select %eq3A_2006, %broadcast_in_dim3A_2009, %broadcast_in_dim3A_2010 : vector<16xi1>, vector<16xi32>
      %min3A_2012 = arith.minsi %min3A_2005, %select_n3A_2011 : vector<16xi32>
      %eq3A_2013 = arith.cmpf oeq, %select_n3A_1969, %max3A_1996 : vector<16xf32>
      %jit3A_2014 = arith.constant 2 : i32
      %jit3A_2015 = arith.constant 8 : i32
      %broadcast_in_dim3A_2016 = vector.broadcast %jit3A_2014 : i32 to vector<16xi32>
      %broadcast_in_dim3A_2017 = vector.broadcast %jit3A_2015 : i32 to vector<16xi32>
      %select_n3A_2018 = arith.select %eq3A_2013, %broadcast_in_dim3A_2016, %broadcast_in_dim3A_2017 : vector<16xi1>, vector<16xi32>
      %min3A_2019 = arith.minsi %min3A_2012, %select_n3A_2018 : vector<16xi32>
      %eq3A_2020 = arith.cmpf oeq, %select_n3A_1973, %max3A_1996 : vector<16xf32>
      %jit3A_2021 = arith.constant 3 : i32
      %jit3A_2022 = arith.constant 8 : i32
      %broadcast_in_dim3A_2023 = vector.broadcast %jit3A_2021 : i32 to vector<16xi32>
      %broadcast_in_dim3A_2024 = vector.broadcast %jit3A_2022 : i32 to vector<16xi32>
      %select_n3A_2025 = arith.select %eq3A_2020, %broadcast_in_dim3A_2023, %broadcast_in_dim3A_2024 : vector<16xi1>, vector<16xi32>
      %min3A_2026 = arith.minsi %min3A_2019, %select_n3A_2025 : vector<16xi32>
      %eq3A_2027 = arith.cmpf oeq, %select_n3A_1977, %max3A_1996 : vector<16xf32>
      %jit3A_2028 = arith.constant 4 : i32
      %jit3A_2029 = arith.constant 8 : i32
      %broadcast_in_dim3A_2030 = vector.broadcast %jit3A_2028 : i32 to vector<16xi32>
      %broadcast_in_dim3A_2031 = vector.broadcast %jit3A_2029 : i32 to vector<16xi32>
      %select_n3A_2032 = arith.select %eq3A_2027, %broadcast_in_dim3A_2030, %broadcast_in_dim3A_2031 : vector<16xi1>, vector<16xi32>
      %min3A_2033 = arith.minsi %min3A_2026, %select_n3A_2032 : vector<16xi32>
      %eq3A_2034 = arith.cmpf oeq, %select_n3A_1981, %max3A_1996 : vector<16xf32>
      %jit3A_2035 = arith.constant 5 : i32
      %jit3A_2036 = arith.constant 8 : i32
      %broadcast_in_dim3A_2037 = vector.broadcast %jit3A_2035 : i32 to vector<16xi32>
      %broadcast_in_dim3A_2038 = vector.broadcast %jit3A_2036 : i32 to vector<16xi32>
      %select_n3A_2039 = arith.select %eq3A_2034, %broadcast_in_dim3A_2037, %broadcast_in_dim3A_2038 : vector<16xi1>, vector<16xi32>
      %min3A_2040 = arith.minsi %min3A_2033, %select_n3A_2039 : vector<16xi32>
      %eq3A_2041 = arith.cmpf oeq, %select_n3A_1985, %max3A_1996 : vector<16xf32>
      %jit3A_2042 = arith.constant 6 : i32
      %jit3A_2043 = arith.constant 8 : i32
      %broadcast_in_dim3A_2044 = vector.broadcast %jit3A_2042 : i32 to vector<16xi32>
      %broadcast_in_dim3A_2045 = vector.broadcast %jit3A_2043 : i32 to vector<16xi32>
      %select_n3A_2046 = arith.select %eq3A_2041, %broadcast_in_dim3A_2044, %broadcast_in_dim3A_2045 : vector<16xi1>, vector<16xi32>
      %min3A_2047 = arith.minsi %min3A_2040, %select_n3A_2046 : vector<16xi32>
      %eq3A_2048 = arith.cmpf oeq, %select_n3A_1989, %max3A_1996 : vector<16xf32>
      %jit3A_2049 = arith.constant 7 : i32
      %jit3A_2050 = arith.constant 8 : i32
      %broadcast_in_dim3A_2051 = vector.broadcast %jit3A_2049 : i32 to vector<16xi32>
      %broadcast_in_dim3A_2052 = vector.broadcast %jit3A_2050 : i32 to vector<16xi32>
      %select_n3A_2053 = arith.select %eq3A_2048, %broadcast_in_dim3A_2051, %broadcast_in_dim3A_2052 : vector<16xi1>, vector<16xi32>
      %min3A_2054 = arith.minsi %min3A_2047, %select_n3A_2053 : vector<16xi32>
      %mul3A_2055 = arith.constant 8 : i32
      %mul3A_2056 = vector.broadcast %mul3A_2055 : i32 to vector<16xi32>
      %mul3A_2057 = arith.muli %min3A_2054, %mul3A_2056 : vector<16xi32>
      %add3A_2058 = arith.constant 0 : i32
      %add3A_2059 = vector.broadcast %add3A_2058 : i32 to vector<16xi32>
      %add3A_2060 = arith.addi %mul3A_2057, %add3A_2059 : vector<16xi32>
      %add3A_2061 = arith.constant 1 : i32
      %add3A_2062 = vector.broadcast %add3A_2061 : i32 to vector<16xi32>
      %add3A_2063 = arith.addi %mul3A_2057, %add3A_2062 : vector<16xi32>
      %add3A_2064 = arith.constant 2 : i32
      %add3A_2065 = vector.broadcast %add3A_2064 : i32 to vector<16xi32>
      %add3A_2066 = arith.addi %mul3A_2057, %add3A_2065 : vector<16xi32>
      %add3A_2067 = arith.constant 3 : i32
      %add3A_2068 = vector.broadcast %add3A_2067 : i32 to vector<16xi32>
      %add3A_2069 = arith.addi %mul3A_2057, %add3A_2068 : vector<16xi32>
      %add3A_2070 = arith.constant 4 : i32
      %add3A_2071 = vector.broadcast %add3A_2070 : i32 to vector<16xi32>
      %add3A_2072 = arith.addi %mul3A_2057, %add3A_2071 : vector<16xi32>
      %add3A_2073 = arith.constant 5 : i32
      %add3A_2074 = vector.broadcast %add3A_2073 : i32 to vector<16xi32>
      %add3A_2075 = arith.addi %mul3A_2057, %add3A_2074 : vector<16xi32>
      %add3A_2076 = arith.constant 6 : i32
      %add3A_2077 = vector.broadcast %add3A_2076 : i32 to vector<16xi32>
      %add3A_2078 = arith.addi %mul3A_2057, %add3A_2077 : vector<16xi32>
      %add3A_2079 = arith.constant 7 : i32
      %add3A_2080 = vector.broadcast %add3A_2079 : i32 to vector<16xi32>
      %add3A_2081 = arith.addi %mul3A_2057, %add3A_2080 : vector<16xi32>
      %gather3A_2082 = tpu.vector_load_idx %arg8[%add3A_2060, %iota3A] : memref<64x16xf32, #tpu.memory_space<vmem>>[vector<16xi32>, vector<16xi32>], vector<16xf32>,
      %gather3A_2083 = tpu.vector_load_idx %arg8[%add3A_2063, %iota3A] : memref<64x16xf32, #tpu.memory_space<vmem>>[vector<16xi32>, vector<16xi32>], vector<16xf32>,
      %gather3A_2084 = tpu.vector_load_idx %arg8[%add3A_2066, %iota3A] : memref<64x16xf32, #tpu.memory_space<vmem>>[vector<16xi32>, vector<16xi32>], vector<16xf32>,
      %gather3A_2085 = tpu.vector_load_idx %arg8[%add3A_2069, %iota3A] : memref<64x16xf32, #tpu.memory_space<vmem>>[vector<16xi32>, vector<16xi32>], vector<16xf32>,
      %gather3A_2086 = tpu.vector_load_idx %arg8[%add3A_2072, %iota3A] : memref<64x16xf32, #tpu.memory_space<vmem>>[vector<16xi32>, vector<16xi32>], vector<16xf32>,
      %gather3A_2087 = tpu.vector_load_idx %arg8[%add3A_2075, %iota3A] : memref<64x16xf32, #tpu.memory_space<vmem>>[vector<16xi32>, vector<16xi32>], vector<16xf32>,
      %gather3A_2088 = tpu.vector_load_idx %arg8[%add3A_2078, %iota3A] : memref<64x16xf32, #tpu.memory_space<vmem>>[vector<16xi32>, vector<16xi32>], vector<16xf32>,
      %gather3A_2089 = tpu.vector_load_idx %arg8[%add3A_2081, %iota3A] : memref<64x16xf32, #tpu.memory_space<vmem>>[vector<16xi32>, vector<16xi32>], vector<16xf32>,
      %broadcast_in_dim3A_2090 = arith.constant 64 : i32
      %broadcast_in_dim3A_2091 = vector.broadcast %broadcast_in_dim3A_2090 : i32 to vector<16xi32>
      %eq3A_2092 = arith.cmpf oeq, %gather3A_2082, %max3A_1996 : vector<16xf32>
      %jit3A_2093 = arith.constant 64 : i32
      %broadcast_in_dim3A_2094 = vector.broadcast %jit3A_2093 : i32 to vector<16xi32>
      %select_n3A_2095 = arith.select %eq3A_2092, %add3A_2060, %broadcast_in_dim3A_2094 : vector<16xi1>, vector<16xi32>
      %min3A_2096 = arith.minsi %broadcast_in_dim3A_2091, %select_n3A_2095 : vector<16xi32>
      %eq3A_2097 = arith.cmpf oeq, %gather3A_2083, %max3A_1996 : vector<16xf32>
      %jit3A_2098 = arith.constant 64 : i32
      %broadcast_in_dim3A_2099 = vector.broadcast %jit3A_2098 : i32 to vector<16xi32>
      %select_n3A_2100 = arith.select %eq3A_2097, %add3A_2063, %broadcast_in_dim3A_2099 : vector<16xi1>, vector<16xi32>
      %min3A_2101 = arith.minsi %min3A_2096, %select_n3A_2100 : vector<16xi32>
      %eq3A_2102 = arith.cmpf oeq, %gather3A_2084, %max3A_1996 : vector<16xf32>
      %jit3A_2103 = arith.constant 64 : i32
      %broadcast_in_dim3A_2104 = vector.broadcast %jit3A_2103 : i32 to vector<16xi32>
      %select_n3A_2105 = arith.select %eq3A_2102, %add3A_2066, %broadcast_in_dim3A_2104 : vector<16xi1>, vector<16xi32>
      %min3A_2106 = arith.minsi %min3A_2101, %select_n3A_2105 : vector<16xi32>
      %eq3A_2107 = arith.cmpf oeq, %gather3A_2085, %max3A_1996 : vector<16xf32>
      %jit3A_2108 = arith.constant 64 : i32
      %broadcast_in_dim3A_2109 = vector.broadcast %jit3A_2108 : i32 to vector<16xi32>
      %select_n3A_2110 = arith.select %eq3A_2107, %add3A_2069, %broadcast_in_dim3A_2109 : vector<16xi1>, vector<16xi32>
      %min3A_2111 = arith.minsi %min3A_2106, %select_n3A_2110 : vector<16xi32>
      %eq3A_2112 = arith.cmpf oeq, %gather3A_2086, %max3A_1996 : vector<16xf32>
      %jit3A_2113 = arith.constant 64 : i32
      %broadcast_in_dim3A_2114 = vector.broadcast %jit3A_2113 : i32 to vector<16xi32>
      %select_n3A_2115 = arith.select %eq3A_2112, %add3A_2072, %broadcast_in_dim3A_2114 : vector<16xi1>, vector<16xi32>
      %min3A_2116 = arith.minsi %min3A_2111, %select_n3A_2115 : vector<16xi32>
      %eq3A_2117 = arith.cmpf oeq, %gather3A_2087, %max3A_1996 : vector<16xf32>
      %jit3A_2118 = arith.constant 64 : i32
      %broadcast_in_dim3A_2119 = vector.broadcast %jit3A_2118 : i32 to vector<16xi32>
      %select_n3A_2120 = arith.select %eq3A_2117, %add3A_2075, %broadcast_in_dim3A_2119 : vector<16xi1>, vector<16xi32>
      %min3A_2121 = arith.minsi %min3A_2116, %select_n3A_2120 : vector<16xi32>
      %eq3A_2122 = arith.cmpf oeq, %gather3A_2088, %max3A_1996 : vector<16xf32>
      %jit3A_2123 = arith.constant 64 : i32
      %broadcast_in_dim3A_2124 = vector.broadcast %jit3A_2123 : i32 to vector<16xi32>
      %select_n3A_2125 = arith.select %eq3A_2122, %add3A_2078, %broadcast_in_dim3A_2124 : vector<16xi1>, vector<16xi32>
      %min3A_2126 = arith.minsi %min3A_2121, %select_n3A_2125 : vector<16xi32>
      %eq3A_2127 = arith.cmpf oeq, %gather3A_2089, %max3A_1996 : vector<16xf32>
      %jit3A_2128 = arith.constant 64 : i32
      %broadcast_in_dim3A_2129 = vector.broadcast %jit3A_2128 : i32 to vector<16xi32>
      %select_n3A_2130 = arith.select %eq3A_2127, %add3A_2081, %broadcast_in_dim3A_2129 : vector<16xi1>, vector<16xi32>
      %min3A_2131 = arith.minsi %min3A_2126, %select_n3A_2130 : vector<16xi32>
      %add3A_2132 = vector.broadcast %multiple_of3A : i32 to vector<16xi32>
      %add3A_2133 = arith.addi %add3A_2132, %iota3A : vector<16xi32>
      %gather3A_2134 = tpu.vector_load_idx %arg6[%min3A_2131, %add3A_2133] : memref<64x512xf32, #tpu.memory_space<vmem>>[vector<16xi32>, vector<16xi32>], vector<16xf32>,
      %gather3A_2135 = tpu.vector_load_idx %arg7[%min3A_2131] : memref<64xf32, #tpu.memory_space<vmem>>[vector<16xi32>], vector<16xf32>,
      %sub3A_2136 = arith.subf %gather3A_2134, %gather3A_2135 : vector<16xf32>
      %broadcast_in_dim3A_2137 = arith.constant 0xFF800000 : f32
      %broadcast_in_dim3A_2138 = vector.broadcast %broadcast_in_dim3A_2137 : f32 to vector<16xf32>
      tpu.vector_store_idx %arg8[%min3A_2131, %iota3A], %broadcast_in_dim3A_2138 : memref<64x16xf32, #tpu.memory_space<vmem>>[vector<16xi32>, vector<16xi32>], vector<16xf32>,
      %broadcast_in_dim3A_2139 = arith.constant 0xFF800000 : f32
      %broadcast_in_dim3A_2140 = vector.broadcast %broadcast_in_dim3A_2139 : f32 to vector<16xf32>
      %eq3A_2141 = arith.cmpi eq, %min3A_2131, %add3A_2060 : vector<16xi32>
      %jit3A_2142 = arith.constant 0xFF800000 : f32
      %broadcast_in_dim3A_2143 = vector.broadcast %jit3A_2142 : f32 to vector<16xf32>
      %select_n3A_2144 = arith.select %eq3A_2141, %broadcast_in_dim3A_2143, %gather3A_2082 : vector<16xi1>, vector<16xf32>
      %max3A_2145 = arith.maximumf %broadcast_in_dim3A_2140, %select_n3A_2144 : vector<16xf32>
      %eq3A_2146 = arith.cmpi eq, %min3A_2131, %add3A_2063 : vector<16xi32>
      %jit3A_2147 = arith.constant 0xFF800000 : f32
      %broadcast_in_dim3A_2148 = vector.broadcast %jit3A_2147 : f32 to vector<16xf32>
      %select_n3A_2149 = arith.select %eq3A_2146, %broadcast_in_dim3A_2148, %gather3A_2083 : vector<16xi1>, vector<16xf32>
      %max3A_2150 = arith.maximumf %max3A_2145, %select_n3A_2149 : vector<16xf32>
      %eq3A_2151 = arith.cmpi eq, %min3A_2131, %add3A_2066 : vector<16xi32>
      %jit3A_2152 = arith.constant 0xFF800000 : f32
      %broadcast_in_dim3A_2153 = vector.broadcast %jit3A_2152 : f32 to vector<16xf32>
      %select_n3A_2154 = arith.select %eq3A_2151, %broadcast_in_dim3A_2153, %gather3A_2084 : vector<16xi1>, vector<16xf32>
      %max3A_2155 = arith.maximumf %max3A_2150, %select_n3A_2154 : vector<16xf32>
      %eq3A_2156 = arith.cmpi eq, %min3A_2131, %add3A_2069 : vector<16xi32>
      %jit3A_2157 = arith.constant 0xFF800000 : f32
      %broadcast_in_dim3A_2158 = vector.broadcast %jit3A_2157 : f32 to vector<16xf32>
      %select_n3A_2159 = arith.select %eq3A_2156, %broadcast_in_dim3A_2158, %gather3A_2085 : vector<16xi1>, vector<16xf32>
      %max3A_2160 = arith.maximumf %max3A_2155, %select_n3A_2159 : vector<16xf32>
      %eq3A_2161 = arith.cmpi eq, %min3A_2131, %add3A_2072 : vector<16xi32>
      %jit3A_2162 = arith.constant 0xFF800000 : f32
      %broadcast_in_dim3A_2163 = vector.broadcast %jit3A_2162 : f32 to vector<16xf32>
      %select_n3A_2164 = arith.select %eq3A_2161, %broadcast_in_dim3A_2163, %gather3A_2086 : vector<16xi1>, vector<16xf32>
      %max3A_2165 = arith.maximumf %max3A_2160, %select_n3A_2164 : vector<16xf32>
      %eq3A_2166 = arith.cmpi eq, %min3A_2131, %add3A_2075 : vector<16xi32>
      %jit3A_2167 = arith.constant 0xFF800000 : f32
      %broadcast_in_dim3A_2168 = vector.broadcast %jit3A_2167 : f32 to vector<16xf32>
      %select_n3A_2169 = arith.select %eq3A_2166, %broadcast_in_dim3A_2168, %gather3A_2087 : vector<16xi1>, vector<16xf32>
      %max3A_2170 = arith.maximumf %max3A_2165, %select_n3A_2169 : vector<16xf32>
      %eq3A_2171 = arith.cmpi eq, %min3A_2131, %add3A_2078 : vector<16xi32>
      %jit3A_2172 = arith.constant 0xFF800000 : f32
      %broadcast_in_dim3A_2173 = vector.broadcast %jit3A_2172 : f32 to vector<16xf32>
      %select_n3A_2174 = arith.select %eq3A_2171, %broadcast_in_dim3A_2173, %gather3A_2088 : vector<16xi1>, vector<16xf32>
      %max3A_2175 = arith.maximumf %max3A_2170, %select_n3A_2174 : vector<16xf32>
      %eq3A_2176 = arith.cmpi eq, %min3A_2131, %add3A_2081 : vector<16xi32>
      %jit3A_2177 = arith.constant 0xFF800000 : f32
      %broadcast_in_dim3A_2178 = vector.broadcast %jit3A_2177 : f32 to vector<16xf32>
      %select_n3A_2179 = arith.select %eq3A_2176, %broadcast_in_dim3A_2178, %gather3A_2089 : vector<16xi1>, vector<16xf32>
      %max3A_2180 = arith.maximumf %max3A_2175, %select_n3A_2179 : vector<16xf32>
      %eq3A_2181 = arith.constant 0 : i32
      %eq3A_2182 = vector.broadcast %eq3A_2181 : i32 to vector<16xi32>
      %eq3A_2183 = arith.cmpi eq, %min3A_2054, %eq3A_2182 : vector<16xi32>
      %select_n3A_2184 = arith.select %eq3A_2183, %max3A_2180, %select_n3A_1961 : vector<16xi1>, vector<16xf32>
      %eq3A_2185 = arith.constant 1 : i32
      %eq3A_2186 = vector.broadcast %eq3A_2185 : i32 to vector<16xi32>
      %eq3A_2187 = arith.cmpi eq, %min3A_2054, %eq3A_2186 : vector<16xi32>
      %select_n3A_2188 = arith.select %eq3A_2187, %max3A_2180, %select_n3A_1965 : vector<16xi1>, vector<16xf32>
      %eq3A_2189 = arith.constant 2 : i32
      %eq3A_2190 = vector.broadcast %eq3A_2189 : i32 to vector<16xi32>
      %eq3A_2191 = arith.cmpi eq, %min3A_2054, %eq3A_2190 : vector<16xi32>
      %select_n3A_2192 = arith.select %eq3A_2191, %max3A_2180, %select_n3A_1969 : vector<16xi1>, vector<16xf32>
      %eq3A_2193 = arith.constant 3 : i32
      %eq3A_2194 = vector.broadcast %eq3A_2193 : i32 to vector<16xi32>
      %eq3A_2195 = arith.cmpi eq, %min3A_2054, %eq3A_2194 : vector<16xi32>
      %select_n3A_2196 = arith.select %eq3A_2195, %max3A_2180, %select_n3A_1973 : vector<16xi1>, vector<16xf32>
      %eq3A_2197 = arith.constant 4 : i32
      %eq3A_2198 = vector.broadcast %eq3A_2197 : i32 to vector<16xi32>
      %eq3A_2199 = arith.cmpi eq, %min3A_2054, %eq3A_2198 : vector<16xi32>
      %select_n3A_2200 = arith.select %eq3A_2199, %max3A_2180, %select_n3A_1977 : vector<16xi1>, vector<16xf32>
      %eq3A_2201 = arith.constant 5 : i32
      %eq3A_2202 = vector.broadcast %eq3A_2201 : i32 to vector<16xi32>
      %eq3A_2203 = arith.cmpi eq, %min3A_2054, %eq3A_2202 : vector<16xi32>
      %select_n3A_2204 = arith.select %eq3A_2203, %max3A_2180, %select_n3A_1981 : vector<16xi1>, vector<16xf32>
      %eq3A_2205 = arith.constant 6 : i32
      %eq3A_2206 = vector.broadcast %eq3A_2205 : i32 to vector<16xi32>
      %eq3A_2207 = arith.cmpi eq, %min3A_2054, %eq3A_2206 : vector<16xi32>
      %select_n3A_2208 = arith.select %eq3A_2207, %max3A_2180, %select_n3A_1985 : vector<16xi1>, vector<16xf32>
      %eq3A_2209 = arith.constant 7 : i32
      %eq3A_2210 = vector.broadcast %eq3A_2209 : i32 to vector<16xi32>
      %eq3A_2211 = arith.cmpi eq, %min3A_2054, %eq3A_2210 : vector<16xi32>
      %select_n3A_2212 = arith.select %eq3A_2211, %max3A_2180, %select_n3A_1989 : vector<16xi1>, vector<16xf32>
      %max3A_2213 = arith.maximumf %select_n3A_2184, %select_n3A_2188 : vector<16xf32>
      %max3A_2214 = arith.maximumf %max3A_2213, %select_n3A_2192 : vector<16xf32>
      %max3A_2215 = arith.maximumf %max3A_2214, %select_n3A_2196 : vector<16xf32>
      %max3A_2216 = arith.maximumf %max3A_2215, %select_n3A_2200 : vector<16xf32>
      %max3A_2217 = arith.maximumf %max3A_2216, %select_n3A_2204 : vector<16xf32>
      %max3A_2218 = arith.maximumf %max3A_2217, %select_n3A_2208 : vector<16xf32>
      %max3A_2219 = arith.maximumf %max3A_2218, %select_n3A_2212 : vector<16xf32>
      %broadcast_in_dim3A_2220 = arith.constant 8 : i32
      %broadcast_in_dim3A_2221 = vector.broadcast %broadcast_in_dim3A_2220 : i32 to vector<16xi32>
      %eq3A_2222 = arith.cmpf oeq, %select_n3A_2184, %max3A_2219 : vector<16xf32>
      %jit3A_2223 = arith.constant 0 : i32
      %jit3A_2224 = arith.constant 8 : i32
      %broadcast_in_dim3A_2225 = vector.broadcast %jit3A_2223 : i32 to vector<16xi32>
      %broadcast_in_dim3A_2226 = vector.broadcast %jit3A_2224 : i32 to vector<16xi32>
      %select_n3A_2227 = arith.select %eq3A_2222, %broadcast_in_dim3A_2225, %broadcast_in_dim3A_2226 : vector<16xi1>, vector<16xi32>
      %min3A_2228 = arith.minsi %broadcast_in_dim3A_2221, %select_n3A_2227 : vector<16xi32>
      %eq3A_2229 = arith.cmpf oeq, %select_n3A_2188, %max3A_2219 : vector<16xf32>
      %jit3A_2230 = arith.constant 1 : i32
      %jit3A_2231 = arith.constant 8 : i32
      %broadcast_in_dim3A_2232 = vector.broadcast %jit3A_2230 : i32 to vector<16xi32>
      %broadcast_in_dim3A_2233 = vector.broadcast %jit3A_2231 : i32 to vector<16xi32>
      %select_n3A_2234 = arith.select %eq3A_2229, %broadcast_in_dim3A_2232, %broadcast_in_dim3A_2233 : vector<16xi1>, vector<16xi32>
      %min3A_2235 = arith.minsi %min3A_2228, %select_n3A_2234 : vector<16xi32>
      %eq3A_2236 = arith.cmpf oeq, %select_n3A_2192, %max3A_2219 : vector<16xf32>
      %jit3A_2237 = arith.constant 2 : i32
      %jit3A_2238 = arith.constant 8 : i32
      %broadcast_in_dim3A_2239 = vector.broadcast %jit3A_2237 : i32 to vector<16xi32>
      %broadcast_in_dim3A_2240 = vector.broadcast %jit3A_2238 : i32 to vector<16xi32>
      %select_n3A_2241 = arith.select %eq3A_2236, %broadcast_in_dim3A_2239, %broadcast_in_dim3A_2240 : vector<16xi1>, vector<16xi32>
      %min3A_2242 = arith.minsi %min3A_2235, %select_n3A_2241 : vector<16xi32>
      %eq3A_2243 = arith.cmpf oeq, %select_n3A_2196, %max3A_2219 : vector<16xf32>
      %jit3A_2244 = arith.constant 3 : i32
      %jit3A_2245 = arith.constant 8 : i32
      %broadcast_in_dim3A_2246 = vector.broadcast %jit3A_2244 : i32 to vector<16xi32>
      %broadcast_in_dim3A_2247 = vector.broadcast %jit3A_2245 : i32 to vector<16xi32>
      %select_n3A_2248 = arith.select %eq3A_2243, %broadcast_in_dim3A_2246, %broadcast_in_dim3A_2247 : vector<16xi1>, vector<16xi32>
      %min3A_2249 = arith.minsi %min3A_2242, %select_n3A_2248 : vector<16xi32>
      %eq3A_2250 = arith.cmpf oeq, %select_n3A_2200, %max3A_2219 : vector<16xf32>
      %jit3A_2251 = arith.constant 4 : i32
      %jit3A_2252 = arith.constant 8 : i32
      %broadcast_in_dim3A_2253 = vector.broadcast %jit3A_2251 : i32 to vector<16xi32>
      %broadcast_in_dim3A_2254 = vector.broadcast %jit3A_2252 : i32 to vector<16xi32>
      %select_n3A_2255 = arith.select %eq3A_2250, %broadcast_in_dim3A_2253, %broadcast_in_dim3A_2254 : vector<16xi1>, vector<16xi32>
      %min3A_2256 = arith.minsi %min3A_2249, %select_n3A_2255 : vector<16xi32>
      %eq3A_2257 = arith.cmpf oeq, %select_n3A_2204, %max3A_2219 : vector<16xf32>
      %jit3A_2258 = arith.constant 5 : i32
      %jit3A_2259 = arith.constant 8 : i32
      %broadcast_in_dim3A_2260 = vector.broadcast %jit3A_2258 : i32 to vector<16xi32>
      %broadcast_in_dim3A_2261 = vector.broadcast %jit3A_2259 : i32 to vector<16xi32>
      %select_n3A_2262 = arith.select %eq3A_2257, %broadcast_in_dim3A_2260, %broadcast_in_dim3A_2261 : vector<16xi1>, vector<16xi32>
      %min3A_2263 = arith.minsi %min3A_2256, %select_n3A_2262 : vector<16xi32>
      %eq3A_2264 = arith.cmpf oeq, %select_n3A_2208, %max3A_2219 : vector<16xf32>
      %jit3A_2265 = arith.constant 6 : i32
      %jit3A_2266 = arith.constant 8 : i32
      %broadcast_in_dim3A_2267 = vector.broadcast %jit3A_2265 : i32 to vector<16xi32>
      %broadcast_in_dim3A_2268 = vector.broadcast %jit3A_2266 : i32 to vector<16xi32>
      %select_n3A_2269 = arith.select %eq3A_2264, %broadcast_in_dim3A_2267, %broadcast_in_dim3A_2268 : vector<16xi1>, vector<16xi32>
      %min3A_2270 = arith.minsi %min3A_2263, %select_n3A_2269 : vector<16xi32>
      %eq3A_2271 = arith.cmpf oeq, %select_n3A_2212, %max3A_2219 : vector<16xf32>
      %jit3A_2272 = arith.constant 7 : i32
      %jit3A_2273 = arith.constant 8 : i32
      %broadcast_in_dim3A_2274 = vector.broadcast %jit3A_2272 : i32 to vector<16xi32>
      %broadcast_in_dim3A_2275 = vector.broadcast %jit3A_2273 : i32 to vector<16xi32>
      %select_n3A_2276 = arith.select %eq3A_2271, %broadcast_in_dim3A_2274, %broadcast_in_dim3A_2275 : vector<16xi1>, vector<16xi32>
      %min3A_2277 = arith.minsi %min3A_2270, %select_n3A_2276 : vector<16xi32>
      %mul3A_2278 = arith.constant 8 : i32
      %mul3A_2279 = vector.broadcast %mul3A_2278 : i32 to vector<16xi32>
      %mul3A_2280 = arith.muli %min3A_2277, %mul3A_2279 : vector<16xi32>
      %add3A_2281 = arith.constant 0 : i32
      %add3A_2282 = vector.broadcast %add3A_2281 : i32 to vector<16xi32>
      %add3A_2283 = arith.addi %mul3A_2280, %add3A_2282 : vector<16xi32>
      %add3A_2284 = arith.constant 1 : i32
      %add3A_2285 = vector.broadcast %add3A_2284 : i32 to vector<16xi32>
      %add3A_2286 = arith.addi %mul3A_2280, %add3A_2285 : vector<16xi32>
      %add3A_2287 = arith.constant 2 : i32
      %add3A_2288 = vector.broadcast %add3A_2287 : i32 to vector<16xi32>
      %add3A_2289 = arith.addi %mul3A_2280, %add3A_2288 : vector<16xi32>
      %add3A_2290 = arith.constant 3 : i32
      %add3A_2291 = vector.broadcast %add3A_2290 : i32 to vector<16xi32>
      %add3A_2292 = arith.addi %mul3A_2280, %add3A_2291 : vector<16xi32>
      %add3A_2293 = arith.constant 4 : i32
      %add3A_2294 = vector.broadcast %add3A_2293 : i32 to vector<16xi32>
      %add3A_2295 = arith.addi %mul3A_2280, %add3A_2294 : vector<16xi32>
      %add3A_2296 = arith.constant 5 : i32
      %add3A_2297 = vector.broadcast %add3A_2296 : i32 to vector<16xi32>
      %add3A_2298 = arith.addi %mul3A_2280, %add3A_2297 : vector<16xi32>
      %add3A_2299 = arith.constant 6 : i32
      %add3A_2300 = vector.broadcast %add3A_2299 : i32 to vector<16xi32>
      %add3A_2301 = arith.addi %mul3A_2280, %add3A_2300 : vector<16xi32>
      %add3A_2302 = arith.constant 7 : i32
      %add3A_2303 = vector.broadcast %add3A_2302 : i32 to vector<16xi32>
      %add3A_2304 = arith.addi %mul3A_2280, %add3A_2303 : vector<16xi32>
      %gather3A_2305 = tpu.vector_load_idx %arg8[%add3A_2283, %iota3A] : memref<64x16xf32, #tpu.memory_space<vmem>>[vector<16xi32>, vector<16xi32>], vector<16xf32>,
      %gather3A_2306 = tpu.vector_load_idx %arg8[%add3A_2286, %iota3A] : memref<64x16xf32, #tpu.memory_space<vmem>>[vector<16xi32>, vector<16xi32>], vector<16xf32>,
      %gather3A_2307 = tpu.vector_load_idx %arg8[%add3A_2289, %iota3A] : memref<64x16xf32, #tpu.memory_space<vmem>>[vector<16xi32>, vector<16xi32>], vector<16xf32>,
      %gather3A_2308 = tpu.vector_load_idx %arg8[%add3A_2292, %iota3A] : memref<64x16xf32, #tpu.memory_space<vmem>>[vector<16xi32>, vector<16xi32>], vector<16xf32>,
      %gather3A_2309 = tpu.vector_load_idx %arg8[%add3A_2295, %iota3A] : memref<64x16xf32, #tpu.memory_space<vmem>>[vector<16xi32>, vector<16xi32>], vector<16xf32>,
      %gather3A_2310 = tpu.vector_load_idx %arg8[%add3A_2298, %iota3A] : memref<64x16xf32, #tpu.memory_space<vmem>>[vector<16xi32>, vector<16xi32>], vector<16xf32>,
      %gather3A_2311 = tpu.vector_load_idx %arg8[%add3A_2301, %iota3A] : memref<64x16xf32, #tpu.memory_space<vmem>>[vector<16xi32>, vector<16xi32>], vector<16xf32>,
      %gather3A_2312 = tpu.vector_load_idx %arg8[%add3A_2304, %iota3A] : memref<64x16xf32, #tpu.memory_space<vmem>>[vector<16xi32>, vector<16xi32>], vector<16xf32>,
      %broadcast_in_dim3A_2313 = arith.constant 64 : i32
      %broadcast_in_dim3A_2314 = vector.broadcast %broadcast_in_dim3A_2313 : i32 to vector<16xi32>
      %eq3A_2315 = arith.cmpf oeq, %gather3A_2305, %max3A_2219 : vector<16xf32>
      %jit3A_2316 = arith.constant 64 : i32
      %broadcast_in_dim3A_2317 = vector.broadcast %jit3A_2316 : i32 to vector<16xi32>
      %select_n3A_2318 = arith.select %eq3A_2315, %add3A_2283, %broadcast_in_dim3A_2317 : vector<16xi1>, vector<16xi32>
      %min3A_2319 = arith.minsi %broadcast_in_dim3A_2314, %select_n3A_2318 : vector<16xi32>
      %eq3A_2320 = arith.cmpf oeq, %gather3A_2306, %max3A_2219 : vector<16xf32>
      %jit3A_2321 = arith.constant 64 : i32
      %broadcast_in_dim3A_2322 = vector.broadcast %jit3A_2321 : i32 to vector<16xi32>
      %select_n3A_2323 = arith.select %eq3A_2320, %add3A_2286, %broadcast_in_dim3A_2322 : vector<16xi1>, vector<16xi32>
      %min3A_2324 = arith.minsi %min3A_2319, %select_n3A_2323 : vector<16xi32>
      %eq3A_2325 = arith.cmpf oeq, %gather3A_2307, %max3A_2219 : vector<16xf32>
      %jit3A_2326 = arith.constant 64 : i32
      %broadcast_in_dim3A_2327 = vector.broadcast %jit3A_2326 : i32 to vector<16xi32>
      %select_n3A_2328 = arith.select %eq3A_2325, %add3A_2289, %broadcast_in_dim3A_2327 : vector<16xi1>, vector<16xi32>
      %min3A_2329 = arith.minsi %min3A_2324, %select_n3A_2328 : vector<16xi32>
      %eq3A_2330 = arith.cmpf oeq, %gather3A_2308, %max3A_2219 : vector<16xf32>
      %jit3A_2331 = arith.constant 64 : i32
      %broadcast_in_dim3A_2332 = vector.broadcast %jit3A_2331 : i32 to vector<16xi32>
      %select_n3A_2333 = arith.select %eq3A_2330, %add3A_2292, %broadcast_in_dim3A_2332 : vector<16xi1>, vector<16xi32>
      %min3A_2334 = arith.minsi %min3A_2329, %select_n3A_2333 : vector<16xi32>
      %eq3A_2335 = arith.cmpf oeq, %gather3A_2309, %max3A_2219 : vector<16xf32>
      %jit3A_2336 = arith.constant 64 : i32
      %broadcast_in_dim3A_2337 = vector.broadcast %jit3A_2336 : i32 to vector<16xi32>
      %select_n3A_2338 = arith.select %eq3A_2335, %add3A_2295, %broadcast_in_dim3A_2337 : vector<16xi1>, vector<16xi32>
      %min3A_2339 = arith.minsi %min3A_2334, %select_n3A_2338 : vector<16xi32>
      %eq3A_2340 = arith.cmpf oeq, %gather3A_2310, %max3A_2219 : vector<16xf32>
      %jit3A_2341 = arith.constant 64 : i32
      %broadcast_in_dim3A_2342 = vector.broadcast %jit3A_2341 : i32 to vector<16xi32>
      %select_n3A_2343 = arith.select %eq3A_2340, %add3A_2298, %broadcast_in_dim3A_2342 : vector<16xi1>, vector<16xi32>
      %min3A_2344 = arith.minsi %min3A_2339, %select_n3A_2343 : vector<16xi32>
      %eq3A_2345 = arith.cmpf oeq, %gather3A_2311, %max3A_2219 : vector<16xf32>
      %jit3A_2346 = arith.constant 64 : i32
      %broadcast_in_dim3A_2347 = vector.broadcast %jit3A_2346 : i32 to vector<16xi32>
      %select_n3A_2348 = arith.select %eq3A_2345, %add3A_2301, %broadcast_in_dim3A_2347 : vector<16xi1>, vector<16xi32>
      %min3A_2349 = arith.minsi %min3A_2344, %select_n3A_2348 : vector<16xi32>
      %eq3A_2350 = arith.cmpf oeq, %gather3A_2312, %max3A_2219 : vector<16xf32>
      %jit3A_2351 = arith.constant 64 : i32
      %broadcast_in_dim3A_2352 = vector.broadcast %jit3A_2351 : i32 to vector<16xi32>
      %select_n3A_2353 = arith.select %eq3A_2350, %add3A_2304, %broadcast_in_dim3A_2352 : vector<16xi1>, vector<16xi32>
      %min3A_2354 = arith.minsi %min3A_2349, %select_n3A_2353 : vector<16xi32>
      %add3A_2355 = vector.broadcast %multiple_of3A : i32 to vector<16xi32>
      %add3A_2356 = arith.addi %add3A_2355, %iota3A : vector<16xi32>
      %gather3A_2357 = tpu.vector_load_idx %arg6[%min3A_2354, %add3A_2356] : memref<64x512xf32, #tpu.memory_space<vmem>>[vector<16xi32>, vector<16xi32>], vector<16xf32>,
      %gather3A_2358 = tpu.vector_load_idx %arg7[%min3A_2354] : memref<64xf32, #tpu.memory_space<vmem>>[vector<16xi32>], vector<16xf32>,
      %sub3A_2359 = arith.subf %gather3A_2357, %gather3A_2358 : vector<16xf32>
      %broadcast_in_dim3A_2360 = arith.constant 0xFF800000 : f32
      %broadcast_in_dim3A_2361 = vector.broadcast %broadcast_in_dim3A_2360 : f32 to vector<16xf32>
      tpu.vector_store_idx %arg8[%min3A_2354, %iota3A], %broadcast_in_dim3A_2361 : memref<64x16xf32, #tpu.memory_space<vmem>>[vector<16xi32>, vector<16xi32>], vector<16xf32>,
      %broadcast_in_dim3A_2362 = arith.constant 0xFF800000 : f32
      %broadcast_in_dim3A_2363 = vector.broadcast %broadcast_in_dim3A_2362 : f32 to vector<16xf32>
      %eq3A_2364 = arith.cmpi eq, %min3A_2354, %add3A_2283 : vector<16xi32>
      %jit3A_2365 = arith.constant 0xFF800000 : f32
      %broadcast_in_dim3A_2366 = vector.broadcast %jit3A_2365 : f32 to vector<16xf32>
      %select_n3A_2367 = arith.select %eq3A_2364, %broadcast_in_dim3A_2366, %gather3A_2305 : vector<16xi1>, vector<16xf32>
      %max3A_2368 = arith.maximumf %broadcast_in_dim3A_2363, %select_n3A_2367 : vector<16xf32>
      %eq3A_2369 = arith.cmpi eq, %min3A_2354, %add3A_2286 : vector<16xi32>
      %jit3A_2370 = arith.constant 0xFF800000 : f32
      %broadcast_in_dim3A_2371 = vector.broadcast %jit3A_2370 : f32 to vector<16xf32>
      %select_n3A_2372 = arith.select %eq3A_2369, %broadcast_in_dim3A_2371, %gather3A_2306 : vector<16xi1>, vector<16xf32>
      %max3A_2373 = arith.maximumf %max3A_2368, %select_n3A_2372 : vector<16xf32>
      %eq3A_2374 = arith.cmpi eq, %min3A_2354, %add3A_2289 : vector<16xi32>
      %jit3A_2375 = arith.constant 0xFF800000 : f32
      %broadcast_in_dim3A_2376 = vector.broadcast %jit3A_2375 : f32 to vector<16xf32>
      %select_n3A_2377 = arith.select %eq3A_2374, %broadcast_in_dim3A_2376, %gather3A_2307 : vector<16xi1>, vector<16xf32>
      %max3A_2378 = arith.maximumf %max3A_2373, %select_n3A_2377 : vector<16xf32>
      %eq3A_2379 = arith.cmpi eq, %min3A_2354, %add3A_2292 : vector<16xi32>
      %jit3A_2380 = arith.constant 0xFF800000 : f32
      %broadcast_in_dim3A_2381 = vector.broadcast %jit3A_2380 : f32 to vector<16xf32>
      %select_n3A_2382 = arith.select %eq3A_2379, %broadcast_in_dim3A_2381, %gather3A_2308 : vector<16xi1>, vector<16xf32>
      %max3A_2383 = arith.maximumf %max3A_2378, %select_n3A_2382 : vector<16xf32>
      %eq3A_2384 = arith.cmpi eq, %min3A_2354, %add3A_2295 : vector<16xi32>
      %jit3A_2385 = arith.constant 0xFF800000 : f32
      %broadcast_in_dim3A_2386 = vector.broadcast %jit3A_2385 : f32 to vector<16xf32>
      %select_n3A_2387 = arith.select %eq3A_2384, %broadcast_in_dim3A_2386, %gather3A_2309 : vector<16xi1>, vector<16xf32>
      %max3A_2388 = arith.maximumf %max3A_2383, %select_n3A_2387 : vector<16xf32>
      %eq3A_2389 = arith.cmpi eq, %min3A_2354, %add3A_2298 : vector<16xi32>
      %jit3A_2390 = arith.constant 0xFF800000 : f32
      %broadcast_in_dim3A_2391 = vector.broadcast %jit3A_2390 : f32 to vector<16xf32>
      %select_n3A_2392 = arith.select %eq3A_2389, %broadcast_in_dim3A_2391, %gather3A_2310 : vector<16xi1>, vector<16xf32>
      %max3A_2393 = arith.maximumf %max3A_2388, %select_n3A_2392 : vector<16xf32>
      %eq3A_2394 = arith.cmpi eq, %min3A_2354, %add3A_2301 : vector<16xi32>
      %jit3A_2395 = arith.constant 0xFF800000 : f32
      %broadcast_in_dim3A_2396 = vector.broadcast %jit3A_2395 : f32 to vector<16xf32>
      %select_n3A_2397 = arith.select %eq3A_2394, %broadcast_in_dim3A_2396, %gather3A_2311 : vector<16xi1>, vector<16xf32>
      %max3A_2398 = arith.maximumf %max3A_2393, %select_n3A_2397 : vector<16xf32>
      %eq3A_2399 = arith.cmpi eq, %min3A_2354, %add3A_2304 : vector<16xi32>
      %jit3A_2400 = arith.constant 0xFF800000 : f32
      %broadcast_in_dim3A_2401 = vector.broadcast %jit3A_2400 : f32 to vector<16xf32>
      %select_n3A_2402 = arith.select %eq3A_2399, %broadcast_in_dim3A_2401, %gather3A_2312 : vector<16xi1>, vector<16xf32>
      %max3A_2403 = arith.maximumf %max3A_2398, %select_n3A_2402 : vector<16xf32>
      %eq3A_2404 = arith.constant 0 : i32
      %eq3A_2405 = vector.broadcast %eq3A_2404 : i32 to vector<16xi32>
      %eq3A_2406 = arith.cmpi eq, %min3A_2277, %eq3A_2405 : vector<16xi32>
      %select_n3A_2407 = arith.select %eq3A_2406, %max3A_2403, %select_n3A_2184 : vector<16xi1>, vector<16xf32>
      %eq3A_2408 = arith.constant 1 : i32
      %eq3A_2409 = vector.broadcast %eq3A_2408 : i32 to vector<16xi32>
      %eq3A_2410 = arith.cmpi eq, %min3A_2277, %eq3A_2409 : vector<16xi32>
      %select_n3A_2411 = arith.select %eq3A_2410, %max3A_2403, %select_n3A_2188 : vector<16xi1>, vector<16xf32>
      %eq3A_2412 = arith.constant 2 : i32
      %eq3A_2413 = vector.broadcast %eq3A_2412 : i32 to vector<16xi32>
      %eq3A_2414 = arith.cmpi eq, %min3A_2277, %eq3A_2413 : vector<16xi32>
      %select_n3A_2415 = arith.select %eq3A_2414, %max3A_2403, %select_n3A_2192 : vector<16xi1>, vector<16xf32>
      %eq3A_2416 = arith.constant 3 : i32
      %eq3A_2417 = vector.broadcast %eq3A_2416 : i32 to vector<16xi32>
      %eq3A_2418 = arith.cmpi eq, %min3A_2277, %eq3A_2417 : vector<16xi32>
      %select_n3A_2419 = arith.select %eq3A_2418, %max3A_2403, %select_n3A_2196 : vector<16xi1>, vector<16xf32>
      %eq3A_2420 = arith.constant 4 : i32
      %eq3A_2421 = vector.broadcast %eq3A_2420 : i32 to vector<16xi32>
      %eq3A_2422 = arith.cmpi eq, %min3A_2277, %eq3A_2421 : vector<16xi32>
      %select_n3A_2423 = arith.select %eq3A_2422, %max3A_2403, %select_n3A_2200 : vector<16xi1>, vector<16xf32>
      %eq3A_2424 = arith.constant 5 : i32
      %eq3A_2425 = vector.broadcast %eq3A_2424 : i32 to vector<16xi32>
      %eq3A_2426 = arith.cmpi eq, %min3A_2277, %eq3A_2425 : vector<16xi32>
      %select_n3A_2427 = arith.select %eq3A_2426, %max3A_2403, %select_n3A_2204 : vector<16xi1>, vector<16xf32>
      %eq3A_2428 = arith.constant 6 : i32
      %eq3A_2429 = vector.broadcast %eq3A_2428 : i32 to vector<16xi32>
      %eq3A_2430 = arith.cmpi eq, %min3A_2277, %eq3A_2429 : vector<16xi32>
      %select_n3A_2431 = arith.select %eq3A_2430, %max3A_2403, %select_n3A_2208 : vector<16xi1>, vector<16xf32>
      %eq3A_2432 = arith.constant 7 : i32
      %eq3A_2433 = vector.broadcast %eq3A_2432 : i32 to vector<16xi32>
      %eq3A_2434 = arith.cmpi eq, %min3A_2277, %eq3A_2433 : vector<16xi32>
      %select_n3A_2435 = arith.select %eq3A_2434, %max3A_2403, %select_n3A_2212 : vector<16xi1>, vector<16xf32>
      %max3A_2436 = arith.maximumf %select_n3A_2407, %select_n3A_2411 : vector<16xf32>
      %max3A_2437 = arith.maximumf %max3A_2436, %select_n3A_2415 : vector<16xf32>
      %max3A_2438 = arith.maximumf %max3A_2437, %select_n3A_2419 : vector<16xf32>
      %max3A_2439 = arith.maximumf %max3A_2438, %select_n3A_2423 : vector<16xf32>
      %max3A_2440 = arith.maximumf %max3A_2439, %select_n3A_2427 : vector<16xf32>
      %max3A_2441 = arith.maximumf %max3A_2440, %select_n3A_2431 : vector<16xf32>
      %max3A_2442 = arith.maximumf %max3A_2441, %select_n3A_2435 : vector<16xf32>
      %broadcast_in_dim3A_2443 = arith.constant 8 : i32
      %broadcast_in_dim3A_2444 = vector.broadcast %broadcast_in_dim3A_2443 : i32 to vector<16xi32>
      %eq3A_2445 = arith.cmpf oeq, %select_n3A_2407, %max3A_2442 : vector<16xf32>
      %jit3A_2446 = arith.constant 0 : i32
      %jit3A_2447 = arith.constant 8 : i32
      %broadcast_in_dim3A_2448 = vector.broadcast %jit3A_2446 : i32 to vector<16xi32>
      %broadcast_in_dim3A_2449 = vector.broadcast %jit3A_2447 : i32 to vector<16xi32>
      %select_n3A_2450 = arith.select %eq3A_2445, %broadcast_in_dim3A_2448, %broadcast_in_dim3A_2449 : vector<16xi1>, vector<16xi32>
      %min3A_2451 = arith.minsi %broadcast_in_dim3A_2444, %select_n3A_2450 : vector<16xi32>
      %eq3A_2452 = arith.cmpf oeq, %select_n3A_2411, %max3A_2442 : vector<16xf32>
      %jit3A_2453 = arith.constant 1 : i32
      %jit3A_2454 = arith.constant 8 : i32
      %broadcast_in_dim3A_2455 = vector.broadcast %jit3A_2453 : i32 to vector<16xi32>
      %broadcast_in_dim3A_2456 = vector.broadcast %jit3A_2454 : i32 to vector<16xi32>
      %select_n3A_2457 = arith.select %eq3A_2452, %broadcast_in_dim3A_2455, %broadcast_in_dim3A_2456 : vector<16xi1>, vector<16xi32>
      %min3A_2458 = arith.minsi %min3A_2451, %select_n3A_2457 : vector<16xi32>
      %eq3A_2459 = arith.cmpf oeq, %select_n3A_2415, %max3A_2442 : vector<16xf32>
      %jit3A_2460 = arith.constant 2 : i32
      %jit3A_2461 = arith.constant 8 : i32
      %broadcast_in_dim3A_2462 = vector.broadcast %jit3A_2460 : i32 to vector<16xi32>
      %broadcast_in_dim3A_2463 = vector.broadcast %jit3A_2461 : i32 to vector<16xi32>
      %select_n3A_2464 = arith.select %eq3A_2459, %broadcast_in_dim3A_2462, %broadcast_in_dim3A_2463 : vector<16xi1>, vector<16xi32>
      %min3A_2465 = arith.minsi %min3A_2458, %select_n3A_2464 : vector<16xi32>
      %eq3A_2466 = arith.cmpf oeq, %select_n3A_2419, %max3A_2442 : vector<16xf32>
      %jit3A_2467 = arith.constant 3 : i32
      %jit3A_2468 = arith.constant 8 : i32
      %broadcast_in_dim3A_2469 = vector.broadcast %jit3A_2467 : i32 to vector<16xi32>
      %broadcast_in_dim3A_2470 = vector.broadcast %jit3A_2468 : i32 to vector<16xi32>
      %select_n3A_2471 = arith.select %eq3A_2466, %broadcast_in_dim3A_2469, %broadcast_in_dim3A_2470 : vector<16xi1>, vector<16xi32>
      %min3A_2472 = arith.minsi %min3A_2465, %select_n3A_2471 : vector<16xi32>
      %eq3A_2473 = arith.cmpf oeq, %select_n3A_2423, %max3A_2442 : vector<16xf32>
      %jit3A_2474 = arith.constant 4 : i32
      %jit3A_2475 = arith.constant 8 : i32
      %broadcast_in_dim3A_2476 = vector.broadcast %jit3A_2474 : i32 to vector<16xi32>
      %broadcast_in_dim3A_2477 = vector.broadcast %jit3A_2475 : i32 to vector<16xi32>
      %select_n3A_2478 = arith.select %eq3A_2473, %broadcast_in_dim3A_2476, %broadcast_in_dim3A_2477 : vector<16xi1>, vector<16xi32>
      %min3A_2479 = arith.minsi %min3A_2472, %select_n3A_2478 : vector<16xi32>
      %eq3A_2480 = arith.cmpf oeq, %select_n3A_2427, %max3A_2442 : vector<16xf32>
      %jit3A_2481 = arith.constant 5 : i32
      %jit3A_2482 = arith.constant 8 : i32
      %broadcast_in_dim3A_2483 = vector.broadcast %jit3A_2481 : i32 to vector<16xi32>
      %broadcast_in_dim3A_2484 = vector.broadcast %jit3A_2482 : i32 to vector<16xi32>
      %select_n3A_2485 = arith.select %eq3A_2480, %broadcast_in_dim3A_2483, %broadcast_in_dim3A_2484 : vector<16xi1>, vector<16xi32>
      %min3A_2486 = arith.minsi %min3A_2479, %select_n3A_2485 : vector<16xi32>
      %eq3A_2487 = arith.cmpf oeq, %select_n3A_2431, %max3A_2442 : vector<16xf32>
      %jit3A_2488 = arith.constant 6 : i32
      %jit3A_2489 = arith.constant 8 : i32
      %broadcast_in_dim3A_2490 = vector.broadcast %jit3A_2488 : i32 to vector<16xi32>
      %broadcast_in_dim3A_2491 = vector.broadcast %jit3A_2489 : i32 to vector<16xi32>
      %select_n3A_2492 = arith.select %eq3A_2487, %broadcast_in_dim3A_2490, %broadcast_in_dim3A_2491 : vector<16xi1>, vector<16xi32>
      %min3A_2493 = arith.minsi %min3A_2486, %select_n3A_2492 : vector<16xi32>
      %eq3A_2494 = arith.cmpf oeq, %select_n3A_2435, %max3A_2442 : vector<16xf32>
      %jit3A_2495 = arith.constant 7 : i32
      %jit3A_2496 = arith.constant 8 : i32
      %broadcast_in_dim3A_2497 = vector.broadcast %jit3A_2495 : i32 to vector<16xi32>
      %broadcast_in_dim3A_2498 = vector.broadcast %jit3A_2496 : i32 to vector<16xi32>
      %select_n3A_2499 = arith.select %eq3A_2494, %broadcast_in_dim3A_2497, %broadcast_in_dim3A_2498 : vector<16xi1>, vector<16xi32>
      %min3A_2500 = arith.minsi %min3A_2493, %select_n3A_2499 : vector<16xi32>
      %mul3A_2501 = arith.constant 8 : i32
      %mul3A_2502 = vector.broadcast %mul3A_2501 : i32 to vector<16xi32>
      %mul3A_2503 = arith.muli %min3A_2500, %mul3A_2502 : vector<16xi32>
      %add3A_2504 = arith.constant 0 : i32
      %add3A_2505 = vector.broadcast %add3A_2504 : i32 to vector<16xi32>
      %add3A_2506 = arith.addi %mul3A_2503, %add3A_2505 : vector<16xi32>
      %add3A_2507 = arith.constant 1 : i32
      %add3A_2508 = vector.broadcast %add3A_2507 : i32 to vector<16xi32>
      %add3A_2509 = arith.addi %mul3A_2503, %add3A_2508 : vector<16xi32>
      %add3A_2510 = arith.constant 2 : i32
      %add3A_2511 = vector.broadcast %add3A_2510 : i32 to vector<16xi32>
      %add3A_2512 = arith.addi %mul3A_2503, %add3A_2511 : vector<16xi32>
      %add3A_2513 = arith.constant 3 : i32
      %add3A_2514 = vector.broadcast %add3A_2513 : i32 to vector<16xi32>
      %add3A_2515 = arith.addi %mul3A_2503, %add3A_2514 : vector<16xi32>
      %add3A_2516 = arith.constant 4 : i32
      %add3A_2517 = vector.broadcast %add3A_2516 : i32 to vector<16xi32>
      %add3A_2518 = arith.addi %mul3A_2503, %add3A_2517 : vector<16xi32>
      %add3A_2519 = arith.constant 5 : i32
      %add3A_2520 = vector.broadcast %add3A_2519 : i32 to vector<16xi32>
      %add3A_2521 = arith.addi %mul3A_2503, %add3A_2520 : vector<16xi32>
      %add3A_2522 = arith.constant 6 : i32
      %add3A_2523 = vector.broadcast %add3A_2522 : i32 to vector<16xi32>
      %add3A_2524 = arith.addi %mul3A_2503, %add3A_2523 : vector<16xi32>
      %add3A_2525 = arith.constant 7 : i32
      %add3A_2526 = vector.broadcast %add3A_2525 : i32 to vector<16xi32>
      %add3A_2527 = arith.addi %mul3A_2503, %add3A_2526 : vector<16xi32>
      %gather3A_2528 = tpu.vector_load_idx %arg8[%add3A_2506, %iota3A] : memref<64x16xf32, #tpu.memory_space<vmem>>[vector<16xi32>, vector<16xi32>], vector<16xf32>,
      %gather3A_2529 = tpu.vector_load_idx %arg8[%add3A_2509, %iota3A] : memref<64x16xf32, #tpu.memory_space<vmem>>[vector<16xi32>, vector<16xi32>], vector<16xf32>,
      %gather3A_2530 = tpu.vector_load_idx %arg8[%add3A_2512, %iota3A] : memref<64x16xf32, #tpu.memory_space<vmem>>[vector<16xi32>, vector<16xi32>], vector<16xf32>,
      %gather3A_2531 = tpu.vector_load_idx %arg8[%add3A_2515, %iota3A] : memref<64x16xf32, #tpu.memory_space<vmem>>[vector<16xi32>, vector<16xi32>], vector<16xf32>,
      %gather3A_2532 = tpu.vector_load_idx %arg8[%add3A_2518, %iota3A] : memref<64x16xf32, #tpu.memory_space<vmem>>[vector<16xi32>, vector<16xi32>], vector<16xf32>,
      %gather3A_2533 = tpu.vector_load_idx %arg8[%add3A_2521, %iota3A] : memref<64x16xf32, #tpu.memory_space<vmem>>[vector<16xi32>, vector<16xi32>], vector<16xf32>,
      %gather3A_2534 = tpu.vector_load_idx %arg8[%add3A_2524, %iota3A] : memref<64x16xf32, #tpu.memory_space<vmem>>[vector<16xi32>, vector<16xi32>], vector<16xf32>,
      %gather3A_2535 = tpu.vector_load_idx %arg8[%add3A_2527, %iota3A] : memref<64x16xf32, #tpu.memory_space<vmem>>[vector<16xi32>, vector<16xi32>], vector<16xf32>,
      %broadcast_in_dim3A_2536 = arith.constant 64 : i32
      %broadcast_in_dim3A_2537 = vector.broadcast %broadcast_in_dim3A_2536 : i32 to vector<16xi32>
      %eq3A_2538 = arith.cmpf oeq, %gather3A_2528, %max3A_2442 : vector<16xf32>
      %jit3A_2539 = arith.constant 64 : i32
      %broadcast_in_dim3A_2540 = vector.broadcast %jit3A_2539 : i32 to vector<16xi32>
      %select_n3A_2541 = arith.select %eq3A_2538, %add3A_2506, %broadcast_in_dim3A_2540 : vector<16xi1>, vector<16xi32>
      %min3A_2542 = arith.minsi %broadcast_in_dim3A_2537, %select_n3A_2541 : vector<16xi32>
      %eq3A_2543 = arith.cmpf oeq, %gather3A_2529, %max3A_2442 : vector<16xf32>
      %jit3A_2544 = arith.constant 64 : i32
      %broadcast_in_dim3A_2545 = vector.broadcast %jit3A_2544 : i32 to vector<16xi32>
      %select_n3A_2546 = arith.select %eq3A_2543, %add3A_2509, %broadcast_in_dim3A_2545 : vector<16xi1>, vector<16xi32>
      %min3A_2547 = arith.minsi %min3A_2542, %select_n3A_2546 : vector<16xi32>
      %eq3A_2548 = arith.cmpf oeq, %gather3A_2530, %max3A_2442 : vector<16xf32>
      %jit3A_2549 = arith.constant 64 : i32
      %broadcast_in_dim3A_2550 = vector.broadcast %jit3A_2549 : i32 to vector<16xi32>
      %select_n3A_2551 = arith.select %eq3A_2548, %add3A_2512, %broadcast_in_dim3A_2550 : vector<16xi1>, vector<16xi32>
      %min3A_2552 = arith.minsi %min3A_2547, %select_n3A_2551 : vector<16xi32>
      %eq3A_2553 = arith.cmpf oeq, %gather3A_2531, %max3A_2442 : vector<16xf32>
      %jit3A_2554 = arith.constant 64 : i32
      %broadcast_in_dim3A_2555 = vector.broadcast %jit3A_2554 : i32 to vector<16xi32>
      %select_n3A_2556 = arith.select %eq3A_2553, %add3A_2515, %broadcast_in_dim3A_2555 : vector<16xi1>, vector<16xi32>
      %min3A_2557 = arith.minsi %min3A_2552, %select_n3A_2556 : vector<16xi32>
      %eq3A_2558 = arith.cmpf oeq, %gather3A_2532, %max3A_2442 : vector<16xf32>
      %jit3A_2559 = arith.constant 64 : i32
      %broadcast_in_dim3A_2560 = vector.broadcast %jit3A_2559 : i32 to vector<16xi32>
      %select_n3A_2561 = arith.select %eq3A_2558, %add3A_2518, %broadcast_in_dim3A_2560 : vector<16xi1>, vector<16xi32>
      %min3A_2562 = arith.minsi %min3A_2557, %select_n3A_2561 : vector<16xi32>
      %eq3A_2563 = arith.cmpf oeq, %gather3A_2533, %max3A_2442 : vector<16xf32>
      %jit3A_2564 = arith.constant 64 : i32
      %broadcast_in_dim3A_2565 = vector.broadcast %jit3A_2564 : i32 to vector<16xi32>
      %select_n3A_2566 = arith.select %eq3A_2563, %add3A_2521, %broadcast_in_dim3A_2565 : vector<16xi1>, vector<16xi32>
      %min3A_2567 = arith.minsi %min3A_2562, %select_n3A_2566 : vector<16xi32>
      %eq3A_2568 = arith.cmpf oeq, %gather3A_2534, %max3A_2442 : vector<16xf32>
      %jit3A_2569 = arith.constant 64 : i32
      %broadcast_in_dim3A_2570 = vector.broadcast %jit3A_2569 : i32 to vector<16xi32>
      %select_n3A_2571 = arith.select %eq3A_2568, %add3A_2524, %broadcast_in_dim3A_2570 : vector<16xi1>, vector<16xi32>
      %min3A_2572 = arith.minsi %min3A_2567, %select_n3A_2571 : vector<16xi32>
      %eq3A_2573 = arith.cmpf oeq, %gather3A_2535, %max3A_2442 : vector<16xf32>
      %jit3A_2574 = arith.constant 64 : i32
      %broadcast_in_dim3A_2575 = vector.broadcast %jit3A_2574 : i32 to vector<16xi32>
      %select_n3A_2576 = arith.select %eq3A_2573, %add3A_2527, %broadcast_in_dim3A_2575 : vector<16xi1>, vector<16xi32>
      %min3A_2577 = arith.minsi %min3A_2572, %select_n3A_2576 : vector<16xi32>
      %add3A_2578 = vector.broadcast %multiple_of3A : i32 to vector<16xi32>
      %add3A_2579 = arith.addi %add3A_2578, %iota3A : vector<16xi32>
      %gather3A_2580 = tpu.vector_load_idx %arg6[%min3A_2577, %add3A_2579] : memref<64x512xf32, #tpu.memory_space<vmem>>[vector<16xi32>, vector<16xi32>], vector<16xf32>,
      %gather3A_2581 = tpu.vector_load_idx %arg7[%min3A_2577] : memref<64xf32, #tpu.memory_space<vmem>>[vector<16xi32>], vector<16xf32>,
      %sub3A_2582 = arith.subf %gather3A_2580, %gather3A_2581 : vector<16xf32>
      %broadcast_in_dim3A_2583 = arith.constant 0xFF800000 : f32
      %broadcast_in_dim3A_2584 = vector.broadcast %broadcast_in_dim3A_2583 : f32 to vector<16xf32>
      tpu.vector_store_idx %arg8[%min3A_2577, %iota3A], %broadcast_in_dim3A_2584 : memref<64x16xf32, #tpu.memory_space<vmem>>[vector<16xi32>, vector<16xi32>], vector<16xf32>,
      %broadcast_in_dim3A_2585 = arith.constant 0xFF800000 : f32
      %broadcast_in_dim3A_2586 = vector.broadcast %broadcast_in_dim3A_2585 : f32 to vector<16xf32>
      %eq3A_2587 = arith.cmpi eq, %min3A_2577, %add3A_2506 : vector<16xi32>
      %jit3A_2588 = arith.constant 0xFF800000 : f32
      %broadcast_in_dim3A_2589 = vector.broadcast %jit3A_2588 : f32 to vector<16xf32>
      %select_n3A_2590 = arith.select %eq3A_2587, %broadcast_in_dim3A_2589, %gather3A_2528 : vector<16xi1>, vector<16xf32>
      %max3A_2591 = arith.maximumf %broadcast_in_dim3A_2586, %select_n3A_2590 : vector<16xf32>
      %eq3A_2592 = arith.cmpi eq, %min3A_2577, %add3A_2509 : vector<16xi32>
      %jit3A_2593 = arith.constant 0xFF800000 : f32
      %broadcast_in_dim3A_2594 = vector.broadcast %jit3A_2593 : f32 to vector<16xf32>
      %select_n3A_2595 = arith.select %eq3A_2592, %broadcast_in_dim3A_2594, %gather3A_2529 : vector<16xi1>, vector<16xf32>
      %max3A_2596 = arith.maximumf %max3A_2591, %select_n3A_2595 : vector<16xf32>
      %eq3A_2597 = arith.cmpi eq, %min3A_2577, %add3A_2512 : vector<16xi32>
      %jit3A_2598 = arith.constant 0xFF800000 : f32
      %broadcast_in_dim3A_2599 = vector.broadcast %jit3A_2598 : f32 to vector<16xf32>
      %select_n3A_2600 = arith.select %eq3A_2597, %broadcast_in_dim3A_2599, %gather3A_2530 : vector<16xi1>, vector<16xf32>
      %max3A_2601 = arith.maximumf %max3A_2596, %select_n3A_2600 : vector<16xf32>
      %eq3A_2602 = arith.cmpi eq, %min3A_2577, %add3A_2515 : vector<16xi32>
      %jit3A_2603 = arith.constant 0xFF800000 : f32
      %broadcast_in_dim3A_2604 = vector.broadcast %jit3A_2603 : f32 to vector<16xf32>
      %select_n3A_2605 = arith.select %eq3A_2602, %broadcast_in_dim3A_2604, %gather3A_2531 : vector<16xi1>, vector<16xf32>
      %max3A_2606 = arith.maximumf %max3A_2601, %select_n3A_2605 : vector<16xf32>
      %eq3A_2607 = arith.cmpi eq, %min3A_2577, %add3A_2518 : vector<16xi32>
      %jit3A_2608 = arith.constant 0xFF800000 : f32
      %broadcast_in_dim3A_2609 = vector.broadcast %jit3A_2608 : f32 to vector<16xf32>
      %select_n3A_2610 = arith.select %eq3A_2607, %broadcast_in_dim3A_2609, %gather3A_2532 : vector<16xi1>, vector<16xf32>
      %max3A_2611 = arith.maximumf %max3A_2606, %select_n3A_2610 : vector<16xf32>
      %eq3A_2612 = arith.cmpi eq, %min3A_2577, %add3A_2521 : vector<16xi32>
      %jit3A_2613 = arith.constant 0xFF800000 : f32
      %broadcast_in_dim3A_2614 = vector.broadcast %jit3A_2613 : f32 to vector<16xf32>
      %select_n3A_2615 = arith.select %eq3A_2612, %broadcast_in_dim3A_2614, %gather3A_2533 : vector<16xi1>, vector<16xf32>
      %max3A_2616 = arith.maximumf %max3A_2611, %select_n3A_2615 : vector<16xf32>
      %eq3A_2617 = arith.cmpi eq, %min3A_2577, %add3A_2524 : vector<16xi32>
      %jit3A_2618 = arith.constant 0xFF800000 : f32
      %broadcast_in_dim3A_2619 = vector.broadcast %jit3A_2618 : f32 to vector<16xf32>
      %select_n3A_2620 = arith.select %eq3A_2617, %broadcast_in_dim3A_2619, %gather3A_2534 : vector<16xi1>, vector<16xf32>
      %max3A_2621 = arith.maximumf %max3A_2616, %select_n3A_2620 : vector<16xf32>
      %eq3A_2622 = arith.cmpi eq, %min3A_2577, %add3A_2527 : vector<16xi32>
      %jit3A_2623 = arith.constant 0xFF800000 : f32
      %broadcast_in_dim3A_2624 = vector.broadcast %jit3A_2623 : f32 to vector<16xf32>
      %select_n3A_2625 = arith.select %eq3A_2622, %broadcast_in_dim3A_2624, %gather3A_2535 : vector<16xi1>, vector<16xf32>
      %max3A_2626 = arith.maximumf %max3A_2621, %select_n3A_2625 : vector<16xf32>
      %eq3A_2627 = arith.constant 0 : i32
      %eq3A_2628 = vector.broadcast %eq3A_2627 : i32 to vector<16xi32>
      %eq3A_2629 = arith.cmpi eq, %min3A_2500, %eq3A_2628 : vector<16xi32>
      %select_n3A_2630 = arith.select %eq3A_2629, %max3A_2626, %select_n3A_2407 : vector<16xi1>, vector<16xf32>
      %eq3A_2631 = arith.constant 1 : i32
      %eq3A_2632 = vector.broadcast %eq3A_2631 : i32 to vector<16xi32>
      %eq3A_2633 = arith.cmpi eq, %min3A_2500, %eq3A_2632 : vector<16xi32>
      %select_n3A_2634 = arith.select %eq3A_2633, %max3A_2626, %select_n3A_2411 : vector<16xi1>, vector<16xf32>
      %eq3A_2635 = arith.constant 2 : i32
      %eq3A_2636 = vector.broadcast %eq3A_2635 : i32 to vector<16xi32>
      %eq3A_2637 = arith.cmpi eq, %min3A_2500, %eq3A_2636 : vector<16xi32>
      %select_n3A_2638 = arith.select %eq3A_2637, %max3A_2626, %select_n3A_2415 : vector<16xi1>, vector<16xf32>
      %eq3A_2639 = arith.constant 3 : i32
      %eq3A_2640 = vector.broadcast %eq3A_2639 : i32 to vector<16xi32>
      %eq3A_2641 = arith.cmpi eq, %min3A_2500, %eq3A_2640 : vector<16xi32>
      %select_n3A_2642 = arith.select %eq3A_2641, %max3A_2626, %select_n3A_2419 : vector<16xi1>, vector<16xf32>
      %eq3A_2643 = arith.constant 4 : i32
      %eq3A_2644 = vector.broadcast %eq3A_2643 : i32 to vector<16xi32>
      %eq3A_2645 = arith.cmpi eq, %min3A_2500, %eq3A_2644 : vector<16xi32>
      %select_n3A_2646 = arith.select %eq3A_2645, %max3A_2626, %select_n3A_2423 : vector<16xi1>, vector<16xf32>
      %eq3A_2647 = arith.constant 5 : i32
      %eq3A_2648 = vector.broadcast %eq3A_2647 : i32 to vector<16xi32>
      %eq3A_2649 = arith.cmpi eq, %min3A_2500, %eq3A_2648 : vector<16xi32>
      %select_n3A_2650 = arith.select %eq3A_2649, %max3A_2626, %select_n3A_2427 : vector<16xi1>, vector<16xf32>
      %eq3A_2651 = arith.constant 6 : i32
      %eq3A_2652 = vector.broadcast %eq3A_2651 : i32 to vector<16xi32>
      %eq3A_2653 = arith.cmpi eq, %min3A_2500, %eq3A_2652 : vector<16xi32>
      %select_n3A_2654 = arith.select %eq3A_2653, %max3A_2626, %select_n3A_2431 : vector<16xi1>, vector<16xf32>
      %eq3A_2655 = arith.constant 7 : i32
      %eq3A_2656 = vector.broadcast %eq3A_2655 : i32 to vector<16xi32>
      %eq3A_2657 = arith.cmpi eq, %min3A_2500, %eq3A_2656 : vector<16xi32>
      %select_n3A_2658 = arith.select %eq3A_2657, %max3A_2626, %select_n3A_2435 : vector<16xi1>, vector<16xf32>
      %max3A_2659 = arith.maximumf %select_n3A_2630, %select_n3A_2634 : vector<16xf32>
      %max3A_2660 = arith.maximumf %max3A_2659, %select_n3A_2638 : vector<16xf32>
      %max3A_2661 = arith.maximumf %max3A_2660, %select_n3A_2642 : vector<16xf32>
      %max3A_2662 = arith.maximumf %max3A_2661, %select_n3A_2646 : vector<16xf32>
      %max3A_2663 = arith.maximumf %max3A_2662, %select_n3A_2650 : vector<16xf32>
      %max3A_2664 = arith.maximumf %max3A_2663, %select_n3A_2654 : vector<16xf32>
      %max3A_2665 = arith.maximumf %max3A_2664, %select_n3A_2658 : vector<16xf32>
      %broadcast_in_dim3A_2666 = arith.constant 8 : i32
      %broadcast_in_dim3A_2667 = vector.broadcast %broadcast_in_dim3A_2666 : i32 to vector<16xi32>
      %eq3A_2668 = arith.cmpf oeq, %select_n3A_2630, %max3A_2665 : vector<16xf32>
      %jit3A_2669 = arith.constant 0 : i32
      %jit3A_2670 = arith.constant 8 : i32
      %broadcast_in_dim3A_2671 = vector.broadcast %jit3A_2669 : i32 to vector<16xi32>
      %broadcast_in_dim3A_2672 = vector.broadcast %jit3A_2670 : i32 to vector<16xi32>
      %select_n3A_2673 = arith.select %eq3A_2668, %broadcast_in_dim3A_2671, %broadcast_in_dim3A_2672 : vector<16xi1>, vector<16xi32>
      %min3A_2674 = arith.minsi %broadcast_in_dim3A_2667, %select_n3A_2673 : vector<16xi32>
      %eq3A_2675 = arith.cmpf oeq, %select_n3A_2634, %max3A_2665 : vector<16xf32>
      %jit3A_2676 = arith.constant 1 : i32
      %jit3A_2677 = arith.constant 8 : i32
      %broadcast_in_dim3A_2678 = vector.broadcast %jit3A_2676 : i32 to vector<16xi32>
      %broadcast_in_dim3A_2679 = vector.broadcast %jit3A_2677 : i32 to vector<16xi32>
      %select_n3A_2680 = arith.select %eq3A_2675, %broadcast_in_dim3A_2678, %broadcast_in_dim3A_2679 : vector<16xi1>, vector<16xi32>
      %min3A_2681 = arith.minsi %min3A_2674, %select_n3A_2680 : vector<16xi32>
      %eq3A_2682 = arith.cmpf oeq, %select_n3A_2638, %max3A_2665 : vector<16xf32>
      %jit3A_2683 = arith.constant 2 : i32
      %jit3A_2684 = arith.constant 8 : i32
      %broadcast_in_dim3A_2685 = vector.broadcast %jit3A_2683 : i32 to vector<16xi32>
      %broadcast_in_dim3A_2686 = vector.broadcast %jit3A_2684 : i32 to vector<16xi32>
      %select_n3A_2687 = arith.select %eq3A_2682, %broadcast_in_dim3A_2685, %broadcast_in_dim3A_2686 : vector<16xi1>, vector<16xi32>
      %min3A_2688 = arith.minsi %min3A_2681, %select_n3A_2687 : vector<16xi32>
      %eq3A_2689 = arith.cmpf oeq, %select_n3A_2642, %max3A_2665 : vector<16xf32>
      %jit3A_2690 = arith.constant 3 : i32
      %jit3A_2691 = arith.constant 8 : i32
      %broadcast_in_dim3A_2692 = vector.broadcast %jit3A_2690 : i32 to vector<16xi32>
      %broadcast_in_dim3A_2693 = vector.broadcast %jit3A_2691 : i32 to vector<16xi32>
      %select_n3A_2694 = arith.select %eq3A_2689, %broadcast_in_dim3A_2692, %broadcast_in_dim3A_2693 : vector<16xi1>, vector<16xi32>
      %min3A_2695 = arith.minsi %min3A_2688, %select_n3A_2694 : vector<16xi32>
      %eq3A_2696 = arith.cmpf oeq, %select_n3A_2646, %max3A_2665 : vector<16xf32>
      %jit3A_2697 = arith.constant 4 : i32
      %jit3A_2698 = arith.constant 8 : i32
      %broadcast_in_dim3A_2699 = vector.broadcast %jit3A_2697 : i32 to vector<16xi32>
      %broadcast_in_dim3A_2700 = vector.broadcast %jit3A_2698 : i32 to vector<16xi32>
      %select_n3A_2701 = arith.select %eq3A_2696, %broadcast_in_dim3A_2699, %broadcast_in_dim3A_2700 : vector<16xi1>, vector<16xi32>
      %min3A_2702 = arith.minsi %min3A_2695, %select_n3A_2701 : vector<16xi32>
      %eq3A_2703 = arith.cmpf oeq, %select_n3A_2650, %max3A_2665 : vector<16xf32>
      %jit3A_2704 = arith.constant 5 : i32
      %jit3A_2705 = arith.constant 8 : i32
      %broadcast_in_dim3A_2706 = vector.broadcast %jit3A_2704 : i32 to vector<16xi32>
      %broadcast_in_dim3A_2707 = vector.broadcast %jit3A_2705 : i32 to vector<16xi32>
      %select_n3A_2708 = arith.select %eq3A_2703, %broadcast_in_dim3A_2706, %broadcast_in_dim3A_2707 : vector<16xi1>, vector<16xi32>
      %min3A_2709 = arith.minsi %min3A_2702, %select_n3A_2708 : vector<16xi32>
      %eq3A_2710 = arith.cmpf oeq, %select_n3A_2654, %max3A_2665 : vector<16xf32>
      %jit3A_2711 = arith.constant 6 : i32
      %jit3A_2712 = arith.constant 8 : i32
      %broadcast_in_dim3A_2713 = vector.broadcast %jit3A_2711 : i32 to vector<16xi32>
      %broadcast_in_dim3A_2714 = vector.broadcast %jit3A_2712 : i32 to vector<16xi32>
      %select_n3A_2715 = arith.select %eq3A_2710, %broadcast_in_dim3A_2713, %broadcast_in_dim3A_2714 : vector<16xi1>, vector<16xi32>
      %min3A_2716 = arith.minsi %min3A_2709, %select_n3A_2715 : vector<16xi32>
      %eq3A_2717 = arith.cmpf oeq, %select_n3A_2658, %max3A_2665 : vector<16xf32>
      %jit3A_2718 = arith.constant 7 : i32
      %jit3A_2719 = arith.constant 8 : i32
      %broadcast_in_dim3A_2720 = vector.broadcast %jit3A_2718 : i32 to vector<16xi32>
      %broadcast_in_dim3A_2721 = vector.broadcast %jit3A_2719 : i32 to vector<16xi32>
      %select_n3A_2722 = arith.select %eq3A_2717, %broadcast_in_dim3A_2720, %broadcast_in_dim3A_2721 : vector<16xi1>, vector<16xi32>
      %min3A_2723 = arith.minsi %min3A_2716, %select_n3A_2722 : vector<16xi32>
      %mul3A_2724 = arith.constant 8 : i32
      %mul3A_2725 = vector.broadcast %mul3A_2724 : i32 to vector<16xi32>
      %mul3A_2726 = arith.muli %min3A_2723, %mul3A_2725 : vector<16xi32>
      %add3A_2727 = arith.constant 0 : i32
      %add3A_2728 = vector.broadcast %add3A_2727 : i32 to vector<16xi32>
      %add3A_2729 = arith.addi %mul3A_2726, %add3A_2728 : vector<16xi32>
      %add3A_2730 = arith.constant 1 : i32
      %add3A_2731 = vector.broadcast %add3A_2730 : i32 to vector<16xi32>
      %add3A_2732 = arith.addi %mul3A_2726, %add3A_2731 : vector<16xi32>
      %add3A_2733 = arith.constant 2 : i32
      %add3A_2734 = vector.broadcast %add3A_2733 : i32 to vector<16xi32>
      %add3A_2735 = arith.addi %mul3A_2726, %add3A_2734 : vector<16xi32>
      %add3A_2736 = arith.constant 3 : i32
      %add3A_2737 = vector.broadcast %add3A_2736 : i32 to vector<16xi32>
      %add3A_2738 = arith.addi %mul3A_2726, %add3A_2737 : vector<16xi32>
      %add3A_2739 = arith.constant 4 : i32
      %add3A_2740 = vector.broadcast %add3A_2739 : i32 to vector<16xi32>
      %add3A_2741 = arith.addi %mul3A_2726, %add3A_2740 : vector<16xi32>
      %add3A_2742 = arith.constant 5 : i32
      %add3A_2743 = vector.broadcast %add3A_2742 : i32 to vector<16xi32>
      %add3A_2744 = arith.addi %mul3A_2726, %add3A_2743 : vector<16xi32>
      %add3A_2745 = arith.constant 6 : i32
      %add3A_2746 = vector.broadcast %add3A_2745 : i32 to vector<16xi32>
      %add3A_2747 = arith.addi %mul3A_2726, %add3A_2746 : vector<16xi32>
      %add3A_2748 = arith.constant 7 : i32
      %add3A_2749 = vector.broadcast %add3A_2748 : i32 to vector<16xi32>
      %add3A_2750 = arith.addi %mul3A_2726, %add3A_2749 : vector<16xi32>
      %gather3A_2751 = tpu.vector_load_idx %arg8[%add3A_2729, %iota3A] : memref<64x16xf32, #tpu.memory_space<vmem>>[vector<16xi32>, vector<16xi32>], vector<16xf32>,
      %gather3A_2752 = tpu.vector_load_idx %arg8[%add3A_2732, %iota3A] : memref<64x16xf32, #tpu.memory_space<vmem>>[vector<16xi32>, vector<16xi32>], vector<16xf32>,
      %gather3A_2753 = tpu.vector_load_idx %arg8[%add3A_2735, %iota3A] : memref<64x16xf32, #tpu.memory_space<vmem>>[vector<16xi32>, vector<16xi32>], vector<16xf32>,
      %gather3A_2754 = tpu.vector_load_idx %arg8[%add3A_2738, %iota3A] : memref<64x16xf32, #tpu.memory_space<vmem>>[vector<16xi32>, vector<16xi32>], vector<16xf32>,
      %gather3A_2755 = tpu.vector_load_idx %arg8[%add3A_2741, %iota3A] : memref<64x16xf32, #tpu.memory_space<vmem>>[vector<16xi32>, vector<16xi32>], vector<16xf32>,
      %gather3A_2756 = tpu.vector_load_idx %arg8[%add3A_2744, %iota3A] : memref<64x16xf32, #tpu.memory_space<vmem>>[vector<16xi32>, vector<16xi32>], vector<16xf32>,
      %gather3A_2757 = tpu.vector_load_idx %arg8[%add3A_2747, %iota3A] : memref<64x16xf32, #tpu.memory_space<vmem>>[vector<16xi32>, vector<16xi32>], vector<16xf32>,
      %gather3A_2758 = tpu.vector_load_idx %arg8[%add3A_2750, %iota3A] : memref<64x16xf32, #tpu.memory_space<vmem>>[vector<16xi32>, vector<16xi32>], vector<16xf32>,
      %broadcast_in_dim3A_2759 = arith.constant 64 : i32
      %broadcast_in_dim3A_2760 = vector.broadcast %broadcast_in_dim3A_2759 : i32 to vector<16xi32>
      %eq3A_2761 = arith.cmpf oeq, %gather3A_2751, %max3A_2665 : vector<16xf32>
      %jit3A_2762 = arith.constant 64 : i32
      %broadcast_in_dim3A_2763 = vector.broadcast %jit3A_2762 : i32 to vector<16xi32>
      %select_n3A_2764 = arith.select %eq3A_2761, %add3A_2729, %broadcast_in_dim3A_2763 : vector<16xi1>, vector<16xi32>
      %min3A_2765 = arith.minsi %broadcast_in_dim3A_2760, %select_n3A_2764 : vector<16xi32>
      %eq3A_2766 = arith.cmpf oeq, %gather3A_2752, %max3A_2665 : vector<16xf32>
      %jit3A_2767 = arith.constant 64 : i32
      %broadcast_in_dim3A_2768 = vector.broadcast %jit3A_2767 : i32 to vector<16xi32>
      %select_n3A_2769 = arith.select %eq3A_2766, %add3A_2732, %broadcast_in_dim3A_2768 : vector<16xi1>, vector<16xi32>
      %min3A_2770 = arith.minsi %min3A_2765, %select_n3A_2769 : vector<16xi32>
      %eq3A_2771 = arith.cmpf oeq, %gather3A_2753, %max3A_2665 : vector<16xf32>
      %jit3A_2772 = arith.constant 64 : i32
      %broadcast_in_dim3A_2773 = vector.broadcast %jit3A_2772 : i32 to vector<16xi32>
      %select_n3A_2774 = arith.select %eq3A_2771, %add3A_2735, %broadcast_in_dim3A_2773 : vector<16xi1>, vector<16xi32>
      %min3A_2775 = arith.minsi %min3A_2770, %select_n3A_2774 : vector<16xi32>
      %eq3A_2776 = arith.cmpf oeq, %gather3A_2754, %max3A_2665 : vector<16xf32>
      %jit3A_2777 = arith.constant 64 : i32
      %broadcast_in_dim3A_2778 = vector.broadcast %jit3A_2777 : i32 to vector<16xi32>
      %select_n3A_2779 = arith.select %eq3A_2776, %add3A_2738, %broadcast_in_dim3A_2778 : vector<16xi1>, vector<16xi32>
      %min3A_2780 = arith.minsi %min3A_2775, %select_n3A_2779 : vector<16xi32>
      %eq3A_2781 = arith.cmpf oeq, %gather3A_2755, %max3A_2665 : vector<16xf32>
      %jit3A_2782 = arith.constant 64 : i32
      %broadcast_in_dim3A_2783 = vector.broadcast %jit3A_2782 : i32 to vector<16xi32>
      %select_n3A_2784 = arith.select %eq3A_2781, %add3A_2741, %broadcast_in_dim3A_2783 : vector<16xi1>, vector<16xi32>
      %min3A_2785 = arith.minsi %min3A_2780, %select_n3A_2784 : vector<16xi32>
      %eq3A_2786 = arith.cmpf oeq, %gather3A_2756, %max3A_2665 : vector<16xf32>
      %jit3A_2787 = arith.constant 64 : i32
      %broadcast_in_dim3A_2788 = vector.broadcast %jit3A_2787 : i32 to vector<16xi32>
      %select_n3A_2789 = arith.select %eq3A_2786, %add3A_2744, %broadcast_in_dim3A_2788 : vector<16xi1>, vector<16xi32>
      %min3A_2790 = arith.minsi %min3A_2785, %select_n3A_2789 : vector<16xi32>
      %eq3A_2791 = arith.cmpf oeq, %gather3A_2757, %max3A_2665 : vector<16xf32>
      %jit3A_2792 = arith.constant 64 : i32
      %broadcast_in_dim3A_2793 = vector.broadcast %jit3A_2792 : i32 to vector<16xi32>
      %select_n3A_2794 = arith.select %eq3A_2791, %add3A_2747, %broadcast_in_dim3A_2793 : vector<16xi1>, vector<16xi32>
      %min3A_2795 = arith.minsi %min3A_2790, %select_n3A_2794 : vector<16xi32>
      %eq3A_2796 = arith.cmpf oeq, %gather3A_2758, %max3A_2665 : vector<16xf32>
      %jit3A_2797 = arith.constant 64 : i32
      %broadcast_in_dim3A_2798 = vector.broadcast %jit3A_2797 : i32 to vector<16xi32>
      %select_n3A_2799 = arith.select %eq3A_2796, %add3A_2750, %broadcast_in_dim3A_2798 : vector<16xi1>, vector<16xi32>
      %min3A_2800 = arith.minsi %min3A_2795, %select_n3A_2799 : vector<16xi32>
      %add3A_2801 = vector.broadcast %multiple_of3A : i32 to vector<16xi32>
      %add3A_2802 = arith.addi %add3A_2801, %iota3A : vector<16xi32>
      %gather3A_2803 = tpu.vector_load_idx %arg6[%min3A_2800, %add3A_2802] : memref<64x512xf32, #tpu.memory_space<vmem>>[vector<16xi32>, vector<16xi32>], vector<16xf32>,
      %gather3A_2804 = tpu.vector_load_idx %arg7[%min3A_2800] : memref<64xf32, #tpu.memory_space<vmem>>[vector<16xi32>], vector<16xf32>,
      %sub3A_2805 = arith.subf %gather3A_2803, %gather3A_2804 : vector<16xf32>
      %broadcast_in_dim3A_2806 = arith.constant 0xFF800000 : f32
      %broadcast_in_dim3A_2807 = vector.broadcast %broadcast_in_dim3A_2806 : f32 to vector<16xf32>
      tpu.vector_store_idx %arg8[%min3A_2800, %iota3A], %broadcast_in_dim3A_2807 : memref<64x16xf32, #tpu.memory_space<vmem>>[vector<16xi32>, vector<16xi32>], vector<16xf32>,
      %broadcast_in_dim3A_2808 = arith.constant 0xFF800000 : f32
      %broadcast_in_dim3A_2809 = vector.broadcast %broadcast_in_dim3A_2808 : f32 to vector<16xf32>
      %eq3A_2810 = arith.cmpi eq, %min3A_2800, %add3A_2729 : vector<16xi32>
      %jit3A_2811 = arith.constant 0xFF800000 : f32
      %broadcast_in_dim3A_2812 = vector.broadcast %jit3A_2811 : f32 to vector<16xf32>
      %select_n3A_2813 = arith.select %eq3A_2810, %broadcast_in_dim3A_2812, %gather3A_2751 : vector<16xi1>, vector<16xf32>
      %max3A_2814 = arith.maximumf %broadcast_in_dim3A_2809, %select_n3A_2813 : vector<16xf32>
      %eq3A_2815 = arith.cmpi eq, %min3A_2800, %add3A_2732 : vector<16xi32>
      %jit3A_2816 = arith.constant 0xFF800000 : f32
      %broadcast_in_dim3A_2817 = vector.broadcast %jit3A_2816 : f32 to vector<16xf32>
      %select_n3A_2818 = arith.select %eq3A_2815, %broadcast_in_dim3A_2817, %gather3A_2752 : vector<16xi1>, vector<16xf32>
      %max3A_2819 = arith.maximumf %max3A_2814, %select_n3A_2818 : vector<16xf32>
      %eq3A_2820 = arith.cmpi eq, %min3A_2800, %add3A_2735 : vector<16xi32>
      %jit3A_2821 = arith.constant 0xFF800000 : f32
      %broadcast_in_dim3A_2822 = vector.broadcast %jit3A_2821 : f32 to vector<16xf32>
      %select_n3A_2823 = arith.select %eq3A_2820, %broadcast_in_dim3A_2822, %gather3A_2753 : vector<16xi1>, vector<16xf32>
      %max3A_2824 = arith.maximumf %max3A_2819, %select_n3A_2823 : vector<16xf32>
      %eq3A_2825 = arith.cmpi eq, %min3A_2800, %add3A_2738 : vector<16xi32>
      %jit3A_2826 = arith.constant 0xFF800000 : f32
      %broadcast_in_dim3A_2827 = vector.broadcast %jit3A_2826 : f32 to vector<16xf32>
      %select_n3A_2828 = arith.select %eq3A_2825, %broadcast_in_dim3A_2827, %gather3A_2754 : vector<16xi1>, vector<16xf32>
      %max3A_2829 = arith.maximumf %max3A_2824, %select_n3A_2828 : vector<16xf32>
      %eq3A_2830 = arith.cmpi eq, %min3A_2800, %add3A_2741 : vector<16xi32>
      %jit3A_2831 = arith.constant 0xFF800000 : f32
      %broadcast_in_dim3A_2832 = vector.broadcast %jit3A_2831 : f32 to vector<16xf32>
      %select_n3A_2833 = arith.select %eq3A_2830, %broadcast_in_dim3A_2832, %gather3A_2755 : vector<16xi1>, vector<16xf32>
      %max3A_2834 = arith.maximumf %max3A_2829, %select_n3A_2833 : vector<16xf32>
      %eq3A_2835 = arith.cmpi eq, %min3A_2800, %add3A_2744 : vector<16xi32>
      %jit3A_2836 = arith.constant 0xFF800000 : f32
      %broadcast_in_dim3A_2837 = vector.broadcast %jit3A_2836 : f32 to vector<16xf32>
      %select_n3A_2838 = arith.select %eq3A_2835, %broadcast_in_dim3A_2837, %gather3A_2756 : vector<16xi1>, vector<16xf32>
      %max3A_2839 = arith.maximumf %max3A_2834, %select_n3A_2838 : vector<16xf32>
      %eq3A_2840 = arith.cmpi eq, %min3A_2800, %add3A_2747 : vector<16xi32>
      %jit3A_2841 = arith.constant 0xFF800000 : f32
      %broadcast_in_dim3A_2842 = vector.broadcast %jit3A_2841 : f32 to vector<16xf32>
      %select_n3A_2843 = arith.select %eq3A_2840, %broadcast_in_dim3A_2842, %gather3A_2757 : vector<16xi1>, vector<16xf32>
      %max3A_2844 = arith.maximumf %max3A_2839, %select_n3A_2843 : vector<16xf32>
      %eq3A_2845 = arith.cmpi eq, %min3A_2800, %add3A_2750 : vector<16xi32>
      %jit3A_2846 = arith.constant 0xFF800000 : f32
      %broadcast_in_dim3A_2847 = vector.broadcast %jit3A_2846 : f32 to vector<16xf32>
      %select_n3A_2848 = arith.select %eq3A_2845, %broadcast_in_dim3A_2847, %gather3A_2758 : vector<16xi1>, vector<16xf32>
      %max3A_2849 = arith.maximumf %max3A_2844, %select_n3A_2848 : vector<16xf32>
      %eq3A_2850 = arith.constant 0 : i32
      %eq3A_2851 = vector.broadcast %eq3A_2850 : i32 to vector<16xi32>
      %eq3A_2852 = arith.cmpi eq, %min3A_2723, %eq3A_2851 : vector<16xi32>
      %select_n3A_2853 = arith.select %eq3A_2852, %max3A_2849, %select_n3A_2630 : vector<16xi1>, vector<16xf32>
      %eq3A_2854 = arith.constant 1 : i32
      %eq3A_2855 = vector.broadcast %eq3A_2854 : i32 to vector<16xi32>
      %eq3A_2856 = arith.cmpi eq, %min3A_2723, %eq3A_2855 : vector<16xi32>
      %select_n3A_2857 = arith.select %eq3A_2856, %max3A_2849, %select_n3A_2634 : vector<16xi1>, vector<16xf32>
      %eq3A_2858 = arith.constant 2 : i32
      %eq3A_2859 = vector.broadcast %eq3A_2858 : i32 to vector<16xi32>
      %eq3A_2860 = arith.cmpi eq, %min3A_2723, %eq3A_2859 : vector<16xi32>
      %select_n3A_2861 = arith.select %eq3A_2860, %max3A_2849, %select_n3A_2638 : vector<16xi1>, vector<16xf32>
      %eq3A_2862 = arith.constant 3 : i32
      %eq3A_2863 = vector.broadcast %eq3A_2862 : i32 to vector<16xi32>
      %eq3A_2864 = arith.cmpi eq, %min3A_2723, %eq3A_2863 : vector<16xi32>
      %select_n3A_2865 = arith.select %eq3A_2864, %max3A_2849, %select_n3A_2642 : vector<16xi1>, vector<16xf32>
      %eq3A_2866 = arith.constant 4 : i32
      %eq3A_2867 = vector.broadcast %eq3A_2866 : i32 to vector<16xi32>
      %eq3A_2868 = arith.cmpi eq, %min3A_2723, %eq3A_2867 : vector<16xi32>
      %select_n3A_2869 = arith.select %eq3A_2868, %max3A_2849, %select_n3A_2646 : vector<16xi1>, vector<16xf32>
      %eq3A_2870 = arith.constant 5 : i32
      %eq3A_2871 = vector.broadcast %eq3A_2870 : i32 to vector<16xi32>
      %eq3A_2872 = arith.cmpi eq, %min3A_2723, %eq3A_2871 : vector<16xi32>
      %select_n3A_2873 = arith.select %eq3A_2872, %max3A_2849, %select_n3A_2650 : vector<16xi1>, vector<16xf32>
      %eq3A_2874 = arith.constant 6 : i32
      %eq3A_2875 = vector.broadcast %eq3A_2874 : i32 to vector<16xi32>
      %eq3A_2876 = arith.cmpi eq, %min3A_2723, %eq3A_2875 : vector<16xi32>
      %select_n3A_2877 = arith.select %eq3A_2876, %max3A_2849, %select_n3A_2654 : vector<16xi1>, vector<16xf32>
      %eq3A_2878 = arith.constant 7 : i32
      %eq3A_2879 = vector.broadcast %eq3A_2878 : i32 to vector<16xi32>
      %eq3A_2880 = arith.cmpi eq, %min3A_2723, %eq3A_2879 : vector<16xi32>
      %select_n3A_2881 = arith.select %eq3A_2880, %max3A_2849, %select_n3A_2658 : vector<16xi1>, vector<16xf32>
      %max3A_2882 = arith.maximumf %select_n3A_2853, %select_n3A_2857 : vector<16xf32>
      %max3A_2883 = arith.maximumf %max3A_2882, %select_n3A_2861 : vector<16xf32>
      %max3A_2884 = arith.maximumf %max3A_2883, %select_n3A_2865 : vector<16xf32>
      %max3A_2885 = arith.maximumf %max3A_2884, %select_n3A_2869 : vector<16xf32>
      %max3A_2886 = arith.maximumf %max3A_2885, %select_n3A_2873 : vector<16xf32>
      %max3A_2887 = arith.maximumf %max3A_2886, %select_n3A_2877 : vector<16xf32>
      %max3A_2888 = arith.maximumf %max3A_2887, %select_n3A_2881 : vector<16xf32>
      %broadcast_in_dim3A_2889 = arith.constant 8 : i32
      %broadcast_in_dim3A_2890 = vector.broadcast %broadcast_in_dim3A_2889 : i32 to vector<16xi32>
      %eq3A_2891 = arith.cmpf oeq, %select_n3A_2853, %max3A_2888 : vector<16xf32>
      %jit3A_2892 = arith.constant 0 : i32
      %jit3A_2893 = arith.constant 8 : i32
      %broadcast_in_dim3A_2894 = vector.broadcast %jit3A_2892 : i32 to vector<16xi32>
      %broadcast_in_dim3A_2895 = vector.broadcast %jit3A_2893 : i32 to vector<16xi32>
      %select_n3A_2896 = arith.select %eq3A_2891, %broadcast_in_dim3A_2894, %broadcast_in_dim3A_2895 : vector<16xi1>, vector<16xi32>
      %min3A_2897 = arith.minsi %broadcast_in_dim3A_2890, %select_n3A_2896 : vector<16xi32>
      %eq3A_2898 = arith.cmpf oeq, %select_n3A_2857, %max3A_2888 : vector<16xf32>
      %jit3A_2899 = arith.constant 1 : i32
      %jit3A_2900 = arith.constant 8 : i32
      %broadcast_in_dim3A_2901 = vector.broadcast %jit3A_2899 : i32 to vector<16xi32>
      %broadcast_in_dim3A_2902 = vector.broadcast %jit3A_2900 : i32 to vector<16xi32>
      %select_n3A_2903 = arith.select %eq3A_2898, %broadcast_in_dim3A_2901, %broadcast_in_dim3A_2902 : vector<16xi1>, vector<16xi32>
      %min3A_2904 = arith.minsi %min3A_2897, %select_n3A_2903 : vector<16xi32>
      %eq3A_2905 = arith.cmpf oeq, %select_n3A_2861, %max3A_2888 : vector<16xf32>
      %jit3A_2906 = arith.constant 2 : i32
      %jit3A_2907 = arith.constant 8 : i32
      %broadcast_in_dim3A_2908 = vector.broadcast %jit3A_2906 : i32 to vector<16xi32>
      %broadcast_in_dim3A_2909 = vector.broadcast %jit3A_2907 : i32 to vector<16xi32>
      %select_n3A_2910 = arith.select %eq3A_2905, %broadcast_in_dim3A_2908, %broadcast_in_dim3A_2909 : vector<16xi1>, vector<16xi32>
      %min3A_2911 = arith.minsi %min3A_2904, %select_n3A_2910 : vector<16xi32>
      %eq3A_2912 = arith.cmpf oeq, %select_n3A_2865, %max3A_2888 : vector<16xf32>
      %jit3A_2913 = arith.constant 3 : i32
      %jit3A_2914 = arith.constant 8 : i32
      %broadcast_in_dim3A_2915 = vector.broadcast %jit3A_2913 : i32 to vector<16xi32>
      %broadcast_in_dim3A_2916 = vector.broadcast %jit3A_2914 : i32 to vector<16xi32>
      %select_n3A_2917 = arith.select %eq3A_2912, %broadcast_in_dim3A_2915, %broadcast_in_dim3A_2916 : vector<16xi1>, vector<16xi32>
      %min3A_2918 = arith.minsi %min3A_2911, %select_n3A_2917 : vector<16xi32>
      %eq3A_2919 = arith.cmpf oeq, %select_n3A_2869, %max3A_2888 : vector<16xf32>
      %jit3A_2920 = arith.constant 4 : i32
      %jit3A_2921 = arith.constant 8 : i32
      %broadcast_in_dim3A_2922 = vector.broadcast %jit3A_2920 : i32 to vector<16xi32>
      %broadcast_in_dim3A_2923 = vector.broadcast %jit3A_2921 : i32 to vector<16xi32>
      %select_n3A_2924 = arith.select %eq3A_2919, %broadcast_in_dim3A_2922, %broadcast_in_dim3A_2923 : vector<16xi1>, vector<16xi32>
      %min3A_2925 = arith.minsi %min3A_2918, %select_n3A_2924 : vector<16xi32>
      %eq3A_2926 = arith.cmpf oeq, %select_n3A_2873, %max3A_2888 : vector<16xf32>
      %jit3A_2927 = arith.constant 5 : i32
      %jit3A_2928 = arith.constant 8 : i32
      %broadcast_in_dim3A_2929 = vector.broadcast %jit3A_2927 : i32 to vector<16xi32>
      %broadcast_in_dim3A_2930 = vector.broadcast %jit3A_2928 : i32 to vector<16xi32>
      %select_n3A_2931 = arith.select %eq3A_2926, %broadcast_in_dim3A_2929, %broadcast_in_dim3A_2930 : vector<16xi1>, vector<16xi32>
      %min3A_2932 = arith.minsi %min3A_2925, %select_n3A_2931 : vector<16xi32>
      %eq3A_2933 = arith.cmpf oeq, %select_n3A_2877, %max3A_2888 : vector<16xf32>
      %jit3A_2934 = arith.constant 6 : i32
      %jit3A_2935 = arith.constant 8 : i32
      %broadcast_in_dim3A_2936 = vector.broadcast %jit3A_2934 : i32 to vector<16xi32>
      %broadcast_in_dim3A_2937 = vector.broadcast %jit3A_2935 : i32 to vector<16xi32>
      %select_n3A_2938 = arith.select %eq3A_2933, %broadcast_in_dim3A_2936, %broadcast_in_dim3A_2937 : vector<16xi1>, vector<16xi32>
      %min3A_2939 = arith.minsi %min3A_2932, %select_n3A_2938 : vector<16xi32>
      %eq3A_2940 = arith.cmpf oeq, %select_n3A_2881, %max3A_2888 : vector<16xf32>
      %jit3A_2941 = arith.constant 7 : i32
      %jit3A_2942 = arith.constant 8 : i32
      %broadcast_in_dim3A_2943 = vector.broadcast %jit3A_2941 : i32 to vector<16xi32>
      %broadcast_in_dim3A_2944 = vector.broadcast %jit3A_2942 : i32 to vector<16xi32>
      %select_n3A_2945 = arith.select %eq3A_2940, %broadcast_in_dim3A_2943, %broadcast_in_dim3A_2944 : vector<16xi1>, vector<16xi32>
      %min3A_2946 = arith.minsi %min3A_2939, %select_n3A_2945 : vector<16xi32>
      %mul3A_2947 = arith.constant 8 : i32
      %mul3A_2948 = vector.broadcast %mul3A_2947 : i32 to vector<16xi32>
      %mul3A_2949 = arith.muli %min3A_2946, %mul3A_2948 : vector<16xi32>
      %add3A_2950 = arith.constant 0 : i32
      %add3A_2951 = vector.broadcast %add3A_2950 : i32 to vector<16xi32>
      %add3A_2952 = arith.addi %mul3A_2949, %add3A_2951 : vector<16xi32>
      %add3A_2953 = arith.constant 1 : i32
      %add3A_2954 = vector.broadcast %add3A_2953 : i32 to vector<16xi32>
      %add3A_2955 = arith.addi %mul3A_2949, %add3A_2954 : vector<16xi32>
      %add3A_2956 = arith.constant 2 : i32
      %add3A_2957 = vector.broadcast %add3A_2956 : i32 to vector<16xi32>
      %add3A_2958 = arith.addi %mul3A_2949, %add3A_2957 : vector<16xi32>
      %add3A_2959 = arith.constant 3 : i32
      %add3A_2960 = vector.broadcast %add3A_2959 : i32 to vector<16xi32>
      %add3A_2961 = arith.addi %mul3A_2949, %add3A_2960 : vector<16xi32>
      %add3A_2962 = arith.constant 4 : i32
      %add3A_2963 = vector.broadcast %add3A_2962 : i32 to vector<16xi32>
      %add3A_2964 = arith.addi %mul3A_2949, %add3A_2963 : vector<16xi32>
      %add3A_2965 = arith.constant 5 : i32
      %add3A_2966 = vector.broadcast %add3A_2965 : i32 to vector<16xi32>
      %add3A_2967 = arith.addi %mul3A_2949, %add3A_2966 : vector<16xi32>
      %add3A_2968 = arith.constant 6 : i32
      %add3A_2969 = vector.broadcast %add3A_2968 : i32 to vector<16xi32>
      %add3A_2970 = arith.addi %mul3A_2949, %add3A_2969 : vector<16xi32>
      %add3A_2971 = arith.constant 7 : i32
      %add3A_2972 = vector.broadcast %add3A_2971 : i32 to vector<16xi32>
      %add3A_2973 = arith.addi %mul3A_2949, %add3A_2972 : vector<16xi32>
      %gather3A_2974 = tpu.vector_load_idx %arg8[%add3A_2952, %iota3A] : memref<64x16xf32, #tpu.memory_space<vmem>>[vector<16xi32>, vector<16xi32>], vector<16xf32>,
      %gather3A_2975 = tpu.vector_load_idx %arg8[%add3A_2955, %iota3A] : memref<64x16xf32, #tpu.memory_space<vmem>>[vector<16xi32>, vector<16xi32>], vector<16xf32>,
      %gather3A_2976 = tpu.vector_load_idx %arg8[%add3A_2958, %iota3A] : memref<64x16xf32, #tpu.memory_space<vmem>>[vector<16xi32>, vector<16xi32>], vector<16xf32>,
      %gather3A_2977 = tpu.vector_load_idx %arg8[%add3A_2961, %iota3A] : memref<64x16xf32, #tpu.memory_space<vmem>>[vector<16xi32>, vector<16xi32>], vector<16xf32>,
      %gather3A_2978 = tpu.vector_load_idx %arg8[%add3A_2964, %iota3A] : memref<64x16xf32, #tpu.memory_space<vmem>>[vector<16xi32>, vector<16xi32>], vector<16xf32>,
      %gather3A_2979 = tpu.vector_load_idx %arg8[%add3A_2967, %iota3A] : memref<64x16xf32, #tpu.memory_space<vmem>>[vector<16xi32>, vector<16xi32>], vector<16xf32>,
      %gather3A_2980 = tpu.vector_load_idx %arg8[%add3A_2970, %iota3A] : memref<64x16xf32, #tpu.memory_space<vmem>>[vector<16xi32>, vector<16xi32>], vector<16xf32>,
      %gather3A_2981 = tpu.vector_load_idx %arg8[%add3A_2973, %iota3A] : memref<64x16xf32, #tpu.memory_space<vmem>>[vector<16xi32>, vector<16xi32>], vector<16xf32>,
      %broadcast_in_dim3A_2982 = arith.constant 64 : i32
      %broadcast_in_dim3A_2983 = vector.broadcast %broadcast_in_dim3A_2982 : i32 to vector<16xi32>
      %eq3A_2984 = arith.cmpf oeq, %gather3A_2974, %max3A_2888 : vector<16xf32>
      %jit3A_2985 = arith.constant 64 : i32
      %broadcast_in_dim3A_2986 = vector.broadcast %jit3A_2985 : i32 to vector<16xi32>
      %select_n3A_2987 = arith.select %eq3A_2984, %add3A_2952, %broadcast_in_dim3A_2986 : vector<16xi1>, vector<16xi32>
      %min3A_2988 = arith.minsi %broadcast_in_dim3A_2983, %select_n3A_2987 : vector<16xi32>
      %eq3A_2989 = arith.cmpf oeq, %gather3A_2975, %max3A_2888 : vector<16xf32>
      %jit3A_2990 = arith.constant 64 : i32
      %broadcast_in_dim3A_2991 = vector.broadcast %jit3A_2990 : i32 to vector<16xi32>
      %select_n3A_2992 = arith.select %eq3A_2989, %add3A_2955, %broadcast_in_dim3A_2991 : vector<16xi1>, vector<16xi32>
      %min3A_2993 = arith.minsi %min3A_2988, %select_n3A_2992 : vector<16xi32>
      %eq3A_2994 = arith.cmpf oeq, %gather3A_2976, %max3A_2888 : vector<16xf32>
      %jit3A_2995 = arith.constant 64 : i32
      %broadcast_in_dim3A_2996 = vector.broadcast %jit3A_2995 : i32 to vector<16xi32>
      %select_n3A_2997 = arith.select %eq3A_2994, %add3A_2958, %broadcast_in_dim3A_2996 : vector<16xi1>, vector<16xi32>
      %min3A_2998 = arith.minsi %min3A_2993, %select_n3A_2997 : vector<16xi32>
      %eq3A_2999 = arith.cmpf oeq, %gather3A_2977, %max3A_2888 : vector<16xf32>
      %jit3A_3000 = arith.constant 64 : i32
      %broadcast_in_dim3A_3001 = vector.broadcast %jit3A_3000 : i32 to vector<16xi32>
      %select_n3A_3002 = arith.select %eq3A_2999, %add3A_2961, %broadcast_in_dim3A_3001 : vector<16xi1>, vector<16xi32>
      %min3A_3003 = arith.minsi %min3A_2998, %select_n3A_3002 : vector<16xi32>
      %eq3A_3004 = arith.cmpf oeq, %gather3A_2978, %max3A_2888 : vector<16xf32>
      %jit3A_3005 = arith.constant 64 : i32
      %broadcast_in_dim3A_3006 = vector.broadcast %jit3A_3005 : i32 to vector<16xi32>
      %select_n3A_3007 = arith.select %eq3A_3004, %add3A_2964, %broadcast_in_dim3A_3006 : vector<16xi1>, vector<16xi32>
      %min3A_3008 = arith.minsi %min3A_3003, %select_n3A_3007 : vector<16xi32>
      %eq3A_3009 = arith.cmpf oeq, %gather3A_2979, %max3A_2888 : vector<16xf32>
      %jit3A_3010 = arith.constant 64 : i32
      %broadcast_in_dim3A_3011 = vector.broadcast %jit3A_3010 : i32 to vector<16xi32>
      %select_n3A_3012 = arith.select %eq3A_3009, %add3A_2967, %broadcast_in_dim3A_3011 : vector<16xi1>, vector<16xi32>
      %min3A_3013 = arith.minsi %min3A_3008, %select_n3A_3012 : vector<16xi32>
      %eq3A_3014 = arith.cmpf oeq, %gather3A_2980, %max3A_2888 : vector<16xf32>
      %jit3A_3015 = arith.constant 64 : i32
      %broadcast_in_dim3A_3016 = vector.broadcast %jit3A_3015 : i32 to vector<16xi32>
      %select_n3A_3017 = arith.select %eq3A_3014, %add3A_2970, %broadcast_in_dim3A_3016 : vector<16xi1>, vector<16xi32>
      %min3A_3018 = arith.minsi %min3A_3013, %select_n3A_3017 : vector<16xi32>
      %eq3A_3019 = arith.cmpf oeq, %gather3A_2981, %max3A_2888 : vector<16xf32>
      %jit3A_3020 = arith.constant 64 : i32
      %broadcast_in_dim3A_3021 = vector.broadcast %jit3A_3020 : i32 to vector<16xi32>
      %select_n3A_3022 = arith.select %eq3A_3019, %add3A_2973, %broadcast_in_dim3A_3021 : vector<16xi1>, vector<16xi32>
      %min3A_3023 = arith.minsi %min3A_3018, %select_n3A_3022 : vector<16xi32>
      %add3A_3024 = vector.broadcast %multiple_of3A : i32 to vector<16xi32>
      %add3A_3025 = arith.addi %add3A_3024, %iota3A : vector<16xi32>
      %gather3A_3026 = tpu.vector_load_idx %arg6[%min3A_3023, %add3A_3025] : memref<64x512xf32, #tpu.memory_space<vmem>>[vector<16xi32>, vector<16xi32>], vector<16xf32>,
      %gather3A_3027 = tpu.vector_load_idx %arg7[%min3A_3023] : memref<64xf32, #tpu.memory_space<vmem>>[vector<16xi32>], vector<16xf32>,
      %sub3A_3028 = arith.subf %gather3A_3026, %gather3A_3027 : vector<16xf32>
      %broadcast_in_dim3A_3029 = arith.constant 0xFF800000 : f32
      %broadcast_in_dim3A_3030 = vector.broadcast %broadcast_in_dim3A_3029 : f32 to vector<16xf32>
      tpu.vector_store_idx %arg8[%min3A_3023, %iota3A], %broadcast_in_dim3A_3030 : memref<64x16xf32, #tpu.memory_space<vmem>>[vector<16xi32>, vector<16xi32>], vector<16xf32>,
      %broadcast_in_dim3A_3031 = arith.constant 0xFF800000 : f32
      %broadcast_in_dim3A_3032 = vector.broadcast %broadcast_in_dim3A_3031 : f32 to vector<16xf32>
      %eq3A_3033 = arith.cmpi eq, %min3A_3023, %add3A_2952 : vector<16xi32>
      %jit3A_3034 = arith.constant 0xFF800000 : f32
      %broadcast_in_dim3A_3035 = vector.broadcast %jit3A_3034 : f32 to vector<16xf32>
      %select_n3A_3036 = arith.select %eq3A_3033, %broadcast_in_dim3A_3035, %gather3A_2974 : vector<16xi1>, vector<16xf32>
      %max3A_3037 = arith.maximumf %broadcast_in_dim3A_3032, %select_n3A_3036 : vector<16xf32>
      %eq3A_3038 = arith.cmpi eq, %min3A_3023, %add3A_2955 : vector<16xi32>
      %jit3A_3039 = arith.constant 0xFF800000 : f32
      %broadcast_in_dim3A_3040 = vector.broadcast %jit3A_3039 : f32 to vector<16xf32>
      %select_n3A_3041 = arith.select %eq3A_3038, %broadcast_in_dim3A_3040, %gather3A_2975 : vector<16xi1>, vector<16xf32>
      %max3A_3042 = arith.maximumf %max3A_3037, %select_n3A_3041 : vector<16xf32>
      %eq3A_3043 = arith.cmpi eq, %min3A_3023, %add3A_2958 : vector<16xi32>
      %jit3A_3044 = arith.constant 0xFF800000 : f32
      %broadcast_in_dim3A_3045 = vector.broadcast %jit3A_3044 : f32 to vector<16xf32>
      %select_n3A_3046 = arith.select %eq3A_3043, %broadcast_in_dim3A_3045, %gather3A_2976 : vector<16xi1>, vector<16xf32>
      %max3A_3047 = arith.maximumf %max3A_3042, %select_n3A_3046 : vector<16xf32>
      %eq3A_3048 = arith.cmpi eq, %min3A_3023, %add3A_2961 : vector<16xi32>
      %jit3A_3049 = arith.constant 0xFF800000 : f32
      %broadcast_in_dim3A_3050 = vector.broadcast %jit3A_3049 : f32 to vector<16xf32>
      %select_n3A_3051 = arith.select %eq3A_3048, %broadcast_in_dim3A_3050, %gather3A_2977 : vector<16xi1>, vector<16xf32>
      %max3A_3052 = arith.maximumf %max3A_3047, %select_n3A_3051 : vector<16xf32>
      %eq3A_3053 = arith.cmpi eq, %min3A_3023, %add3A_2964 : vector<16xi32>
      %jit3A_3054 = arith.constant 0xFF800000 : f32
      %broadcast_in_dim3A_3055 = vector.broadcast %jit3A_3054 : f32 to vector<16xf32>
      %select_n3A_3056 = arith.select %eq3A_3053, %broadcast_in_dim3A_3055, %gather3A_2978 : vector<16xi1>, vector<16xf32>
      %max3A_3057 = arith.maximumf %max3A_3052, %select_n3A_3056 : vector<16xf32>
      %eq3A_3058 = arith.cmpi eq, %min3A_3023, %add3A_2967 : vector<16xi32>
      %jit3A_3059 = arith.constant 0xFF800000 : f32
      %broadcast_in_dim3A_3060 = vector.broadcast %jit3A_3059 : f32 to vector<16xf32>
      %select_n3A_3061 = arith.select %eq3A_3058, %broadcast_in_dim3A_3060, %gather3A_2979 : vector<16xi1>, vector<16xf32>
      %max3A_3062 = arith.maximumf %max3A_3057, %select_n3A_3061 : vector<16xf32>
      %eq3A_3063 = arith.cmpi eq, %min3A_3023, %add3A_2970 : vector<16xi32>
      %jit3A_3064 = arith.constant 0xFF800000 : f32
      %broadcast_in_dim3A_3065 = vector.broadcast %jit3A_3064 : f32 to vector<16xf32>
      %select_n3A_3066 = arith.select %eq3A_3063, %broadcast_in_dim3A_3065, %gather3A_2980 : vector<16xi1>, vector<16xf32>
      %max3A_3067 = arith.maximumf %max3A_3062, %select_n3A_3066 : vector<16xf32>
      %eq3A_3068 = arith.cmpi eq, %min3A_3023, %add3A_2973 : vector<16xi32>
      %jit3A_3069 = arith.constant 0xFF800000 : f32
      %broadcast_in_dim3A_3070 = vector.broadcast %jit3A_3069 : f32 to vector<16xf32>
      %select_n3A_3071 = arith.select %eq3A_3068, %broadcast_in_dim3A_3070, %gather3A_2981 : vector<16xi1>, vector<16xf32>
      %max3A_3072 = arith.maximumf %max3A_3067, %select_n3A_3071 : vector<16xf32>
      %eq3A_3073 = arith.constant 0 : i32
      %eq3A_3074 = vector.broadcast %eq3A_3073 : i32 to vector<16xi32>
      %eq3A_3075 = arith.cmpi eq, %min3A_2946, %eq3A_3074 : vector<16xi32>
      %select_n3A_3076 = arith.select %eq3A_3075, %max3A_3072, %select_n3A_2853 : vector<16xi1>, vector<16xf32>
      %eq3A_3077 = arith.constant 1 : i32
      %eq3A_3078 = vector.broadcast %eq3A_3077 : i32 to vector<16xi32>
      %eq3A_3079 = arith.cmpi eq, %min3A_2946, %eq3A_3078 : vector<16xi32>
      %select_n3A_3080 = arith.select %eq3A_3079, %max3A_3072, %select_n3A_2857 : vector<16xi1>, vector<16xf32>
      %eq3A_3081 = arith.constant 2 : i32
      %eq3A_3082 = vector.broadcast %eq3A_3081 : i32 to vector<16xi32>
      %eq3A_3083 = arith.cmpi eq, %min3A_2946, %eq3A_3082 : vector<16xi32>
      %select_n3A_3084 = arith.select %eq3A_3083, %max3A_3072, %select_n3A_2861 : vector<16xi1>, vector<16xf32>
      %eq3A_3085 = arith.constant 3 : i32
      %eq3A_3086 = vector.broadcast %eq3A_3085 : i32 to vector<16xi32>
      %eq3A_3087 = arith.cmpi eq, %min3A_2946, %eq3A_3086 : vector<16xi32>
      %select_n3A_3088 = arith.select %eq3A_3087, %max3A_3072, %select_n3A_2865 : vector<16xi1>, vector<16xf32>
      %eq3A_3089 = arith.constant 4 : i32
      %eq3A_3090 = vector.broadcast %eq3A_3089 : i32 to vector<16xi32>
      %eq3A_3091 = arith.cmpi eq, %min3A_2946, %eq3A_3090 : vector<16xi32>
      %select_n3A_3092 = arith.select %eq3A_3091, %max3A_3072, %select_n3A_2869 : vector<16xi1>, vector<16xf32>
      %eq3A_3093 = arith.constant 5 : i32
      %eq3A_3094 = vector.broadcast %eq3A_3093 : i32 to vector<16xi32>
      %eq3A_3095 = arith.cmpi eq, %min3A_2946, %eq3A_3094 : vector<16xi32>
      %select_n3A_3096 = arith.select %eq3A_3095, %max3A_3072, %select_n3A_2873 : vector<16xi1>, vector<16xf32>
      %eq3A_3097 = arith.constant 6 : i32
      %eq3A_3098 = vector.broadcast %eq3A_3097 : i32 to vector<16xi32>
      %eq3A_3099 = arith.cmpi eq, %min3A_2946, %eq3A_3098 : vector<16xi32>
      %select_n3A_3100 = arith.select %eq3A_3099, %max3A_3072, %select_n3A_2877 : vector<16xi1>, vector<16xf32>
      %eq3A_3101 = arith.constant 7 : i32
      %eq3A_3102 = vector.broadcast %eq3A_3101 : i32 to vector<16xi32>
      %eq3A_3103 = arith.cmpi eq, %min3A_2946, %eq3A_3102 : vector<16xi32>
      %select_n3A_3104 = arith.select %eq3A_3103, %max3A_3072, %select_n3A_2881 : vector<16xi1>, vector<16xf32>
      %add3A_3105 = arith.addf %sub3A, %sub3A_1690 : vector<16xf32>
      %add3A_3106 = arith.addf %add3A_3105, %sub3A_1913 : vector<16xf32>
      %add3A_3107 = arith.addf %add3A_3106, %sub3A_2136 : vector<16xf32>
      %add3A_3108 = arith.addf %add3A_3107, %sub3A_2359 : vector<16xf32>
      %add3A_3109 = arith.addf %add3A_3108, %sub3A_2582 : vector<16xf32>
      %add3A_3110 = arith.addf %add3A_3109, %sub3A_2805 : vector<16xf32>
      %add3A_3111 = arith.addf %add3A_3110, %sub3A_3028 : vector<16xf32>
      %add3A_3112 = arith.constant 9.99999968E-21 : f32
      %add3A_3113 = vector.broadcast %add3A_3112 : f32 to vector<16xf32>
      %add3A_3114 = arith.addf %add3A_3111, %add3A_3113 : vector<16xf32>
      %swap3A_3115 = arith.constant 0 : i32
      %swap3A_3116 = arith.index_cast %swap3A_3115 : i32 to index
      %swap3A_3117 = arith.index_cast %multiple_of3A : i32 to index
      %swap3A_3118 = tpu.vector_load %arg9[%swap3A_3116, %swap3A_3117] {strides = array<i32>} : memref<8x512xi32, #tpu.memory_space<vmem>>, vector<16xi32>,
      tpu.vector_store %arg9[%swap3A_3116, %swap3A_3117], %min3A_1463 {strides = array<i32>} : memref<8x512xi32, #tpu.memory_space<vmem>>, vector<16xi32>,
      %div3A = arith.divf %sub3A, %add3A_3114 : vector<16xf32>
      %mul3A_3119 = arith.constant 2.500000e+00 : f32
      %mul3A_3120 = vector.broadcast %mul3A_3119 : f32 to vector<16xf32>
      %mul3A_3121 = arith.mulf %div3A, %mul3A_3120 : vector<16xf32>
      %swap3A_3122 = arith.constant 0 : i32
      %swap3A_3123 = arith.index_cast %swap3A_3122 : i32 to index
      %swap3A_3124 = arith.index_cast %multiple_of3A : i32 to index
      %swap3A_3125 = tpu.vector_load %arg10[%swap3A_3123, %swap3A_3124] {strides = array<i32>} : memref<8x512xf32, #tpu.memory_space<vmem>>, vector<16xf32>,
      tpu.vector_store %arg10[%swap3A_3123, %swap3A_3124], %mul3A_3121 {strides = array<i32>} : memref<8x512xf32, #tpu.memory_space<vmem>>, vector<16xf32>,
      %swap3A_3126 = arith.constant 1 : i32
      %swap3A_3127 = arith.index_cast %swap3A_3126 : i32 to index
      %swap3A_3128 = arith.index_cast %multiple_of3A : i32 to index
      %swap3A_3129 = tpu.vector_load %arg9[%swap3A_3127, %swap3A_3128] {strides = array<i32>} : memref<8x512xi32, #tpu.memory_space<vmem>>, vector<16xi32>,
      tpu.vector_store %arg9[%swap3A_3127, %swap3A_3128], %min3A_1685 {strides = array<i32>} : memref<8x512xi32, #tpu.memory_space<vmem>>, vector<16xi32>,
      %div3A_3130 = arith.divf %sub3A_1690, %add3A_3114 : vector<16xf32>
      %mul3A_3131 = arith.constant 2.500000e+00 : f32
      %mul3A_3132 = vector.broadcast %mul3A_3131 : f32 to vector<16xf32>
      %mul3A_3133 = arith.mulf %div3A_3130, %mul3A_3132 : vector<16xf32>
      %swap3A_3134 = arith.constant 1 : i32
      %swap3A_3135 = arith.index_cast %swap3A_3134 : i32 to index
      %swap3A_3136 = arith.index_cast %multiple_of3A : i32 to index
      %swap3A_3137 = tpu.vector_load %arg10[%swap3A_3135, %swap3A_3136] {strides = array<i32>} : memref<8x512xf32, #tpu.memory_space<vmem>>, vector<16xf32>,
      tpu.vector_store %arg10[%swap3A_3135, %swap3A_3136], %mul3A_3133 {strides = array<i32>} : memref<8x512xf32, #tpu.memory_space<vmem>>, vector<16xf32>,
      %swap3A_3138 = arith.constant 2 : i32
      %swap3A_3139 = arith.index_cast %swap3A_3138 : i32 to index
      %swap3A_3140 = arith.index_cast %multiple_of3A : i32 to index
      %swap3A_3141 = tpu.vector_load %arg9[%swap3A_3139, %swap3A_3140] {strides = array<i32>} : memref<8x512xi32, #tpu.memory_space<vmem>>, vector<16xi32>,
      tpu.vector_store %arg9[%swap3A_3139, %swap3A_3140], %min3A_1908 {strides = array<i32>} : memref<8x512xi32, #tpu.memory_space<vmem>>, vector<16xi32>,
      %div3A_3142 = arith.divf %sub3A_1913, %add3A_3114 : vector<16xf32>
      %mul3A_3143 = arith.constant 2.500000e+00 : f32
      %mul3A_3144 = vector.broadcast %mul3A_3143 : f32 to vector<16xf32>
      %mul3A_3145 = arith.mulf %div3A_3142, %mul3A_3144 : vector<16xf32>
      %swap3A_3146 = arith.constant 2 : i32
      %swap3A_3147 = arith.index_cast %swap3A_3146 : i32 to index
      %swap3A_3148 = arith.index_cast %multiple_of3A : i32 to index
      %swap3A_3149 = tpu.vector_load %arg10[%swap3A_3147, %swap3A_3148] {strides = array<i32>} : memref<8x512xf32, #tpu.memory_space<vmem>>, vector<16xf32>,
      tpu.vector_store %arg10[%swap3A_3147, %swap3A_3148], %mul3A_3145 {strides = array<i32>} : memref<8x512xf32, #tpu.memory_space<vmem>>, vector<16xf32>,
      %swap3A_3150 = arith.constant 3 : i32
      %swap3A_3151 = arith.index_cast %swap3A_3150 : i32 to index
      %swap3A_3152 = arith.index_cast %multiple_of3A : i32 to index
      %swap3A_3153 = tpu.vector_load %arg9[%swap3A_3151, %swap3A_3152] {strides = array<i32>} : memref<8x512xi32, #tpu.memory_space<vmem>>, vector<16xi32>,
      tpu.vector_store %arg9[%swap3A_3151, %swap3A_3152], %min3A_2131 {strides = array<i32>} : memref<8x512xi32, #tpu.memory_space<vmem>>, vector<16xi32>,
      %div3A_3154 = arith.divf %sub3A_2136, %add3A_3114 : vector<16xf32>
      %mul3A_3155 = arith.constant 2.500000e+00 : f32
      %mul3A_3156 = vector.broadcast %mul3A_3155 : f32 to vector<16xf32>
      %mul3A_3157 = arith.mulf %div3A_3154, %mul3A_3156 : vector<16xf32>
      %swap3A_3158 = arith.constant 3 : i32
      %swap3A_3159 = arith.index_cast %swap3A_3158 : i32 to index
      %swap3A_3160 = arith.index_cast %multiple_of3A : i32 to index
      %swap3A_3161 = tpu.vector_load %arg10[%swap3A_3159, %swap3A_3160] {strides = array<i32>} : memref<8x512xf32, #tpu.memory_space<vmem>>, vector<16xf32>,
      tpu.vector_store %arg10[%swap3A_3159, %swap3A_3160], %mul3A_3157 {strides = array<i32>} : memref<8x512xf32, #tpu.memory_space<vmem>>, vector<16xf32>,
      %swap3A_3162 = arith.constant 4 : i32
      %swap3A_3163 = arith.index_cast %swap3A_3162 : i32 to index
      %swap3A_3164 = arith.index_cast %multiple_of3A : i32 to index
      %swap3A_3165 = tpu.vector_load %arg9[%swap3A_3163, %swap3A_3164] {strides = array<i32>} : memref<8x512xi32, #tpu.memory_space<vmem>>, vector<16xi32>,
      tpu.vector_store %arg9[%swap3A_3163, %swap3A_3164], %min3A_2354 {strides = array<i32>} : memref<8x512xi32, #tpu.memory_space<vmem>>, vector<16xi32>,
      %div3A_3166 = arith.divf %sub3A_2359, %add3A_3114 : vector<16xf32>
      %mul3A_3167 = arith.constant 2.500000e+00 : f32
      %mul3A_3168 = vector.broadcast %mul3A_3167 : f32 to vector<16xf32>
      %mul3A_3169 = arith.mulf %div3A_3166, %mul3A_3168 : vector<16xf32>
      %swap3A_3170 = arith.constant 4 : i32
      %swap3A_3171 = arith.index_cast %swap3A_3170 : i32 to index
      %swap3A_3172 = arith.index_cast %multiple_of3A : i32 to index
      %swap3A_3173 = tpu.vector_load %arg10[%swap3A_3171, %swap3A_3172] {strides = array<i32>} : memref<8x512xf32, #tpu.memory_space<vmem>>, vector<16xf32>,
      tpu.vector_store %arg10[%swap3A_3171, %swap3A_3172], %mul3A_3169 {strides = array<i32>} : memref<8x512xf32, #tpu.memory_space<vmem>>, vector<16xf32>,
      %swap3A_3174 = arith.constant 5 : i32
      %swap3A_3175 = arith.index_cast %swap3A_3174 : i32 to index
      %swap3A_3176 = arith.index_cast %multiple_of3A : i32 to index
      %swap3A_3177 = tpu.vector_load %arg9[%swap3A_3175, %swap3A_3176] {strides = array<i32>} : memref<8x512xi32, #tpu.memory_space<vmem>>, vector<16xi32>,
      tpu.vector_store %arg9[%swap3A_3175, %swap3A_3176], %min3A_2577 {strides = array<i32>} : memref<8x512xi32, #tpu.memory_space<vmem>>, vector<16xi32>,
      %div3A_3178 = arith.divf %sub3A_2582, %add3A_3114 : vector<16xf32>
      %mul3A_3179 = arith.constant 2.500000e+00 : f32
      %mul3A_3180 = vector.broadcast %mul3A_3179 : f32 to vector<16xf32>
      %mul3A_3181 = arith.mulf %div3A_3178, %mul3A_3180 : vector<16xf32>
      %swap3A_3182 = arith.constant 5 : i32
      %swap3A_3183 = arith.index_cast %swap3A_3182 : i32 to index
      %swap3A_3184 = arith.index_cast %multiple_of3A : i32 to index
      %swap3A_3185 = tpu.vector_load %arg10[%swap3A_3183, %swap3A_3184] {strides = array<i32>} : memref<8x512xf32, #tpu.memory_space<vmem>>, vector<16xf32>,
      tpu.vector_store %arg10[%swap3A_3183, %swap3A_3184], %mul3A_3181 {strides = array<i32>} : memref<8x512xf32, #tpu.memory_space<vmem>>, vector<16xf32>,
      %swap3A_3186 = arith.constant 6 : i32
      %swap3A_3187 = arith.index_cast %swap3A_3186 : i32 to index
      %swap3A_3188 = arith.index_cast %multiple_of3A : i32 to index
      %swap3A_3189 = tpu.vector_load %arg9[%swap3A_3187, %swap3A_3188] {strides = array<i32>} : memref<8x512xi32, #tpu.memory_space<vmem>>, vector<16xi32>,
      tpu.vector_store %arg9[%swap3A_3187, %swap3A_3188], %min3A_2800 {strides = array<i32>} : memref<8x512xi32, #tpu.memory_space<vmem>>, vector<16xi32>,
      %div3A_3190 = arith.divf %sub3A_2805, %add3A_3114 : vector<16xf32>
      %mul3A_3191 = arith.constant 2.500000e+00 : f32
      %mul3A_3192 = vector.broadcast %mul3A_3191 : f32 to vector<16xf32>
      %mul3A_3193 = arith.mulf %div3A_3190, %mul3A_3192 : vector<16xf32>
      %swap3A_3194 = arith.constant 6 : i32
      %swap3A_3195 = arith.index_cast %swap3A_3194 : i32 to index
      %swap3A_3196 = arith.index_cast %multiple_of3A : i32 to index
      %swap3A_3197 = tpu.vector_load %arg10[%swap3A_3195, %swap3A_3196] {strides = array<i32>} : memref<8x512xf32, #tpu.memory_space<vmem>>, vector<16xf32>,
      tpu.vector_store %arg10[%swap3A_3195, %swap3A_3196], %mul3A_3193 {strides = array<i32>} : memref<8x512xf32, #tpu.memory_space<vmem>>, vector<16xf32>,
      %swap3A_3198 = arith.constant 7 : i32
      %swap3A_3199 = arith.index_cast %swap3A_3198 : i32 to index
      %swap3A_3200 = arith.index_cast %multiple_of3A : i32 to index
      %swap3A_3201 = tpu.vector_load %arg9[%swap3A_3199, %swap3A_3200] {strides = array<i32>} : memref<8x512xi32, #tpu.memory_space<vmem>>, vector<16xi32>,
      tpu.vector_store %arg9[%swap3A_3199, %swap3A_3200], %min3A_3023 {strides = array<i32>} : memref<8x512xi32, #tpu.memory_space<vmem>>, vector<16xi32>,
      %div3A_3202 = arith.divf %sub3A_3028, %add3A_3114 : vector<16xf32>
      %mul3A_3203 = arith.constant 2.500000e+00 : f32
      %mul3A_3204 = vector.broadcast %mul3A_3203 : f32 to vector<16xf32>
      %mul3A_3205 = arith.mulf %div3A_3202, %mul3A_3204 : vector<16xf32>
      %swap3A_3206 = arith.constant 7 : i32
      %swap3A_3207 = arith.index_cast %swap3A_3206 : i32 to index
      %swap3A_3208 = arith.index_cast %multiple_of3A : i32 to index
      %swap3A_3209 = tpu.vector_load %arg10[%swap3A_3207, %swap3A_3208] {strides = array<i32>} : memref<8x512xf32, #tpu.memory_space<vmem>>, vector<16xf32>,
      tpu.vector_store %arg10[%swap3A_3207, %swap3A_3208], %mul3A_3205 {strides = array<i32>} : memref<8x512xf32, #tpu.memory_space<vmem>>, vector<16xf32>,
    }
    %scan3A_5 = arith.constant 32 : i32
    "tpu.region"() ({
      %run_scoped3A = tpu.sem_alloc : memref<!tpu.dma_semaphore, #tpu.memory_space<semaphore_mem>>
      %dma_start3A = arith.constant 0 : i32
      %dma_start3A_6 = arith.constant 0 : i32
      %dma_start3A_7 = tpu.memref_slice %arg4[%add3A, %dma_start3A, %dma_start3A_6] : memref<32x8x512xi32, #tpu.memory_space<hbm>> -> memref<1x8x512xi32, #tpu.memory_space<hbm>>
      %dma_start3A_8 = tpu.memref_squeeze %dma_start3A_7 : memref<1x8x512xi32, #tpu.memory_space<hbm>> -> memref<8x512xi32, #tpu.memory_space<hbm>>
      %dma_start3A_9 = arith.constant 0 : i32
      %dma_start3A_10 = arith.constant 0 : i32
      %dma_start3A_11 = tpu.memref_slice %arg4[%add3A, %dma_start3A_9, %dma_start3A_10] : memref<32x8x512xi32, #tpu.memory_space<hbm>> -> memref<1x8x512xi32, #tpu.memory_space<hbm>>
      %dma_start3A_12 = tpu.memref_squeeze %dma_start3A_11 : memref<1x8x512xi32, #tpu.memory_space<hbm>> -> memref<8x512xi32, #tpu.memory_space<hbm>>
      tpu.enqueue_dma source(%arg9 : memref<8x512xi32, #tpu.memory_space<vmem>>) target(%dma_start3A_12 : memref<8x512xi32, #tpu.memory_space<hbm>>) target_semaphore(%run_scoped3A : memref<!tpu.dma_semaphore, #tpu.memory_space<semaphore_mem>>)
      %dma_wait3A = arith.constant 0 : i32
      %dma_wait3A_13 = arith.constant 0 : i32
      %dma_wait3A_14 = tpu.memref_slice %arg4[%add3A, %dma_wait3A, %dma_wait3A_13] : memref<32x8x512xi32, #tpu.memory_space<hbm>> -> memref<1x8x512xi32, #tpu.memory_space<hbm>>
      %dma_wait3A_15 = tpu.memref_squeeze %dma_wait3A_14 : memref<1x8x512xi32, #tpu.memory_space<hbm>> -> memref<8x512xi32, #tpu.memory_space<hbm>>
      %dma_wait3A_16 = arith.constant 0 : i32
      %dma_wait3A_17 = arith.constant 0 : i32
      %dma_wait3A_18 = tpu.memref_slice %arg4[%add3A, %dma_wait3A_16, %dma_wait3A_17] : memref<32x8x512xi32, #tpu.memory_space<hbm>> -> memref<1x8x512xi32, #tpu.memory_space<hbm>>
      %dma_wait3A_19 = tpu.memref_squeeze %dma_wait3A_18 : memref<1x8x512xi32, #tpu.memory_space<hbm>> -> memref<8x512xi32, #tpu.memory_space<hbm>>
      tpu.wait_dma2 semaphore(%run_scoped3A : memref<!tpu.dma_semaphore, #tpu.memory_space<semaphore_mem>>) src(%arg9 : memref<8x512xi32, #tpu.memory_space<vmem>>) dst(%dma_wait3A_19 : memref<8x512xi32, #tpu.memory_space<hbm>>)
      tpu.yield
    }) : () -> ()
    "tpu.region"() ({
      %run_scoped3A = tpu.sem_alloc : memref<!tpu.dma_semaphore, #tpu.memory_space<semaphore_mem>>
      %dma_start3A = arith.constant 0 : i32
      %dma_start3A_6 = arith.constant 0 : i32
      %dma_start3A_7 = tpu.memref_slice %arg5[%add3A, %dma_start3A, %dma_start3A_6] : memref<32x8x512xf32, #tpu.memory_space<hbm>> -> memref<1x8x512xf32, #tpu.memory_space<hbm>>
      %dma_start3A_8 = tpu.memref_squeeze %dma_start3A_7 : memref<1x8x512xf32, #tpu.memory_space<hbm>> -> memref<8x512xf32, #tpu.memory_space<hbm>>
      %dma_start3A_9 = arith.constant 0 : i32
      %dma_start3A_10 = arith.constant 0 : i32
      %dma_start3A_11 = tpu.memref_slice %arg5[%add3A, %dma_start3A_9, %dma_start3A_10] : memref<32x8x512xf32, #tpu.memory_space<hbm>> -> memref<1x8x512xf32, #tpu.memory_space<hbm>>
      %dma_start3A_12 = tpu.memref_squeeze %dma_start3A_11 : memref<1x8x512xf32, #tpu.memory_space<hbm>> -> memref<8x512xf32, #tpu.memory_space<hbm>>
      tpu.enqueue_dma source(%arg10 : memref<8x512xf32, #tpu.memory_space<vmem>>) target(%dma_start3A_12 : memref<8x512xf32, #tpu.memory_space<hbm>>) target_semaphore(%run_scoped3A : memref<!tpu.dma_semaphore, #tpu.memory_space<semaphore_mem>>)
      %dma_wait3A = arith.constant 0 : i32
      %dma_wait3A_13 = arith.constant 0 : i32
      %dma_wait3A_14 = tpu.memref_slice %arg5[%add3A, %dma_wait3A, %dma_wait3A_13] : memref<32x8x512xf32, #tpu.memory_space<hbm>> -> memref<1x8x512xf32, #tpu.memory_space<hbm>>
      %dma_wait3A_15 = tpu.memref_squeeze %dma_wait3A_14 : memref<1x8x512xf32, #tpu.memory_space<hbm>> -> memref<8x512xf32, #tpu.memory_space<hbm>>
      %dma_wait3A_16 = arith.constant 0 : i32
      %dma_wait3A_17 = arith.constant 0 : i32
      %dma_wait3A_18 = tpu.memref_slice %arg5[%add3A, %dma_wait3A_16, %dma_wait3A_17] : memref<32x8x512xf32, #tpu.memory_space<hbm>> -> memref<1x8x512xf32, #tpu.memory_space<hbm>>
      %dma_wait3A_19 = tpu.memref_squeeze %dma_wait3A_18 : memref<1x8x512xf32, #tpu.memory_space<hbm>> -> memref<8x512xf32, #tpu.memory_space<hbm>>
      tpu.wait_dma2 semaphore(%run_scoped3A : memref<!tpu.dma_semaphore, #tpu.memory_space<semaphore_mem>>) src(%arg10 : memref<8x512xf32, #tpu.memory_space<vmem>>) dst(%dma_wait3A_19 : memref<8x512xf32, #tpu.memory_space<hbm>>)
      tpu.yield
    }) : () -> ()
    return
  }
}

module attributes {stable_mosaic.version = 14 : i64} {
  func.func @_score_block(%arg0: i32, %arg1: memref<1024x4096xf32, #tpu.memory_space<vmem>>, %arg2: memref<64x4096xf32, #tpu.memory_space<vmem>>, %arg3: memref<64x1xf32, #tpu.memory_space<vmem>>, %arg4: memref<2x64x512xf32, #tpu.memory_space<vmem>>) attributes {dimension_semantics = [#tpu.dimension_semantics<arbitrary>], iteration_bounds = array<i64: 16>, scalar_prefetch = 0 : i64, scratch_operands = 0 : i64, tpu.core_type = #tpu.core_type<tc>, window_params = [{transform_indices = @transform_0, window_bounds = array<i64: 1024, 4096>}, {pipeline_mode = #tpu.pipeline_mode<synchronous>, transform_indices = @transform_1, window_bounds = array<i64: 64, 4096>}, {pipeline_mode = #tpu.pipeline_mode<synchronous>, transform_indices = @transform_2, window_bounds = array<i64: 64, 1>}, {transform_indices = @transform_3, window_bounds = array<i64: 2, 64, 512>}]} {
    %get3A = arith.constant 0 : index
    %get3A_0 = arith.constant 0 : index
    %get3A_1 = vector.load %arg2[%get3A, %get3A_0] : memref<64x4096xf32, #tpu.memory_space<vmem>>, vector<64x4096xf32>
    %get3A_2 = arith.constant 0 : index
    %get3A_3 = arith.constant 0 : index
    %get3A_4 = vector.load %arg1[%get3A_2, %get3A_3] : memref<1024x4096xf32, #tpu.memory_space<vmem>>, vector<1024x4096xf32>
    %dot_general3A = arith.constant dense<0.000000e+00> : vector<64x1024xf32>
    %dot_general3A_5 = tpu.matmul %get3A_1, %get3A_4, %dot_general3A {dimension_numbers = #tpu.dot_dimension_numbers<[1], [1], [0], [0], [0, 0, 1, 0], [], []>, transpose_lhs_hint = false} : vector<64x4096xf32>, vector<1024x4096xf32>, vector<64x1024xf32> -> vector<64x1024xf32>
    %neg3A = arith.constant 0.000000e+00 : f32
    %neg3A_6 = vector.broadcast %neg3A : f32 to vector<64x1024xf32>
    %neg3A_7 = arith.subf %neg3A_6, %dot_general3A_5 : vector<64x1024xf32>
    %exp3A = math.exp %neg3A_7 : vector<64x1024xf32>
    %add3A = arith.constant 1.000000e+00 : f32
    %add3A_8 = vector.broadcast %add3A : f32 to vector<64x1024xf32>
    %add3A_9 = arith.addf %add3A_8, %exp3A : vector<64x1024xf32>
    %div3A = arith.constant 1.000000e+00 : f32
    %div3A_10 = vector.broadcast %div3A : f32 to vector<64x1024xf32>
    %div3A_11 = arith.divf %div3A_10, %add3A_9 : vector<64x1024xf32>
    %get3A_12 = arith.constant 0 : index
    %get3A_13 = arith.constant 0 : index
    %get3A_14 = vector.load %arg3[%get3A_12, %get3A_13] : memref<64x1xf32, #tpu.memory_space<vmem>>, vector<64x1xf32>
    %add3A_15 = vector.broadcast %get3A_14 : vector<64x1xf32> to vector<64x1024xf32>
    %add3A_16 = arith.addf %div3A_11, %add3A_15 : vector<64x1024xf32>
    %slice3A = vector.extract_strided_slice %add3A_16 {offsets = [0, 0], sizes = [64, 512], strides = [1, 1]} : vector<64x1024xf32> to vector<64x512xf32>
    %swap3A = arith.constant 0 : index
    %swap3A_17 = arith.constant 0 : index
    %swap3A_18 = arith.constant 0 : index
    %swap3A_19 = vector.load %arg4[%swap3A, %swap3A_17, %swap3A_18] : memref<2x64x512xf32, #tpu.memory_space<vmem>>, vector<1x64x512xf32>
    %swap3A_20 = vector.shape_cast %swap3A_19 : vector<1x64x512xf32> to vector<64x512xf32>
    %swap3A_21 = vector.shape_cast %slice3A : vector<64x512xf32> to vector<1x64x512xf32>
    tpu.vector_store %arg4[%swap3A, %swap3A_17, %swap3A_18], %swap3A_21 {strides = array<i32>} : memref<2x64x512xf32, #tpu.memory_space<vmem>>, vector<1x64x512xf32>,
    %slice3A_22 = vector.extract_strided_slice %add3A_16 {offsets = [0, 512], sizes = [64, 512], strides = [1, 1]} : vector<64x1024xf32> to vector<64x512xf32>
    %swap3A_23 = arith.constant 1 : index
    %swap3A_24 = arith.constant 0 : index
    %swap3A_25 = arith.constant 0 : index
    %swap3A_26 = vector.load %arg4[%swap3A_23, %swap3A_24, %swap3A_25] : memref<2x64x512xf32, #tpu.memory_space<vmem>>, vector<1x64x512xf32>
    %swap3A_27 = vector.shape_cast %swap3A_26 : vector<1x64x512xf32> to vector<64x512xf32>
    %swap3A_28 = vector.shape_cast %slice3A_22 : vector<64x512xf32> to vector<1x64x512xf32>
    tpu.vector_store %arg4[%swap3A_23, %swap3A_24, %swap3A_25], %swap3A_28 {strides = array<i32>} : memref<2x64x512xf32, #tpu.memory_space<vmem>>, vector<1x64x512xf32>,
    return
  }
  func.func @transform_0(%arg0: i32) -> (i32, i32) {
    %c0_i32 = arith.constant 0 : i32
    %c0_i32_0 = arith.constant 0 : i32
    return %arg0, %c0_i32 : i32, i32
  }
  func.func @transform_1(%arg0: i32) -> (i32, i32) {
    %c0_i32 = arith.constant 0 : i32
    %c0_i32_0 = arith.constant 0 : i32
    %c0_i32_1 = arith.constant 0 : i32
    return %c0_i32, %c0_i32_0 : i32, i32
  }
  func.func @transform_2(%arg0: i32) -> (i32, i32) {
    %c0_i32 = arith.constant 0 : i32
    %c0_i32_0 = arith.constant 0 : i32
    %c0_i32_1 = arith.constant 0 : i32
    return %c0_i32, %c0_i32_0 : i32, i32
  }
  func.func @transform_3(%arg0: i32) -> (i32, i32, i32) {
    %c0_i32 = arith.constant 0 : i32
    %c0_i32_0 = arith.constant 0 : i32
    %c0_i32_1 = arith.constant 0 : i32
    return %arg0, %c0_i32, %c0_i32_0 : i32, i32, i32
  }
}

</mosaic_0001>

<sc_bundles>
// kernel: kernel.4.cloned.1.call-start
scs
__scs_entry_jumppad:
0x0: {  	(pc) =	sbr.rel $0x88, $3  }
0x1: {  	(tag) =	ssettag $0x0;
	lr =	simm.s32 $0x1  }
0x2: {  	[smem:$0x3F9E] =	sst lr;
	_ =	strace $0xD0000000  }
0x3: {  	_ = 	snop  }
0x4: {  	_ = 	snop  }
0x5: {  	_ = 	snop  }
0x6: {  	_ = 	snop  }
0x7: {  	_ = 	snop  }
__scs_overlays_trampoline_lowered:
0x8: {  	[smem:$0x3FAD] =	sst s0  }
0x9: {  	[smem:$0x3FAE] =	sst s1  }
0xa: {  	[smem:$0x3FAF] =	sst s2  }
0xb: {  	[smem:$0x3FB0] =	sst s3  }
0xc: {  	[smem:$0x3FB1] =	sst s4  }
0xd: {  	[smem:$0x3FB2] =	sst s5  }
0xe: {  	[smem:$0x3FB3] =	sst s6  }
0xf: {  	[smem:$0x3FB4] =	sst s7  }
0x10: {  	[smem:$0x3FB5] =	sst s8  }
0x11: {  	[smem:$0x3FB6] =	sst s9;
	s0 =	simm.s32 @!p0 $0x0  }
0x12: {  	s1 =	sld [smem:$0x3F9C];
	s0 =	simm.s32 @p0 $0x1  }
0x13: {  	[smem:$0x3FB7] =	sst s0;
	s0 =	simm.s32 @!p1 $0x0  }
0x14: {  	s2 =	sld [smem:$0x3F9B];
	s0 =	simm.s32 @p1 $0x1  }
0x15: {  	[smem:$0x3FB8] =	sst s0;
	s0 =	simm.s32 @!p2 $0x0  }
0x16: {  	s3 =	sld [smem:$0x3FDB];
	s0 =	simm.s32 @p2 $0x1  }
0x17: {  	s4 =	simm.s32 $0x1BF5;
	[smem:$0x3FBA] =	sst s0  }
0x18: {  	s0 =	sld [smem:$0x3F9D];
	_ =	swait.ge [sflag:s4], $0x0  }
0x19: {  	s7 =	sld [smem:$0x3F9E]  }
0x1a: {  	s8 =	sadd.s32 $0xFFFFE003, lr  }
0x1b: {  	s9 =	sadd.s32 $0xFFFFFEF7, lr;
	s5 =	simm.s32 $0xFFFFFFFF;
	p2 =	slt.u32 s8, $0xFFFFF086  }
0x1c: {  	p1 =	slt.u32 s9, $0xF7A;
	s5 =	simm.s32 @!p2 $0x0  }
0x1d: {  	s5 =	simm.s32 @p1 $0x1;
	p0 =	seq.s32 s7, s2  }
0x1e: {  	s7 =	smul.u32 @!p0 $0xF7A, s2;
	p2 =	seq.s32 @!p0 s5, $0x0  }
0x1f: {  	s9 =	smul.u32 $0xF7A, s1;
	s8 =	simm.s32 @!p0 $0x1BF5;
	p2 =	por !p2, p0  }
0x20: {  	[sflag:s8] =	ssyncset.s32 @!p0 $0xFFFFF086;
	s6 =	sadd.s32 @!p0 s3, s7;
	s7 =	simm.s32 @!p0 $0x108  }
0x21: {  	s3 =	sadd.s32 s3, s9;
	s6 =	sadd.s32 @!p0 $0x88, s6;
	s7 =	simm.s32 @p2 $0x1082  }
0x22: {  	[simem:s7], [sflag:s8] =	dma.local @!p0 [hbm:s6], $0xF7A  }
0x23: {  	s9 =	sor.u32 $0xD0000000, s2;
	s6 =	simm.s32 $0x108;
	_ =	swait.ge @!p0 [sflag:s8], $0x0  }
0x24: {  	s3 =	sadd.s32 $0x88, s3;
	s6 =	simm.s32 @!p1 $0x1082;
	[sflag:s4] =	ssyncset.s32 $0xFFFFF086  }
0x25: {  	[simem:s6], [sflag:s4] =	dma.local [hbm:s3], $0xF7A  }
0x26: {  	[smem:$0x3F9E] =	sst s1;
	(tag) =	ssettag s2;
	_ =	strace s9  }
0x27: {  	s1 =	sld [smem:$0x3FAE]  }
0x28: {  	s2 =	sld [smem:$0x3FAF]  }
0x29: {  	s4 =	sld [smem:$0x3FB1]  }
0x2a: {  	p0 =	seq.s32 s5, $0x0;
	s5 =	sld [smem:$0x3FB2]  }
0x2b: {  	s6 =	sld [smem:$0x3FB3]  }
0x2c: {  	s7 =	sld [smem:$0x3FB4]  }
0x2d: {  	s3 =	simm.s32 $0x108;
	s8 =	sld [smem:$0x3FB5]  }
0x2e: {  	s3 =	simm.s32 @!p0 $0x1082;
	s9 =	sld [smem:$0x3FB6]  }
0x2f: {  	lr =	sadd.s32 s0, s3;
	s0 =	sld [smem:$0x3FAD]  }
0x30: {  	s3 =	sld [smem:$0x3FB0]  }
0x31: {  	[smem:$0x3FB9] =	sst s10  }
0x32: {  	s10 =	sld [smem:$0x3FB7];
	_ =	sdelay $0x3  }
0x33: {  	p0 =	seq.s32 s10, $0x1;
	s10 =	sld [smem:$0x3FB9];
	_ =	sdelay $0x3  }
0x34: {  	[smem:$0x3FB9] =	sst s10  }
0x35: {  	s10 =	sld [smem:$0x3FB8];
	_ =	sdelay $0x3  }
0x36: {  	p1 =	seq.s32 s10, $0x1;
	s10 =	sld [smem:$0x3FB9];
	_ =	sdelay $0x3  }
0x37: {  	[smem:$0x3FB9] =	sst s10  }
0x38: {  	s10 =	sld [smem:$0x3FBA]  }
0x39: {  	_ = 	snop;
	(pc) =	sbr.ind lr, $3  }
0x3a: {  	_ = 	snop  }
0x3b: {  	_ = 	snop  }
0x3c: {  	p2 =	seq.s32 s10, $0x1;
	s10 =	sld [smem:$0x3FB9]  }
0x3d: {  	_ =	shalt  }
0x3e: {  	_ =	shalt  }
0x3f: {  	_ =	shalt  }
0x40: {  	_ =	shalt  }
0x41: {  	_ =	shalt  }
0x42: {  	_ =	shalt  }
0x43: {  	_ =	shalt  }
0x44: {  	_ =	shalt  }
0x45: {  	_ =	shalt  }
0x46: {  	_ =	shalt  }
0x47: {  	_ =	shalt  }
0x48: {  	_ =	shalt  }
0x49: {  	_ =	shalt  }
0x4a: {  	_ =	shalt  }
0x4b: {  	_ =	shalt  }
0x4c: {  	_ =	shalt  }
0x4d: {  	_ =	shalt  }
0x4e: {  	_ =	shalt  }
0x4f: {  	_ =	shalt  }
0x50: {  	_ =	shalt  }
0x51: {  	_ =	shalt  }
0x52: {  	_ =	shalt  }
0x53: {  	_ =	shalt  }
0x54: {  	_ =	shalt  }
0x55: {  	_ =	shalt  }
0x56: {  	_ =	shalt  }
0x57: {  	_ =	shalt  }
0x58: {  	_ =	shalt  }
0x59: {  	_ =	shalt  }
0x5a: {  	_ =	shalt  }
0x5b: {  	_ =	shalt  }
0x5c: {  	_ =	shalt  }
0x5d: {  	_ =	shalt  }
0x5e: {  	_ =	shalt  }
0x5f: {  	_ =	shalt  }
0x60: {  	_ =	shalt  }
0x61: {  	_ =	shalt  }
0x62: {  	_ =	shalt  }
0x63: {  	_ =	shalt  }
0x64: {  	_ =	shalt  }
0x65: {  	_ =	shalt  }
0x66: {  	_ =	shalt  }
0x67: {  	_ =	shalt  }
0x68: {  	_ =	shalt  }
0x69: {  	_ =	shalt  }
0x6a: {  	_ =	shalt  }
0x6b: {  	_ =	shalt  }
0x6c: {  	_ =	shalt  }
0x6d: {  	_ =	shalt  }
0x6e: {  	_ =	shalt  }
0x6f: {  	_ =	shalt  }
0x70: {  	_ =	shalt  }
0x71: {  	_ =	shalt  }
0x72: {  	_ =	shalt  }
0x73: {  	_ =	shalt  }
0x74: {  	_ =	shalt  }
0x75: {  	_ =	shalt  }
0x76: {  	_ =	shalt  }
0x77: {  	_ =	shalt  }
0x78: {  	_ =	shalt  }
0x79: {  	_ =	shalt  }
0x7a: {  	_ =	shalt  }
0x7b: {  	_ =	shalt  }
0x7c: {  	_ =	shalt  }
0x7d: {  	_ =	shalt  }
0x7e: {  	_ =	shalt  }
0x7f: {  	_ =	shalt  }
0x80: {  	_ =	shalt  }
0x81: {  	_ =	shalt  }
0x82: {  	_ =	shalt  }
0x83: {  	_ =	shalt  }
0x84: {  	_ =	shalt  }
0x85: {  	_ =	shalt  }
0x86: {  	_ =	shalt  }
0x87: {  	_ =	shalt  }
.Lfunc_end0:
.L_simem_size_0:
called_computation_lowered:
.L_overlay_start_0:
0x88: {  	s2 =	sld [smem:$0x3FD9]  }
0x89: {  	s3 =	sld [smem:$0x3FFE];
	_ =	sdelay $0x1  }
0x8a: {  	s1 =	srdreg.scid  }
0x8b: {  	s0 =	sand.u32 $0x1, s1  }
0x8c: {  	s14 =	sshll.u32 s0, $0xA;
	s2 =	sadd.s32 s3, s2  }
0x8d: {  	s2 =	sadd.s32 s2, s14  }
0x8e: {  	[smem:$0x3FC5] =	sst s2  }
0x8f: {  	_ = 	snop  }
0x90: {  	s2 =	sld [smem:$0x3FD0];
	_ =	sdelay $0x2  }
0x91: {  	s4 =	simm.s32 $0xA;
	s5 =	simm.s32 $0x10;
	s15 =	sld [smem:$0x3FC7]  }
0x92: {  	[smem:s5], [sflag:s4] =	dma.local [hbm:s2], $0x1  }
0x93: {  	_ =	swait.eq [sflag:s4], $0x1  }
0x94: {  	[sflag:s4] =	ssyncset.done $0x0  }
0x95: {  	[sflag:s4] =	ssyncadd.s32 $0xFFFFFFFF  }
0x96: {  	s16 =	sld [smem:$0x11];
	(tm) =	ssettm $0x1  }
0x97: {  	s17 =	sld [smem:$0x3FFB];
	_ =	sdelay $0x3  }
0x98: {  	_ =	strace s17  }
0x99: {  	s4 =	sld [smem:$0x3FFC];
	_ =	sdelay $0x3  }
0x9a: {  	_ =	strace s4  }
0x9b: {  	s4 =	sld [smem:$0x3FFD];
	_ =	sdelay $0x3  }
0x9c: {  	_ =	strace s4  }
0x9d: {  	_ =	strace $0x8FFFFFFF  }
0x9e: {  	s18 =	sld [smem:$0x3FDB];
	_ =	sdelay $0x1  }
0x9f: {  	s19 =	simm.s32 $_scs_section_size  }
0xa0: {  	s6 =	simm.s32 $_size__tile_overlayer_lowered;
	s7 =	simm.s32 $_tile_overlayer_lowered  }
0xa1: {  	s22 =	simm.s32 $0x1BFF;
	s21 =	sshll.u32 s7, $0x1;
	s4 =	sadd.s32 s19, s18  }
0xa2: {  	s8 =	simm.s32 $0x0;
	s20 =	sshll.u32 s6, $0x1;
	s6 =	sadd.s32 s21, s4  }
0xa3: {  	[timem:s8], [sflag:s22] =	dma.local [hbm:s6], s20  }
0xa4: {  	_ =	swait.ge [sflag:s22], s20  }
0xa5: {  	s5 =	ssub.s32 $0x0, s20;
	[sflag:s22] =	ssyncset.done $0x0  }
0xa6: {  	[sflag:s22] =	ssyncadd.s32 s5;
	_ =	sdelay $0x1  }
0xa7: {  	s23 =	simm.s32 $0x1B8B  }
0xa8: {  	_ =	swait.ge [sflag:s23], $0x1  }
0xa9: {  	[sflag:s23] =	ssyncset.done $0x0  }
0xaa: {  	s25 =	simm.s32 $0x1B8E;
	s24 =	sld [smem:$0x3FFE];
	[sflag:s23] =	ssyncadd.s32 $0xFFFFFFFF  }
0xab: {  	s26 =	simm.s32 $execute0_lowered;
	[smem:$0x3FD2] =	sst s25  }
0xac: {  	s6 =	sshll.u32 s26, $0x1;
	_ =	strace $0x80000046;
	[dreg:$0x1] =	wrdreg $0xFFFFFFFF  }
0xad: {  	s28 =	simm.s32 $_size_execute0_lowered;
	s4 =	sadd.s32 s4, s6;
	[dreg:$0x0] =	wrdreg $0x0  }
0xae: {  	s6 =	sshll.u32 s28, $0x1;
	[dreg:$0x2] =	wrdreg s4  }
0xaf: {  	[dreg:$0x3] =	wrdreg s6  }
0xb0: {  	[dreg:$0x4] =	wrdreg $0xC0  }
0xb1: {  	_ =	task [dreg:s8], $0x5FFFF  }
0xb2: {  	[dreg:$0x1] =	wrdreg $0xFFFFFFFF  }
0xb3: {  	[dreg:$0x0] =	wrdreg $0x60  }
0xb4: {  	[dreg:$0x2] =	wrdreg s24  }
0xb5: {  	[dreg:$0x3] =	wrdreg s15  }
0xb6: {  	[dreg:$0x4] =	wrdreg s16  }
0xb7: {  	[dreg:$0x5] =	wrdreg $0x9  }
0xb8: {  	_ =	task.clear_ibuf [dreg:s8], $0x6FFFF;
	_ =	strace $0x90000046  }
0xb9: {  	s29 =	simm.s32 $0x9;
	_ =	strace $0x80000048  }
0xba: {  	_ =	swait.ge [sflag:s29], $0x1  }
0xbb: {  	[sflag:s29] =	ssyncadd.s32 $0xFFFFFFFF  }
0xbc: {  	_ =	strace $0x90000048  }
0xbd: {  	_ =	sfence  }
0xbe: {  	s30 =	sld [smem:$0x0];
	_ =	sdelay $0x2  }
0xbf: {  	s31 =	sshll.u32 s1, $0xD;
	s1 =	sshrl.u32 s1, $0x2  }
0xc0: {  	s3 =	sand.u32 $0x4000, s31;
	s1 =	sadd.s32 s1, s30  }
0xc1: {  	s0 =	sor.u32 s3, s0;
	s1 =	sshll.u32 s1, $0x11  }
0xc2: {  	s0 =	sor.u32 s1, s0  }
0xc3: {  	s0 =	sadd.s32 $0x8F2B, s0  }
0xc4: {  	[sflag:s0] =	ssyncadd.remote.s32 $0x1  }
0xc5: {  	_ =	sfence.sel $0xFFFF  }
0xc6: {  	[dreg:$0x0] =	wrdreg $0xFFFFFFFF;
	(pc) =	sbr.abs _section_cstart, $3  }
0xc7: {  	[dreg:$0x1] =	wrdreg $0xFFFFFFFF  }
0xc8: {  	_ =	task.clear_ibuf [dreg:s8], $0x2FFFF;
	_ =	strace $0x9FFFFFFF  }
0xc9: {  	(tm) =	ssettm $0x7FFFFFFF  }
tec
execute0_lowered:
.L_overlay_start_1:
0x0: {  	(tag) =	ssettag $0x1  }
0x1: {  	s4 =	rddreg [dreg:$0x0]  }
0x2: {  	s2 =	rddreg [dreg:$0x1]  }
0x3: {  	s5 =	rddreg [dreg:$0x2]  }
0x4: {  	s0 =	rddreg [dreg:$0x3];
	s6 =	srdreg.scid  }
0x5: {  	s1 =	stileid.u32;
	s3 =	simm.s32 $0x0;
	s11 =	simm.s32 $0x8440  }
0x6: {  	s12 =	simm.s32 $0x9440;
	s6 =	sand.u32 $0x1, s6;
	s7 =	sshll.u32 s1, $0x1  }
0x7: {  	s13 =	simm.s32 $0x0;
	[smem:$0x7FF] =	sst s3;
	s7 =	sor.u32 s6, s7  }
0x8: {  	v30 =	vlaneseq.u32;
	_ =	strace $0x80000047;
	s6 =	ssub.s32 $0x2, s6;
	s8 =	sshll.u32 s7, $0xC  }
0x9: {  	v0 =	vshrl.u32 v30, $0x3;
	s7 =	sshll.u32 s7, $0x9;
	s9 =	sshrl.u32 s6, $0x1;
	s8 =	sadd.s32 s8, s4  }
0xa: {  	v50 =	vand.u32 $0x7, v30;
	v48 =	vmul.u32 $0x8, v0;
	s10 =	sadd.s32 s7, s4;
	s9 =	ssub.s32 s6, s9;
	s5 =	sadd.s32 s5, s7  }
0xb: {  	[tilespmem:$0x1FFF0] =	vst v50;
	s4 =	sadd.s32 $0x20800, s8;
	s6 =	sadd.s32 $0x800, s10;
	s7 =	smax.u32 s9, $0x1  }
0xc: {  	v25 =	vimm.f32 $0.0e+00;
	v18 =	vimm.f32 $1.000000000e+00;
	[tilespmem:$0x1FFE0] =	vst v48;
	s8 =	simm.s32 $0x1;
	s9 =	simm.s32 $0x8000;
	s10 =	simm.s32 $0x8040  }
.LBB2_1:
0xd: {  	[tilespmem:s3], [sflag:$0x1] =	stream.linear.gather [hbm4b:s4+s3], $0x8000, $0x38;
	[tilespmem:$0xA440] =	vst v63  }
0xe: {  	_ =	swait.ge [sflag:s8], $0x8000  }
0xf: {  	[sflag:s8] =	ssyncset.done $0x0  }
0x10: {  	[sflag:s8] =	ssyncadd.s32 $0xFFFF8000  }
0x11: {  	[tilespmem:s9], [sflag:$0x1] =	stream.linear.gather [hbm4b:s2+s3], $0x40, $0x38;
	[tilespmem:$0xA440] =	vst v63  }
0x12: {  	_ =	swait.ge [sflag:s8], $0x40  }
0x13: {  	[sflag:s8] =	ssyncset.done $0x0  }
0x14: {  	s14 =	simm.s32 $0x0;
	s15 =	simm.s32 $0x0;
	[sflag:s8] =	ssyncadd.s32 $0xFFFFFFC0  }
.LBB2_2:
0x15: {  	s16 =	sshra.s32 s15, $0x2  }
0x16: {  	v3 =	vld [tilespmem:s16+$0x0]  }
0x17: {  	v4 =	vld [tilespmem:s16+$0x200]  }
0x18: {  	v5 =	vld [tilespmem:s16+$0x400]  }
0x19: {  	v6 =	vld [tilespmem:s16+$0x600]  }
0x1a: {  	v8 =	vld [tilespmem:s16+$0x800]  }
0x1b: {  	v21 =	vld [tilespmem:s16+$0xA00]  }
0x1c: {  	v62 =	vld [tilespmem:s16+$0xC00]  }
0x1d: {  	v61 =	vld [tilespmem:s16+$0xE00]  }
0x1e: {  	v59 =	vld [tilespmem:s16+$0x1000]  }
0x1f: {  	v58 =	vld [tilespmem:s16+$0x1200]  }
0x20: {  	v56 =	vld [tilespmem:s16+$0x1400]  }
0x21: {  	v55 =	vld [tilespmem:s16+$0x1600]  }
0x22: {  	v45 =	vld [tilespmem:s16+$0x2000]  }
0x23: {  	v39 =	vld [tilespmem:s16+$0x2200]  }
0x24: {  	v38 =	vld [tilespmem:s16+$0x2400]  }
0x25: {  	v54 =	vld [tilespmem:s16+$0x1800]  }
0x26: {  	v53 =	vld [tilespmem:s16+$0x1A00];
	v0 =	vmax.f32 v3, v4  }
0x27: {  	v52 =	vld [tilespmem:s16+$0x1C00];
	v2 =	vmin.f32 v3, v4;
	v23 =	vmax.f32 v59, v58;
	v9 =	vmin.f32 v59, v58  }
0x28: {  	v49 =	vld [tilespmem:s16+$0x1E00];
	v40 =	vmax.f32 v45, v39;
	v41 =	vmin.f32 v45, v39;
	v7 =	vmin.f32 v0, v5  }
0x29: {  	v13 =	vld [tilespmem:s16+$0x2600];
	v0 =	vmax.f32 v0, v5;
	v10 =	vmin.f32 v23, v56;
	v42 =	vmin.f32 v40, v38  }
0x2a: {  	v28 =	vld [tilespmem:s16+$0x2800];
	v2 =	vmax.f32 v2, v7;
	v12 =	vmin.f32 v0, v6;
	v0 =	vmax.f32 v0, v6  }
0x2b: {  	v29 =	vld [tilespmem:s16+$0x2A00];
	v2 =	vmax.f32 v2, v12;
	v14 =	vmin.f32 v0, v8;
	v0 =	vmax.f32 v0, v8  }
0x2c: {  	v31 =	vld [tilespmem:s16+$0x2C00];
	v2 =	vmax.f32 v2, v14;
	v15 =	vmin.f32 v0, v21;
	v0 =	vmax.f32 v0, v21  }
0x2d: {  	v32 =	vld [tilespmem:s16+$0x2E00];
	v9 =	vmax.f32 v9, v10;
	v2 =	vmax.f32 v2, v15;
	v22 =	vmin.f32 v0, v62  }
0x2e: {  	v14 =	vld [tilespmem:s16+$0x3000];
	v1 =	vmax.f32 v0, v62;
	v7 =	vmax.f32 v2, v22;
	v2 =	vmax.f32 v23, v56  }
0x2f: {  	v15 =	vld [tilespmem:s16+$0x3200];
	v11 =	vmin.f32 v1, v61;
	v1 =	vmax.f32 v1, v61;
	v34 =	vmin.f32 v2, v55  }
0x30: {  	v33 =	vld [tilespmem:s16+$0x3400];
	v2 =	vmax.f32 v2, v55;
	v63 =	vmax.f32 v7, v11;
	v11 =	vmax.f32 v41, v42  }
0x31: {  	v17 =	vld [tilespmem:s16+$0x3600];
	v9 =	vmax.f32 v9, v34;
	v35 =	vmin.f32 v2, v54;
	v2 =	vmax.f32 v2, v54  }
0x32: {  	v20 =	vld [tilespmem:s16+$0x3800];
	v9 =	vmax.f32 v9, v35;
	v36 =	vmin.f32 v2, v53;
	v2 =	vmax.f32 v2, v53  }
0x33: {  	v24 =	vld [tilespmem:s16+$0x4000];
	[tilespmem:$0x1FF90] =	vst v1;
	v1 =	vadd.f32 v63, v1;
	v9 =	vmax.f32 v9, v36;
	v37 =	vmin.f32 v2, v52  }
0x34: {  	v26 =	vld [tilespmem:s16+$0x4200];
	v2 =	vmax.f32 v2, v52;
	v51 =	vmovc v15;
	v57 =	vmax.f32 v14, v15;
	v9 =	vmax.f32 v9, v37  }
0x35: {  	v27 =	vld [tilespmem:s16+$0x4400];
	[tilespmem:$0x1FE70] =	vst v14;
	v12 =	vmin.f32 v2, v49;
	v14 =	vmin.f32 v14, v51;
	v16 =	vmin.f32 v57, v33  }
0x36: {  	v60 =	vld [tilespmem:s16+$0x4C00];
	v19 =	vmax.f32 v9, v12;
	v9 =	vmax.f32 v40, v38;
	v12 =	vmax.f32 v57, v33  }
0x37: {  	v22 =	vld [tilespmem:s16+$0x3A00];
	v14 =	vmax.f32 v14, v16;
	v43 =	vmin.f32 v9, v13;
	v9 =	vmax.f32 v9, v13  }
0x38: {  	v10 =	vld [tilespmem:s16+$0x3E00];
	v16 =	vmin.f32 v12, v17;
	v12 =	vmax.f32 v12, v17;
	v11 =	vmax.f32 v11, v43  }
0x39: {  	[tilespmem:$0x1FE30] =	vst v13;
	v0 =	vld [tilespmem:s16+$0x5600];
	v44 =	vmin.f32 v9, v28;
	v9 =	vmax.f32 v9, v28;
	v14 =	vmax.f32 v14, v16  }
0x3a: {  	[tilespmem:$0x1FE40] =	vst v28;
	v23 =	vld [tilespmem:s16+$0x3C00];
	v16 =	vmin.f32 v12, v20;
	v12 =	vmax.f32 v12, v20;
	v11 =	vmax.f32 v11, v44  }
0x3b: {  	[tilespmem:$0x1FE50] =	vst v29;
	v42 =	vld [tilespmem:s16+$0x5000];
	v46 =	vmin.f32 v9, v29;
	v9 =	vmax.f32 v9, v29;
	v14 =	vmax.f32 v14, v16  }
0x3c: {  	[tilespmem:$0x1FE60] =	vst v31;
	v28 =	vld [tilespmem:s16+$0x4600];
	v16 =	vmin.f32 v12, v22;
	v12 =	vmax.f32 v12, v22;
	v11 =	vmax.f32 v11, v46  }
0x3d: {  	[tilespmem:$0x1FEB0] =	vst v20;
	v20 =	vld [tilespmem:s16+$0x5200];
	v47 =	vmin.f32 v9, v31;
	v13 =	vmax.f32 v9, v31;
	v46 =	vmax.f32 v14, v16  }
0x3e: {  	[tilespmem:$0x1FEC0] =	vst v22;
	v29 =	vld [tilespmem:s16+$0x4800];
	v16 =	vmin.f32 v24, v26;
	v48 =	vmax.f32 v11, v47;
	v50 =	vmin.f32 v13, v32  }
0x3f: {  	[tilespmem:$0x1FED0] =	vst v23;
	v31 =	vld [tilespmem:s16+$0x4A00];
	v47 =	vmin.f32 v12, v23;
	v12 =	vmax.f32 v12, v23;
	v11 =	vmax.f32 v48, v50  }
0x40: {  	v22 =	vld [tilespmem:s16+$0x5400];
	v23 =	vmovc v10;
	v9 =	vmax.f32 v46, v47;
	v48 =	vmax.f32 v24, v26;
	v50 =	vmin.f32 v12, v10  }
0x41: {  	[tilespmem:$0x1FEA0] =	vst v17;
	v41 =	vld [tilespmem:s16+$0x4E00];
	v63 =	vmax.f32 v12, v23;
	v17 =	vmin.f32 v48, v27;
	v14 =	vmax.f32 v48, v27  }
0x42: {  	v34 =	vld [tilespmem:s16+$0x5A00];
	v16 =	vmax.f32 v16, v17;
	v17 =	vmin.f32 v14, v28;
	v14 =	vmax.f32 v14, v28  }
0x43: {  	v35 =	vld [tilespmem:s16+$0x5C00];
	v16 =	vmax.f32 v16, v17;
	v17 =	vmin.f32 v14, v29;
	v14 =	vmax.f32 v14, v29  }
0x44: {  	[tilespmem:$0x1FE90] =	vst v33;
	v37 =	vld [tilespmem:s16+$0x6000];
	v51 =	vmax.f32 v42, v20;
	v16 =	vmax.f32 v16, v17;
	v17 =	vmin.f32 v14, v31  }
0x45: {  	[tilespmem:$0x1FF00] =	vst v26;
	v33 =	vld [tilespmem:s16+$0x5800];
	v57 =	vmin.f32 v51, v22;
	v14 =	vmax.f32 v14, v31;
	v16 =	vmax.f32 v16, v17  }
0x46: {  	[tilespmem:$0x1FF50] =	vst v60;
	v40 =	vld [tilespmem:s16+$0x6200];
	v17 =	vmin.f32 v14, v60;
	v7 =	vmax.f32 v14, v60;
	v60 =	vmax.f32 v9, v50  }
0x47: {  	v36 =	vld [tilespmem:s16+$0x5E00];
	v26 =	vmovc v41;
	v9 =	vmax.f32 v51, v22;
	v16 =	vmax.f32 v16, v17;
	v17 =	vmin.f32 v7, v41  }
0x48: {  	[tilespmem:$0x1FF60] =	vst v41;
	v41 =	vld [tilespmem:s16+$0x6400];
	v23 =	vmax.f32 v7, v26;
	v16 =	vmax.f32 v16, v17;
	v17 =	vmin.f32 v42, v20  }
0x49: {  	v46 =	vld [tilespmem:s16+$0x6600];
	v14 =	vmax.f32 v17, v57;
	v17 =	vmin.f32 v9, v0;
	v9 =	vmax.f32 v9, v0  }
0x4a: {  	v43 =	vld [tilespmem:s16+$0x7000];
	v14 =	vmax.f32 v14, v17;
	v17 =	vmin.f32 v9, v33;
	v9 =	vmax.f32 v9, v33  }
0x4b: {  	[tilespmem:$0x1FFC0] =	vst v0;
	v50 =	vld [tilespmem:s16+$0x6800];
	v0 =	vmax.f32 v37, v40;
	v14 =	vmax.f32 v14, v17;
	v17 =	vmin.f32 v9, v34  }
0x4c: {  	[tilespmem:$0x1FEE0] =	vst v10;
	v51 =	vld [tilespmem:s16+$0x6A00];
	v57 =	vmin.f32 v37, v40;
	v9 =	vmax.f32 v9, v34;
	v14 =	vmax.f32 v14, v17  }
0x4d: {  	[tilespmem:$0x1FF70] =	vst v42;
	v42 =	vld [tilespmem:s16+$0x7200];
	v17 =	vmin.f32 v0, v41;
	v47 =	vmax.f32 v0, v41;
	v44 =	vmin.f32 v9, v35  }
0x4e: {  	[tilespmem:$0x1FE80] =	vst v15;
	v48 =	vld [tilespmem:s16+$0x6C00];
	v10 =	vmax.f32 v9, v35;
	v17 =	vmax.f32 v57, v17;
	v15 =	vmin.f32 v47, v46  }
0x4f: {  	[tilespmem:$0x1FFA0] =	vst v22;
	v14 =	vmax.f32 v14, v44;
	v44 =	vld [tilespmem:s16+$0x7400];
	v22 =	vmax.f32 v47, v46;
	v17 =	vmax.f32 v17, v15  }
0x50: {  	v47 =	vld [tilespmem:s16+$0x7600];
	v0 =	vmin.f32 v22, v50;
	v9 =	vmax.f32 v22, v50;
	v22 =	vmin.f32 v10, v36  }
0x51: {  	v15 =	vmax.f32 v14, v22;
	v57 =	vmax.f32 v17, v0;
	v17 =	vmin.f32 v9, v51  }
0x52: {  	[tilespmem:$0x1FF40] =	vst v31;
	v31 =	vld [tilespmem:s16+$0x6E00];
	v0 =	vmax.f32 v43, v42;
	v14 =	vmax.f32 v57, v17;
	v17 =	vmax.f32 v9, v51  }
0x53: {  	[tilespmem:$0x1FF80] =	vst v20;
	v22 =	vmin.f32 v43, v42;
	v20 =	vmin.f32 v17, v48;
	v12 =	vmax.f32 v17, v48  }
0x54: {  	v57 =	vmin.f32 v0, v44;
	v0 =	vmax.f32 v0, v44;
	v20 =	vmax.f32 v14, v20  }
0x55: {  	v14 =	vmax.f32 v2, v49;
	v57 =	vmax.f32 v22, v57;
	v9 =	vmin.f32 v0, v47  }
0x56: {  	v22 =	vmax.f32 v57, v9;
	v57 =	vld [tilespmem:s16+$0x7800];
	v9 =	vmax.f32 v13, v32;
	v13 =	vadd.f32 v19, v14  }
0x57: {  	v2 =	vmin.f32 v12, v31;
	v19 =	vadd.f32 v60, v63;
	v11 =	vadd.f32 v11, v9  }
0x58: {  	v0 =	vmax.f32 v0, v47;
	v20 =	vmax.f32 v20, v2;
	v60 =	vld [tilespmem:s16+$0x7A00];
	vm0 =	vge.f32 v1, v13  }
0x59: {  	[tilespmem:$0x1FFD0] =	vst v63;
	v63 =	vld [tilespmem:s16+$0x7C00];
	vm2 =	vge.f32 v1, v19;
	vm15 =	vge.f32 v13, v19;
	vm1 =	vge.f32 v1, v11  }
0x5a: {  	[tilespmem:$0x1FFB0] =	vst v9;
	v9 =	vsel vm0, $0x0, v18;
	vm7 =	vge.f32 v13, v11;
	vm12 =	vge.f32 v11, v19  }
0x5b: {  	[tilespmem:$0x1FEF0] =	vst v24;
	v24 =	vsel vm1, $0x0, v18;
	v17 =	vmin.f32 v0, v57;
	v0 =	vmax.f32 v0, v57  }
0x5c: {  	v2 =	vmax.f32 v22, v17;
	v22 =	vadd.f32 v24, v9;
	v17 =	vadd.f32 v16, v23  }
0x5d: {  	v9 =	vimm.f32 $1.000000000e+00;
	v16 =	vmin.f32 v0, v60;
	v0 =	vmax.f32 v0, v60  }
0x5e: {  	v18 =	vld [tilespmem:s16+$0x7E00];
	v24 =	vsel vm2, $0x0, v9;
	v2 =	vmax.f32 v2, v16;
	v7 =	vmin.f32 v0, v63  }
0x5f: {  	v16 =	vadd.f32 v24, v22;
	v22 =	vmax.f32 v10, v36;
	vm3 =	vge.f32 v1, v17  }
0x60: {  	v10 =	vmax.f32 v2, v7;
	v24 =	vsel vm2, $0x3F800000, v25;
	vm8 =	vge.f32 v13, v17  }
0x61: {  	vm13 =	vge.f32 v11, v17;
	v2 =	vadd.f32 v15, v22;
	v7 =	vsel vm3, $0x0, v9  }
0x62: {  	v15 =	vmax.f32 v12, v31;
	v16 =	vadd.f32 v7, v16;
	v7 =	vmax.f32 v0, v63  }
0x63: {  	v0 =	vadd.f32 v20, v15;
	vm5 =	vge.f32 v1, v2;
	v20 =	vmin.f32 v7, v18  }
0x64: {  	v20 =	vmax.f32 v10, v20;
	v10 =	vmax.f32 v7, v18;
	v7 =	vsel vm5, $0x0, v9  }
0x65: {  	vm6 =	vge.f32 v1, v0;
	v12 =	vadd.f32 v7, v16;
	v16 =	vadd.f32 v20, v10  }
0x66: {  	vm9 =	vge.f32 v13, v2;
	vm14 =	vge.f32 v11, v2;
	v20 =	vsel vm6, $0x0, v9  }
0x67: {  	vm10 =	vge.f32 v13, v0;
	v12 =	vadd.f32 v20, v12;
	vm4 =	vge.f32 v1, v16  }
0x68: {  	v7 =	vsel vm1, $0x3F800000, v25;
	v20 =	vsel vm7, $0x3F800000, v25;
	v1 =	vsel vm4, $0x0, v9  }
0x69: {  	vm11 =	vge.f32 v13, v16;
	v1 =	vadd.f32 v1, v12;
	v12 =	vadd.f32 v20, v7  }
0x6a: {  	[tilespmem:$0x1FF10] =	vst v27;
	v20 =	vsel vm0, $0x3F800000, v25;
	v7 =	vimm.f32 $0.0e+00;
	v25 =	vsel vm7, $0x0, v9  }
0x6b: {  	[tilespmem:$0x1FF20] =	vst v28;
	v26 =	vsel vm15, $0x3F800000, v7;
	v20 =	vadd.f32 v25, v20;
	v25 =	vsel vm3, $0x3F800000, v7  }
0x6c: {  	[tilespmem:$0x1FF30] =	vst v29;
	v27 =	vsel vm8, $0x3F800000, v7;
	v28 =	vsel vm9, $0x3F800000, v7;
	v29 =	vsel vm10, $0x3F800000, v7  }
0x6d: {  	v13 =	vsel vm4, $0x3F800000, v7;
	v24 =	vadd.f32 v26, v24;
	v26 =	vsel vm15, $0x0, v9  }
0x6e: {  	v25 =	vadd.f32 v27, v25;
	v27 =	vsel vm8, $0x0, v9;
	vm0 =	vlt.f32 v1, $4.000000000e+00  }
0x6f: {  	v1 =	vsel vm11, $0x0, v9;
	vm15 =	vge.f32 v11, v0;
	v20 =	vadd.f32 v26, v20  }
0x70: {  	v26 =	vsel vm5, $0x3F800000, v7;
	v3 =	vnsel vm0, $0x0, v3;
	v6 =	vnsel vm0, $0x0, v6  }
0x71: {  	v26 =	vadd.f32 v28, v26;
	v28 =	vsel vm9, $0x0, v9;
	[tilespmem:$0x8040] =	vst v3;
	v20 =	vadd.f32 v27, v20  }
0x72: {  	v3 =	vnsel vm0, $0x0, v4;
	v4 =	vsel vm12, $0x3F800000, v7;
	[tilespmem:$0x8070] =	vst v6;
	v6 =	vsel vm13, $0x3F800000, v7  }
0x73: {  	vm9 =	vge.f32 v11, v16;
	v27 =	vsel vm6, $0x3F800000, v7;
	v20 =	vadd.f32 v28, v20  }
0x74: {  	v4 =	vadd.f32 v24, v4;
	[tilespmem:$0x8050] =	vst v3;
	v3 =	vnsel vm0, $0x0, v5;
	v28 =	vsel vm10, $0x0, v9  }
0x75: {  	v5 =	vsel vm13, $0x0, v9;
	v20 =	vadd.f32 v28, v20;
	v28 =	vsel vm12, $0x0, v9  }
0x76: {  	v6 =	vadd.f32 v25, v6;
	vm13 =	vge.f32 v19, v16;
	v12 =	vadd.f32 v28, v12  }
0x77: {  	v27 =	vadd.f32 v29, v27;
	v29 =	vsel vm11, $0x3F800000, v7;
	[tilespmem:$0x8060] =	vst v3;
	v3 =	vnsel vm0, $0x0, v8  }
0x78: {  	vm11 =	vge.f32 v19, v2;
	v13 =	vadd.f32 v29, v13;
	v5 =	vadd.f32 v5, v12  }
0x79: {  	vm10 =	vge.f32 v19, v17;
	v1 =	vadd.f32 v1, v20;
	v12 =	vsel vm14, $0x0, v9  }
0x7a: {  	[tilespmem:$0x8080] =	vst v3;
	vm12 =	vge.f32 v19, v0;
	v5 =	vadd.f32 v12, v5;
	v12 =	vnsel vm0, $0x0, v21  }
0x7b: {  	vm1 =	vlt.f32 v1, $4.000000000e+00;
	v21 =	vnsel vm0, $0x0, v62;
	v62 =	vnsel vm0, $0x0, v61;
	[tilespmem:$0x8090] =	vst v12  }
0x7c: {  	v59 =	vnsel vm1, $0x0, v59;
	v61 =	vnsel vm1, $0x0, v58;
	v58 =	vnsel vm1, $0x0, v54;
	[tilespmem:$0x80A0] =	vst v21  }
0x7d: {  	v11 =	vnsel vm1, $0x0, v49;
	v12 =	vsel vm14, $0x3F800000, v7;
	v21 =	vsel vm15, $0x0, v9;
	[tilespmem:$0x80B0] =	vst v62  }
0x7e: {  	[tilespmem:$0x80C0] =	vst v59;
	v62 =	vnsel vm1, $0x0, v56;
	v56 =	vnsel vm1, $0x0, v55;
	v59 =	vsel vm15, $0x3F800000, v7  }
0x7f: {  	[tilespmem:$0x80D0] =	vst v61;
	v61 =	vnsel vm1, $0x0, v53;
	v53 =	vsel vm10, $0x3F800000, v7;
	v55 =	vsel vm13, $0x0, v9  }
0x80: {  	[tilespmem:$0x8100] =	vst v58;
	v58 =	vsel vm11, $0x3F800000, v7;
	vm14 =	vge.f32 v17, v2;
	vm15 =	vge.f32 v17, v0  }
0x81: {  	v3 =	vadd.f32 v26, v12;
	v5 =	vadd.f32 v21, v5;
	v12 =	vsel vm9, $0x0, v9;
	[tilespmem:$0x80E0] =	vst v62  }
0x82: {  	v21 =	vsel vm10, $0x0, v9;
	[tilespmem:$0x80F0] =	vst v56;
	v8 =	vadd.f32 v27, v59;
	v62 =	vsel vm11, $0x0, v9  }
0x83: {  	[tilespmem:$0x8110] =	vst v61;
	v1 =	vadd.f32 v6, v53;
	v56 =	vld [tilespmem:$0x1FE30];
	v61 =	vsel vm14, $0x0, v9;
	vm10 =	vge.f32 v2, v0  }
0x84: {  	v59 =	vld [tilespmem:$0x1FE40];
	v4 =	vadd.f32 v21, v4;
	v5 =	vadd.f32 v12, v5;
	v12 =	vsel vm9, $0x3F800000, v7  }
0x85: {  	v3 =	vadd.f32 v3, v58;
	v1 =	vadd.f32 v61, v1;
	vm9 =	vge.f32 v17, v16  }
0x86: {  	[tilespmem:$0x8130] =	vst v11;
	v53 =	vld [tilespmem:$0x1FEA0];
	v4 =	vadd.f32 v62, v4;
	vm2 =	vlt.f32 v5, $4.000000000e+00;
	v5 =	vnsel vm1, $0x0, v52  }
0x87: {  	v62 =	vld [tilespmem:$0x1FE50];
	[tilespmem:$0x8120] =	vst v5;
	v5 =	vadd.f32 v13, v12;
	v21 =	vnsel vm2, $0x0, v45;
	v45 =	vsel vm12, $0x0, v9  }
0x88: {  	v58 =	vld [tilespmem:$0x1FEC0];
	v52 =	vnsel vm2, $0x0, v39;
	v54 =	vnsel vm2, $0x0, v38;
	v6 =	vnsel vm2, $0x0, v56;
	[tilespmem:$0x8140] =	vst v21  }
0x89: {  	v11 =	vnsel vm2, $0x0, v59;
	v12 =	vsel vm12, $0x3F800000, v7;
	v38 =	vld [tilespmem:$0x1FE80];
	v4 =	vadd.f32 v45, v4;
	[tilespmem:$0x8150] =	vst v52  }
0x8a: {  	v13 =	vnsel vm2, $0x0, v32;
	v39 =	vsel vm13, $0x3F800000, v7;
	v59 =	vld [tilespmem:$0x1FED0];
	[tilespmem:$0x8160] =	vst v54;
	v21 =	vsel vm15, $0x0, v9  }
0x8b: {  	v32 =	vld [tilespmem:$0x1FE70];
	vm12 =	vge.f32 v2, v16;
	[tilespmem:$0x8170] =	vst v6;
	v1 =	vadd.f32 v21, v1;
	v4 =	vadd.f32 v55, v4  }
0x8c: {  	v56 =	vld [tilespmem:$0x1FEB0];
	[tilespmem:$0x8180] =	vst v11;
	v45 =	vsel vm9, $0x0, v9;
	v54 =	vsel vm14, $0x3F800000, v7;
	v11 =	vnsel vm2, $0x0, v62  }
0x8d: {  	v3 =	vadd.f32 v3, v54;
	[tilespmem:$0x8190] =	vst v11;
	v11 =	vld [tilespmem:$0x1FE60];
	v1 =	vadd.f32 v45, v1;
	vm3 =	vlt.f32 v4, $4.000000000e+00  }
0x8e: {  	[tilespmem:$0x81B0] =	vst v13;
	v52 =	vld [tilespmem:$0x1FE90];
	v5 =	vadd.f32 v5, v39;
	v21 =	vsel vm10, $0x0, v9;
	v6 =	vnsel vm3, $0x0, v38  }
0x8f: {  	v13 =	vld [tilespmem:$0x1FEF0];
	v3 =	vadd.f32 v21, v3;
	vm11 =	vlt.f32 v1, $4.000000000e+00;
	v1 =	vnsel vm3, $0x0, v59;
	[tilespmem:$0x81D0] =	vst v6  }
0x90: {  	v61 =	vsel vm9, $0x3F800000, v7;
	v39 =	vld [tilespmem:$0x1FF10];
	v45 =	vsel vm12, $0x0, v9;
	v6 =	vnsel vm3, $0x0, v53;
	[tilespmem:$0x8220] =	vst v1  }
0x91: {  	v5 =	vadd.f32 v5, v61;
	v61 =	vld [tilespmem:$0x1FF70];
	v3 =	vadd.f32 v45, v3;
	[tilespmem:$0x81F0] =	vst v6;
	v6 =	vnsel vm3, $0x0, v58  }
0x92: {  	v53 =	vld [tilespmem:$0x1FF30];
	v4 =	vnsel vm2, $0x0, v11;
	[tilespmem:$0x8210] =	vst v6  }
0x93: {  	v59 =	vld [tilespmem:$0x1FF60];
	vm14 =	vlt.f32 v3, $4.000000000e+00;
	v11 =	vnsel vm3, $0x0, v52;
	[tilespmem:$0x81A0] =	vst v4  }
0x94: {  	v21 =	vnsel vm14, $0x0, v34;
	v4 =	vadd.f32 v8, v12;
	v8 =	vnsel vm3, $0x0, v32;
	[tilespmem:$0x81E0] =	vst v11;
	v32 =	vld [tilespmem:$0x1FF00]  }
0x95: {  	v55 =	vsel vm15, $0x3F800000, v7;
	v11 =	vnsel vm3, $0x0, v56;
	v56 =	vld [tilespmem:$0x1FF40];
	[tilespmem:$0x8310] =	vst v21  }
0x96: {  	v58 =	vld [tilespmem:$0x1FF50];
	[tilespmem:$0x81C0] =	vst v8;
	v4 =	vadd.f32 v4, v55  }
0x97: {  	vm13 =	vge.f32 v0, v16;
	v62 =	vsel vm10, $0x3F800000, v7;
	v52 =	vld [tilespmem:$0x1FF20];
	[tilespmem:$0x8200] =	vst v11;
	v0 =	vnsel vm11, $0x0, v53  }
0x98: {  	v12 =	vld [tilespmem:$0x1FEE0];
	[tilespmem:$0x8280] =	vst v0;
	v1 =	vadd.f32 v4, v62;
	v4 =	vnsel vm11, $0x0, v13  }
0x99: {  	v54 =	vsel vm13, $0x3F800000, v7;
	v38 =	vsel vm12, $0x3F800000, v7;
	v7 =	vld [tilespmem:$0x1FFB0];
	[tilespmem:$0x8240] =	vst v4;
	v2 =	vnsel vm11, $0x0, v32  }
0x9a: {  	v6 =	vld [tilespmem:$0x1FFA0];
	v0 =	vnsel vm11, $0x0, v56;
	[tilespmem:$0x8250] =	vst v2  }
0x9b: {  	v4 =	vadd.f32 v5, v38;
	v5 =	vld [tilespmem:$0x1FF90];
	v2 =	vnsel vm11, $0x0, v39;
	[tilespmem:$0x8290] =	vst v0  }
0x9c: {  	v62 =	vld [tilespmem:$0x1FF80];
	v0 =	vnsel vm11, $0x0, v58;
	[tilespmem:$0x8260] =	vst v2  }
0x9d: {  	v55 =	vsel vm13, $0x0, v9;
	v8 =	vnsel vm3, $0x0, v12;
	v12 =	vld [tilespmem:$0x1FFD0];
	v2 =	vnsel vm11, $0x0, v52;
	[tilespmem:$0x82A0] =	vst v0  }
0x9e: {  	v49 =	vimm.s32 $0x8;
	v1 =	vadd.f32 v55, v1;
	v0 =	vnsel vm11, $0x0, v59;
	[tilespmem:$0x8270] =	vst v2  }
0x9f: {  	v9 =	vld [tilespmem:$0x1FFC0];
	v3 =	vnsel vm14, $0x0, v6;
	v2 =	vadd.f32 v4, v54;
	[tilespmem:$0x82B0] =	vst v0;
	v0 =	vnsel vm14, $0x0, v61  }
0xa0: {  	vm15 =	vlt.f32 v1, $4.000000000e+00;
	v1 =	vnsel vm1, $0x0, v14;
	[tilespmem:$0x82C0] =	vst v0;
	v0 =	vnsel vm0, $0x0, v5  }
0xa1: {  	[tilespmem:$0x8230] =	vst v8;
	vm9 =	vlt.f32 v2, $4.000000000e+00;
	v2 =	vnsel vm2, $0x0, v7;
	v8 =	vmax.f32 v0, v1  }
0xa2: {  	[tilespmem:$0x82E0] =	vst v3;
	v4 =	vnsel vm14, $0x0, v62;
	v3 =	vnsel vm3, $0x0, v12;
	v13 =	vmax.f32 v8, v2  }
0xa3: {  	v32 =	vnsel vm14, $0x0, v36;
	[tilespmem:$0x82D0] =	vst v4;
	v4 =	vnsel vm11, $0x0, v23;
	v6 =	vmax.f32 v13, v3  }
0xa4: {  	[tilespmem:$0x8330] =	vst v32;
	v11 =	vnsel vm14, $0x0, v9;
	v5 =	vnsel vm14, $0x0, v22;
	v22 =	vmax.f32 v6, v4  }
0xa5: {  	[tilespmem:$0x82F0] =	vst v11;
	v14 =	vnsel vm14, $0x0, v33;
	v6 =	vnsel vm15, $0x0, v15;
	v11 =	vmax.f32 v22, v5  }
0xa6: {  	[tilespmem:$0x8300] =	vst v14;
	v33 =	vnsel vm15, $0x0, v37;
	v10 =	vnsel vm9, $0x0, v10;
	v11 =	vmax.f32 v11, v6  }
0xa7: {  	v34 =	vnsel vm15, $0x0, v40;
	v36 =	vnsel vm15, $0x0, v46;
	[tilespmem:$0x8340] =	vst v33;
	v11 =	vmax.f32 v11, v10  }
0xa8: {  	v37 =	vnsel vm15, $0x0, v50;
	v39 =	vnsel vm15, $0x0, v51;
	[tilespmem:$0x8350] =	vst v34;
	vm10 =	veq.f32 v10, v11  }
0xa9: {  	v40 =	vnsel vm15, $0x0, v48;
	[tilespmem:$0x8370] =	vst v36;
	vm11 =	veq.f32 v6, v11;
	v38 =	vsel vm10, $0x7, v49  }
0xaa: {  	v23 =	vnsel vm14, $0x0, v35;
	[tilespmem:$0x8380] =	vst v37;
	vm12 =	veq.f32 v5, v11;
	v14 =	vsel vm11, $0x6, v38  }
0xab: {  	v35 =	vnsel vm15, $0x0, v41;
	[tilespmem:$0x8390] =	vst v39;
	vm13 =	veq.f32 v4, v11;
	v14 =	vsel vm12, $0x5, v14  }
0xac: {  	v41 =	vnsel vm15, $0x0, v31;
	[tilespmem:$0x83A0] =	vst v40;
	vm14 =	veq.f32 v3, v11;
	v45 =	vsel vm13, $0x4, v14  }
0xad: {  	[tilespmem:$0x8320] =	vst v23;
	v46 =	vnsel vm9, $0x0, v43;
	vm15 =	veq.f32 v2, v11;
	v12 =	vsel vm14, $0x3, v45  }
0xae: {  	[tilespmem:$0x8360] =	vst v35;
	v52 =	vnsel vm9, $0x0, v42;
	vm0 =	veq.f32 v1, v11;
	v12 =	vsel vm15, $0x2, v12  }
0xaf: {  	[tilespmem:$0x83B0] =	vst v41;
	v53 =	vnsel vm9, $0x0, v44;
	vm1 =	vne.f32 v0, v11;
	v12 =	vsel vm0, $0x1, v12  }
0xb0: {  	v54 =	vnsel vm9, $0x0, v47;
	v55 =	vnsel vm9, $0x0, v57;
	[tilespmem:$0x83C0] =	vst v46;
	v12 =	vnsel vm1, $0x0, v12  }
0xb1: {  	v56 =	vnsel vm9, $0x0, v60;
	v57 =	vnsel vm9, $0x0, v63;
	[tilespmem:$0x83D0] =	vst v52;
	v16 =	vshll.u32 v12, $0x3  }
0xb2: {  	v58 =	vnsel vm9, $0x0, v18;
	[tilespmem:$0x83E0] =	vst v53;
	v17 =	vshll.u32 v12, $0x7;
	v59 =	vor.u32 $0x1, v16  }
0xb3: {  	[tilespmem:$0x83F0] =	vst v54;
	v18 =	vor.u32 $0x2, v16;
	v60 =	vor.u32 v30, v17;
	v17 =	vshll.u32 v59, $0x4  }
0xb4: {  	[tilespmem:$0x8400] =	vst v55;
	v61 =	vor.u32 $0x3, v16;
	v19 =	vshll.u32 v18, $0x4;
	v17 =	vor.u32 v30, v17  }
0xb5: {  	[tilespmem:$0x8410] =	vst v56;
	v62 =	vor.u32 $0x4, v16;
	v20 =	vshll.u32 v61, $0x4;
	v19 =	vor.u32 v30, v19  }
0xb6: {  	[tilespmem:$0x8420] =	vst v57;
	v63 =	vor.u32 $0x5, v16;
	v32 =	vshll.u32 v62, $0x4;
	v20 =	vor.u32 v30, v20  }
0xb7: {  	[tilespmem:$0x8430] =	vst v58;
	v33 =	vor.u32 $0x6, v16;
	v34 =	vshll.u32 v63, $0x4;
	v21 =	vor.u32 v30, v32  }
0xb8: {  	v35 =	vor.u32 $0x7, v16;
	v37 =	vshll.u32 v33, $0x4;
	v36 =	vor.u32 v30, v34;
	v24 =	vld.idx.msk [tilespmem:v60+s10+$0x0], $0xffff  }
0xb9: {  	v25 =	vshll.u32 v35, $0x4;
	v22 =	vor.u32 v30, v37;
	v17 =	vld.idx.msk [tilespmem:v17+s10+$0x0], $0xffff  }
0xba: {  	v25 =	vor.u32 v30, v25;
	v19 =	vld.idx.msk [tilespmem:v19+s10+$0x0], $0xffff  }
0xbb: {  	v20 =	vld.idx.msk [tilespmem:v20+s10+$0x0], $0xffff  }
0xbc: {  	v21 =	vld.idx.msk [tilespmem:v21+s10+$0x0], $0xffff  }
0xbd: {  	v26 =	vld.idx.msk [tilespmem:v36+s10+$0x0], $0xffff;
	vm5 =	veq.f32 v24, v11  }
0xbe: {  	v22 =	vld.idx.msk [tilespmem:v22+s10+$0x0], $0xffff;
	v38 =	vnsel vm5, $0x40, v16  }
0xbf: {  	v25 =	vld.idx.msk [tilespmem:v25+s10+$0x0], $0xffff;
	vm6 =	veq.f32 v17, v11;
	v27 =	vmin.u32 v38, v59;
	vm7 =	veq.f32 v19, v11  }
0xc0: {  	vm8 =	veq.f32 v20, v11;
	v8 =	vsel vm6, v27, v38;
	v27 =	vnsel vm7, $0x40, v18  }
0xc1: {  	vm9 =	veq.f32 v21, v11;
	v8 =	vmin.u32 v8, v27;
	v27 =	vnsel vm8, $0x40, v61  }
0xc2: {  	vm10 =	veq.f32 v26, v11;
	v8 =	vmin.u32 v8, v27;
	v27 =	vnsel vm9, $0x40, v62  }
0xc3: {  	vm11 =	veq.f32 v22, v11;
	v8 =	vmin.u32 v8, v27;
	v27 =	vnsel vm10, $0x40, v63  }
0xc4: {  	vm12 =	veq.f32 v25, v11;
	v8 =	vmin.u32 v8, v27;
	v27 =	vnsel vm11, $0x40, v33  }
0xc5: {  	v11 =	vnsel vm12, $0x40, v35;
	v8 =	vmin.u32 v8, v27  }
0xc6: {  	v8 =	vmin.u32 v8, v11  }
0xc7: {  	vm13 =	veq.s32 v8, v59  }
0xc8: {  	v9 =	vsel vm13, $0xFF800000, v17  }
0xc9: {  	vm14 =	veq.s32 v8, v16;
	v39 =	vmax.f32 v24, v9  }
0xca: {  	v9 =	vsel vm14, v9, v39  }
0xcb: {  	vm15 =	veq.s32 v8, v18;
	v11 =	vmax.f32 v9, v19  }
0xcc: {  	v9 =	vsel vm15, v9, v11  }
0xcd: {  	vm4 =	veq.s32 v8, v61;
	v11 =	vmax.f32 v9, v20  }
0xce: {  	v9 =	vsel vm4, v9, v11  }
0xcf: {  	vm5 =	veq.s32 v8, v62;
	v11 =	vmax.f32 v9, v21  }
0xd0: {  	v9 =	vsel vm5, v9, v11  }
0xd1: {  	vm6 =	veq.s32 v8, v63;
	v11 =	vmax.f32 v9, v26  }
0xd2: {  	v9 =	vsel vm6, v9, v11  }
0xd3: {  	vm7 =	veq.s32 v8, v33;
	v40 =	vmax.f32 v9, v22  }
0xd4: {  	v7 =	vsel vm7, v9, v40  }
0xd5: {  	vm8 =	veq.s32 v8, v35;
	v9 =	vmax.f32 v7, v25  }
0xd6: {  	vm0 =	vmand vm1, vm0;
	v7 =	vsel vm8, v7, v9  }
0xd7: {  	vm9 =	veq.s32 v12, $0x2;
	v0 =	vsel vm1, v0, v7;
	v1 =	vsel vm0, v7, v1  }
0xd8: {  	vm10 =	veq.s32 v12, $0x3;
	v2 =	vsel vm9, v7, v2;
	v41 =	vmax.f32 v0, v1  }
0xd9: {  	vm11 =	veq.s32 v12, $0x4;
	v3 =	vsel vm10, v7, v3;
	v9 =	vmax.f32 v41, v2  }
0xda: {  	vm12 =	veq.s32 v12, $0x5;
	v4 =	vsel vm11, v7, v4;
	v9 =	vmax.f32 v9, v3  }
0xdb: {  	vm13 =	veq.s32 v12, $0x6;
	v5 =	vsel vm12, v7, v5;
	v9 =	vmax.f32 v9, v4  }
0xdc: {  	vm14 =	veq.s32 v12, $0x7;
	v6 =	vsel vm13, v7, v6;
	v9 =	vmax.f32 v9, v5  }
0xdd: {  	v7 =	vsel vm14, v7, v10;
	v9 =	vmax.f32 v9, v6  }
0xde: {  	v42 =	vmax.f32 v9, v7  }
0xdf: {  	vm0 =	veq.f32 v7, v42  }
0xe0: {  	vm15 =	veq.f32 v6, v42;
	v43 =	vsel vm0, $0x7, v49  }
0xe1: {  	v48 =	vld [tilespmem:$0x1FFE0];
	vm4 =	veq.f32 v5, v42;
	v9 =	vsel vm15, $0x6, v43  }
0xe2: {  	vm5 =	veq.f32 v4, v42;
	v9 =	vsel vm4, $0x5, v9  }
0xe3: {  	v50 =	vld [tilespmem:$0x1FFF0];
	vm6 =	veq.f32 v3, v42;
	v44 =	vsel vm5, $0x4, v9  }
0xe4: {  	vm7 =	veq.f32 v2, v42;
	v10 =	vsel vm6, $0x3, v44  }
0xe5: {  	v45 =	vshll.u32 v8, $0x9;
	vm0 =	veq.f32 v1, v42;
	v10 =	vsel vm7, $0x2, v10  }
0xe6: {  	vm1 =	vne.f32 v0, v42;
	v9 =	vor.u32 s14, v48;
	v10 =	vsel vm0, $0x1, v10  }
0xe7: {  	v51 =	vimm.f32 $-Inf;
	v11 =	vadd.s32 v9, v45;
	v46 =	vnsel vm1, $0x0, v10  }
0xe8: {  	v47 =	vshll.u32 v8, $0x4;
	v11 =	vor.u32 v50, v11;
	v48 =	vshll.u32 v46, $0x3  }
0xe9: {  	v52 =	vor.u32 v30, v47;
	v53 =	vshll.u32 v46, $0x7;
	v16 =	vor.u32 $0x1, v48  }
0xea: {  	v17 =	vor.u32 $0x2, v48;
	v18 =	vor.u32 v30, v53;
	v54 =	vshll.u32 v16, $0x4  }
0xeb: {  	v19 =	vor.u32 $0x3, v48;
	v55 =	vshll.u32 v17, $0x4;
	v20 =	vor.u32 v30, v54  }
0xec: {  	v56 =	vor.u32 $0x4, v48;
	v57 =	vshll.u32 v19, $0x4;
	v21 =	vor.u32 v30, v55  }
0xed: {  	v24 =	vor.u32 $0x5, v48;
	v10 =	vld.idx.msk [tilespmem:v11+s3+$0x0], $0xffff;
	v25 =	vshll.u32 v56, $0x4;
	v23 =	vor.u32 v30, v57  }
0xee: {  	v58 =	vor.u32 $0x6, v48;
	v11 =	vld.idx.msk [tilespmem:v8+s9+$0x0], $0xffff;
	[tilespmem:v52+s10+$0x0] =	vst.idx.msk $0xffff, v51;
	v26 =	vshll.u32 v24, $0x4;
	v25 =	vor.u32 v30, v25  }
0xef: {  	v27 =	vor.u32 $0x7, v48;
	v28 =	vshll.u32 v58, $0x4;
	v26 =	vor.u32 v30, v26;
	v18 =	vld.idx.msk [tilespmem:v18+s10+$0x0], $0xffff  }
0xf0: {  	v29 =	vshll.u32 v27, $0x4;
	v28 =	vor.u32 v30, v28;
	v20 =	vld.idx.msk [tilespmem:v20+s10+$0x0], $0xffff  }
0xf1: {  	v29 =	vor.u32 v30, v29;
	v21 =	vld.idx.msk [tilespmem:v21+s10+$0x0], $0xffff  }
0xf2: {  	v23 =	vld.idx.msk [tilespmem:v23+s10+$0x0], $0xffff  }
0xf3: {  	v25 =	vld.idx.msk [tilespmem:v25+s10+$0x0], $0xffff  }
0xf4: {  	v26 =	vld.idx.msk [tilespmem:v26+s10+$0x0], $0xffff;
	vm8 =	veq.f32 v18, v42  }
0xf5: {  	v28 =	vld.idx.msk [tilespmem:v28+s10+$0x0], $0xffff;
	v31 =	vnsel vm8, $0x40, v48  }
0xf6: {  	v29 =	vld.idx.msk [tilespmem:v29+s10+$0x0], $0xffff;
	vm9 =	veq.f32 v20, v42;
	v59 =	vmin.u32 v31, v16;
	vm10 =	veq.f32 v21, v42  }
0xf7: {  	vm11 =	veq.f32 v23, v42;
	v31 =	vsel vm9, v59, v31;
	v60 =	vnsel vm10, $0x40, v17  }
0xf8: {  	vm12 =	veq.f32 v25, v42;
	v61 =	vnsel vm11, $0x40, v19;
	v31 =	vmin.u32 v31, v60  }
0xf9: {  	vm13 =	veq.f32 v26, v42;
	v62 =	vnsel vm12, $0x40, v56;
	v31 =	vmin.u32 v31, v61  }
0xfa: {  	vm14 =	veq.f32 v28, v42;
	v63 =	vnsel vm13, $0x40, v24;
	v31 =	vmin.u32 v31, v62  }
0xfb: {  	vm15 =	veq.f32 v29, v42;
	v36 =	vnsel vm14, $0x40, v58;
	v31 =	vmin.u32 v31, v63  }
0xfc: {  	v37 =	vmin.u32 v31, v36;
	v31 =	vnsel vm15, $0x40, v27  }
0xfd: {  	v12 =	vmin.u32 v37, v31  }
0xfe: {  	vm4 =	veq.s32 v12, v16  }
0xff: {  	v16 =	vsel vm4, $0xFF800000, v20  }
0x100: {  	vm5 =	veq.s32 v12, v48;
	v38 =	vmax.f32 v18, v16  }
0x101: {  	v14 =	vsel vm5, v16, v38  }
0x102: {  	vm6 =	veq.s32 v12, v17;
	v16 =	vmax.f32 v14, v21  }
0x103: {  	v14 =	vsel vm6, v14, v16  }
0x104: {  	vm7 =	veq.s32 v12, v19;
	v16 =	vmax.f32 v14, v23  }
0x105: {  	v14 =	vsel vm7, v14, v16  }
0x106: {  	vm8 =	veq.s32 v12, v56;
	v16 =	vmax.f32 v14, v25  }
0x107: {  	v14 =	vsel vm8, v14, v16  }
0x108: {  	vm9 =	veq.s32 v12, v24;
	v16 =	vmax.f32 v14, v26  }
0x109: {  	v14 =	vsel vm9, v14, v16  }
0x10a: {  	vm10 =	veq.s32 v12, v58;
	v39 =	vmax.f32 v14, v28  }
0x10b: {  	v14 =	vsel vm10, v14, v39  }
0x10c: {  	vm11 =	veq.s32 v12, v27;
	v15 =	vmax.f32 v14, v29  }
0x10d: {  	vm0 =	vmand vm1, vm0;
	v14 =	vsel vm11, v14, v15  }
0x10e: {  	vm12 =	veq.s32 v46, $0x2;
	v0 =	vsel vm1, v0, v14;
	v1 =	vsel vm0, v14, v1  }
0x10f: {  	vm13 =	veq.s32 v46, $0x3;
	v2 =	vsel vm12, v14, v2;
	v40 =	vmax.f32 v0, v1  }
0x110: {  	vm14 =	veq.s32 v46, $0x4;
	v3 =	vsel vm13, v14, v3;
	v15 =	vmax.f32 v40, v2  }
0x111: {  	vm15 =	veq.s32 v46, $0x5;
	v4 =	vsel vm14, v14, v4;
	v15 =	vmax.f32 v15, v3  }
0x112: {  	vm4 =	veq.s32 v46, $0x6;
	v5 =	vsel vm15, v14, v5;
	v15 =	vmax.f32 v15, v4  }
0x113: {  	vm5 =	veq.s32 v46, $0x7;
	v6 =	vsel vm4, v14, v6;
	v41 =	vmax.f32 v15, v5  }
0x114: {  	v7 =	vsel vm5, v14, v7;
	v13 =	vmax.f32 v41, v6  }
0x115: {  	v42 =	vmax.f32 v13, v7  }
0x116: {  	vm0 =	veq.f32 v7, v42  }
0x117: {  	vm6 =	veq.f32 v6, v42;
	v43 =	vsel vm0, $0x7, v49  }
0x118: {  	vm7 =	veq.f32 v5, v42;
	v13 =	vsel vm6, $0x6, v43  }
0x119: {  	vm8 =	veq.f32 v4, v42;
	v13 =	vsel vm7, $0x5, v13  }
0x11a: {  	vm9 =	veq.f32 v3, v42;
	v13 =	vsel vm8, $0x4, v13  }
0x11b: {  	vm10 =	veq.f32 v2, v42;
	v13 =	vsel vm9, $0x3, v13  }
0x11c: {  	vm0 =	veq.f32 v1, v42;
	v13 =	vsel vm10, $0x2, v13  }
0x11d: {  	v44 =	vshll.u32 v12, $0x9;
	vm1 =	vne.f32 v0, v42;
	v13 =	vsel vm0, $0x1, v13  }
0x11e: {  	v14 =	vadd.s32 v9, v44;
	v16 =	vnsel vm1, $0x0, v13  }
0x11f: {  	v45 =	vshll.u32 v12, $0x4;
	v14 =	vor.u32 v50, v14;
	v17 =	vshll.u32 v16, $0x3  }
0x120: {  	v18 =	vor.u32 v30, v45;
	v46 =	vshll.u32 v16, $0x7;
	v19 =	vor.u32 $0x1, v17  }
0x121: {  	v20 =	vor.u32 $0x2, v17;
	v47 =	vor.u32 v30, v46;
	v48 =	vshll.u32 v19, $0x4  }
0x122: {  	v52 =	vor.u32 $0x3, v17;
	v24 =	vshll.u32 v20, $0x4;
	v53 =	vor.u32 v30, v48  }
0x123: {  	v25 =	vor.u32 $0x4, v17;
	v26 =	vshll.u32 v52, $0x4;
	v24 =	vor.u32 v30, v24  }
0x124: {  	v13 =	vld.idx.msk [tilespmem:v14+s3+$0x0], $0xffff;
	v27 =	vor.u32 $0x5, v17;
	v28 =	vshll.u32 v25, $0x4;
	v26 =	vor.u32 v30, v26  }
0x125: {  	v14 =	vld.idx.msk [tilespmem:v12+s9+$0x0], $0xffff;
	[tilespmem:v18+s10+$0x0] =	vst.idx.msk $0xffff, v51;
	v18 =	vor.u32 $0x6, v17;
	v29 =	vshll.u32 v27, $0x4;
	v28 =	vor.u32 v30, v28  }
0x126: {  	v31 =	vor.u32 $0x7, v17;
	v54 =	vshll.u32 v18, $0x4;
	v29 =	vor.u32 v30, v29;
	v21 =	vld.idx.msk [tilespmem:v47+s10+$0x0], $0xffff  }
0x127: {  	v55 =	vshll.u32 v31, $0x4;
	v32 =	vor.u32 v30, v54;
	v23 =	vld.idx.msk [tilespmem:v53+s10+$0x0], $0xffff  }
0x128: {  	v33 =	vor.u32 v30, v55;
	v24 =	vld.idx.msk [tilespmem:v24+s10+$0x0], $0xffff  }
0x129: {  	v26 =	vld.idx.msk [tilespmem:v26+s10+$0x0], $0xffff  }
0x12a: {  	v28 =	vld.idx.msk [tilespmem:v28+s10+$0x0], $0xffff  }
0x12b: {  	v29 =	vld.idx.msk [tilespmem:v29+s10+$0x0], $0xffff;
	vm11 =	veq.f32 v21, v42  }
0x12c: {  	v32 =	vld.idx.msk [tilespmem:v32+s10+$0x0], $0xffff;
	v56 =	vnsel vm11, $0x40, v17  }
0x12d: {  	v33 =	vld.idx.msk [tilespmem:v33+s10+$0x0], $0xffff;
	vm12 =	veq.f32 v23, v42;
	v57 =	vmin.u32 v56, v19;
	vm13 =	veq.f32 v24, v42  }
0x12e: {  	vm14 =	veq.f32 v26, v42;
	v34 =	vsel vm12, v57, v56;
	v58 =	vnsel vm13, $0x40, v20  }
0x12f: {  	vm15 =	veq.f32 v28, v42;
	v59 =	vnsel vm14, $0x40, v52;
	v34 =	vmin.u32 v34, v58  }
0x130: {  	vm4 =	veq.f32 v29, v42;
	v60 =	vnsel vm15, $0x40, v25;
	v34 =	vmin.u32 v34, v59  }
0x131: {  	vm5 =	veq.f32 v32, v42;
	v61 =	vnsel vm4, $0x40, v27;
	v34 =	vmin.u32 v34, v60  }
0x132: {  	vm6 =	veq.f32 v33, v42;
	v62 =	vnsel vm5, $0x40, v18;
	v34 =	vmin.u32 v34, v61  }
0x133: {  	v36 =	vnsel vm6, $0x40, v31;
	v63 =	vmin.u32 v34, v62  }
0x134: {  	v15 =	vmin.u32 v63, v36  }
0x135: {  	vm7 =	veq.s32 v15, v19  }
0x136: {  	v19 =	vsel vm7, $0xFF800000, v23  }
0x137: {  	vm8 =	veq.s32 v15, v17;
	v17 =	vmax.f32 v21, v19  }
0x138: {  	v17 =	vsel vm8, v19, v17  }
0x139: {  	vm9 =	veq.s32 v15, v20;
	v19 =	vmax.f32 v17, v24  }
0x13a: {  	v17 =	vsel vm9, v17, v19  }
0x13b: {  	vm10 =	veq.s32 v15, v52;
	v19 =	vmax.f32 v17, v26  }
0x13c: {  	v17 =	vsel vm10, v17, v19  }
0x13d: {  	vm11 =	veq.s32 v15, v25;
	v19 =	vmax.f32 v17, v28  }
0x13e: {  	v17 =	vsel vm11, v17, v19  }
0x13f: {  	vm12 =	veq.s32 v15, v27;
	v19 =	vmax.f32 v17, v29  }
0x140: {  	v17 =	vsel vm12, v17, v19  }
0x141: {  	vm13 =	veq.s32 v15, v18;
	v18 =	vmax.f32 v17, v32  }
0x142: {  	v17 =	vsel vm13, v17, v18  }
0x143: {  	vm14 =	veq.s32 v15, v31;
	v18 =	vmax.f32 v17, v33  }
0x144: {  	vm0 =	vmand vm1, vm0;
	v17 =	vsel vm14, v17, v18  }
0x145: {  	vm15 =	veq.s32 v16, $0x2;
	v0 =	vsel vm1, v0, v17;
	v19 =	vsel vm0, v17, v1  }
0x146: {  	vm4 =	veq.s32 v16, $0x3;
	v20 =	vsel vm15, v17, v2;
	v1 =	vmax.f32 v0, v19  }
0x147: {  	vm5 =	veq.s32 v16, $0x4;
	v3 =	vsel vm4, v17, v3;
	v1 =	vmax.f32 v1, v20  }
0x148: {  	vm6 =	veq.s32 v16, $0x5;
	v4 =	vsel vm5, v17, v4;
	v1 =	vmax.f32 v1, v3  }
0x149: {  	vm7 =	veq.s32 v16, $0x6;
	v5 =	vsel vm6, v17, v5;
	v1 =	vmax.f32 v1, v4  }
0x14a: {  	vm8 =	veq.s32 v16, $0x7;
	v6 =	vsel vm7, v17, v6;
	v1 =	vmax.f32 v1, v5  }
0x14b: {  	v7 =	vsel vm8, v17, v7;
	v1 =	vmax.f32 v1, v6  }
0x14c: {  	v16 =	vmax.f32 v1, v7  }
0x14d: {  	vm0 =	veq.f32 v7, v16  }
0x14e: {  	vm9 =	veq.f32 v6, v16;
	v37 =	vsel vm0, $0x7, v49  }
0x14f: {  	vm10 =	veq.f32 v5, v16;
	v1 =	vsel vm9, $0x6, v37  }
0x150: {  	vm11 =	veq.f32 v4, v16;
	v1 =	vsel vm10, $0x5, v1  }
0x151: {  	vm12 =	veq.f32 v3, v16;
	v1 =	vsel vm11, $0x4, v1  }
0x152: {  	vm13 =	veq.f32 v20, v16;
	v1 =	vsel vm12, $0x3, v1  }
0x153: {  	vm0 =	veq.f32 v19, v16;
	v1 =	vsel vm13, $0x2, v1  }
0x154: {  	v38 =	vshll.u32 v15, $0x9;
	vm1 =	vne.f32 v0, v16;
	v1 =	vsel vm0, $0x1, v1  }
0x155: {  	v2 =	vadd.s32 v9, v38;
	v17 =	vnsel vm1, $0x0, v1  }
0x156: {  	v39 =	vshll.u32 v15, $0x4;
	v2 =	vor.u32 v50, v2;
	v40 =	vshll.u32 v17, $0x3  }
0x157: {  	v18 =	vor.u32 v30, v39;
	v42 =	vshll.u32 v17, $0x7;
	v41 =	vor.u32 $0x1, v40  }
0x158: {  	v43 =	vor.u32 $0x2, v40;
	v24 =	vor.u32 v30, v42;
	v44 =	vshll.u32 v41, $0x4  }
0x159: {  	v25 =	vor.u32 $0x3, v40;
	v27 =	vshll.u32 v43, $0x4;
	v26 =	vor.u32 v30, v44  }
0x15a: {  	v28 =	vor.u32 $0x4, v40;
	v29 =	vshll.u32 v25, $0x4;
	v27 =	vor.u32 v30, v27  }
0x15b: {  	v1 =	vld.idx.msk [tilespmem:v2+s3+$0x0], $0xffff;
	v31 =	vor.u32 $0x5, v40;
	v45 =	vshll.u32 v28, $0x4;
	v29 =	vor.u32 v30, v29  }
0x15c: {  	v2 =	vld.idx.msk [tilespmem:v15+s9+$0x0], $0xffff;
	[tilespmem:v18+s10+$0x0] =	vst.idx.msk $0xffff, v51;
	v46 =	vor.u32 $0x6, v40;
	v47 =	vshll.u32 v31, $0x4;
	v18 =	vor.u32 v30, v45  }
0x15d: {  	v48 =	vor.u32 $0x7, v40;
	v52 =	vshll.u32 v46, $0x4;
	v32 =	vor.u32 v30, v47;
	v24 =	vld.idx.msk [tilespmem:v24+s10+$0x0], $0xffff  }
0x15e: {  	v53 =	vshll.u32 v48, $0x4;
	v35 =	vor.u32 v30, v52;
	v26 =	vld.idx.msk [tilespmem:v26+s10+$0x0], $0xffff  }
0x15f: {  	v36 =	vor.u32 v30, v53;
	v27 =	vld.idx.msk [tilespmem:v27+s10+$0x0], $0xffff  }
0x160: {  	v29 =	vld.idx.msk [tilespmem:v29+s10+$0x0], $0xffff  }
0x161: {  	v54 =	vld.idx.msk [tilespmem:v18+s10+$0x0], $0xffff  }
0x162: {  	v32 =	vld.idx.msk [tilespmem:v32+s10+$0x0], $0xffff;
	vm14 =	veq.f32 v24, v16  }
0x163: {  	v35 =	vld.idx.msk [tilespmem:v35+s10+$0x0], $0xffff;
	v18 =	vnsel vm14, $0x40, v40  }
0x164: {  	v36 =	vld.idx.msk [tilespmem:v36+s10+$0x0], $0xffff;
	vm15 =	veq.f32 v26, v16;
	v55 =	vmin.u32 v18, v41;
	vm6 =	veq.f32 v27, v16  }
0x165: {  	vm7 =	veq.f32 v29, v16;
	v18 =	vsel vm15, v55, v18;
	v56 =	vnsel vm6, $0x40, v43  }
0x166: {  	vm8 =	veq.f32 v54, v16;
	v57 =	vnsel vm7, $0x40, v25;
	v18 =	vmin.u32 v18, v56  }
0x167: {  	vm9 =	veq.f32 v32, v16;
	v58 =	vnsel vm8, $0x40, v28;
	v18 =	vmin.u32 v18, v57  }
0x168: {  	vm10 =	veq.f32 v35, v16;
	v59 =	vnsel vm9, $0x40, v31;
	v18 =	vmin.u32 v18, v58  }
0x169: {  	vm11 =	veq.f32 v36, v16;
	v60 =	vnsel vm10, $0x40, v46;
	v18 =	vmin.u32 v18, v59  }
0x16a: {  	v16 =	vmin.u32 v18, v60;
	v18 =	vnsel vm11, $0x40, v48  }
0x16b: {  	v18 =	vmin.u32 v16, v18  }
0x16c: {  	vm12 =	veq.s32 v18, v41  }
0x16d: {  	v16 =	vsel vm12, $0xFF800000, v26  }
0x16e: {  	vm13 =	veq.s32 v18, v40;
	v61 =	vmax.f32 v24, v16  }
0x16f: {  	v16 =	vsel vm13, v16, v61  }
0x170: {  	vm14 =	veq.s32 v18, v43;
	v21 =	vmax.f32 v16, v27  }
0x171: {  	v16 =	vsel vm14, v16, v21  }
0x172: {  	vm15 =	veq.s32 v18, v25;
	v21 =	vmax.f32 v16, v29  }
0x173: {  	v16 =	vsel vm15, v16, v21  }
0x174: {  	vm4 =	veq.s32 v18, v28;
	v21 =	vmax.f32 v16, v54  }
0x175: {  	v16 =	vsel vm4, v16, v21  }
0x176: {  	vm5 =	veq.s32 v18, v31;
	v21 =	vmax.f32 v16, v32  }
0x177: {  	v16 =	vsel vm5, v16, v21  }
0x178: {  	vm6 =	veq.s32 v18, v46;
	v21 =	vmax.f32 v16, v35  }
0x179: {  	v16 =	vsel vm6, v16, v21  }
0x17a: {  	vm7 =	veq.s32 v18, v48;
	v21 =	vmax.f32 v16, v36  }
0x17b: {  	vm0 =	vmand vm1, vm0;
	v16 =	vsel vm7, v16, v21  }
0x17c: {  	vm8 =	veq.s32 v17, $0x2;
	v0 =	vsel vm1, v0, v16;
	v19 =	vsel vm0, v16, v19  }
0x17d: {  	vm9 =	veq.s32 v17, $0x3;
	v20 =	vsel vm8, v16, v20;
	v62 =	vmax.f32 v0, v19  }
0x17e: {  	vm10 =	veq.s32 v17, $0x4;
	v3 =	vsel vm9, v16, v3;
	v21 =	vmax.f32 v62, v20  }
0x17f: {  	vm11 =	veq.s32 v17, $0x5;
	v4 =	vsel vm10, v16, v4;
	v21 =	vmax.f32 v21, v3  }
0x180: {  	vm12 =	veq.s32 v17, $0x6;
	v5 =	vsel vm11, v16, v5;
	v21 =	vmax.f32 v21, v4  }
0x181: {  	vm13 =	veq.s32 v17, $0x7;
	v6 =	vsel vm12, v16, v6;
	v17 =	vmax.f32 v21, v5  }
0x182: {  	v7 =	vsel vm13, v16, v7;
	v16 =	vmax.f32 v17, v6  }
0x183: {  	v63 =	vmax.f32 v16, v7  }
0x184: {  	vm0 =	veq.f32 v7, v63  }
0x185: {  	vm14 =	veq.f32 v6, v63;
	v16 =	vsel vm0, $0x7, v49  }
0x186: {  	vm15 =	veq.f32 v5, v63;
	v16 =	vsel vm14, $0x6, v16  }
0x187: {  	vm4 =	veq.f32 v4, v63;
	v16 =	vsel vm15, $0x5, v16  }
0x188: {  	vm5 =	veq.f32 v3, v63;
	v16 =	vsel vm4, $0x4, v16  }
0x189: {  	vm6 =	veq.f32 v20, v63;
	v16 =	vsel vm5, $0x3, v16  }
0x18a: {  	vm0 =	veq.f32 v19, v63;
	v16 =	vsel vm6, $0x2, v16  }
0x18b: {  	v17 =	vshll.u32 v18, $0x9;
	vm1 =	vne.f32 v0, v63;
	v16 =	vsel vm0, $0x1, v16  }
0x18c: {  	v17 =	vadd.s32 v9, v17;
	v22 =	vnsel vm1, $0x0, v16  }
0x18d: {  	v17 =	vor.u32 v50, v17;
	v16 =	vshll.u32 v18, $0x4;
	v23 =	vshll.u32 v22, $0x3  }
0x18e: {  	v24 =	vor.u32 v30, v16;
	v16 =	vshll.u32 v22, $0x7;
	v25 =	vor.u32 $0x1, v23  }
0x18f: {  	v26 =	vor.u32 $0x2, v23;
	v27 =	vor.u32 v30, v16;
	v16 =	vshll.u32 v25, $0x4  }
0x190: {  	v28 =	vor.u32 $0x3, v23;
	v31 =	vshll.u32 v26, $0x4;
	v29 =	vor.u32 v30, v16  }
0x191: {  	v44 =	vor.u32 $0x4, v23;
	v45 =	vshll.u32 v28, $0x4;
	v31 =	vor.u32 v30, v31  }
0x192: {  	v46 =	vor.u32 $0x5, v23;
	v47 =	vshll.u32 v44, $0x4;
	v16 =	vld.idx.msk [tilespmem:v17+s3+$0x0], $0xffff;
	v33 =	vor.u32 v30, v45  }
0x193: {  	v48 =	vshll.u32 v46, $0x4;
	v17 =	vld.idx.msk [tilespmem:v18+s9+$0x0], $0xffff;
	v35 =	vor.u32 v30, v47;
	[tilespmem:v24+s10+$0x0] =	vst.idx.msk $0xffff, v51;
	v24 =	vor.u32 $0x6, v23  }
0x194: {  	v52 =	vor.u32 $0x7, v23;
	v36 =	vor.u32 v30, v48;
	v27 =	vld.idx.msk [tilespmem:v27+s10+$0x0], $0xffff;
	v53 =	vshll.u32 v24, $0x4  }
0x195: {  	v54 =	vshll.u32 v52, $0x4;
	v38 =	vor.u32 v30, v53;
	v29 =	vld.idx.msk [tilespmem:v29+s10+$0x0], $0xffff  }
0x196: {  	v39 =	vor.u32 v30, v54;
	v31 =	vld.idx.msk [tilespmem:v31+s10+$0x0], $0xffff  }
0x197: {  	v33 =	vld.idx.msk [tilespmem:v33+s10+$0x0], $0xffff  }
0x198: {  	v35 =	vld.idx.msk [tilespmem:v35+s10+$0x0], $0xffff  }
0x199: {  	v36 =	vld.idx.msk [tilespmem:v36+s10+$0x0], $0xffff;
	vm7 =	veq.f32 v27, v63  }
0x19a: {  	v38 =	vld.idx.msk [tilespmem:v38+s10+$0x0], $0xffff;
	v55 =	vnsel vm7, $0x40, v23  }
0x19b: {  	v39 =	vld.idx.msk [tilespmem:v39+s10+$0x0], $0xffff;
	vm8 =	veq.f32 v29, v63;
	v56 =	vmin.u32 v55, v25;
	vm9 =	veq.f32 v31, v63  }
0x19c: {  	vm10 =	veq.f32 v33, v63;
	v40 =	vsel vm8, v56, v55;
	v57 =	vnsel vm9, $0x40, v26  }
0x19d: {  	vm11 =	veq.f32 v35, v63;
	v58 =	vnsel vm10, $0x40, v28;
	v40 =	vmin.u32 v40, v57  }
0x19e: {  	vm12 =	veq.f32 v36, v63;
	v59 =	vnsel vm11, $0x40, v44;
	v40 =	vmin.u32 v40, v58  }
0x19f: {  	v60 =	vnsel vm12, $0x40, v46;
	v40 =	vmin.u32 v40, v59;
	vm13 =	veq.f32 v38, v63  }
0x1a0: {  	vm14 =	veq.f32 v39, v63;
	v40 =	vmin.u32 v40, v60;
	v61 =	vnsel vm13, $0x40, v24  }
0x1a1: {  	v63 =	vnsel vm14, $0x40, v52;
	v62 =	vmin.u32 v40, v61  }
0x1a2: {  	v21 =	vmin.u32 v62, v63  }
0x1a3: {  	vm15 =	veq.s32 v21, v25  }
0x1a4: {  	v25 =	vsel vm15, $0xFF800000, v29  }
0x1a5: {  	vm4 =	veq.s32 v21, v23;
	v41 =	vmax.f32 v27, v25  }
0x1a6: {  	v23 =	vsel vm4, v25, v41  }
0x1a7: {  	vm5 =	veq.s32 v21, v26;
	v25 =	vmax.f32 v23, v31  }
0x1a8: {  	v23 =	vsel vm5, v23, v25  }
0x1a9: {  	vm6 =	veq.s32 v21, v28;
	v25 =	vmax.f32 v23, v33  }
0x1aa: {  	v23 =	vsel vm6, v23, v25  }
0x1ab: {  	vm7 =	veq.s32 v21, v44;
	v25 =	vmax.f32 v23, v35  }
0x1ac: {  	v23 =	vsel vm7, v23, v25  }
0x1ad: {  	vm8 =	veq.s32 v21, v46;
	v25 =	vmax.f32 v23, v36  }
0x1ae: {  	v23 =	vsel vm8, v23, v25  }
0x1af: {  	vm9 =	veq.s32 v21, v24;
	v24 =	vmax.f32 v23, v38  }
0x1b0: {  	v23 =	vsel vm9, v23, v24  }
0x1b1: {  	vm10 =	veq.s32 v21, v52;
	v24 =	vmax.f32 v23, v39  }
0x1b2: {  	vm0 =	vmand vm1, vm0;
	v23 =	vsel vm10, v23, v24  }
0x1b3: {  	vm11 =	veq.s32 v22, $0x2;
	v24 =	vsel vm1, v0, v23;
	v19 =	vsel vm0, v23, v19  }
0x1b4: {  	vm12 =	veq.s32 v22, $0x3;
	v20 =	vsel vm11, v23, v20;
	v0 =	vmax.f32 v24, v19  }
0x1b5: {  	vm13 =	veq.s32 v22, $0x4;
	v25 =	vsel vm12, v23, v3;
	v0 =	vmax.f32 v0, v20  }
0x1b6: {  	vm14 =	veq.s32 v22, $0x5;
	v26 =	vsel vm13, v23, v4;
	v0 =	vmax.f32 v0, v25  }
0x1b7: {  	vm15 =	veq.s32 v22, $0x6;
	v5 =	vsel vm14, v23, v5;
	v0 =	vmax.f32 v0, v26  }
0x1b8: {  	vm4 =	veq.s32 v22, $0x7;
	v6 =	vsel vm15, v23, v6;
	v0 =	vmax.f32 v0, v5  }
0x1b9: {  	v7 =	vsel vm4, v23, v7;
	v0 =	vmax.f32 v0, v6  }
0x1ba: {  	v0 =	vmax.f32 v0, v7  }
0x1bb: {  	vm0 =	veq.f32 v7, v0  }
0x1bc: {  	vm5 =	veq.f32 v6, v0;
	v42 =	vsel vm0, $0x7, v49  }
0x1bd: {  	vm6 =	veq.f32 v5, v0;
	v3 =	vsel vm5, $0x6, v42  }
0x1be: {  	vm7 =	veq.f32 v26, v0;
	v3 =	vsel vm6, $0x5, v3  }
0x1bf: {  	vm8 =	veq.f32 v25, v0;
	v3 =	vsel vm7, $0x4, v3  }
0x1c0: {  	vm9 =	veq.f32 v20, v0;
	v3 =	vsel vm8, $0x3, v3  }
0x1c1: {  	vm0 =	veq.f32 v19, v0;
	v3 =	vsel vm9, $0x2, v3  }
0x1c2: {  	v43 =	vshll.u32 v21, $0x9;
	vm1 =	vne.f32 v24, v0;
	v3 =	vsel vm0, $0x1, v3  }
0x1c3: {  	v4 =	vadd.s32 v9, v43;
	v22 =	vnsel vm1, $0x0, v3  }
0x1c4: {  	v44 =	vshll.u32 v21, $0x4;
	v4 =	vor.u32 v50, v4;
	v23 =	vshll.u32 v22, $0x3  }
0x1c5: {  	v27 =	vor.u32 v30, v44;
	v45 =	vshll.u32 v22, $0x7;
	v28 =	vor.u32 $0x1, v23  }
0x1c6: {  	v29 =	vor.u32 $0x2, v23;
	v31 =	vor.u32 v30, v45;
	v46 =	vshll.u32 v28, $0x4  }
0x1c7: {  	v32 =	vor.u32 $0x3, v23;
	v48 =	vshll.u32 v29, $0x4;
	v47 =	vor.u32 v30, v46  }
0x1c8: {  	v34 =	vor.u32 $0x4, v23;
	v53 =	vshll.u32 v32, $0x4;
	v52 =	vor.u32 v30, v48  }
0x1c9: {  	v4 =	vld.idx.msk [tilespmem:v4+s3+$0x0], $0xffff;
	v37 =	vor.u32 $0x5, v23;
	v54 =	vshll.u32 v34, $0x4;
	v36 =	vor.u32 v30, v53  }
0x1ca: {  	v3 =	vld.idx.msk [tilespmem:v21+s9+$0x0], $0xffff;
	[tilespmem:v27+s10+$0x0] =	vst.idx.msk $0xffff, v51;
	v27 =	vor.u32 $0x6, v23;
	v55 =	vshll.u32 v37, $0x4;
	v38 =	vor.u32 v30, v54  }
0x1cb: {  	v56 =	vor.u32 $0x7, v23;
	v57 =	vshll.u32 v27, $0x4;
	v39 =	vor.u32 v30, v55;
	v31 =	vld.idx.msk [tilespmem:v31+s10+$0x0], $0xffff  }
0x1cc: {  	v58 =	vshll.u32 v56, $0x4;
	v41 =	vor.u32 v30, v57;
	v33 =	vld.idx.msk [tilespmem:v47+s10+$0x0], $0xffff  }
0x1cd: {  	v42 =	vor.u32 v30, v58;
	v35 =	vld.idx.msk [tilespmem:v52+s10+$0x0], $0xffff  }
0x1ce: {  	v36 =	vld.idx.msk [tilespmem:v36+s10+$0x0], $0xffff  }
0x1cf: {  	v38 =	vld.idx.msk [tilespmem:v38+s10+$0x0], $0xffff  }
0x1d0: {  	v39 =	vld.idx.msk [tilespmem:v39+s10+$0x0], $0xffff;
	vm10 =	veq.f32 v31, v0  }
0x1d1: {  	v41 =	vld.idx.msk [tilespmem:v41+s10+$0x0], $0xffff;
	v59 =	vnsel vm10, $0x40, v23  }
0x1d2: {  	v42 =	vld.idx.msk [tilespmem:v42+s10+$0x0], $0xffff;
	vm11 =	veq.f32 v33, v0;
	v60 =	vmin.u32 v59, v28;
	vm12 =	veq.f32 v35, v0  }
0x1d3: {  	vm13 =	veq.f32 v36, v0;
	v43 =	vsel vm11, v60, v59;
	v61 =	vnsel vm12, $0x40, v29  }
0x1d4: {  	vm14 =	veq.f32 v38, v0;
	v62 =	vnsel vm13, $0x40, v32;
	v43 =	vmin.u32 v43, v61  }
0x1d5: {  	vm15 =	veq.f32 v39, v0;
	v63 =	vnsel vm14, $0x40, v34;
	v43 =	vmin.u32 v43, v62  }
0x1d6: {  	vm4 =	veq.f32 v41, v0;
	v48 =	vnsel vm15, $0x40, v37;
	v43 =	vmin.u32 v43, v63  }
0x1d7: {  	vm5 =	veq.f32 v42, v0;
	v52 =	vnsel vm4, $0x40, v27;
	v43 =	vmin.u32 v43, v48  }
0x1d8: {  	v54 =	vnsel vm5, $0x40, v56;
	v53 =	vmin.u32 v43, v52  }
0x1d9: {  	v0 =	vmin.u32 v53, v54  }
0x1da: {  	vm6 =	veq.s32 v0, v28  }
0x1db: {  	v28 =	vsel vm6, $0xFF800000, v33  }
0x1dc: {  	vm7 =	veq.s32 v0, v23;
	v55 =	vmax.f32 v31, v28  }
0x1dd: {  	v23 =	vsel vm7, v28, v55  }
0x1de: {  	vm8 =	veq.s32 v0, v29;
	v28 =	vmax.f32 v23, v35  }
0x1df: {  	v23 =	vsel vm8, v23, v28  }
0x1e0: {  	vm9 =	veq.s32 v0, v32;
	v28 =	vmax.f32 v23, v36  }
0x1e1: {  	v23 =	vsel vm9, v23, v28  }
0x1e2: {  	vm10 =	veq.s32 v0, v34;
	v28 =	vmax.f32 v23, v38  }
0x1e3: {  	v23 =	vsel vm10, v23, v28  }
0x1e4: {  	vm11 =	veq.s32 v0, v37;
	v28 =	vmax.f32 v23, v39  }
0x1e5: {  	v23 =	vsel vm11, v23, v28  }
0x1e6: {  	vm12 =	veq.s32 v0, v27;
	v27 =	vmax.f32 v23, v41  }
0x1e7: {  	v23 =	vsel vm12, v23, v27  }
0x1e8: {  	vm13 =	veq.s32 v0, v56;
	v27 =	vmax.f32 v23, v42  }
0x1e9: {  	vm0 =	vmand vm1, vm0;
	v23 =	vsel vm13, v23, v27  }
0x1ea: {  	vm14 =	veq.s32 v22, $0x2;
	v24 =	vsel vm1, v24, v23;
	v19 =	vsel vm0, v23, v19  }
0x1eb: {  	vm15 =	veq.s32 v22, $0x3;
	v20 =	vsel vm14, v23, v20;
	v27 =	vmax.f32 v24, v19  }
0x1ec: {  	vm4 =	veq.s32 v22, $0x4;
	v25 =	vsel vm15, v23, v25;
	v27 =	vmax.f32 v27, v20  }
0x1ed: {  	vm5 =	veq.s32 v22, $0x5;
	v26 =	vsel vm4, v23, v26;
	v27 =	vmax.f32 v27, v25  }
0x1ee: {  	vm6 =	veq.s32 v22, $0x6;
	v28 =	vsel vm5, v23, v5;
	v56 =	vmax.f32 v27, v26  }
0x1ef: {  	vm7 =	veq.s32 v22, $0x7;
	v27 =	vsel vm6, v23, v6;
	v5 =	vmax.f32 v56, v28  }
0x1f0: {  	v22 =	vsel vm7, v23, v7;
	v5 =	vmax.f32 v5, v27  }
0x1f1: {  	v7 =	vmax.f32 v5, v22  }
0x1f2: {  	vm0 =	veq.f32 v22, v7  }
0x1f3: {  	vm8 =	veq.f32 v27, v7;
	v57 =	vsel vm0, $0x7, v49  }
0x1f4: {  	vm9 =	veq.f32 v28, v7;
	v5 =	vsel vm8, $0x6, v57  }
0x1f5: {  	vm10 =	veq.f32 v26, v7;
	v5 =	vsel vm9, $0x5, v5  }
0x1f6: {  	vm11 =	veq.f32 v25, v7;
	v5 =	vsel vm10, $0x4, v5  }
0x1f7: {  	vm12 =	veq.f32 v20, v7;
	v5 =	vsel vm11, $0x3, v5  }
0x1f8: {  	vm0 =	veq.f32 v19, v7;
	v5 =	vsel vm12, $0x2, v5  }
0x1f9: {  	v58 =	vshll.u32 v0, $0x9;
	vm1 =	vne.f32 v24, v7;
	v5 =	vsel vm0, $0x1, v5  }
0x1fa: {  	v6 =	vadd.s32 v9, v58;
	v23 =	vnsel vm1, $0x0, v5  }
0x1fb: {  	v59 =	vshll.u32 v0, $0x4;
	v6 =	vor.u32 v50, v6;
	v29 =	vshll.u32 v23, $0x3  }
0x1fc: {  	v31 =	vor.u32 v30, v59;
	v60 =	vshll.u32 v23, $0x7;
	v32 =	vor.u32 $0x1, v29  }
0x1fd: {  	v33 =	vor.u32 $0x2, v29;
	v61 =	vor.u32 v30, v60;
	v62 =	vshll.u32 v32, $0x4  }
0x1fe: {  	v35 =	vor.u32 $0x3, v29;
	v48 =	vshll.u32 v33, $0x4;
	v63 =	vor.u32 v30, v62  }
0x1ff: {  	v38 =	vor.u32 $0x4, v29;
	v49 =	vshll.u32 v35, $0x4;
	v37 =	vor.u32 v30, v48  }
0x200: {  	v5 =	vld.idx.msk [tilespmem:v6+s3+$0x0], $0xffff;
	v52 =	vor.u32 $0x5, v29;
	v53 =	vshll.u32 v38, $0x4;
	v39 =	vor.u32 v30, v49  }
0x201: {  	v6 =	vld.idx.msk [tilespmem:v0+s9+$0x0], $0xffff;
	[tilespmem:v31+s10+$0x0] =	vst.idx.msk $0xffff, v51;
	v31 =	vor.u32 $0x6, v29;
	v54 =	vshll.u32 v52, $0x4;
	v41 =	vor.u32 v30, v53  }
0x202: {  	v55 =	vor.u32 $0x7, v29;
	v56 =	vshll.u32 v31, $0x4;
	v42 =	vor.u32 v30, v54;
	v34 =	vld.idx.msk [tilespmem:v61+s10+$0x0], $0xffff  }
0x203: {  	v57 =	vshll.u32 v55, $0x4;
	v44 =	vor.u32 v30, v56;
	v36 =	vld.idx.msk [tilespmem:v63+s10+$0x0], $0xffff  }
0x204: {  	v45 =	vor.u32 v30, v57;
	v37 =	vld.idx.msk [tilespmem:v37+s10+$0x0], $0xffff  }
0x205: {  	v39 =	vld.idx.msk [tilespmem:v39+s10+$0x0], $0xffff  }
0x206: {  	v41 =	vld.idx.msk [tilespmem:v41+s10+$0x0], $0xffff  }
0x207: {  	v42 =	vld.idx.msk [tilespmem:v42+s10+$0x0], $0xffff;
	vm13 =	veq.f32 v34, v7  }
0x208: {  	v44 =	vld.idx.msk [tilespmem:v44+s10+$0x0], $0xffff;
	v58 =	vnsel vm13, $0x40, v29  }
0x209: {  	v45 =	vld.idx.msk [tilespmem:v45+s10+$0x0], $0xffff;
	vm14 =	veq.f32 v36, v7;
	v59 =	vmin.u32 v58, v32;
	vm15 =	veq.f32 v37, v7  }
0x20a: {  	vm6 =	veq.f32 v39, v7;
	v46 =	vsel vm14, v59, v58;
	v60 =	vnsel vm15, $0x40, v33  }
0x20b: {  	vm7 =	veq.f32 v41, v7;
	v61 =	vnsel vm6, $0x40, v35;
	v46 =	vmin.u32 v46, v60  }
0x20c: {  	vm8 =	veq.f32 v42, v7;
	v62 =	vnsel vm7, $0x40, v38;
	v46 =	vmin.u32 v46, v61  }
0x20d: {  	vm9 =	veq.f32 v44, v7;
	v63 =	vnsel vm8, $0x40, v52;
	v46 =	vmin.u32 v46, v62  }
0x20e: {  	vm10 =	veq.f32 v45, v7;
	v47 =	vnsel vm9, $0x40, v31;
	v46 =	vmin.u32 v46, v63  }
0x20f: {  	v48 =	vnsel vm10, $0x40, v55;
	v7 =	vmin.u32 v46, v47  }
0x210: {  	v7 =	vmin.u32 v7, v48  }
0x211: {  	vm11 =	veq.s32 v7, v32  }
0x212: {  	v32 =	vsel vm11, $0xFF800000, v36  }
0x213: {  	vm12 =	veq.s32 v7, v29;
	v29 =	vmax.f32 v34, v32  }
0x214: {  	v29 =	vsel vm12, v32, v29  }
0x215: {  	vm13 =	veq.s32 v7, v33;
	v32 =	vmax.f32 v29, v37  }
0x216: {  	v29 =	vsel vm13, v29, v32  }
0x217: {  	vm14 =	veq.s32 v7, v35;
	v32 =	vmax.f32 v29, v39  }
0x218: {  	v29 =	vsel vm14, v29, v32  }
0x219: {  	vm15 =	veq.s32 v7, v38;
	v32 =	vmax.f32 v29, v41  }
0x21a: {  	v29 =	vsel vm15, v29, v32  }
0x21b: {  	vm4 =	veq.s32 v7, v52;
	v32 =	vmax.f32 v29, v42  }
0x21c: {  	v29 =	vsel vm4, v29, v32  }
0x21d: {  	vm5 =	veq.s32 v7, v31;
	v31 =	vmax.f32 v29, v44  }
0x21e: {  	v29 =	vsel vm5, v29, v31  }
0x21f: {  	vm6 =	veq.s32 v7, v55;
	v31 =	vmax.f32 v29, v45  }
0x220: {  	vm0 =	vmand vm1, vm0;
	v29 =	vsel vm6, v29, v31  }
0x221: {  	vm7 =	veq.s32 v23, $0x2;
	v24 =	vsel vm1, v24, v29;
	v19 =	vsel vm0, v29, v19  }
0x222: {  	vm8 =	veq.s32 v23, $0x3;
	v20 =	vsel vm7, v29, v20;
	v31 =	vmax.f32 v24, v19  }
0x223: {  	vm9 =	veq.s32 v23, $0x4;
	v25 =	vsel vm8, v29, v25;
	v31 =	vmax.f32 v31, v20  }
0x224: {  	vm10 =	veq.s32 v23, $0x5;
	v26 =	vsel vm9, v29, v26;
	v31 =	vmax.f32 v31, v25  }
0x225: {  	vm11 =	veq.s32 v23, $0x6;
	v28 =	vsel vm10, v29, v28;
	v31 =	vmax.f32 v31, v26  }
0x226: {  	vm12 =	veq.s32 v23, $0x7;
	v27 =	vsel vm11, v29, v27;
	v52 =	vmax.f32 v31, v28  }
0x227: {  	v22 =	vsel vm12, v29, v22;
	v23 =	vmax.f32 v52, v27  }
0x228: {  	v23 =	vmax.f32 v23, v22  }
0x229: {  	v49 =	vimm.s32 $0x40;
	vm0 =	veq.f32 v22, v23  }
0x22a: {  	vm13 =	veq.f32 v27, v23;
	v22 =	vsel vm0, $0x38, v49  }
0x22b: {  	vm14 =	veq.f32 v28, v23;
	v22 =	vsel vm13, $0x30, v22  }
0x22c: {  	vm15 =	veq.f32 v26, v23;
	v22 =	vsel vm14, $0x28, v22  }
0x22d: {  	vm4 =	veq.f32 v25, v23;
	v22 =	vsel vm15, $0x20, v22  }
0x22e: {  	vm5 =	veq.f32 v20, v23;
	v20 =	vsel vm4, $0x18, v22  }
0x22f: {  	v54 =	vshll.u32 v7, $0x4;
	vm6 =	veq.f32 v19, v23;
	v19 =	vsel vm5, $0x10, v20  }
0x230: {  	v25 =	vshll.u32 v7, $0x9;
	vm7 =	veq.f32 v24, v23;
	v19 =	vsel vm6, $0x8, v19  }
0x231: {  	v53 =	vadd.s32 v9, v25;
	v22 =	vor.u32 v30, v54;
	v19 =	vsel vm7, $0x0, v19  }
0x232: {  	v20 =	vor.u32 v50, v53;
	v24 =	vadd.s32 $0x1, v19;
	v25 =	vshll.u32 v19, $0x4  }
0x233: {  	v26 =	vadd.s32 $0x2, v19;
	v25 =	vor.u32 v30, v25;
	v27 =	vshll.u32 v24, $0x4  }
0x234: {  	v28 =	vadd.s32 $0x3, v19;
	v29 =	vshll.u32 v26, $0x4;
	v27 =	vor.u32 v30, v27  }
0x235: {  	v31 =	vadd.s32 $0x4, v19;
	v55 =	vshll.u32 v28, $0x4;
	v29 =	vor.u32 v30, v29  }
0x236: {  	v56 =	vld.idx.msk [tilespmem:v7+s9+$0x0], $0xffff;
	v57 =	vadd.s32 $0x5, v19;
	v58 =	vshll.u32 v31, $0x4;
	v32 =	vor.u32 v30, v55  }
0x237: {  	v59 =	vadd.s32 $0x6, v19;
	v60 =	vshll.u32 v57, $0x4;
	v20 =	vld.idx.msk [tilespmem:v20+s3+$0x0], $0xffff;
	[tilespmem:v22+s10+$0x0] =	vst.idx.msk $0xffff, v51;
	v35 =	vor.u32 v30, v58  }
0x238: {  	v61 =	vadd.s32 $0x7, v19;
	v62 =	vshll.u32 v59, $0x4;
	v36 =	vor.u32 v30, v60;
	v25 =	vld.idx.msk [tilespmem:v25+s10+$0x0], $0xffff  }
0x239: {  	v63 =	vshll.u32 v61, $0x4;
	v38 =	vor.u32 v30, v62;
	v27 =	vld.idx.msk [tilespmem:v27+s10+$0x0], $0xffff  }
0x23a: {  	v39 =	vor.u32 v30, v63;
	v29 =	vld.idx.msk [tilespmem:v29+s10+$0x0], $0xffff  }
0x23b: {  	v32 =	vld.idx.msk [tilespmem:v32+s10+$0x0], $0xffff  }
0x23c: {  	v35 =	vld.idx.msk [tilespmem:v35+s10+$0x0], $0xffff  }
0x23d: {  	v36 =	vld.idx.msk [tilespmem:v36+s10+$0x0], $0xffff  }
0x23e: {  	vm8 =	veq.f32 v25, v23;
	v25 =	vld.idx.msk [tilespmem:v38+s10+$0x0], $0xffff;
	vm9 =	veq.f32 v27, v23  }
0x23f: {  	vm10 =	veq.f32 v29, v23;
	v19 =	vnsel vm8, $0x40, v19;
	v27 =	vld.idx.msk [tilespmem:v39+s10+$0x0], $0xffff;
	v24 =	vnsel vm9, $0x40, v24  }
0x240: {  	vm11 =	veq.f32 v32, v23;
	v19 =	vmin.u32 v19, v24;
	v24 =	vnsel vm10, $0x40, v26  }
0x241: {  	vm12 =	veq.f32 v35, v23;
	v19 =	vmin.u32 v19, v24;
	v24 =	vnsel vm11, $0x40, v28  }
0x242: {  	vm13 =	veq.f32 v36, v23;
	v19 =	vmin.u32 v19, v24;
	v24 =	vnsel vm12, $0x40, v31  }
0x243: {  	vm14 =	veq.f32 v25, v23;
	v19 =	vmin.u32 v19, v24;
	v24 =	vnsel vm13, $0x40, v57  }
0x244: {  	vm15 =	veq.f32 v27, v23;
	v22 =	vnsel vm14, $0x40, v59;
	v19 =	vmin.u32 v19, v24  }
0x245: {  	v42 =	vnsel vm15, $0x40, v61;
	v19 =	vmin.u32 v19, v22  }
0x246: {  	v19 =	vmin.u32 v19, v42  }
0x247: {  	v10 =	vsub.f32 v10, v11;
	v43 =	vsub.f32 v13, v14;
	v22 =	vshll.u32 v19, $0x9  }
0x248: {  	v9 =	vadd.s32 v9, v22  }
0x249: {  	v1 =	vsub.f32 v1, v2;
	v44 =	vadd.f32 v43, v10;
	v9 =	vor.u32 v50, v9;
	_ =	sdelay $0x1  }
0x24a: {  	v45 =	vsub.f32 v16, v17;
	v2 =	vadd.f32 v1, v44;
	_ =	sdelay $0x1  }
0x24b: {  	v3 =	vsub.f32 v4, v3;
	v2 =	vadd.f32 v45, v2;
	v47 =	vld.idx.msk [tilespmem:v19+s9+$0x0], $0xffff  }
0x24c: {  	v46 =	vld.idx.msk [tilespmem:v9+s3+$0x0], $0xffff  }
0x24d: {  	v5 =	vsub.f32 v5, v6;
	v2 =	vadd.f32 v3, v2;
	_ =	sdelay $0x1  }
0x24e: {  	v2 =	vadd.f32 v5, v2;
	v48 =	vsub.f32 v20, v56;
	_ =	sdelay $0x1  }
0x24f: {  	v2 =	vadd.f32 v48, v2;
	v4 =	vsub.f32 v46, v47;
	_ =	sdelay $0x1  }
0x250: {  	v2 =	vadd.f32 v4, v2;
	_ =	sdelay $0x1  }
0x251: {  	v2 =	vadd.f32 $9.999999680e-21, v2  }
0x252: {  	v49 =	vshll.u32 v19, $0x4  }
0x253: {  	(erf) = vrcp.f32 v2;
	v2 =	vor.u32 v30, v49;
	_ =	sdelay $0x4  }
0x254: {  	[tilespmem:v2+s10+$0x0] =	vst.idx.msk $0xffff, v51  }
0x255: {  	[tilespmem:s16+$0x8440] =	vst v8  }
0x256: {  	[tilespmem:s16+$0x8640] =	vst v12  }
0x257: {  	[tilespmem:s16+$0x8840] =	vst v15  }
0x258: {  	[tilespmem:s16+$0x8A40] =	vst v18;
	v50 =	vpop (erf)  }
0x259: {  	[tilespmem:s16+$0x8C40] =	vst v21;
	v10 =	vmul.f32 v50, v10  }
0x25a: {  	[tilespmem:s16+$0x8E40] =	vst v0;
	v53 =	vmul.f32 v50, v43  }
0x25b: {  	[tilespmem:s16+$0x9040] =	vst v7;
	v1 =	vmul.f32 v50, v1;
	v52 =	vmul.f32 $2.500000000e+00, v10  }
0x25c: {  	[tilespmem:s16+$0x9240] =	vst v19;
	v55 =	vmul.f32 v50, v45;
	v54 =	vmul.f32 $2.500000000e+00, v53  }
0x25d: {  	v57 =	vmul.f32 v50, v3;
	v1 =	vmul.f32 $2.500000000e+00, v1;
	[tilespmem:s16+$0x9440] =	vst v52  }
0x25e: {  	v59 =	vmul.f32 v50, v5;
	v56 =	vmul.f32 $2.500000000e+00, v55;
	[tilespmem:s16+$0x9640] =	vst v54  }
0x25f: {  	p0 =	sne.s32 s15, $0x7C0;
	v61 =	vmul.f32 v50, v48;
	v58 =	vmul.f32 $2.500000000e+00, v57;
	[tilespmem:s16+$0x9840] =	vst v1  }
.Ltmp0:
0x260: {  	v62 =	vmul.f32 v50, v4;
	v60 =	vmul.f32 $2.500000000e+00, v59;
	[tilespmem:s16+$0x9A40] =	vst v56;
	(pc) =	sbr.rel @p0 .LBB2_2-.Ltmp0, $4  }
0x261: {  	v63 =	vmul.f32 $2.500000000e+00, v61;
	[tilespmem:s16+$0x9C40] =	vst v58  }
0x262: {  	v0 =	vmul.f32 $2.500000000e+00, v62;
	[tilespmem:s16+$0x9E40] =	vst v60  }
0x263: {  	[tilespmem:s16+$0xA040] =	vst v63  }
0x264: {  	s15 =	sadd.s32 $0x40, s15;
	s14 =	sadd.s32 $0x10, s14;
	v25 =	vimm.f32 $0.0e+00;
	v18 =	vimm.f32 $1.000000000e+00;
	[tilespmem:s16+$0xA240] =	vst v0  }
0x265: {  	[hbm4b:s5+s3] =	stream.linear.scatter [tilespmem:s11], [sflag:$0x1], $0x1000, $0x38;
	[tilespmem:$0xA440] =	vst v63  }
0x266: {  	s13 =	sadd.s32 $0x1, s13;
	_ =	swait.ge [sflag:s8], $0x1000  }
0x267: {  	p0 =	sne.s32 s13, s7;
	[sflag:s8] =	ssyncset.done $0x0  }
.Ltmp1:
0x268: {  	[sflag:s8] =	ssyncadd.s32 $0xFFFFF000;
	(pc) =	sbr.rel @p0 .LBB2_1-.Ltmp1, $4  }
0x269: {  	[hbm4b:s6+s3] =	stream.linear.scatter [tilespmem:s12], [sflag:$0x1], $0x1000, $0x38;
	[tilespmem:$0xA440] =	vst v63  }
0x26a: {  	_ =	swait.ge [sflag:s8], $0x1000  }
0x26b: {  	[sflag:s8] =	ssyncset.done $0x0  }
0x26c: {  	[sflag:s8] =	ssyncadd.s32 $0xFFFFF000  }
0x26d: {  	_ =	sfence.sel $0x180000  }
0x26e: {  	[bflag:$0x0] =	sbarrier.arrive $0xFFFF  }
0x26f: {  	p0 =	sne.s32 s1, $0x0;
	_ =	strace $0x90000047  }
0x270: {  	s0 =	sadd.s32 @!p0 $0x100000, s0;
	[bflag:$0x2] =	sbarrier.arrive $0xFFFF  }
0x271: {  	[sflag:s0] =	ssyncadd.tile.s32 @!p0 $0x1;
	_ =	shalt  }
.Lfunc_end2:
_tile_overlayer_lowered:
.L_overlay_start_2:
0x272: {  	(tag) =	ssettag $0x2  }
0x273: {  	s0 =	rddreg [dreg:$0x0];
	s2 =	stileid.u32  }
0x274: {  	s1 =	rddreg [dreg:$0x1];
	p0 =	sne.s32 s2, $0x0  }
0x275: {  	s3 =	rddreg [dreg:$0x2];
	[bflag:$0x3] =	sbarrier.arrive $0xFFFF;
	s2 =	simm.s32 @!p0 $0x1C01  }
0x276: {  	[timem:s3], [sflag:s2] =	dma.local @!p0 [hbm:s0], s1  }
0x277: {  	s0 =	simm.s32 @!p0 $0x1  }
0x278: {  	_ =	swait.ge @!p0 [sflag:s0], s1  }
0x279: {  	s1 =	ssub.s32 @!p0 $0x0, s1;
	[sflag:s0] =	ssyncset.done @!p0 $0x0  }
0x27a: {  	[sflag:s0] =	ssyncadd.s32 @!p0 s1  }
0x27b: {  	[bflag:$0x3] =	sbarrier.arrive $0xFFFF  }
0x27c: {  	_ =	shalt  }

</sc_bundles>
